<compile_context>
chip_gen: v7x
topology: tpu7x:2x2x1
jax: 0.10.2.dev20260603
libtpu: 0.0.44.dev20260713+nightly
codegen_flags: <defaults>
</compile_context>

<pallas_src>
import functools

import jax
import jax.numpy as jnp
import numpy as np
from jax import lax
from jax.experimental import pallas as pl
from jax.experimental.pallas import tpu as pltpu
from jax.experimental.pallas import tpu_sc as plsc

_BATCH = 4096
_HIST = 200
_HP = 208
_NV = _HP // 16
_D = 64
_NC = 2
_NS = 16
_NW = _NC * _NS
_EPW = _BATCH // _NW
_IPW = _EPW * _HP
_OPW = _EPW * _D
_NBUF = 4

_CR = 504
_CW = 31248
_CT = _NW * _CW


def _unpack2(chunk):
    return plsc.unpack(chunk, format=plsc.PackFormat.INTERLEAVED)


def _pack2(a, b):
    return plsc.pack(a, b, format=plsc.PackFormat.INTERLEAVED)


def _sc_cast_body(tf_hbm, tb_hbm, in0, in1, ou0, ou1,
                  sem0, sem1, osem0, osem1):
    ins, ous = (in0, in1), (ou0, ou1)
    sems, osems = (sem0, sem1), (osem0, osem1)
    wid = lax.axis_index("s") * _NC + lax.axis_index("c")
    base = wid * _CW
    nblk = _CW // _CR

    def cvt_rows(src, dst, n):
        def crow(r, c):
            a0 = src[r, pl.ds(0, 16)]
            a1 = src[r, pl.ds(16, 16)]
            a2 = src[r, pl.ds(32, 16)]
            a3 = src[r, pl.ds(48, 16)]
            dst[r, pl.ds(0, 32)] = _pack2(a0, a1)
            dst[r, pl.ds(32, 32)] = _pack2(a2, a3)
            return c
        lax.fori_loop(0, n, crow, 0)

    for e in range(2):
        pltpu.async_copy(
            tf_hbm.at[pl.ds(base + e * _CR, _CR)], ins[e], sems[e])

    def body(i, carry):
        for e in range(2):
            blk = 2 * i + e
            pltpu.make_async_copy(
                tf_hbm.at[pl.ds(0, _CR)], ins[e], sems[e]).wait()

            @pl.when(blk >= 2)
            def _(e=e):
                pltpu.make_async_copy(
                    ous[e], tb_hbm.at[pl.ds(0, _CR)], osems[e]).wait()

            cvt_rows(ins[e], ous[e], _CR)
            pltpu.async_copy(
                ous[e], tb_hbm.at[pl.ds(base + blk * _CR, _CR)], osems[e])

            @pl.when(blk + 2 < nblk)
            def _(e=e, blk=blk):
                pltpu.async_copy(
                    tf_hbm.at[pl.ds(base + (blk + 2) * _CR, _CR)],
                    ins[e], sems[e])
        return carry

    lax.fori_loop(0, nblk // 2, body, 0)
    for e in range(2):
        pltpu.make_async_copy(
            ous[e], tb_hbm.at[pl.ds(0, _CR)], osems[e]).wait()

    @pl.when(wid == 0)
    def _():
        pltpu.sync_copy(tf_hbm.at[pl.ds(_CT, 64)], in0.at[pl.ds(0, 64)])
        cvt_rows(in0, ou0, 64)
        pltpu.sync_copy(ou0.at[pl.ds(0, 64)], tb_hbm.at[pl.ds(_CT, 64)])


_sc_cast = functools.partial(
    pl.kernel,
    out_type=jax.ShapeDtypeStruct((1000000, _D), jnp.bfloat16),
    mesh=plsc.VectorSubcoreMesh(core_axis_name="c", subcore_axis_name="s"),
    compiler_params=pltpu.CompilerParams(
        needs_layout_passes=False, use_tc_tiling_on_sc=False),
    scratch_types=(
        [pltpu.VMEM((_CR, _D), jnp.float32)] * 2
        + [pltpu.VMEM((_CR, _D), jnp.bfloat16)] * 2
        + [pltpu.SemaphoreType.DMA] * 4
    ),
)(_sc_cast_body)


def _sc_pool_body(xp_hbm, table_hbm, out_hbm,
                  idx_v, buf0, buf1, buf2, buf3, row0_v, out_v,
                  sem0, sem1, sem2, sem3):
    bufs = (buf0, buf1, buf2, buf3)
    sems = (sem0, sem1, sem2, sem3)
    wid = lax.axis_index("s") * _NC + lax.axis_index("c")

    pltpu.sync_copy(xp_hbm.at[pl.ds(wid * _IPW, _IPW)], idx_v)
    pltpu.sync_copy(table_hbm.at[pl.ds(0, 8)], row0_v)

    r0a, r0b = _unpack2(row0_v[0, pl.ds(0, 32)])
    r0c, r0d = _unpack2(row0_v[0, pl.ds(32, 32)])
    row0 = (r0a, r0b, r0c, r0d)

    def fire(b, j):
        for k in range(_NV):
            ivec = idx_v[pl.ds(b * _HP + 16 * k, 16)]
            pltpu.async_copy(
                table_hbm.at[ivec], bufs[j].at[pl.ds(16 * k, 16)], sems[j])

    for j in range(_NBUF):
        fire(j, j)

    inv_n = jnp.float32(1.0 / _HIST)

    def elem(i, e):
        b = _NBUF * i + e
        buf = bufs[e]

        cntv = jnp.zeros((16,), jnp.int32)
        for k in range(_NV):
            c = idx_v[pl.ds(b * _HP + 16 * k, 16)]
            cntv += plsc.all_reduce_population_count(c == 0)

        pltpu.make_async_copy(
            table_hbm.at[pl.ds(0, _HP)], buf, sems[e]).wait()

        def row_add(jr, a, unroll=4):
            base = jr * unroll
            for u in range(unroll):
                lo = _unpack2(buf[base + u, pl.ds(0, 32)])
                hi = _unpack2(buf[base + u, pl.ds(32, 32)])
                a = (a[0] + lo[0], a[1] + lo[1],
                     a[2] + hi[0], a[3] + hi[1])
            return a

        acc = (jnp.zeros((16,), jnp.float32),) * 4
        acc = lax.fori_loop(0, _HP // 4, row_add, acc)

        cnt = cntv.astype(jnp.float32)
        for k in range(4):
            val = (acc[k] - cnt * row0[k]) * inv_n
            out_v[pl.ds(b * _D + 16 * k, 16)] = val

        @pl.when(b + _NBUF < _EPW)
        def _(e=e):
            fire(b + _NBUF, e)

    def body(i, carry):
        for e in range(_NBUF):
            elem(i, e)
        return carry

    lax.fori_loop(0, _EPW // _NBUF, body, 0)

    pltpu.sync_copy(out_v, out_hbm.at[pl.ds(wid * _OPW, _OPW)])


_sc_pool = functools.partial(
    pl.kernel,
    out_type=jax.ShapeDtypeStruct((_BATCH * _D,), jnp.float32),
    mesh=plsc.VectorSubcoreMesh(core_axis_name="c", subcore_axis_name="s"),
    compiler_params=pltpu.CompilerParams(
        needs_layout_passes=False, use_tc_tiling_on_sc=False),
    scratch_types=(
        [pltpu.VMEM((_IPW,), jnp.int32)]
        + [pltpu.VMEM((_HP, _D), jnp.bfloat16)] * _NBUF
        + [pltpu.VMEM((8, _D), jnp.bfloat16),
           pltpu.VMEM((_OPW,), jnp.float32)]
        + [pltpu.SemaphoreType.DMA] * _NBUF
    ),
)(_sc_pool_body)


def _mlp_body(x_ref, w1_ref, b1_ref, w2_ref, b2_ref, o_ref):
    h = jnp.dot(x_ref[...], w1_ref[...], preferred_element_type=jnp.float32)
    h = jnp.maximum(h + b1_ref[...], 0.0)
    o_ref[...] = (
        jnp.dot(h, w2_ref[...], preferred_element_type=jnp.float32)
        + b2_ref[...])


def kernel(x, table, W1, b1, W2, b2):
    xi = x.astype(jnp.int32)
    xp = jnp.pad(xi, ((0, 0), (0, _HP - _HIST))).reshape(-1)
    tb = _sc_cast(table)

    pooled = _sc_pool(xp, tb).reshape(_BATCH, _D)

    ncls = W2.shape[1]
    w1p = W1
    w2p = jnp.pad(W2, ((0, 0), (0, _D - ncls)))
    b2p = jnp.pad(b2, (0, _D - ncls)).reshape(1, _D)
    out = pl.pallas_call(
        _mlp_body,
        out_shape=jax.ShapeDtypeStruct((_BATCH, _D), jnp.float32),
    )(pooled, w1p, b1.reshape(1, -1), w2p, b2p)
    return out[:, :ncls]

# --- scband reference (transcript-rebuilt; emitter-appended) ---
"""Pipeline reference for scband-fast-text-model-7799660609599 (READ-ONLY COPY).

The authoritative reference and input builder live on the scoring server;
editing this copy changes nothing except your own understanding.
"""

import jax, jax.numpy as jnp
import numpy as np

VOCAB = 1000000
EMBED_DIM = 64
NUM_CLASSES = 50
BATCH = 4096
HIST = 200

def setup_inputs(seed: int = 0) -> dict:
    key = jax.random.key(seed)
    k1, k2, k3, k4 = jax.random.split(key, 4)
    x = jax.random.randint(k1, (BATCH, HIST), 0, VOCAB, dtype=jnp.int64)
    table = jax.random.normal(k2, (VOCAB, EMBED_DIM), dtype=jnp.float32) * 0.02
    W1 = jax.random.normal(k3, (EMBED_DIM, 128), dtype=jnp.float32) * (1.0 / np.sqrt(EMBED_DIM))
    b1 = jnp.zeros((128,), dtype=jnp.float32)
    W2 = jax.random.normal(k4, (128, NUM_CLASSES), dtype=jnp.float32) * (1.0 / np.sqrt(128))
    b2 = jnp.zeros((NUM_CLASSES,), dtype=jnp.float32)
    return {"x": x, "table": table, "W1": W1, "b1": b1, "W2": W2, "b2": b2}

def reference(x, table, W1, b1, W2, b2):
    # padding_idx=0: row 0 of the embedding table contributes zeros
    t = table.at[0].set(0.0)
    embedded = jnp.take(t, x, axis=0).mean(axis=1)  # [B, D]
    h = jax.nn.relu(embedded @ W1 + b1)
    # Dropout(0.5) is identity in eval mode
    out = h @ W2 + b2
    return out

if __name__ == "__main__":
    import jax
    _d = setup_inputs()
    print(jax.jit(kernel)(*tuple(_d.values())))

</pallas_src>

<mosaic_0001>
#map = affine_map<(d0, d1) -> (0, 0)>
module attributes {stable_mosaic.version = 14 : i64} {
  func.func @_sc_cast_body(%arg0: i32, %arg1: i32, %arg2: memref<1000000x64xf32, #tpu.memory_space<hbm>>, %arg3: memref<1000000x64xbf16, #tpu.memory_space<hbm>>, %arg4: memref<504x64xf32, #tpu.memory_space<vmem>>, %arg5: memref<504x64xf32, #tpu.memory_space<vmem>>, %arg6: memref<504x64xbf16, #tpu.memory_space<vmem>>, %arg7: memref<504x64xbf16, #tpu.memory_space<vmem>>, %arg8: memref<!tpu.dma_semaphore, #tpu.memory_space<semaphore_mem>>, %arg9: memref<!tpu.dma_semaphore, #tpu.memory_space<semaphore_mem>>, %arg10: memref<!tpu.dma_semaphore, #tpu.memory_space<semaphore_mem>>, %arg11: memref<!tpu.dma_semaphore, #tpu.memory_space<semaphore_mem>>) attributes {dimension_semantics = [#tpu.dimension_semantics<core_parallel>, #tpu.dimension_semantics<subcore_parallel>], iteration_bounds = array<i64: 2, 16>, scalar_prefetch = 0 : i64, scratch_operands = 8 : i64, tpu.core_type = #tpu.core_type<sc_vector_subcore>, window_params = [{transform_indices = #map}, {transform_indices = #map}]} {
    %mul3A = arith.constant 2 : i32
    %mul3A_0 = arith.muli %arg1, %mul3A : i32
    %add3A = arith.addi %mul3A_0, %arg0 : i32
    %mul3A_1 = arith.constant 31248 : i32
    %mul3A_2 = arith.muli %add3A, %mul3A_1 : i32
    %add3A_3 = arith.constant 0 : i32
    %add3A_4 = arith.addi %mul3A_2, %add3A_3 : i32
    %dma_start3A = arith.constant 0 : i32
    %dma_start3A_5 = tpu.memref_slice %arg2[%add3A_4, %dma_start3A] : memref<1000000x64xf32, #tpu.memory_space<hbm>> -> memref<504x64xf32, #tpu.memory_space<hbm>>
    %dma_start3A_6 = arith.constant 0 : i32
    %dma_start3A_7 = tpu.memref_slice %arg2[%add3A_4, %dma_start3A_6] : memref<1000000x64xf32, #tpu.memory_space<hbm>> -> memref<504x64xf32, #tpu.memory_space<hbm>>
    tpu.enqueue_dma source(%dma_start3A_7 : memref<504x64xf32, #tpu.memory_space<hbm>>) target(%arg4 : memref<504x64xf32, #tpu.memory_space<vmem>>) target_semaphore(%arg8 : memref<!tpu.dma_semaphore, #tpu.memory_space<semaphore_mem>>)
    %add3A_8 = arith.constant 504 : i32
    %add3A_9 = arith.addi %mul3A_2, %add3A_8 : i32
    %dma_start3A_10 = arith.constant 0 : i32
    %dma_start3A_11 = tpu.memref_slice %arg2[%add3A_9, %dma_start3A_10] : memref<1000000x64xf32, #tpu.memory_space<hbm>> -> memref<504x64xf32, #tpu.memory_space<hbm>>
    %dma_start3A_12 = arith.constant 0 : i32
    %dma_start3A_13 = tpu.memref_slice %arg2[%add3A_9, %dma_start3A_12] : memref<1000000x64xf32, #tpu.memory_space<hbm>> -> memref<504x64xf32, #tpu.memory_space<hbm>>
    tpu.enqueue_dma source(%dma_start3A_13 : memref<504x64xf32, #tpu.memory_space<hbm>>) target(%arg5 : memref<504x64xf32, #tpu.memory_space<vmem>>) target_semaphore(%arg9 : memref<!tpu.dma_semaphore, #tpu.memory_space<semaphore_mem>>)
    %scan3A = arith.constant 0 : i32
    %scan3A_14 = arith.constant 0 : i32
    %scan3A_15 = arith.constant 31 : i32
    %scan3A_16 = arith.addi %scan3A_14, %scan3A_15 : i32
    %scan3A_17 = arith.constant 1 : i32
    scf.for %scan3A_32 = %scan3A_14 to %scan3A_16 step %scan3A_17  : i32 {
      %mul3A_33 = arith.constant 2 : i32
      %mul3A_34 = arith.muli %mul3A_33, %scan3A_32 : i32
      %add3A_35 = arith.constant 0 : i32
      %add3A_36 = arith.addi %mul3A_34, %add3A_35 : i32
      %dma_wait3A_37 = arith.constant 0 : i32
      %dma_wait3A_38 = arith.constant 0 : i32
      %dma_wait3A_39 = tpu.memref_slice %arg2[%dma_wait3A_37, %dma_wait3A_38] : memref<1000000x64xf32, #tpu.memory_space<hbm>> -> memref<504x64xf32, #tpu.memory_space<hbm>>
      %dma_wait3A_40 = arith.constant 0 : i32
      %dma_wait3A_41 = arith.constant 0 : i32
      %dma_wait3A_42 = tpu.memref_slice %arg2[%dma_wait3A_40, %dma_wait3A_41] : memref<1000000x64xf32, #tpu.memory_space<hbm>> -> memref<504x64xf32, #tpu.memory_space<hbm>>
      tpu.wait_dma2 semaphore(%arg8 : memref<!tpu.dma_semaphore, #tpu.memory_space<semaphore_mem>>) src(%dma_wait3A_42 : memref<504x64xf32, #tpu.memory_space<hbm>>) dst(%arg4 : memref<504x64xf32, #tpu.memory_space<vmem>>)
      %ge3A = arith.constant 2 : i32
      %ge3A_43 = arith.cmpi sge, %add3A_36, %ge3A : i32
      %convert_element_type3A_44 = arith.extui %ge3A_43 : i1 to i32
      %cond3A_45 = arith.constant 0 : i32
      %cond3A_46 = arith.cmpi ne, %convert_element_type3A_44, %cond3A_45 : i32
      scf.if %cond3A_46 {
        %dma_wait3A_101 = arith.constant 0 : i32
        %dma_wait3A_102 = arith.constant 0 : i32
        %dma_wait3A_103 = tpu.memref_slice %arg3[%dma_wait3A_101, %dma_wait3A_102] : memref<1000000x64xbf16, #tpu.memory_space<hbm>> -> memref<504x64xbf16, #tpu.memory_space<hbm>>
        %dma_wait3A_104 = arith.constant 0 : i32
        %dma_wait3A_105 = arith.constant 0 : i32
        %dma_wait3A_106 = tpu.memref_slice %arg3[%dma_wait3A_104, %dma_wait3A_105] : memref<1000000x64xbf16, #tpu.memory_space<hbm>> -> memref<504x64xbf16, #tpu.memory_space<hbm>>
        tpu.wait_dma2 semaphore(%arg10 : memref<!tpu.dma_semaphore, #tpu.memory_space<semaphore_mem>>) src(%arg6 : memref<504x64xbf16, #tpu.memory_space<vmem>>) dst(%dma_wait3A_106 : memref<504x64xbf16, #tpu.memory_space<hbm>>)
      } else {
      }
      %scan3A_47 = arith.constant 0 : i32
      %scan3A_48 = arith.constant 0 : i32
      %scan3A_49 = arith.constant 504 : i32
      %scan3A_50 = arith.addi %scan3A_48, %scan3A_49 : i32
      %scan3A_51 = arith.constant 1 : i32
      scf.for %scan3A_101 = %scan3A_48 to %scan3A_50 step %scan3A_51  : i32 {
        %get3A = arith.index_cast %scan3A_101 : i32 to index
        %get3A_102 = arith.constant 0 : index
        %get3A_103 = tpu.vector_load %arg4[%get3A, %get3A_102] {strides = array<i32>} : memref<504x64xf32, #tpu.memory_space<vmem>>, vector<16xf32>,
        %get3A_104 = arith.index_cast %scan3A_101 : i32 to index
        %get3A_105 = arith.constant 16 : index
        %get3A_106 = tpu.vector_load %arg4[%get3A_104, %get3A_105] {strides = array<i32>} : memref<504x64xf32, #tpu.memory_space<vmem>>, vector<16xf32>,
        %get3A_107 = arith.index_cast %scan3A_101 : i32 to index
        %get3A_108 = arith.constant 32 : index
        %get3A_109 = tpu.vector_load %arg4[%get3A_107, %get3A_108] {strides = array<i32>} : memref<504x64xf32, #tpu.memory_space<vmem>>, vector<16xf32>,
        %get3A_110 = arith.index_cast %scan3A_101 : i32 to index
        %get3A_111 = arith.constant 48 : index
        %get3A_112 = tpu.vector_load %arg4[%get3A_110, %get3A_111] {strides = array<i32>} : memref<504x64xf32, #tpu.memory_space<vmem>>, vector<16xf32>,
        %pack3A = tpu.pack_subelements %get3A_103, %get3A_106 {pack_format = #tpu.pack_format<interleaved>, positions = array<i32: 0, 1>} : vector<16xf32>, vector<16xf32> -> vector<32xbf16>
        %swap3A = arith.index_cast %scan3A_101 : i32 to index
        %swap3A_113 = arith.constant 0 : index
        %swap3A_114 = tpu.vector_load %arg6[%swap3A, %swap3A_113] {strides = array<i32>} : memref<504x64xbf16, #tpu.memory_space<vmem>>, vector<32xbf16>,
        tpu.vector_store %arg6[%swap3A, %swap3A_113], %pack3A {strides = array<i32>} : memref<504x64xbf16, #tpu.memory_space<vmem>>, vector<32xbf16>,
        %pack3A_115 = tpu.pack_subelements %get3A_109, %get3A_112 {pack_format = #tpu.pack_format<interleaved>, positions = array<i32: 0, 1>} : vector<16xf32>, vector<16xf32> -> vector<32xbf16>
        %swap3A_116 = arith.index_cast %scan3A_101 : i32 to index
        %swap3A_117 = arith.constant 32 : index
        %swap3A_118 = tpu.vector_load %arg6[%swap3A_116, %swap3A_117] {strides = array<i32>} : memref<504x64xbf16, #tpu.memory_space<vmem>>, vector<32xbf16>,
        tpu.vector_store %arg6[%swap3A_116, %swap3A_117], %pack3A_115 {strides = array<i32>} : memref<504x64xbf16, #tpu.memory_space<vmem>>, vector<32xbf16>,
      }
      %scan3A_52 = arith.constant 504 : i32
      %mul3A_53 = arith.constant 504 : i32
      %mul3A_54 = arith.muli %add3A_36, %mul3A_53 : i32
      %add3A_55 = arith.addi %mul3A_2, %mul3A_54 : i32
      %dma_start3A_56 = arith.constant 0 : i32
      %dma_start3A_57 = tpu.memref_slice %arg3[%add3A_55, %dma_start3A_56] : memref<1000000x64xbf16, #tpu.memory_space<hbm>> -> memref<504x64xbf16, #tpu.memory_space<hbm>>
      %dma_start3A_58 = arith.constant 0 : i32
      %dma_start3A_59 = tpu.memref_slice %arg3[%add3A_55, %dma_start3A_58] : memref<1000000x64xbf16, #tpu.memory_space<hbm>> -> memref<504x64xbf16, #tpu.memory_space<hbm>>
      tpu.enqueue_dma source(%arg6 : memref<504x64xbf16, #tpu.memory_space<vmem>>) target(%dma_start3A_59 : memref<504x64xbf16, #tpu.memory_space<hbm>>) target_semaphore(%arg10 : memref<!tpu.dma_semaphore, #tpu.memory_space<semaphore_mem>>)
      %add3A_60 = arith.constant 2 : i32
      %add3A_61 = arith.addi %add3A_36, %add3A_60 : i32
      %lt3A = arith.constant 62 : i32
      %lt3A_62 = arith.cmpi slt, %add3A_61, %lt3A : i32
      %convert_element_type3A_63 = arith.extui %lt3A_62 : i1 to i32
      %cond3A_64 = arith.constant 0 : i32
      %cond3A_65 = arith.cmpi ne, %convert_element_type3A_63, %cond3A_64 : i32
      scf.if %cond3A_65 {
        %add3A_101 = arith.constant 2 : i32
        %add3A_102 = arith.addi %add3A_36, %add3A_101 : i32
        %mul3A_103 = arith.constant 504 : i32
        %mul3A_104 = arith.muli %add3A_102, %mul3A_103 : i32
        %add3A_105 = arith.addi %mul3A_2, %mul3A_104 : i32
        %dma_start3A_106 = arith.constant 0 : i32
        %dma_start3A_107 = tpu.memref_slice %arg2[%add3A_105, %dma_start3A_106] : memref<1000000x64xf32, #tpu.memory_space<hbm>> -> memref<504x64xf32, #tpu.memory_space<hbm>>
        %dma_start3A_108 = arith.constant 0 : i32
        %dma_start3A_109 = tpu.memref_slice %arg2[%add3A_105, %dma_start3A_108] : memref<1000000x64xf32, #tpu.memory_space<hbm>> -> memref<504x64xf32, #tpu.memory_space<hbm>>
        tpu.enqueue_dma source(%dma_start3A_109 : memref<504x64xf32, #tpu.memory_space<hbm>>) target(%arg4 : memref<504x64xf32, #tpu.memory_space<vmem>>) target_semaphore(%arg8 : memref<!tpu.dma_semaphore, #tpu.memory_space<semaphore_mem>>)
      } else {
      }
      %mul3A_66 = arith.constant 2 : i32
      %mul3A_67 = arith.muli %mul3A_66, %scan3A_32 : i32
      %add3A_68 = arith.constant 1 : i32
      %add3A_69 = arith.addi %mul3A_67, %add3A_68 : i32
      %dma_wait3A_70 = arith.constant 0 : i32
      %dma_wait3A_71 = arith.constant 0 : i32
      %dma_wait3A_72 = tpu.memref_slice %arg2[%dma_wait3A_70, %dma_wait3A_71] : memref<1000000x64xf32, #tpu.memory_space<hbm>> -> memref<504x64xf32, #tpu.memory_space<hbm>>
      %dma_wait3A_73 = arith.constant 0 : i32
      %dma_wait3A_74 = arith.constant 0 : i32
      %dma_wait3A_75 = tpu.memref_slice %arg2[%dma_wait3A_73, %dma_wait3A_74] : memref<1000000x64xf32, #tpu.memory_space<hbm>> -> memref<504x64xf32, #tpu.memory_space<hbm>>
      tpu.wait_dma2 semaphore(%arg9 : memref<!tpu.dma_semaphore, #tpu.memory_space<semaphore_mem>>) src(%dma_wait3A_75 : memref<504x64xf32, #tpu.memory_space<hbm>>) dst(%arg5 : memref<504x64xf32, #tpu.memory_space<vmem>>)
      %ge3A_76 = arith.constant 2 : i32
      %ge3A_77 = arith.cmpi sge, %add3A_69, %ge3A_76 : i32
      %convert_element_type3A_78 = arith.extui %ge3A_77 : i1 to i32
      %cond3A_79 = arith.constant 0 : i32
      %cond3A_80 = arith.cmpi ne, %convert_element_type3A_78, %cond3A_79 : i32
      scf.if %cond3A_80 {
        %dma_wait3A_101 = arith.constant 0 : i32
        %dma_wait3A_102 = arith.constant 0 : i32
        %dma_wait3A_103 = tpu.memref_slice %arg3[%dma_wait3A_101, %dma_wait3A_102] : memref<1000000x64xbf16, #tpu.memory_space<hbm>> -> memref<504x64xbf16, #tpu.memory_space<hbm>>
        %dma_wait3A_104 = arith.constant 0 : i32
        %dma_wait3A_105 = arith.constant 0 : i32
        %dma_wait3A_106 = tpu.memref_slice %arg3[%dma_wait3A_104, %dma_wait3A_105] : memref<1000000x64xbf16, #tpu.memory_space<hbm>> -> memref<504x64xbf16, #tpu.memory_space<hbm>>
        tpu.wait_dma2 semaphore(%arg11 : memref<!tpu.dma_semaphore, #tpu.memory_space<semaphore_mem>>) src(%arg7 : memref<504x64xbf16, #tpu.memory_space<vmem>>) dst(%dma_wait3A_106 : memref<504x64xbf16, #tpu.memory_space<hbm>>)
      } else {
      }
      %scan3A_81 = arith.constant 0 : i32
      %scan3A_82 = arith.constant 0 : i32
      %scan3A_83 = arith.constant 504 : i32
      %scan3A_84 = arith.addi %scan3A_82, %scan3A_83 : i32
      %scan3A_85 = arith.constant 1 : i32
      scf.for %scan3A_101 = %scan3A_82 to %scan3A_84 step %scan3A_85  : i32 {
        %get3A = arith.index_cast %scan3A_101 : i32 to index
        %get3A_102 = arith.constant 0 : index
        %get3A_103 = tpu.vector_load %arg5[%get3A, %get3A_102] {strides = array<i32>} : memref<504x64xf32, #tpu.memory_space<vmem>>, vector<16xf32>,
        %get3A_104 = arith.index_cast %scan3A_101 : i32 to index
        %get3A_105 = arith.constant 16 : index
        %get3A_106 = tpu.vector_load %arg5[%get3A_104, %get3A_105] {strides = array<i32>} : memref<504x64xf32, #tpu.memory_space<vmem>>, vector<16xf32>,
        %get3A_107 = arith.index_cast %scan3A_101 : i32 to index
        %get3A_108 = arith.constant 32 : index
        %get3A_109 = tpu.vector_load %arg5[%get3A_107, %get3A_108] {strides = array<i32>} : memref<504x64xf32, #tpu.memory_space<vmem>>, vector<16xf32>,
        %get3A_110 = arith.index_cast %scan3A_101 : i32 to index
        %get3A_111 = arith.constant 48 : index
        %get3A_112 = tpu.vector_load %arg5[%get3A_110, %get3A_111] {strides = array<i32>} : memref<504x64xf32, #tpu.memory_space<vmem>>, vector<16xf32>,
        %pack3A = tpu.pack_subelements %get3A_103, %get3A_106 {pack_format = #tpu.pack_format<interleaved>, positions = array<i32: 0, 1>} : vector<16xf32>, vector<16xf32> -> vector<32xbf16>
        %swap3A = arith.index_cast %scan3A_101 : i32 to index
        %swap3A_113 = arith.constant 0 : index
        %swap3A_114 = tpu.vector_load %arg7[%swap3A, %swap3A_113] {strides = array<i32>} : memref<504x64xbf16, #tpu.memory_space<vmem>>, vector<32xbf16>,
        tpu.vector_store %arg7[%swap3A, %swap3A_113], %pack3A {strides = array<i32>} : memref<504x64xbf16, #tpu.memory_space<vmem>>, vector<32xbf16>,
        %pack3A_115 = tpu.pack_subelements %get3A_109, %get3A_112 {pack_format = #tpu.pack_format<interleaved>, positions = array<i32: 0, 1>} : vector<16xf32>, vector<16xf32> -> vector<32xbf16>
        %swap3A_116 = arith.index_cast %scan3A_101 : i32 to index
        %swap3A_117 = arith.constant 32 : index
        %swap3A_118 = tpu.vector_load %arg7[%swap3A_116, %swap3A_117] {strides = array<i32>} : memref<504x64xbf16, #tpu.memory_space<vmem>>, vector<32xbf16>,
        tpu.vector_store %arg7[%swap3A_116, %swap3A_117], %pack3A_115 {strides = array<i32>} : memref<504x64xbf16, #tpu.memory_space<vmem>>, vector<32xbf16>,
      }
      %scan3A_86 = arith.constant 504 : i32
      %mul3A_87 = arith.constant 504 : i32
      %mul3A_88 = arith.muli %add3A_69, %mul3A_87 : i32
      %add3A_89 = arith.addi %mul3A_2, %mul3A_88 : i32
      %dma_start3A_90 = arith.constant 0 : i32
      %dma_start3A_91 = tpu.memref_slice %arg3[%add3A_89, %dma_start3A_90] : memref<1000000x64xbf16, #tpu.memory_space<hbm>> -> memref<504x64xbf16, #tpu.memory_space<hbm>>
      %dma_start3A_92 = arith.constant 0 : i32
      %dma_start3A_93 = tpu.memref_slice %arg3[%add3A_89, %dma_start3A_92] : memref<1000000x64xbf16, #tpu.memory_space<hbm>> -> memref<504x64xbf16, #tpu.memory_space<hbm>>
      tpu.enqueue_dma source(%arg7 : memref<504x64xbf16, #tpu.memory_space<vmem>>) target(%dma_start3A_93 : memref<504x64xbf16, #tpu.memory_space<hbm>>) target_semaphore(%arg11 : memref<!tpu.dma_semaphore, #tpu.memory_space<semaphore_mem>>)
      %add3A_94 = arith.constant 2 : i32
      %add3A_95 = arith.addi %add3A_69, %add3A_94 : i32
      %lt3A_96 = arith.constant 62 : i32
      %lt3A_97 = arith.cmpi slt, %add3A_95, %lt3A_96 : i32
      %convert_element_type3A_98 = arith.extui %lt3A_97 : i1 to i32
      %cond3A_99 = arith.constant 0 : i32
      %cond3A_100 = arith.cmpi ne, %convert_element_type3A_98, %cond3A_99 : i32
      scf.if %cond3A_100 {
        %add3A_101 = arith.constant 2 : i32
        %add3A_102 = arith.addi %add3A_69, %add3A_101 : i32
        %mul3A_103 = arith.constant 504 : i32
        %mul3A_104 = arith.muli %add3A_102, %mul3A_103 : i32
        %add3A_105 = arith.addi %mul3A_2, %mul3A_104 : i32
        %dma_start3A_106 = arith.constant 0 : i32
        %dma_start3A_107 = tpu.memref_slice %arg2[%add3A_105, %dma_start3A_106] : memref<1000000x64xf32, #tpu.memory_space<hbm>> -> memref<504x64xf32, #tpu.memory_space<hbm>>
        %dma_start3A_108 = arith.constant 0 : i32
        %dma_start3A_109 = tpu.memref_slice %arg2[%add3A_105, %dma_start3A_108] : memref<1000000x64xf32, #tpu.memory_space<hbm>> -> memref<504x64xf32, #tpu.memory_space<hbm>>
        tpu.enqueue_dma source(%dma_start3A_109 : memref<504x64xf32, #tpu.memory_space<hbm>>) target(%arg5 : memref<504x64xf32, #tpu.memory_space<vmem>>) target_semaphore(%arg9 : memref<!tpu.dma_semaphore, #tpu.memory_space<semaphore_mem>>)
      } else {
      }
    }
    %scan3A_18 = arith.constant 31 : i32
    %dma_wait3A = arith.constant 0 : i32
    %dma_wait3A_19 = arith.constant 0 : i32
    %dma_wait3A_20 = tpu.memref_slice %arg3[%dma_wait3A, %dma_wait3A_19] : memref<1000000x64xbf16, #tpu.memory_space<hbm>> -> memref<504x64xbf16, #tpu.memory_space<hbm>>
    %dma_wait3A_21 = arith.constant 0 : i32
    %dma_wait3A_22 = arith.constant 0 : i32
    %dma_wait3A_23 = tpu.memref_slice %arg3[%dma_wait3A_21, %dma_wait3A_22] : memref<1000000x64xbf16, #tpu.memory_space<hbm>> -> memref<504x64xbf16, #tpu.memory_space<hbm>>
    tpu.wait_dma2 semaphore(%arg10 : memref<!tpu.dma_semaphore, #tpu.memory_space<semaphore_mem>>) src(%arg6 : memref<504x64xbf16, #tpu.memory_space<vmem>>) dst(%dma_wait3A_23 : memref<504x64xbf16, #tpu.memory_space<hbm>>)
    %dma_wait3A_24 = arith.constant 0 : i32
    %dma_wait3A_25 = arith.constant 0 : i32
    %dma_wait3A_26 = tpu.memref_slice %arg3[%dma_wait3A_24, %dma_wait3A_25] : memref<1000000x64xbf16, #tpu.memory_space<hbm>> -> memref<504x64xbf16, #tpu.memory_space<hbm>>
    %dma_wait3A_27 = arith.constant 0 : i32
    %dma_wait3A_28 = arith.constant 0 : i32
    %dma_wait3A_29 = tpu.memref_slice %arg3[%dma_wait3A_27, %dma_wait3A_28] : memref<1000000x64xbf16, #tpu.memory_space<hbm>> -> memref<504x64xbf16, #tpu.memory_space<hbm>>
    tpu.wait_dma2 semaphore(%arg11 : memref<!tpu.dma_semaphore, #tpu.memory_space<semaphore_mem>>) src(%arg7 : memref<504x64xbf16, #tpu.memory_space<vmem>>) dst(%dma_wait3A_29 : memref<504x64xbf16, #tpu.memory_space<hbm>>)
    %eq3A = arith.constant 0 : i32
    %eq3A_30 = arith.cmpi eq, %add3A, %eq3A : i32
    %convert_element_type3A = arith.extui %eq3A_30 : i1 to i32
    %cond3A = arith.constant 0 : i32
    %cond3A_31 = arith.cmpi ne, %convert_element_type3A, %cond3A : i32
    scf.if %cond3A_31 {
      "tpu.region"() ({
        %run_scoped3A = tpu.sem_alloc : memref<!tpu.dma_semaphore, #tpu.memory_space<semaphore_mem>>
        %dma_start3A_38 = arith.constant 0 : i32
        %dma_start3A_39 = arith.constant 0 : i32
        %dma_start3A_40 = tpu.memref_slice %arg4[%dma_start3A_38, %dma_start3A_39] : memref<504x64xf32, #tpu.memory_space<vmem>> -> memref<64x64xf32, #tpu.memory_space<vmem>>
        %dma_start3A_41 = arith.constant 999936 : i32
        %dma_start3A_42 = arith.constant 0 : i32
        %dma_start3A_43 = tpu.memref_slice %arg2[%dma_start3A_41, %dma_start3A_42] : memref<1000000x64xf32, #tpu.memory_space<hbm>> -> memref<64x64xf32, #tpu.memory_space<hbm>>
        %dma_start3A_44 = arith.constant 0 : i32
        %dma_start3A_45 = arith.constant 0 : i32
        %dma_start3A_46 = tpu.memref_slice %arg4[%dma_start3A_44, %dma_start3A_45] : memref<504x64xf32, #tpu.memory_space<vmem>> -> memref<64x64xf32, #tpu.memory_space<vmem>>
        %dma_start3A_47 = arith.constant 999936 : i32
        %dma_start3A_48 = arith.constant 0 : i32
        %dma_start3A_49 = tpu.memref_slice %arg2[%dma_start3A_47, %dma_start3A_48] : memref<1000000x64xf32, #tpu.memory_space<hbm>> -> memref<64x64xf32, #tpu.memory_space<hbm>>
        tpu.enqueue_dma source(%dma_start3A_49 : memref<64x64xf32, #tpu.memory_space<hbm>>) target(%dma_start3A_46 : memref<64x64xf32, #tpu.memory_space<vmem>>) target_semaphore(%run_scoped3A : memref<!tpu.dma_semaphore, #tpu.memory_space<semaphore_mem>>)
        %dma_wait3A_50 = arith.constant 0 : i32
        %dma_wait3A_51 = arith.constant 0 : i32
        %dma_wait3A_52 = tpu.memref_slice %arg4[%dma_wait3A_50, %dma_wait3A_51] : memref<504x64xf32, #tpu.memory_space<vmem>> -> memref<64x64xf32, #tpu.memory_space<vmem>>
        %dma_wait3A_53 = arith.constant 999936 : i32
        %dma_wait3A_54 = arith.constant 0 : i32
        %dma_wait3A_55 = tpu.memref_slice %arg2[%dma_wait3A_53, %dma_wait3A_54] : memref<1000000x64xf32, #tpu.memory_space<hbm>> -> memref<64x64xf32, #tpu.memory_space<hbm>>
        %dma_wait3A_56 = arith.constant 0 : i32
        %dma_wait3A_57 = arith.constant 0 : i32
        %dma_wait3A_58 = tpu.memref_slice %arg4[%dma_wait3A_56, %dma_wait3A_57] : memref<504x64xf32, #tpu.memory_space<vmem>> -> memref<64x64xf32, #tpu.memory_space<vmem>>
        %dma_wait3A_59 = arith.constant 999936 : i32
        %dma_wait3A_60 = arith.constant 0 : i32
        %dma_wait3A_61 = tpu.memref_slice %arg2[%dma_wait3A_59, %dma_wait3A_60] : memref<1000000x64xf32, #tpu.memory_space<hbm>> -> memref<64x64xf32, #tpu.memory_space<hbm>>
        tpu.wait_dma2 semaphore(%run_scoped3A : memref<!tpu.dma_semaphore, #tpu.memory_space<semaphore_mem>>) src(%dma_wait3A_61 : memref<64x64xf32, #tpu.memory_space<hbm>>) dst(%dma_wait3A_58 : memref<64x64xf32, #tpu.memory_space<vmem>>)
        tpu.yield
      }) : () -> ()
      %scan3A_32 = arith.constant 0 : i32
      %scan3A_33 = arith.constant 0 : i32
      %scan3A_34 = arith.constant 64 : i32
      %scan3A_35 = arith.addi %scan3A_33, %scan3A_34 : i32
      %scan3A_36 = arith.constant 1 : i32
      scf.for %scan3A_38 = %scan3A_33 to %scan3A_35 step %scan3A_36  : i32 {
        %get3A = arith.index_cast %scan3A_38 : i32 to index
        %get3A_39 = arith.constant 0 : index
        %get3A_40 = tpu.vector_load %arg4[%get3A, %get3A_39] {strides = array<i32>} : memref<504x64xf32, #tpu.memory_space<vmem>>, vector<16xf32>,
        %get3A_41 = arith.index_cast %scan3A_38 : i32 to index
        %get3A_42 = arith.constant 16 : index
        %get3A_43 = tpu.vector_load %arg4[%get3A_41, %get3A_42] {strides = array<i32>} : memref<504x64xf32, #tpu.memory_space<vmem>>, vector<16xf32>,
        %get3A_44 = arith.index_cast %scan3A_38 : i32 to index
        %get3A_45 = arith.constant 32 : index
        %get3A_46 = tpu.vector_load %arg4[%get3A_44, %get3A_45] {strides = array<i32>} : memref<504x64xf32, #tpu.memory_space<vmem>>, vector<16xf32>,
        %get3A_47 = arith.index_cast %scan3A_38 : i32 to index
        %get3A_48 = arith.constant 48 : index
        %get3A_49 = tpu.vector_load %arg4[%get3A_47, %get3A_48] {strides = array<i32>} : memref<504x64xf32, #tpu.memory_space<vmem>>, vector<16xf32>,
        %pack3A = tpu.pack_subelements %get3A_40, %get3A_43 {pack_format = #tpu.pack_format<interleaved>, positions = array<i32: 0, 1>} : vector<16xf32>, vector<16xf32> -> vector<32xbf16>
        %swap3A = arith.index_cast %scan3A_38 : i32 to index
        %swap3A_50 = arith.constant 0 : index
        %swap3A_51 = tpu.vector_load %arg6[%swap3A, %swap3A_50] {strides = array<i32>} : memref<504x64xbf16, #tpu.memory_space<vmem>>, vector<32xbf16>,
        tpu.vector_store %arg6[%swap3A, %swap3A_50], %pack3A {strides = array<i32>} : memref<504x64xbf16, #tpu.memory_space<vmem>>, vector<32xbf16>,
        %pack3A_52 = tpu.pack_subelements %get3A_46, %get3A_49 {pack_format = #tpu.pack_format<interleaved>, positions = array<i32: 0, 1>} : vector<16xf32>, vector<16xf32> -> vector<32xbf16>
        %swap3A_53 = arith.index_cast %scan3A_38 : i32 to index
        %swap3A_54 = arith.constant 32 : index
        %swap3A_55 = tpu.vector_load %arg6[%swap3A_53, %swap3A_54] {strides = array<i32>} : memref<504x64xbf16, #tpu.memory_space<vmem>>, vector<32xbf16>,
        tpu.vector_store %arg6[%swap3A_53, %swap3A_54], %pack3A_52 {strides = array<i32>} : memref<504x64xbf16, #tpu.memory_space<vmem>>, vector<32xbf16>,
      }
      %scan3A_37 = arith.constant 64 : i32
      "tpu.region"() ({
        %run_scoped3A = tpu.sem_alloc : memref<!tpu.dma_semaphore, #tpu.memory_space<semaphore_mem>>
        %dma_start3A_38 = arith.constant 0 : i32
        %dma_start3A_39 = arith.constant 0 : i32
        %dma_start3A_40 = tpu.memref_slice %arg6[%dma_start3A_38, %dma_start3A_39] : memref<504x64xbf16, #tpu.memory_space<vmem>> -> memref<64x64xbf16, #tpu.memory_space<vmem>>
        %dma_start3A_41 = arith.constant 999936 : i32
        %dma_start3A_42 = arith.constant 0 : i32
        %dma_start3A_43 = tpu.memref_slice %arg3[%dma_start3A_41, %dma_start3A_42] : memref<1000000x64xbf16, #tpu.memory_space<hbm>> -> memref<64x64xbf16, #tpu.memory_space<hbm>>
        %dma_start3A_44 = arith.constant 999936 : i32
        %dma_start3A_45 = arith.constant 0 : i32
        %dma_start3A_46 = tpu.memref_slice %arg3[%dma_start3A_44, %dma_start3A_45] : memref<1000000x64xbf16, #tpu.memory_space<hbm>> -> memref<64x64xbf16, #tpu.memory_space<hbm>>
        %dma_start3A_47 = arith.constant 0 : i32
        %dma_start3A_48 = arith.constant 0 : i32
        %dma_start3A_49 = tpu.memref_slice %arg6[%dma_start3A_47, %dma_start3A_48] : memref<504x64xbf16, #tpu.memory_space<vmem>> -> memref<64x64xbf16, #tpu.memory_space<vmem>>
        tpu.enqueue_dma source(%dma_start3A_49 : memref<64x64xbf16, #tpu.memory_space<vmem>>) target(%dma_start3A_46 : memref<64x64xbf16, #tpu.memory_space<hbm>>) target_semaphore(%run_scoped3A : memref<!tpu.dma_semaphore, #tpu.memory_space<semaphore_mem>>)
        %dma_wait3A_50 = arith.constant 0 : i32
        %dma_wait3A_51 = arith.constant 0 : i32
        %dma_wait3A_52 = tpu.memref_slice %arg6[%dma_wait3A_50, %dma_wait3A_51] : memref<504x64xbf16, #tpu.memory_space<vmem>> -> memref<64x64xbf16, #tpu.memory_space<vmem>>
        %dma_wait3A_53 = arith.constant 999936 : i32
        %dma_wait3A_54 = arith.constant 0 : i32
        %dma_wait3A_55 = tpu.memref_slice %arg3[%dma_wait3A_53, %dma_wait3A_54] : memref<1000000x64xbf16, #tpu.memory_space<hbm>> -> memref<64x64xbf16, #tpu.memory_space<hbm>>
        %dma_wait3A_56 = arith.constant 999936 : i32
        %dma_wait3A_57 = arith.constant 0 : i32
        %dma_wait3A_58 = tpu.memref_slice %arg3[%dma_wait3A_56, %dma_wait3A_57] : memref<1000000x64xbf16, #tpu.memory_space<hbm>> -> memref<64x64xbf16, #tpu.memory_space<hbm>>
        %dma_wait3A_59 = arith.constant 0 : i32
        %dma_wait3A_60 = arith.constant 0 : i32
        %dma_wait3A_61 = tpu.memref_slice %arg6[%dma_wait3A_59, %dma_wait3A_60] : memref<504x64xbf16, #tpu.memory_space<vmem>> -> memref<64x64xbf16, #tpu.memory_space<vmem>>
        tpu.wait_dma2 semaphore(%run_scoped3A : memref<!tpu.dma_semaphore, #tpu.memory_space<semaphore_mem>>) src(%dma_wait3A_61 : memref<64x64xbf16, #tpu.memory_space<vmem>>) dst(%dma_wait3A_58 : memref<64x64xbf16, #tpu.memory_space<hbm>>)
        tpu.yield
      }) : () -> ()
    } else {
    }
    return
  }
}

#map = affine_map<(d0, d1) -> (0)>
#map1 = affine_map<(d0, d1) -> (0, 0)>
module attributes {stable_mosaic.version = 14 : i64} {
  func.func @_sc_pool_body(%arg0: i32, %arg1: i32, %arg2: memref<851968xi32, #tpu.memory_space<hbm>>, %arg3: memref<1000000x64xbf16, #tpu.memory_space<hbm>>, %arg4: memref<262144xf32, #tpu.memory_space<hbm>>, %arg5: memref<26624xi32, #tpu.memory_space<vmem>>, %arg6: memref<208x64xbf16, #tpu.memory_space<vmem>>, %arg7: memref<208x64xbf16, #tpu.memory_space<vmem>>, %arg8: memref<208x64xbf16, #tpu.memory_space<vmem>>, %arg9: memref<208x64xbf16, #tpu.memory_space<vmem>>, %arg10: memref<8x64xbf16, #tpu.memory_space<vmem>>, %arg11: memref<8192xf32, #tpu.memory_space<vmem>>, %arg12: memref<!tpu.dma_semaphore, #tpu.memory_space<semaphore_mem>>, %arg13: memref<!tpu.dma_semaphore, #tpu.memory_space<semaphore_mem>>, %arg14: memref<!tpu.dma_semaphore, #tpu.memory_space<semaphore_mem>>, %arg15: memref<!tpu.dma_semaphore, #tpu.memory_space<semaphore_mem>>) attributes {dimension_semantics = [#tpu.dimension_semantics<core_parallel>, #tpu.dimension_semantics<subcore_parallel>], iteration_bounds = array<i64: 2, 16>, scalar_prefetch = 0 : i64, scratch_operands = 11 : i64, tpu.core_type = #tpu.core_type<sc_vector_subcore>, window_params = [{transform_indices = #map}, {transform_indices = #map1}, {transform_indices = #map}]} {
    %mul3A = arith.constant 2 : i32
    %mul3A_0 = arith.muli %arg1, %mul3A : i32
    %add3A = arith.addi %mul3A_0, %arg0 : i32
    %mul3A_1 = arith.constant 26624 : i32
    %mul3A_2 = arith.muli %add3A, %mul3A_1 : i32
    "tpu.region"() ({
      %run_scoped3A = tpu.sem_alloc : memref<!tpu.dma_semaphore, #tpu.memory_space<semaphore_mem>>
      %dma_start3A_436 = tpu.memref_slice %arg2[%mul3A_2] : memref<851968xi32, #tpu.memory_space<hbm>> -> memref<26624xi32, #tpu.memory_space<hbm>>
      %dma_start3A_437 = tpu.memref_slice %arg2[%mul3A_2] : memref<851968xi32, #tpu.memory_space<hbm>> -> memref<26624xi32, #tpu.memory_space<hbm>>
      tpu.enqueue_dma source(%dma_start3A_437 : memref<26624xi32, #tpu.memory_space<hbm>>) target(%arg5 : memref<26624xi32, #tpu.memory_space<vmem>>) target_semaphore(%run_scoped3A : memref<!tpu.dma_semaphore, #tpu.memory_space<semaphore_mem>>)
      %dma_wait3A = tpu.memref_slice %arg2[%mul3A_2] : memref<851968xi32, #tpu.memory_space<hbm>> -> memref<26624xi32, #tpu.memory_space<hbm>>
      %dma_wait3A_438 = tpu.memref_slice %arg2[%mul3A_2] : memref<851968xi32, #tpu.memory_space<hbm>> -> memref<26624xi32, #tpu.memory_space<hbm>>
      tpu.wait_dma2 semaphore(%run_scoped3A : memref<!tpu.dma_semaphore, #tpu.memory_space<semaphore_mem>>) src(%dma_wait3A_438 : memref<26624xi32, #tpu.memory_space<hbm>>) dst(%arg5 : memref<26624xi32, #tpu.memory_space<vmem>>)
      tpu.yield
    }) : () -> ()
    "tpu.region"() ({
      %run_scoped3A = tpu.sem_alloc : memref<!tpu.dma_semaphore, #tpu.memory_space<semaphore_mem>>
      %dma_start3A_436 = arith.constant 0 : i32
      %dma_start3A_437 = arith.constant 0 : i32
      %dma_start3A_438 = tpu.memref_slice %arg3[%dma_start3A_436, %dma_start3A_437] : memref<1000000x64xbf16, #tpu.memory_space<hbm>> -> memref<8x64xbf16, #tpu.memory_space<hbm>>
      %dma_start3A_439 = arith.constant 0 : i32
      %dma_start3A_440 = arith.constant 0 : i32
      %dma_start3A_441 = tpu.memref_slice %arg3[%dma_start3A_439, %dma_start3A_440] : memref<1000000x64xbf16, #tpu.memory_space<hbm>> -> memref<8x64xbf16, #tpu.memory_space<hbm>>
      tpu.enqueue_dma source(%dma_start3A_441 : memref<8x64xbf16, #tpu.memory_space<hbm>>) target(%arg10 : memref<8x64xbf16, #tpu.memory_space<vmem>>) target_semaphore(%run_scoped3A : memref<!tpu.dma_semaphore, #tpu.memory_space<semaphore_mem>>)
      %dma_wait3A = arith.constant 0 : i32
      %dma_wait3A_442 = arith.constant 0 : i32
      %dma_wait3A_443 = tpu.memref_slice %arg3[%dma_wait3A, %dma_wait3A_442] : memref<1000000x64xbf16, #tpu.memory_space<hbm>> -> memref<8x64xbf16, #tpu.memory_space<hbm>>
      %dma_wait3A_444 = arith.constant 0 : i32
      %dma_wait3A_445 = arith.constant 0 : i32
      %dma_wait3A_446 = tpu.memref_slice %arg3[%dma_wait3A_444, %dma_wait3A_445] : memref<1000000x64xbf16, #tpu.memory_space<hbm>> -> memref<8x64xbf16, #tpu.memory_space<hbm>>
      tpu.wait_dma2 semaphore(%run_scoped3A : memref<!tpu.dma_semaphore, #tpu.memory_space<semaphore_mem>>) src(%dma_wait3A_446 : memref<8x64xbf16, #tpu.memory_space<hbm>>) dst(%arg10 : memref<8x64xbf16, #tpu.memory_space<vmem>>)
      tpu.yield
    }) : () -> ()
    %get3A = arith.constant 0 : i32
    %get3A_3 = arith.index_cast %get3A : i32 to index
    %get3A_4 = arith.constant 0 : index
    %get3A_5 = tpu.vector_load %arg10[%get3A_3, %get3A_4] {strides = array<i32>} : memref<8x64xbf16, #tpu.memory_space<vmem>>, vector<32xbf16>,
    %unpack3A = tpu.unpack_subelements %get3A_5, 0 {pack_format = #tpu.pack_format<interleaved>} : vector<32xbf16> -> vector<16xf32>
    %unpack3A_6 = tpu.unpack_subelements %get3A_5, 1 {pack_format = #tpu.pack_format<interleaved>} : vector<32xbf16> -> vector<16xf32>
    %get3A_7 = arith.constant 0 : i32
    %get3A_8 = arith.index_cast %get3A_7 : i32 to index
    %get3A_9 = arith.constant 32 : index
    %get3A_10 = tpu.vector_load %arg10[%get3A_8, %get3A_9] {strides = array<i32>} : memref<8x64xbf16, #tpu.memory_space<vmem>>, vector<32xbf16>,
    %unpack3A_11 = tpu.unpack_subelements %get3A_10, 0 {pack_format = #tpu.pack_format<interleaved>} : vector<32xbf16> -> vector<16xf32>
    %unpack3A_12 = tpu.unpack_subelements %get3A_10, 1 {pack_format = #tpu.pack_format<interleaved>} : vector<32xbf16> -> vector<16xf32>
    %get3A_13 = arith.constant 0 : index
    %get3A_14 = tpu.vector_load %arg5[%get3A_13] {strides = array<i32>} : memref<26624xi32, #tpu.memory_space<vmem>>, vector<16xi32>,
    %dma_start3A = arith.constant 0 : i32
    %dma_start3A_15 = arith.constant 0 : i32
    %dma_start3A_16 = tpu.memref_slice %arg6[%dma_start3A, %dma_start3A_15] : memref<208x64xbf16, #tpu.memory_space<vmem>> -> memref<16x64xbf16, #tpu.memory_space<vmem>>
    %dma_start3A_17 = arith.constant 0 : i32
    %dma_start3A_18 = arith.constant 0 : i32
    %dma_start3A_19 = tpu.memref_slice %arg3[%dma_start3A_17, %dma_start3A_18] : memref<1000000x64xbf16, #tpu.memory_space<hbm>> -> memref<1000000x64xbf16, #tpu.memory_space<hbm>>
    tpu.enqueue_indirect_dma source(%dma_start3A_19 : memref<1000000x64xbf16, #tpu.memory_space<hbm>>) target(%dma_start3A_16 : memref<16x64xbf16, #tpu.memory_space<vmem>>) offsets(%get3A_14 : vector<16xi32>) semaphore(%arg12 : memref<!tpu.dma_semaphore, #tpu.memory_space<semaphore_mem>>)
    %get3A_20 = arith.constant 16 : index
    %get3A_21 = tpu.vector_load %arg5[%get3A_20] {strides = array<i32>} : memref<26624xi32, #tpu.memory_space<vmem>>, vector<16xi32>,
    %dma_start3A_22 = arith.constant 16 : i32
    %dma_start3A_23 = arith.constant 0 : i32
    %dma_start3A_24 = tpu.memref_slice %arg6[%dma_start3A_22, %dma_start3A_23] : memref<208x64xbf16, #tpu.memory_space<vmem>> -> memref<16x64xbf16, #tpu.memory_space<vmem>>
    %dma_start3A_25 = arith.constant 0 : i32
    %dma_start3A_26 = arith.constant 0 : i32
    %dma_start3A_27 = tpu.memref_slice %arg3[%dma_start3A_25, %dma_start3A_26] : memref<1000000x64xbf16, #tpu.memory_space<hbm>> -> memref<1000000x64xbf16, #tpu.memory_space<hbm>>
    tpu.enqueue_indirect_dma source(%dma_start3A_27 : memref<1000000x64xbf16, #tpu.memory_space<hbm>>) target(%dma_start3A_24 : memref<16x64xbf16, #tpu.memory_space<vmem>>) offsets(%get3A_21 : vector<16xi32>) semaphore(%arg12 : memref<!tpu.dma_semaphore, #tpu.memory_space<semaphore_mem>>)
    %get3A_28 = arith.constant 32 : index
    %get3A_29 = tpu.vector_load %arg5[%get3A_28] {strides = array<i32>} : memref<26624xi32, #tpu.memory_space<vmem>>, vector<16xi32>,
    %dma_start3A_30 = arith.constant 32 : i32
    %dma_start3A_31 = arith.constant 0 : i32
    %dma_start3A_32 = tpu.memref_slice %arg6[%dma_start3A_30, %dma_start3A_31] : memref<208x64xbf16, #tpu.memory_space<vmem>> -> memref<16x64xbf16, #tpu.memory_space<vmem>>
    %dma_start3A_33 = arith.constant 0 : i32
    %dma_start3A_34 = arith.constant 0 : i32
    %dma_start3A_35 = tpu.memref_slice %arg3[%dma_start3A_33, %dma_start3A_34] : memref<1000000x64xbf16, #tpu.memory_space<hbm>> -> memref<1000000x64xbf16, #tpu.memory_space<hbm>>
    tpu.enqueue_indirect_dma source(%dma_start3A_35 : memref<1000000x64xbf16, #tpu.memory_space<hbm>>) target(%dma_start3A_32 : memref<16x64xbf16, #tpu.memory_space<vmem>>) offsets(%get3A_29 : vector<16xi32>) semaphore(%arg12 : memref<!tpu.dma_semaphore, #tpu.memory_space<semaphore_mem>>)
    %get3A_36 = arith.constant 48 : index
    %get3A_37 = tpu.vector_load %arg5[%get3A_36] {strides = array<i32>} : memref<26624xi32, #tpu.memory_space<vmem>>, vector<16xi32>,
    %dma_start3A_38 = arith.constant 48 : i32
    %dma_start3A_39 = arith.constant 0 : i32
    %dma_start3A_40 = tpu.memref_slice %arg6[%dma_start3A_38, %dma_start3A_39] : memref<208x64xbf16, #tpu.memory_space<vmem>> -> memref<16x64xbf16, #tpu.memory_space<vmem>>
    %dma_start3A_41 = arith.constant 0 : i32
    %dma_start3A_42 = arith.constant 0 : i32
    %dma_start3A_43 = tpu.memref_slice %arg3[%dma_start3A_41, %dma_start3A_42] : memref<1000000x64xbf16, #tpu.memory_space<hbm>> -> memref<1000000x64xbf16, #tpu.memory_space<hbm>>
    tpu.enqueue_indirect_dma source(%dma_start3A_43 : memref<1000000x64xbf16, #tpu.memory_space<hbm>>) target(%dma_start3A_40 : memref<16x64xbf16, #tpu.memory_space<vmem>>) offsets(%get3A_37 : vector<16xi32>) semaphore(%arg12 : memref<!tpu.dma_semaphore, #tpu.memory_space<semaphore_mem>>)
    %get3A_44 = arith.constant 64 : index
    %get3A_45 = tpu.vector_load %arg5[%get3A_44] {strides = array<i32>} : memref<26624xi32, #tpu.memory_space<vmem>>, vector<16xi32>,
    %dma_start3A_46 = arith.constant 64 : i32
    %dma_start3A_47 = arith.constant 0 : i32
    %dma_start3A_48 = tpu.memref_slice %arg6[%dma_start3A_46, %dma_start3A_47] : memref<208x64xbf16, #tpu.memory_space<vmem>> -> memref<16x64xbf16, #tpu.memory_space<vmem>>
    %dma_start3A_49 = arith.constant 0 : i32
    %dma_start3A_50 = arith.constant 0 : i32
    %dma_start3A_51 = tpu.memref_slice %arg3[%dma_start3A_49, %dma_start3A_50] : memref<1000000x64xbf16, #tpu.memory_space<hbm>> -> memref<1000000x64xbf16, #tpu.memory_space<hbm>>
    tpu.enqueue_indirect_dma source(%dma_start3A_51 : memref<1000000x64xbf16, #tpu.memory_space<hbm>>) target(%dma_start3A_48 : memref<16x64xbf16, #tpu.memory_space<vmem>>) offsets(%get3A_45 : vector<16xi32>) semaphore(%arg12 : memref<!tpu.dma_semaphore, #tpu.memory_space<semaphore_mem>>)
    %get3A_52 = arith.constant 80 : index
    %get3A_53 = tpu.vector_load %arg5[%get3A_52] {strides = array<i32>} : memref<26624xi32, #tpu.memory_space<vmem>>, vector<16xi32>,
    %dma_start3A_54 = arith.constant 80 : i32
    %dma_start3A_55 = arith.constant 0 : i32
    %dma_start3A_56 = tpu.memref_slice %arg6[%dma_start3A_54, %dma_start3A_55] : memref<208x64xbf16, #tpu.memory_space<vmem>> -> memref<16x64xbf16, #tpu.memory_space<vmem>>
    %dma_start3A_57 = arith.constant 0 : i32
    %dma_start3A_58 = arith.constant 0 : i32
    %dma_start3A_59 = tpu.memref_slice %arg3[%dma_start3A_57, %dma_start3A_58] : memref<1000000x64xbf16, #tpu.memory_space<hbm>> -> memref<1000000x64xbf16, #tpu.memory_space<hbm>>
    tpu.enqueue_indirect_dma source(%dma_start3A_59 : memref<1000000x64xbf16, #tpu.memory_space<hbm>>) target(%dma_start3A_56 : memref<16x64xbf16, #tpu.memory_space<vmem>>) offsets(%get3A_53 : vector<16xi32>) semaphore(%arg12 : memref<!tpu.dma_semaphore, #tpu.memory_space<semaphore_mem>>)
    %get3A_60 = arith.constant 96 : index
    %get3A_61 = tpu.vector_load %arg5[%get3A_60] {strides = array<i32>} : memref<26624xi32, #tpu.memory_space<vmem>>, vector<16xi32>,
    %dma_start3A_62 = arith.constant 96 : i32
    %dma_start3A_63 = arith.constant 0 : i32
    %dma_start3A_64 = tpu.memref_slice %arg6[%dma_start3A_62, %dma_start3A_63] : memref<208x64xbf16, #tpu.memory_space<vmem>> -> memref<16x64xbf16, #tpu.memory_space<vmem>>
    %dma_start3A_65 = arith.constant 0 : i32
    %dma_start3A_66 = arith.constant 0 : i32
    %dma_start3A_67 = tpu.memref_slice %arg3[%dma_start3A_65, %dma_start3A_66] : memref<1000000x64xbf16, #tpu.memory_space<hbm>> -> memref<1000000x64xbf16, #tpu.memory_space<hbm>>
    tpu.enqueue_indirect_dma source(%dma_start3A_67 : memref<1000000x64xbf16, #tpu.memory_space<hbm>>) target(%dma_start3A_64 : memref<16x64xbf16, #tpu.memory_space<vmem>>) offsets(%get3A_61 : vector<16xi32>) semaphore(%arg12 : memref<!tpu.dma_semaphore, #tpu.memory_space<semaphore_mem>>)
    %get3A_68 = arith.constant 112 : index
    %get3A_69 = tpu.vector_load %arg5[%get3A_68] {strides = array<i32>} : memref<26624xi32, #tpu.memory_space<vmem>>, vector<16xi32>,
    %dma_start3A_70 = arith.constant 112 : i32
    %dma_start3A_71 = arith.constant 0 : i32
    %dma_start3A_72 = tpu.memref_slice %arg6[%dma_start3A_70, %dma_start3A_71] : memref<208x64xbf16, #tpu.memory_space<vmem>> -> memref<16x64xbf16, #tpu.memory_space<vmem>>
    %dma_start3A_73 = arith.constant 0 : i32
    %dma_start3A_74 = arith.constant 0 : i32
    %dma_start3A_75 = tpu.memref_slice %arg3[%dma_start3A_73, %dma_start3A_74] : memref<1000000x64xbf16, #tpu.memory_space<hbm>> -> memref<1000000x64xbf16, #tpu.memory_space<hbm>>
    tpu.enqueue_indirect_dma source(%dma_start3A_75 : memref<1000000x64xbf16, #tpu.memory_space<hbm>>) target(%dma_start3A_72 : memref<16x64xbf16, #tpu.memory_space<vmem>>) offsets(%get3A_69 : vector<16xi32>) semaphore(%arg12 : memref<!tpu.dma_semaphore, #tpu.memory_space<semaphore_mem>>)
    %get3A_76 = arith.constant 128 : index
    %get3A_77 = tpu.vector_load %arg5[%get3A_76] {strides = array<i32>} : memref<26624xi32, #tpu.memory_space<vmem>>, vector<16xi32>,
    %dma_start3A_78 = arith.constant 128 : i32
    %dma_start3A_79 = arith.constant 0 : i32
    %dma_start3A_80 = tpu.memref_slice %arg6[%dma_start3A_78, %dma_start3A_79] : memref<208x64xbf16, #tpu.memory_space<vmem>> -> memref<16x64xbf16, #tpu.memory_space<vmem>>
    %dma_start3A_81 = arith.constant 0 : i32
    %dma_start3A_82 = arith.constant 0 : i32
    %dma_start3A_83 = tpu.memref_slice %arg3[%dma_start3A_81, %dma_start3A_82] : memref<1000000x64xbf16, #tpu.memory_space<hbm>> -> memref<1000000x64xbf16, #tpu.memory_space<hbm>>
    tpu.enqueue_indirect_dma source(%dma_start3A_83 : memref<1000000x64xbf16, #tpu.memory_space<hbm>>) target(%dma_start3A_80 : memref<16x64xbf16, #tpu.memory_space<vmem>>) offsets(%get3A_77 : vector<16xi32>) semaphore(%arg12 : memref<!tpu.dma_semaphore, #tpu.memory_space<semaphore_mem>>)
    %get3A_84 = arith.constant 144 : index
    %get3A_85 = tpu.vector_load %arg5[%get3A_84] {strides = array<i32>} : memref<26624xi32, #tpu.memory_space<vmem>>, vector<16xi32>,
    %dma_start3A_86 = arith.constant 144 : i32
    %dma_start3A_87 = arith.constant 0 : i32
    %dma_start3A_88 = tpu.memref_slice %arg6[%dma_start3A_86, %dma_start3A_87] : memref<208x64xbf16, #tpu.memory_space<vmem>> -> memref<16x64xbf16, #tpu.memory_space<vmem>>
    %dma_start3A_89 = arith.constant 0 : i32
    %dma_start3A_90 = arith.constant 0 : i32
    %dma_start3A_91 = tpu.memref_slice %arg3[%dma_start3A_89, %dma_start3A_90] : memref<1000000x64xbf16, #tpu.memory_space<hbm>> -> memref<1000000x64xbf16, #tpu.memory_space<hbm>>
    tpu.enqueue_indirect_dma source(%dma_start3A_91 : memref<1000000x64xbf16, #tpu.memory_space<hbm>>) target(%dma_start3A_88 : memref<16x64xbf16, #tpu.memory_space<vmem>>) offsets(%get3A_85 : vector<16xi32>) semaphore(%arg12 : memref<!tpu.dma_semaphore, #tpu.memory_space<semaphore_mem>>)
    %get3A_92 = arith.constant 160 : index
    %get3A_93 = tpu.vector_load %arg5[%get3A_92] {strides = array<i32>} : memref<26624xi32, #tpu.memory_space<vmem>>, vector<16xi32>,
    %dma_start3A_94 = arith.constant 160 : i32
    %dma_start3A_95 = arith.constant 0 : i32
    %dma_start3A_96 = tpu.memref_slice %arg6[%dma_start3A_94, %dma_start3A_95] : memref<208x64xbf16, #tpu.memory_space<vmem>> -> memref<16x64xbf16, #tpu.memory_space<vmem>>
    %dma_start3A_97 = arith.constant 0 : i32
    %dma_start3A_98 = arith.constant 0 : i32
    %dma_start3A_99 = tpu.memref_slice %arg3[%dma_start3A_97, %dma_start3A_98] : memref<1000000x64xbf16, #tpu.memory_space<hbm>> -> memref<1000000x64xbf16, #tpu.memory_space<hbm>>
    tpu.enqueue_indirect_dma source(%dma_start3A_99 : memref<1000000x64xbf16, #tpu.memory_space<hbm>>) target(%dma_start3A_96 : memref<16x64xbf16, #tpu.memory_space<vmem>>) offsets(%get3A_93 : vector<16xi32>) semaphore(%arg12 : memref<!tpu.dma_semaphore, #tpu.memory_space<semaphore_mem>>)
    %get3A_100 = arith.constant 176 : index
    %get3A_101 = tpu.vector_load %arg5[%get3A_100] {strides = array<i32>} : memref<26624xi32, #tpu.memory_space<vmem>>, vector<16xi32>,
    %dma_start3A_102 = arith.constant 176 : i32
    %dma_start3A_103 = arith.constant 0 : i32
    %dma_start3A_104 = tpu.memref_slice %arg6[%dma_start3A_102, %dma_start3A_103] : memref<208x64xbf16, #tpu.memory_space<vmem>> -> memref<16x64xbf16, #tpu.memory_space<vmem>>
    %dma_start3A_105 = arith.constant 0 : i32
    %dma_start3A_106 = arith.constant 0 : i32
    %dma_start3A_107 = tpu.memref_slice %arg3[%dma_start3A_105, %dma_start3A_106] : memref<1000000x64xbf16, #tpu.memory_space<hbm>> -> memref<1000000x64xbf16, #tpu.memory_space<hbm>>
    tpu.enqueue_indirect_dma source(%dma_start3A_107 : memref<1000000x64xbf16, #tpu.memory_space<hbm>>) target(%dma_start3A_104 : memref<16x64xbf16, #tpu.memory_space<vmem>>) offsets(%get3A_101 : vector<16xi32>) semaphore(%arg12 : memref<!tpu.dma_semaphore, #tpu.memory_space<semaphore_mem>>)
    %get3A_108 = arith.constant 192 : index
    %get3A_109 = tpu.vector_load %arg5[%get3A_108] {strides = array<i32>} : memref<26624xi32, #tpu.memory_space<vmem>>, vector<16xi32>,
    %dma_start3A_110 = arith.constant 192 : i32
    %dma_start3A_111 = arith.constant 0 : i32
    %dma_start3A_112 = tpu.memref_slice %arg6[%dma_start3A_110, %dma_start3A_111] : memref<208x64xbf16, #tpu.memory_space<vmem>> -> memref<16x64xbf16, #tpu.memory_space<vmem>>
    %dma_start3A_113 = arith.constant 0 : i32
    %dma_start3A_114 = arith.constant 0 : i32
    %dma_start3A_115 = tpu.memref_slice %arg3[%dma_start3A_113, %dma_start3A_114] : memref<1000000x64xbf16, #tpu.memory_space<hbm>> -> memref<1000000x64xbf16, #tpu.memory_space<hbm>>
    tpu.enqueue_indirect_dma source(%dma_start3A_115 : memref<1000000x64xbf16, #tpu.memory_space<hbm>>) target(%dma_start3A_112 : memref<16x64xbf16, #tpu.memory_space<vmem>>) offsets(%get3A_109 : vector<16xi32>) semaphore(%arg12 : memref<!tpu.dma_semaphore, #tpu.memory_space<semaphore_mem>>)
    %get3A_116 = arith.constant 208 : index
    %get3A_117 = tpu.vector_load %arg5[%get3A_116] {strides = array<i32>} : memref<26624xi32, #tpu.memory_space<vmem>>, vector<16xi32>,
    %dma_start3A_118 = arith.constant 0 : i32
    %dma_start3A_119 = arith.constant 0 : i32
    %dma_start3A_120 = tpu.memref_slice %arg7[%dma_start3A_118, %dma_start3A_119] : memref<208x64xbf16, #tpu.memory_space<vmem>> -> memref<16x64xbf16, #tpu.memory_space<vmem>>
    %dma_start3A_121 = arith.constant 0 : i32
    %dma_start3A_122 = arith.constant 0 : i32
    %dma_start3A_123 = tpu.memref_slice %arg3[%dma_start3A_121, %dma_start3A_122] : memref<1000000x64xbf16, #tpu.memory_space<hbm>> -> memref<1000000x64xbf16, #tpu.memory_space<hbm>>
    tpu.enqueue_indirect_dma source(%dma_start3A_123 : memref<1000000x64xbf16, #tpu.memory_space<hbm>>) target(%dma_start3A_120 : memref<16x64xbf16, #tpu.memory_space<vmem>>) offsets(%get3A_117 : vector<16xi32>) semaphore(%arg13 : memref<!tpu.dma_semaphore, #tpu.memory_space<semaphore_mem>>)
    %get3A_124 = arith.constant 224 : index
    %get3A_125 = tpu.vector_load %arg5[%get3A_124] {strides = array<i32>} : memref<26624xi32, #tpu.memory_space<vmem>>, vector<16xi32>,
    %dma_start3A_126 = arith.constant 16 : i32
    %dma_start3A_127 = arith.constant 0 : i32
    %dma_start3A_128 = tpu.memref_slice %arg7[%dma_start3A_126, %dma_start3A_127] : memref<208x64xbf16, #tpu.memory_space<vmem>> -> memref<16x64xbf16, #tpu.memory_space<vmem>>
    %dma_start3A_129 = arith.constant 0 : i32
    %dma_start3A_130 = arith.constant 0 : i32
    %dma_start3A_131 = tpu.memref_slice %arg3[%dma_start3A_129, %dma_start3A_130] : memref<1000000x64xbf16, #tpu.memory_space<hbm>> -> memref<1000000x64xbf16, #tpu.memory_space<hbm>>
    tpu.enqueue_indirect_dma source(%dma_start3A_131 : memref<1000000x64xbf16, #tpu.memory_space<hbm>>) target(%dma_start3A_128 : memref<16x64xbf16, #tpu.memory_space<vmem>>) offsets(%get3A_125 : vector<16xi32>) semaphore(%arg13 : memref<!tpu.dma_semaphore, #tpu.memory_space<semaphore_mem>>)
    %get3A_132 = arith.constant 240 : index
    %get3A_133 = tpu.vector_load %arg5[%get3A_132] {strides = array<i32>} : memref<26624xi32, #tpu.memory_space<vmem>>, vector<16xi32>,
    %dma_start3A_134 = arith.constant 32 : i32
    %dma_start3A_135 = arith.constant 0 : i32
    %dma_start3A_136 = tpu.memref_slice %arg7[%dma_start3A_134, %dma_start3A_135] : memref<208x64xbf16, #tpu.memory_space<vmem>> -> memref<16x64xbf16, #tpu.memory_space<vmem>>
    %dma_start3A_137 = arith.constant 0 : i32
    %dma_start3A_138 = arith.constant 0 : i32
    %dma_start3A_139 = tpu.memref_slice %arg3[%dma_start3A_137, %dma_start3A_138] : memref<1000000x64xbf16, #tpu.memory_space<hbm>> -> memref<1000000x64xbf16, #tpu.memory_space<hbm>>
    tpu.enqueue_indirect_dma source(%dma_start3A_139 : memref<1000000x64xbf16, #tpu.memory_space<hbm>>) target(%dma_start3A_136 : memref<16x64xbf16, #tpu.memory_space<vmem>>) offsets(%get3A_133 : vector<16xi32>) semaphore(%arg13 : memref<!tpu.dma_semaphore, #tpu.memory_space<semaphore_mem>>)
    %get3A_140 = arith.constant 256 : index
    %get3A_141 = tpu.vector_load %arg5[%get3A_140] {strides = array<i32>} : memref<26624xi32, #tpu.memory_space<vmem>>, vector<16xi32>,
    %dma_start3A_142 = arith.constant 48 : i32
    %dma_start3A_143 = arith.constant 0 : i32
    %dma_start3A_144 = tpu.memref_slice %arg7[%dma_start3A_142, %dma_start3A_143] : memref<208x64xbf16, #tpu.memory_space<vmem>> -> memref<16x64xbf16, #tpu.memory_space<vmem>>
    %dma_start3A_145 = arith.constant 0 : i32
    %dma_start3A_146 = arith.constant 0 : i32
    %dma_start3A_147 = tpu.memref_slice %arg3[%dma_start3A_145, %dma_start3A_146] : memref<1000000x64xbf16, #tpu.memory_space<hbm>> -> memref<1000000x64xbf16, #tpu.memory_space<hbm>>
    tpu.enqueue_indirect_dma source(%dma_start3A_147 : memref<1000000x64xbf16, #tpu.memory_space<hbm>>) target(%dma_start3A_144 : memref<16x64xbf16, #tpu.memory_space<vmem>>) offsets(%get3A_141 : vector<16xi32>) semaphore(%arg13 : memref<!tpu.dma_semaphore, #tpu.memory_space<semaphore_mem>>)
    %get3A_148 = arith.constant 272 : index
    %get3A_149 = tpu.vector_load %arg5[%get3A_148] {strides = array<i32>} : memref<26624xi32, #tpu.memory_space<vmem>>, vector<16xi32>,
    %dma_start3A_150 = arith.constant 64 : i32
    %dma_start3A_151 = arith.constant 0 : i32
    %dma_start3A_152 = tpu.memref_slice %arg7[%dma_start3A_150, %dma_start3A_151] : memref<208x64xbf16, #tpu.memory_space<vmem>> -> memref<16x64xbf16, #tpu.memory_space<vmem>>
    %dma_start3A_153 = arith.constant 0 : i32
    %dma_start3A_154 = arith.constant 0 : i32
    %dma_start3A_155 = tpu.memref_slice %arg3[%dma_start3A_153, %dma_start3A_154] : memref<1000000x64xbf16, #tpu.memory_space<hbm>> -> memref<1000000x64xbf16, #tpu.memory_space<hbm>>
    tpu.enqueue_indirect_dma source(%dma_start3A_155 : memref<1000000x64xbf16, #tpu.memory_space<hbm>>) target(%dma_start3A_152 : memref<16x64xbf16, #tpu.memory_space<vmem>>) offsets(%get3A_149 : vector<16xi32>) semaphore(%arg13 : memref<!tpu.dma_semaphore, #tpu.memory_space<semaphore_mem>>)
    %get3A_156 = arith.constant 288 : index
    %get3A_157 = tpu.vector_load %arg5[%get3A_156] {strides = array<i32>} : memref<26624xi32, #tpu.memory_space<vmem>>, vector<16xi32>,
    %dma_start3A_158 = arith.constant 80 : i32
    %dma_start3A_159 = arith.constant 0 : i32
    %dma_start3A_160 = tpu.memref_slice %arg7[%dma_start3A_158, %dma_start3A_159] : memref<208x64xbf16, #tpu.memory_space<vmem>> -> memref<16x64xbf16, #tpu.memory_space<vmem>>
    %dma_start3A_161 = arith.constant 0 : i32
    %dma_start3A_162 = arith.constant 0 : i32
    %dma_start3A_163 = tpu.memref_slice %arg3[%dma_start3A_161, %dma_start3A_162] : memref<1000000x64xbf16, #tpu.memory_space<hbm>> -> memref<1000000x64xbf16, #tpu.memory_space<hbm>>
    tpu.enqueue_indirect_dma source(%dma_start3A_163 : memref<1000000x64xbf16, #tpu.memory_space<hbm>>) target(%dma_start3A_160 : memref<16x64xbf16, #tpu.memory_space<vmem>>) offsets(%get3A_157 : vector<16xi32>) semaphore(%arg13 : memref<!tpu.dma_semaphore, #tpu.memory_space<semaphore_mem>>)
    %get3A_164 = arith.constant 304 : index
    %get3A_165 = tpu.vector_load %arg5[%get3A_164] {strides = array<i32>} : memref<26624xi32, #tpu.memory_space<vmem>>, vector<16xi32>,
    %dma_start3A_166 = arith.constant 96 : i32
    %dma_start3A_167 = arith.constant 0 : i32
    %dma_start3A_168 = tpu.memref_slice %arg7[%dma_start3A_166, %dma_start3A_167] : memref<208x64xbf16, #tpu.memory_space<vmem>> -> memref<16x64xbf16, #tpu.memory_space<vmem>>
    %dma_start3A_169 = arith.constant 0 : i32
    %dma_start3A_170 = arith.constant 0 : i32
    %dma_start3A_171 = tpu.memref_slice %arg3[%dma_start3A_169, %dma_start3A_170] : memref<1000000x64xbf16, #tpu.memory_space<hbm>> -> memref<1000000x64xbf16, #tpu.memory_space<hbm>>
    tpu.enqueue_indirect_dma source(%dma_start3A_171 : memref<1000000x64xbf16, #tpu.memory_space<hbm>>) target(%dma_start3A_168 : memref<16x64xbf16, #tpu.memory_space<vmem>>) offsets(%get3A_165 : vector<16xi32>) semaphore(%arg13 : memref<!tpu.dma_semaphore, #tpu.memory_space<semaphore_mem>>)
    %get3A_172 = arith.constant 320 : index
    %get3A_173 = tpu.vector_load %arg5[%get3A_172] {strides = array<i32>} : memref<26624xi32, #tpu.memory_space<vmem>>, vector<16xi32>,
    %dma_start3A_174 = arith.constant 112 : i32
    %dma_start3A_175 = arith.constant 0 : i32
    %dma_start3A_176 = tpu.memref_slice %arg7[%dma_start3A_174, %dma_start3A_175] : memref<208x64xbf16, #tpu.memory_space<vmem>> -> memref<16x64xbf16, #tpu.memory_space<vmem>>
    %dma_start3A_177 = arith.constant 0 : i32
    %dma_start3A_178 = arith.constant 0 : i32
    %dma_start3A_179 = tpu.memref_slice %arg3[%dma_start3A_177, %dma_start3A_178] : memref<1000000x64xbf16, #tpu.memory_space<hbm>> -> memref<1000000x64xbf16, #tpu.memory_space<hbm>>
    tpu.enqueue_indirect_dma source(%dma_start3A_179 : memref<1000000x64xbf16, #tpu.memory_space<hbm>>) target(%dma_start3A_176 : memref<16x64xbf16, #tpu.memory_space<vmem>>) offsets(%get3A_173 : vector<16xi32>) semaphore(%arg13 : memref<!tpu.dma_semaphore, #tpu.memory_space<semaphore_mem>>)
    %get3A_180 = arith.constant 336 : index
    %get3A_181 = tpu.vector_load %arg5[%get3A_180] {strides = array<i32>} : memref<26624xi32, #tpu.memory_space<vmem>>, vector<16xi32>,
    %dma_start3A_182 = arith.constant 128 : i32
    %dma_start3A_183 = arith.constant 0 : i32
    %dma_start3A_184 = tpu.memref_slice %arg7[%dma_start3A_182, %dma_start3A_183] : memref<208x64xbf16, #tpu.memory_space<vmem>> -> memref<16x64xbf16, #tpu.memory_space<vmem>>
    %dma_start3A_185 = arith.constant 0 : i32
    %dma_start3A_186 = arith.constant 0 : i32
    %dma_start3A_187 = tpu.memref_slice %arg3[%dma_start3A_185, %dma_start3A_186] : memref<1000000x64xbf16, #tpu.memory_space<hbm>> -> memref<1000000x64xbf16, #tpu.memory_space<hbm>>
    tpu.enqueue_indirect_dma source(%dma_start3A_187 : memref<1000000x64xbf16, #tpu.memory_space<hbm>>) target(%dma_start3A_184 : memref<16x64xbf16, #tpu.memory_space<vmem>>) offsets(%get3A_181 : vector<16xi32>) semaphore(%arg13 : memref<!tpu.dma_semaphore, #tpu.memory_space<semaphore_mem>>)
    %get3A_188 = arith.constant 352 : index
    %get3A_189 = tpu.vector_load %arg5[%get3A_188] {strides = array<i32>} : memref<26624xi32, #tpu.memory_space<vmem>>, vector<16xi32>,
    %dma_start3A_190 = arith.constant 144 : i32
    %dma_start3A_191 = arith.constant 0 : i32
    %dma_start3A_192 = tpu.memref_slice %arg7[%dma_start3A_190, %dma_start3A_191] : memref<208x64xbf16, #tpu.memory_space<vmem>> -> memref<16x64xbf16, #tpu.memory_space<vmem>>
    %dma_start3A_193 = arith.constant 0 : i32
    %dma_start3A_194 = arith.constant 0 : i32
    %dma_start3A_195 = tpu.memref_slice %arg3[%dma_start3A_193, %dma_start3A_194] : memref<1000000x64xbf16, #tpu.memory_space<hbm>> -> memref<1000000x64xbf16, #tpu.memory_space<hbm>>
    tpu.enqueue_indirect_dma source(%dma_start3A_195 : memref<1000000x64xbf16, #tpu.memory_space<hbm>>) target(%dma_start3A_192 : memref<16x64xbf16, #tpu.memory_space<vmem>>) offsets(%get3A_189 : vector<16xi32>) semaphore(%arg13 : memref<!tpu.dma_semaphore, #tpu.memory_space<semaphore_mem>>)
    %get3A_196 = arith.constant 368 : index
    %get3A_197 = tpu.vector_load %arg5[%get3A_196] {strides = array<i32>} : memref<26624xi32, #tpu.memory_space<vmem>>, vector<16xi32>,
    %dma_start3A_198 = arith.constant 160 : i32
    %dma_start3A_199 = arith.constant 0 : i32
    %dma_start3A_200 = tpu.memref_slice %arg7[%dma_start3A_198, %dma_start3A_199] : memref<208x64xbf16, #tpu.memory_space<vmem>> -> memref<16x64xbf16, #tpu.memory_space<vmem>>
    %dma_start3A_201 = arith.constant 0 : i32
    %dma_start3A_202 = arith.constant 0 : i32
    %dma_start3A_203 = tpu.memref_slice %arg3[%dma_start3A_201, %dma_start3A_202] : memref<1000000x64xbf16, #tpu.memory_space<hbm>> -> memref<1000000x64xbf16, #tpu.memory_space<hbm>>
    tpu.enqueue_indirect_dma source(%dma_start3A_203 : memref<1000000x64xbf16, #tpu.memory_space<hbm>>) target(%dma_start3A_200 : memref<16x64xbf16, #tpu.memory_space<vmem>>) offsets(%get3A_197 : vector<16xi32>) semaphore(%arg13 : memref<!tpu.dma_semaphore, #tpu.memory_space<semaphore_mem>>)
    %get3A_204 = arith.constant 384 : index
    %get3A_205 = tpu.vector_load %arg5[%get3A_204] {strides = array<i32>} : memref<26624xi32, #tpu.memory_space<vmem>>, vector<16xi32>,
    %dma_start3A_206 = arith.constant 176 : i32
    %dma_start3A_207 = arith.constant 0 : i32
    %dma_start3A_208 = tpu.memref_slice %arg7[%dma_start3A_206, %dma_start3A_207] : memref<208x64xbf16, #tpu.memory_space<vmem>> -> memref<16x64xbf16, #tpu.memory_space<vmem>>
    %dma_start3A_209 = arith.constant 0 : i32
    %dma_start3A_210 = arith.constant 0 : i32
    %dma_start3A_211 = tpu.memref_slice %arg3[%dma_start3A_209, %dma_start3A_210] : memref<1000000x64xbf16, #tpu.memory_space<hbm>> -> memref<1000000x64xbf16, #tpu.memory_space<hbm>>
    tpu.enqueue_indirect_dma source(%dma_start3A_211 : memref<1000000x64xbf16, #tpu.memory_space<hbm>>) target(%dma_start3A_208 : memref<16x64xbf16, #tpu.memory_space<vmem>>) offsets(%get3A_205 : vector<16xi32>) semaphore(%arg13 : memref<!tpu.dma_semaphore, #tpu.memory_space<semaphore_mem>>)
    %get3A_212 = arith.constant 400 : index
    %get3A_213 = tpu.vector_load %arg5[%get3A_212] {strides = array<i32>} : memref<26624xi32, #tpu.memory_space<vmem>>, vector<16xi32>,
    %dma_start3A_214 = arith.constant 192 : i32
    %dma_start3A_215 = arith.constant 0 : i32
    %dma_start3A_216 = tpu.memref_slice %arg7[%dma_start3A_214, %dma_start3A_215] : memref<208x64xbf16, #tpu.memory_space<vmem>> -> memref<16x64xbf16, #tpu.memory_space<vmem>>
    %dma_start3A_217 = arith.constant 0 : i32
    %dma_start3A_218 = arith.constant 0 : i32
    %dma_start3A_219 = tpu.memref_slice %arg3[%dma_start3A_217, %dma_start3A_218] : memref<1000000x64xbf16, #tpu.memory_space<hbm>> -> memref<1000000x64xbf16, #tpu.memory_space<hbm>>
    tpu.enqueue_indirect_dma source(%dma_start3A_219 : memref<1000000x64xbf16, #tpu.memory_space<hbm>>) target(%dma_start3A_216 : memref<16x64xbf16, #tpu.memory_space<vmem>>) offsets(%get3A_213 : vector<16xi32>) semaphore(%arg13 : memref<!tpu.dma_semaphore, #tpu.memory_space<semaphore_mem>>)
    %get3A_220 = arith.constant 416 : index
    %get3A_221 = tpu.vector_load %arg5[%get3A_220] {strides = array<i32>} : memref<26624xi32, #tpu.memory_space<vmem>>, vector<16xi32>,
    %dma_start3A_222 = arith.constant 0 : i32
    %dma_start3A_223 = arith.constant 0 : i32
    %dma_start3A_224 = tpu.memref_slice %arg8[%dma_start3A_222, %dma_start3A_223] : memref<208x64xbf16, #tpu.memory_space<vmem>> -> memref<16x64xbf16, #tpu.memory_space<vmem>>
    %dma_start3A_225 = arith.constant 0 : i32
    %dma_start3A_226 = arith.constant 0 : i32
    %dma_start3A_227 = tpu.memref_slice %arg3[%dma_start3A_225, %dma_start3A_226] : memref<1000000x64xbf16, #tpu.memory_space<hbm>> -> memref<1000000x64xbf16, #tpu.memory_space<hbm>>
    tpu.enqueue_indirect_dma source(%dma_start3A_227 : memref<1000000x64xbf16, #tpu.memory_space<hbm>>) target(%dma_start3A_224 : memref<16x64xbf16, #tpu.memory_space<vmem>>) offsets(%get3A_221 : vector<16xi32>) semaphore(%arg14 : memref<!tpu.dma_semaphore, #tpu.memory_space<semaphore_mem>>)
    %get3A_228 = arith.constant 432 : index
    %get3A_229 = tpu.vector_load %arg5[%get3A_228] {strides = array<i32>} : memref<26624xi32, #tpu.memory_space<vmem>>, vector<16xi32>,
    %dma_start3A_230 = arith.constant 16 : i32
    %dma_start3A_231 = arith.constant 0 : i32
    %dma_start3A_232 = tpu.memref_slice %arg8[%dma_start3A_230, %dma_start3A_231] : memref<208x64xbf16, #tpu.memory_space<vmem>> -> memref<16x64xbf16, #tpu.memory_space<vmem>>
    %dma_start3A_233 = arith.constant 0 : i32
    %dma_start3A_234 = arith.constant 0 : i32
    %dma_start3A_235 = tpu.memref_slice %arg3[%dma_start3A_233, %dma_start3A_234] : memref<1000000x64xbf16, #tpu.memory_space<hbm>> -> memref<1000000x64xbf16, #tpu.memory_space<hbm>>
    tpu.enqueue_indirect_dma source(%dma_start3A_235 : memref<1000000x64xbf16, #tpu.memory_space<hbm>>) target(%dma_start3A_232 : memref<16x64xbf16, #tpu.memory_space<vmem>>) offsets(%get3A_229 : vector<16xi32>) semaphore(%arg14 : memref<!tpu.dma_semaphore, #tpu.memory_space<semaphore_mem>>)
    %get3A_236 = arith.constant 448 : index
    %get3A_237 = tpu.vector_load %arg5[%get3A_236] {strides = array<i32>} : memref<26624xi32, #tpu.memory_space<vmem>>, vector<16xi32>,
    %dma_start3A_238 = arith.constant 32 : i32
    %dma_start3A_239 = arith.constant 0 : i32
    %dma_start3A_240 = tpu.memref_slice %arg8[%dma_start3A_238, %dma_start3A_239] : memref<208x64xbf16, #tpu.memory_space<vmem>> -> memref<16x64xbf16, #tpu.memory_space<vmem>>
    %dma_start3A_241 = arith.constant 0 : i32
    %dma_start3A_242 = arith.constant 0 : i32
    %dma_start3A_243 = tpu.memref_slice %arg3[%dma_start3A_241, %dma_start3A_242] : memref<1000000x64xbf16, #tpu.memory_space<hbm>> -> memref<1000000x64xbf16, #tpu.memory_space<hbm>>
    tpu.enqueue_indirect_dma source(%dma_start3A_243 : memref<1000000x64xbf16, #tpu.memory_space<hbm>>) target(%dma_start3A_240 : memref<16x64xbf16, #tpu.memory_space<vmem>>) offsets(%get3A_237 : vector<16xi32>) semaphore(%arg14 : memref<!tpu.dma_semaphore, #tpu.memory_space<semaphore_mem>>)
    %get3A_244 = arith.constant 464 : index
    %get3A_245 = tpu.vector_load %arg5[%get3A_244] {strides = array<i32>} : memref<26624xi32, #tpu.memory_space<vmem>>, vector<16xi32>,
    %dma_start3A_246 = arith.constant 48 : i32
    %dma_start3A_247 = arith.constant 0 : i32
    %dma_start3A_248 = tpu.memref_slice %arg8[%dma_start3A_246, %dma_start3A_247] : memref<208x64xbf16, #tpu.memory_space<vmem>> -> memref<16x64xbf16, #tpu.memory_space<vmem>>
    %dma_start3A_249 = arith.constant 0 : i32
    %dma_start3A_250 = arith.constant 0 : i32
    %dma_start3A_251 = tpu.memref_slice %arg3[%dma_start3A_249, %dma_start3A_250] : memref<1000000x64xbf16, #tpu.memory_space<hbm>> -> memref<1000000x64xbf16, #tpu.memory_space<hbm>>
    tpu.enqueue_indirect_dma source(%dma_start3A_251 : memref<1000000x64xbf16, #tpu.memory_space<hbm>>) target(%dma_start3A_248 : memref<16x64xbf16, #tpu.memory_space<vmem>>) offsets(%get3A_245 : vector<16xi32>) semaphore(%arg14 : memref<!tpu.dma_semaphore, #tpu.memory_space<semaphore_mem>>)
    %get3A_252 = arith.constant 480 : index
    %get3A_253 = tpu.vector_load %arg5[%get3A_252] {strides = array<i32>} : memref<26624xi32, #tpu.memory_space<vmem>>, vector<16xi32>,
    %dma_start3A_254 = arith.constant 64 : i32
    %dma_start3A_255 = arith.constant 0 : i32
    %dma_start3A_256 = tpu.memref_slice %arg8[%dma_start3A_254, %dma_start3A_255] : memref<208x64xbf16, #tpu.memory_space<vmem>> -> memref<16x64xbf16, #tpu.memory_space<vmem>>
    %dma_start3A_257 = arith.constant 0 : i32
    %dma_start3A_258 = arith.constant 0 : i32
    %dma_start3A_259 = tpu.memref_slice %arg3[%dma_start3A_257, %dma_start3A_258] : memref<1000000x64xbf16, #tpu.memory_space<hbm>> -> memref<1000000x64xbf16, #tpu.memory_space<hbm>>
    tpu.enqueue_indirect_dma source(%dma_start3A_259 : memref<1000000x64xbf16, #tpu.memory_space<hbm>>) target(%dma_start3A_256 : memref<16x64xbf16, #tpu.memory_space<vmem>>) offsets(%get3A_253 : vector<16xi32>) semaphore(%arg14 : memref<!tpu.dma_semaphore, #tpu.memory_space<semaphore_mem>>)
    %get3A_260 = arith.constant 496 : index
    %get3A_261 = tpu.vector_load %arg5[%get3A_260] {strides = array<i32>} : memref<26624xi32, #tpu.memory_space<vmem>>, vector<16xi32>,
    %dma_start3A_262 = arith.constant 80 : i32
    %dma_start3A_263 = arith.constant 0 : i32
    %dma_start3A_264 = tpu.memref_slice %arg8[%dma_start3A_262, %dma_start3A_263] : memref<208x64xbf16, #tpu.memory_space<vmem>> -> memref<16x64xbf16, #tpu.memory_space<vmem>>
    %dma_start3A_265 = arith.constant 0 : i32
    %dma_start3A_266 = arith.constant 0 : i32
    %dma_start3A_267 = tpu.memref_slice %arg3[%dma_start3A_265, %dma_start3A_266] : memref<1000000x64xbf16, #tpu.memory_space<hbm>> -> memref<1000000x64xbf16, #tpu.memory_space<hbm>>
    tpu.enqueue_indirect_dma source(%dma_start3A_267 : memref<1000000x64xbf16, #tpu.memory_space<hbm>>) target(%dma_start3A_264 : memref<16x64xbf16, #tpu.memory_space<vmem>>) offsets(%get3A_261 : vector<16xi32>) semaphore(%arg14 : memref<!tpu.dma_semaphore, #tpu.memory_space<semaphore_mem>>)
    %get3A_268 = arith.constant 512 : index
    %get3A_269 = tpu.vector_load %arg5[%get3A_268] {strides = array<i32>} : memref<26624xi32, #tpu.memory_space<vmem>>, vector<16xi32>,
    %dma_start3A_270 = arith.constant 96 : i32
    %dma_start3A_271 = arith.constant 0 : i32
    %dma_start3A_272 = tpu.memref_slice %arg8[%dma_start3A_270, %dma_start3A_271] : memref<208x64xbf16, #tpu.memory_space<vmem>> -> memref<16x64xbf16, #tpu.memory_space<vmem>>
    %dma_start3A_273 = arith.constant 0 : i32
    %dma_start3A_274 = arith.constant 0 : i32
    %dma_start3A_275 = tpu.memref_slice %arg3[%dma_start3A_273, %dma_start3A_274] : memref<1000000x64xbf16, #tpu.memory_space<hbm>> -> memref<1000000x64xbf16, #tpu.memory_space<hbm>>
    tpu.enqueue_indirect_dma source(%dma_start3A_275 : memref<1000000x64xbf16, #tpu.memory_space<hbm>>) target(%dma_start3A_272 : memref<16x64xbf16, #tpu.memory_space<vmem>>) offsets(%get3A_269 : vector<16xi32>) semaphore(%arg14 : memref<!tpu.dma_semaphore, #tpu.memory_space<semaphore_mem>>)
    %get3A_276 = arith.constant 528 : index
    %get3A_277 = tpu.vector_load %arg5[%get3A_276] {strides = array<i32>} : memref<26624xi32, #tpu.memory_space<vmem>>, vector<16xi32>,
    %dma_start3A_278 = arith.constant 112 : i32
    %dma_start3A_279 = arith.constant 0 : i32
    %dma_start3A_280 = tpu.memref_slice %arg8[%dma_start3A_278, %dma_start3A_279] : memref<208x64xbf16, #tpu.memory_space<vmem>> -> memref<16x64xbf16, #tpu.memory_space<vmem>>
    %dma_start3A_281 = arith.constant 0 : i32
    %dma_start3A_282 = arith.constant 0 : i32
    %dma_start3A_283 = tpu.memref_slice %arg3[%dma_start3A_281, %dma_start3A_282] : memref<1000000x64xbf16, #tpu.memory_space<hbm>> -> memref<1000000x64xbf16, #tpu.memory_space<hbm>>
    tpu.enqueue_indirect_dma source(%dma_start3A_283 : memref<1000000x64xbf16, #tpu.memory_space<hbm>>) target(%dma_start3A_280 : memref<16x64xbf16, #tpu.memory_space<vmem>>) offsets(%get3A_277 : vector<16xi32>) semaphore(%arg14 : memref<!tpu.dma_semaphore, #tpu.memory_space<semaphore_mem>>)
    %get3A_284 = arith.constant 544 : index
    %get3A_285 = tpu.vector_load %arg5[%get3A_284] {strides = array<i32>} : memref<26624xi32, #tpu.memory_space<vmem>>, vector<16xi32>,
    %dma_start3A_286 = arith.constant 128 : i32
    %dma_start3A_287 = arith.constant 0 : i32
    %dma_start3A_288 = tpu.memref_slice %arg8[%dma_start3A_286, %dma_start3A_287] : memref<208x64xbf16, #tpu.memory_space<vmem>> -> memref<16x64xbf16, #tpu.memory_space<vmem>>
    %dma_start3A_289 = arith.constant 0 : i32
    %dma_start3A_290 = arith.constant 0 : i32
    %dma_start3A_291 = tpu.memref_slice %arg3[%dma_start3A_289, %dma_start3A_290] : memref<1000000x64xbf16, #tpu.memory_space<hbm>> -> memref<1000000x64xbf16, #tpu.memory_space<hbm>>
    tpu.enqueue_indirect_dma source(%dma_start3A_291 : memref<1000000x64xbf16, #tpu.memory_space<hbm>>) target(%dma_start3A_288 : memref<16x64xbf16, #tpu.memory_space<vmem>>) offsets(%get3A_285 : vector<16xi32>) semaphore(%arg14 : memref<!tpu.dma_semaphore, #tpu.memory_space<semaphore_mem>>)
    %get3A_292 = arith.constant 560 : index
    %get3A_293 = tpu.vector_load %arg5[%get3A_292] {strides = array<i32>} : memref<26624xi32, #tpu.memory_space<vmem>>, vector<16xi32>,
    %dma_start3A_294 = arith.constant 144 : i32
    %dma_start3A_295 = arith.constant 0 : i32
    %dma_start3A_296 = tpu.memref_slice %arg8[%dma_start3A_294, %dma_start3A_295] : memref<208x64xbf16, #tpu.memory_space<vmem>> -> memref<16x64xbf16, #tpu.memory_space<vmem>>
    %dma_start3A_297 = arith.constant 0 : i32
    %dma_start3A_298 = arith.constant 0 : i32
    %dma_start3A_299 = tpu.memref_slice %arg3[%dma_start3A_297, %dma_start3A_298] : memref<1000000x64xbf16, #tpu.memory_space<hbm>> -> memref<1000000x64xbf16, #tpu.memory_space<hbm>>
    tpu.enqueue_indirect_dma source(%dma_start3A_299 : memref<1000000x64xbf16, #tpu.memory_space<hbm>>) target(%dma_start3A_296 : memref<16x64xbf16, #tpu.memory_space<vmem>>) offsets(%get3A_293 : vector<16xi32>) semaphore(%arg14 : memref<!tpu.dma_semaphore, #tpu.memory_space<semaphore_mem>>)
    %get3A_300 = arith.constant 576 : index
    %get3A_301 = tpu.vector_load %arg5[%get3A_300] {strides = array<i32>} : memref<26624xi32, #tpu.memory_space<vmem>>, vector<16xi32>,
    %dma_start3A_302 = arith.constant 160 : i32
    %dma_start3A_303 = arith.constant 0 : i32
    %dma_start3A_304 = tpu.memref_slice %arg8[%dma_start3A_302, %dma_start3A_303] : memref<208x64xbf16, #tpu.memory_space<vmem>> -> memref<16x64xbf16, #tpu.memory_space<vmem>>
    %dma_start3A_305 = arith.constant 0 : i32
    %dma_start3A_306 = arith.constant 0 : i32
    %dma_start3A_307 = tpu.memref_slice %arg3[%dma_start3A_305, %dma_start3A_306] : memref<1000000x64xbf16, #tpu.memory_space<hbm>> -> memref<1000000x64xbf16, #tpu.memory_space<hbm>>
    tpu.enqueue_indirect_dma source(%dma_start3A_307 : memref<1000000x64xbf16, #tpu.memory_space<hbm>>) target(%dma_start3A_304 : memref<16x64xbf16, #tpu.memory_space<vmem>>) offsets(%get3A_301 : vector<16xi32>) semaphore(%arg14 : memref<!tpu.dma_semaphore, #tpu.memory_space<semaphore_mem>>)
    %get3A_308 = arith.constant 592 : index
    %get3A_309 = tpu.vector_load %arg5[%get3A_308] {strides = array<i32>} : memref<26624xi32, #tpu.memory_space<vmem>>, vector<16xi32>,
    %dma_start3A_310 = arith.constant 176 : i32
    %dma_start3A_311 = arith.constant 0 : i32
    %dma_start3A_312 = tpu.memref_slice %arg8[%dma_start3A_310, %dma_start3A_311] : memref<208x64xbf16, #tpu.memory_space<vmem>> -> memref<16x64xbf16, #tpu.memory_space<vmem>>
    %dma_start3A_313 = arith.constant 0 : i32
    %dma_start3A_314 = arith.constant 0 : i32
    %dma_start3A_315 = tpu.memref_slice %arg3[%dma_start3A_313, %dma_start3A_314] : memref<1000000x64xbf16, #tpu.memory_space<hbm>> -> memref<1000000x64xbf16, #tpu.memory_space<hbm>>
    tpu.enqueue_indirect_dma source(%dma_start3A_315 : memref<1000000x64xbf16, #tpu.memory_space<hbm>>) target(%dma_start3A_312 : memref<16x64xbf16, #tpu.memory_space<vmem>>) offsets(%get3A_309 : vector<16xi32>) semaphore(%arg14 : memref<!tpu.dma_semaphore, #tpu.memory_space<semaphore_mem>>)
    %get3A_316 = arith.constant 608 : index
    %get3A_317 = tpu.vector_load %arg5[%get3A_316] {strides = array<i32>} : memref<26624xi32, #tpu.memory_space<vmem>>, vector<16xi32>,
    %dma_start3A_318 = arith.constant 192 : i32
    %dma_start3A_319 = arith.constant 0 : i32
    %dma_start3A_320 = tpu.memref_slice %arg8[%dma_start3A_318, %dma_start3A_319] : memref<208x64xbf16, #tpu.memory_space<vmem>> -> memref<16x64xbf16, #tpu.memory_space<vmem>>
    %dma_start3A_321 = arith.constant 0 : i32
    %dma_start3A_322 = arith.constant 0 : i32
    %dma_start3A_323 = tpu.memref_slice %arg3[%dma_start3A_321, %dma_start3A_322] : memref<1000000x64xbf16, #tpu.memory_space<hbm>> -> memref<1000000x64xbf16, #tpu.memory_space<hbm>>
    tpu.enqueue_indirect_dma source(%dma_start3A_323 : memref<1000000x64xbf16, #tpu.memory_space<hbm>>) target(%dma_start3A_320 : memref<16x64xbf16, #tpu.memory_space<vmem>>) offsets(%get3A_317 : vector<16xi32>) semaphore(%arg14 : memref<!tpu.dma_semaphore, #tpu.memory_space<semaphore_mem>>)
    %get3A_324 = arith.constant 624 : index
    %get3A_325 = tpu.vector_load %arg5[%get3A_324] {strides = array<i32>} : memref<26624xi32, #tpu.memory_space<vmem>>, vector<16xi32>,
    %dma_start3A_326 = arith.constant 0 : i32
    %dma_start3A_327 = arith.constant 0 : i32
    %dma_start3A_328 = tpu.memref_slice %arg9[%dma_start3A_326, %dma_start3A_327] : memref<208x64xbf16, #tpu.memory_space<vmem>> -> memref<16x64xbf16, #tpu.memory_space<vmem>>
    %dma_start3A_329 = arith.constant 0 : i32
    %dma_start3A_330 = arith.constant 0 : i32
    %dma_start3A_331 = tpu.memref_slice %arg3[%dma_start3A_329, %dma_start3A_330] : memref<1000000x64xbf16, #tpu.memory_space<hbm>> -> memref<1000000x64xbf16, #tpu.memory_space<hbm>>
    tpu.enqueue_indirect_dma source(%dma_start3A_331 : memref<1000000x64xbf16, #tpu.memory_space<hbm>>) target(%dma_start3A_328 : memref<16x64xbf16, #tpu.memory_space<vmem>>) offsets(%get3A_325 : vector<16xi32>) semaphore(%arg15 : memref<!tpu.dma_semaphore, #tpu.memory_space<semaphore_mem>>)
    %get3A_332 = arith.constant 640 : index
    %get3A_333 = tpu.vector_load %arg5[%get3A_332] {strides = array<i32>} : memref<26624xi32, #tpu.memory_space<vmem>>, vector<16xi32>,
    %dma_start3A_334 = arith.constant 16 : i32
    %dma_start3A_335 = arith.constant 0 : i32
    %dma_start3A_336 = tpu.memref_slice %arg9[%dma_start3A_334, %dma_start3A_335] : memref<208x64xbf16, #tpu.memory_space<vmem>> -> memref<16x64xbf16, #tpu.memory_space<vmem>>
    %dma_start3A_337 = arith.constant 0 : i32
    %dma_start3A_338 = arith.constant 0 : i32
    %dma_start3A_339 = tpu.memref_slice %arg3[%dma_start3A_337, %dma_start3A_338] : memref<1000000x64xbf16, #tpu.memory_space<hbm>> -> memref<1000000x64xbf16, #tpu.memory_space<hbm>>
    tpu.enqueue_indirect_dma source(%dma_start3A_339 : memref<1000000x64xbf16, #tpu.memory_space<hbm>>) target(%dma_start3A_336 : memref<16x64xbf16, #tpu.memory_space<vmem>>) offsets(%get3A_333 : vector<16xi32>) semaphore(%arg15 : memref<!tpu.dma_semaphore, #tpu.memory_space<semaphore_mem>>)
    %get3A_340 = arith.constant 656 : index
    %get3A_341 = tpu.vector_load %arg5[%get3A_340] {strides = array<i32>} : memref<26624xi32, #tpu.memory_space<vmem>>, vector<16xi32>,
    %dma_start3A_342 = arith.constant 32 : i32
    %dma_start3A_343 = arith.constant 0 : i32
    %dma_start3A_344 = tpu.memref_slice %arg9[%dma_start3A_342, %dma_start3A_343] : memref<208x64xbf16, #tpu.memory_space<vmem>> -> memref<16x64xbf16, #tpu.memory_space<vmem>>
    %dma_start3A_345 = arith.constant 0 : i32
    %dma_start3A_346 = arith.constant 0 : i32
    %dma_start3A_347 = tpu.memref_slice %arg3[%dma_start3A_345, %dma_start3A_346] : memref<1000000x64xbf16, #tpu.memory_space<hbm>> -> memref<1000000x64xbf16, #tpu.memory_space<hbm>>
    tpu.enqueue_indirect_dma source(%dma_start3A_347 : memref<1000000x64xbf16, #tpu.memory_space<hbm>>) target(%dma_start3A_344 : memref<16x64xbf16, #tpu.memory_space<vmem>>) offsets(%get3A_341 : vector<16xi32>) semaphore(%arg15 : memref<!tpu.dma_semaphore, #tpu.memory_space<semaphore_mem>>)
    %get3A_348 = arith.constant 672 : index
    %get3A_349 = tpu.vector_load %arg5[%get3A_348] {strides = array<i32>} : memref<26624xi32, #tpu.memory_space<vmem>>, vector<16xi32>,
    %dma_start3A_350 = arith.constant 48 : i32
    %dma_start3A_351 = arith.constant 0 : i32
    %dma_start3A_352 = tpu.memref_slice %arg9[%dma_start3A_350, %dma_start3A_351] : memref<208x64xbf16, #tpu.memory_space<vmem>> -> memref<16x64xbf16, #tpu.memory_space<vmem>>
    %dma_start3A_353 = arith.constant 0 : i32
    %dma_start3A_354 = arith.constant 0 : i32
    %dma_start3A_355 = tpu.memref_slice %arg3[%dma_start3A_353, %dma_start3A_354] : memref<1000000x64xbf16, #tpu.memory_space<hbm>> -> memref<1000000x64xbf16, #tpu.memory_space<hbm>>
    tpu.enqueue_indirect_dma source(%dma_start3A_355 : memref<1000000x64xbf16, #tpu.memory_space<hbm>>) target(%dma_start3A_352 : memref<16x64xbf16, #tpu.memory_space<vmem>>) offsets(%get3A_349 : vector<16xi32>) semaphore(%arg15 : memref<!tpu.dma_semaphore, #tpu.memory_space<semaphore_mem>>)
    %get3A_356 = arith.constant 688 : index
    %get3A_357 = tpu.vector_load %arg5[%get3A_356] {strides = array<i32>} : memref<26624xi32, #tpu.memory_space<vmem>>, vector<16xi32>,
    %dma_start3A_358 = arith.constant 64 : i32
    %dma_start3A_359 = arith.constant 0 : i32
    %dma_start3A_360 = tpu.memref_slice %arg9[%dma_start3A_358, %dma_start3A_359] : memref<208x64xbf16, #tpu.memory_space<vmem>> -> memref<16x64xbf16, #tpu.memory_space<vmem>>
    %dma_start3A_361 = arith.constant 0 : i32
    %dma_start3A_362 = arith.constant 0 : i32
    %dma_start3A_363 = tpu.memref_slice %arg3[%dma_start3A_361, %dma_start3A_362] : memref<1000000x64xbf16, #tpu.memory_space<hbm>> -> memref<1000000x64xbf16, #tpu.memory_space<hbm>>
    tpu.enqueue_indirect_dma source(%dma_start3A_363 : memref<1000000x64xbf16, #tpu.memory_space<hbm>>) target(%dma_start3A_360 : memref<16x64xbf16, #tpu.memory_space<vmem>>) offsets(%get3A_357 : vector<16xi32>) semaphore(%arg15 : memref<!tpu.dma_semaphore, #tpu.memory_space<semaphore_mem>>)
    %get3A_364 = arith.constant 704 : index
    %get3A_365 = tpu.vector_load %arg5[%get3A_364] {strides = array<i32>} : memref<26624xi32, #tpu.memory_space<vmem>>, vector<16xi32>,
    %dma_start3A_366 = arith.constant 80 : i32
    %dma_start3A_367 = arith.constant 0 : i32
    %dma_start3A_368 = tpu.memref_slice %arg9[%dma_start3A_366, %dma_start3A_367] : memref<208x64xbf16, #tpu.memory_space<vmem>> -> memref<16x64xbf16, #tpu.memory_space<vmem>>
    %dma_start3A_369 = arith.constant 0 : i32
    %dma_start3A_370 = arith.constant 0 : i32
    %dma_start3A_371 = tpu.memref_slice %arg3[%dma_start3A_369, %dma_start3A_370] : memref<1000000x64xbf16, #tpu.memory_space<hbm>> -> memref<1000000x64xbf16, #tpu.memory_space<hbm>>
    tpu.enqueue_indirect_dma source(%dma_start3A_371 : memref<1000000x64xbf16, #tpu.memory_space<hbm>>) target(%dma_start3A_368 : memref<16x64xbf16, #tpu.memory_space<vmem>>) offsets(%get3A_365 : vector<16xi32>) semaphore(%arg15 : memref<!tpu.dma_semaphore, #tpu.memory_space<semaphore_mem>>)
    %get3A_372 = arith.constant 720 : index
    %get3A_373 = tpu.vector_load %arg5[%get3A_372] {strides = array<i32>} : memref<26624xi32, #tpu.memory_space<vmem>>, vector<16xi32>,
    %dma_start3A_374 = arith.constant 96 : i32
    %dma_start3A_375 = arith.constant 0 : i32
    %dma_start3A_376 = tpu.memref_slice %arg9[%dma_start3A_374, %dma_start3A_375] : memref<208x64xbf16, #tpu.memory_space<vmem>> -> memref<16x64xbf16, #tpu.memory_space<vmem>>
    %dma_start3A_377 = arith.constant 0 : i32
    %dma_start3A_378 = arith.constant 0 : i32
    %dma_start3A_379 = tpu.memref_slice %arg3[%dma_start3A_377, %dma_start3A_378] : memref<1000000x64xbf16, #tpu.memory_space<hbm>> -> memref<1000000x64xbf16, #tpu.memory_space<hbm>>
    tpu.enqueue_indirect_dma source(%dma_start3A_379 : memref<1000000x64xbf16, #tpu.memory_space<hbm>>) target(%dma_start3A_376 : memref<16x64xbf16, #tpu.memory_space<vmem>>) offsets(%get3A_373 : vector<16xi32>) semaphore(%arg15 : memref<!tpu.dma_semaphore, #tpu.memory_space<semaphore_mem>>)
    %get3A_380 = arith.constant 736 : index
    %get3A_381 = tpu.vector_load %arg5[%get3A_380] {strides = array<i32>} : memref<26624xi32, #tpu.memory_space<vmem>>, vector<16xi32>,
    %dma_start3A_382 = arith.constant 112 : i32
    %dma_start3A_383 = arith.constant 0 : i32
    %dma_start3A_384 = tpu.memref_slice %arg9[%dma_start3A_382, %dma_start3A_383] : memref<208x64xbf16, #tpu.memory_space<vmem>> -> memref<16x64xbf16, #tpu.memory_space<vmem>>
    %dma_start3A_385 = arith.constant 0 : i32
    %dma_start3A_386 = arith.constant 0 : i32
    %dma_start3A_387 = tpu.memref_slice %arg3[%dma_start3A_385, %dma_start3A_386] : memref<1000000x64xbf16, #tpu.memory_space<hbm>> -> memref<1000000x64xbf16, #tpu.memory_space<hbm>>
    tpu.enqueue_indirect_dma source(%dma_start3A_387 : memref<1000000x64xbf16, #tpu.memory_space<hbm>>) target(%dma_start3A_384 : memref<16x64xbf16, #tpu.memory_space<vmem>>) offsets(%get3A_381 : vector<16xi32>) semaphore(%arg15 : memref<!tpu.dma_semaphore, #tpu.memory_space<semaphore_mem>>)
    %get3A_388 = arith.constant 752 : index
    %get3A_389 = tpu.vector_load %arg5[%get3A_388] {strides = array<i32>} : memref<26624xi32, #tpu.memory_space<vmem>>, vector<16xi32>,
    %dma_start3A_390 = arith.constant 128 : i32
    %dma_start3A_391 = arith.constant 0 : i32
    %dma_start3A_392 = tpu.memref_slice %arg9[%dma_start3A_390, %dma_start3A_391] : memref<208x64xbf16, #tpu.memory_space<vmem>> -> memref<16x64xbf16, #tpu.memory_space<vmem>>
    %dma_start3A_393 = arith.constant 0 : i32
    %dma_start3A_394 = arith.constant 0 : i32
    %dma_start3A_395 = tpu.memref_slice %arg3[%dma_start3A_393, %dma_start3A_394] : memref<1000000x64xbf16, #tpu.memory_space<hbm>> -> memref<1000000x64xbf16, #tpu.memory_space<hbm>>
    tpu.enqueue_indirect_dma source(%dma_start3A_395 : memref<1000000x64xbf16, #tpu.memory_space<hbm>>) target(%dma_start3A_392 : memref<16x64xbf16, #tpu.memory_space<vmem>>) offsets(%get3A_389 : vector<16xi32>) semaphore(%arg15 : memref<!tpu.dma_semaphore, #tpu.memory_space<semaphore_mem>>)
    %get3A_396 = arith.constant 768 : index
    %get3A_397 = tpu.vector_load %arg5[%get3A_396] {strides = array<i32>} : memref<26624xi32, #tpu.memory_space<vmem>>, vector<16xi32>,
    %dma_start3A_398 = arith.constant 144 : i32
    %dma_start3A_399 = arith.constant 0 : i32
    %dma_start3A_400 = tpu.memref_slice %arg9[%dma_start3A_398, %dma_start3A_399] : memref<208x64xbf16, #tpu.memory_space<vmem>> -> memref<16x64xbf16, #tpu.memory_space<vmem>>
    %dma_start3A_401 = arith.constant 0 : i32
    %dma_start3A_402 = arith.constant 0 : i32
    %dma_start3A_403 = tpu.memref_slice %arg3[%dma_start3A_401, %dma_start3A_402] : memref<1000000x64xbf16, #tpu.memory_space<hbm>> -> memref<1000000x64xbf16, #tpu.memory_space<hbm>>
    tpu.enqueue_indirect_dma source(%dma_start3A_403 : memref<1000000x64xbf16, #tpu.memory_space<hbm>>) target(%dma_start3A_400 : memref<16x64xbf16, #tpu.memory_space<vmem>>) offsets(%get3A_397 : vector<16xi32>) semaphore(%arg15 : memref<!tpu.dma_semaphore, #tpu.memory_space<semaphore_mem>>)
    %get3A_404 = arith.constant 784 : index
    %get3A_405 = tpu.vector_load %arg5[%get3A_404] {strides = array<i32>} : memref<26624xi32, #tpu.memory_space<vmem>>, vector<16xi32>,
    %dma_start3A_406 = arith.constant 160 : i32
    %dma_start3A_407 = arith.constant 0 : i32
    %dma_start3A_408 = tpu.memref_slice %arg9[%dma_start3A_406, %dma_start3A_407] : memref<208x64xbf16, #tpu.memory_space<vmem>> -> memref<16x64xbf16, #tpu.memory_space<vmem>>
    %dma_start3A_409 = arith.constant 0 : i32
    %dma_start3A_410 = arith.constant 0 : i32
    %dma_start3A_411 = tpu.memref_slice %arg3[%dma_start3A_409, %dma_start3A_410] : memref<1000000x64xbf16, #tpu.memory_space<hbm>> -> memref<1000000x64xbf16, #tpu.memory_space<hbm>>
    tpu.enqueue_indirect_dma source(%dma_start3A_411 : memref<1000000x64xbf16, #tpu.memory_space<hbm>>) target(%dma_start3A_408 : memref<16x64xbf16, #tpu.memory_space<vmem>>) offsets(%get3A_405 : vector<16xi32>) semaphore(%arg15 : memref<!tpu.dma_semaphore, #tpu.memory_space<semaphore_mem>>)
    %get3A_412 = arith.constant 800 : index
    %get3A_413 = tpu.vector_load %arg5[%get3A_412] {strides = array<i32>} : memref<26624xi32, #tpu.memory_space<vmem>>, vector<16xi32>,
    %dma_start3A_414 = arith.constant 176 : i32
    %dma_start3A_415 = arith.constant 0 : i32
    %dma_start3A_416 = tpu.memref_slice %arg9[%dma_start3A_414, %dma_start3A_415] : memref<208x64xbf16, #tpu.memory_space<vmem>> -> memref<16x64xbf16, #tpu.memory_space<vmem>>
    %dma_start3A_417 = arith.constant 0 : i32
    %dma_start3A_418 = arith.constant 0 : i32
    %dma_start3A_419 = tpu.memref_slice %arg3[%dma_start3A_417, %dma_start3A_418] : memref<1000000x64xbf16, #tpu.memory_space<hbm>> -> memref<1000000x64xbf16, #tpu.memory_space<hbm>>
    tpu.enqueue_indirect_dma source(%dma_start3A_419 : memref<1000000x64xbf16, #tpu.memory_space<hbm>>) target(%dma_start3A_416 : memref<16x64xbf16, #tpu.memory_space<vmem>>) offsets(%get3A_413 : vector<16xi32>) semaphore(%arg15 : memref<!tpu.dma_semaphore, #tpu.memory_space<semaphore_mem>>)
    %get3A_420 = arith.constant 816 : index
    %get3A_421 = tpu.vector_load %arg5[%get3A_420] {strides = array<i32>} : memref<26624xi32, #tpu.memory_space<vmem>>, vector<16xi32>,
    %dma_start3A_422 = arith.constant 192 : i32
    %dma_start3A_423 = arith.constant 0 : i32
    %dma_start3A_424 = tpu.memref_slice %arg9[%dma_start3A_422, %dma_start3A_423] : memref<208x64xbf16, #tpu.memory_space<vmem>> -> memref<16x64xbf16, #tpu.memory_space<vmem>>
    %dma_start3A_425 = arith.constant 0 : i32
    %dma_start3A_426 = arith.constant 0 : i32
    %dma_start3A_427 = tpu.memref_slice %arg3[%dma_start3A_425, %dma_start3A_426] : memref<1000000x64xbf16, #tpu.memory_space<hbm>> -> memref<1000000x64xbf16, #tpu.memory_space<hbm>>
    tpu.enqueue_indirect_dma source(%dma_start3A_427 : memref<1000000x64xbf16, #tpu.memory_space<hbm>>) target(%dma_start3A_424 : memref<16x64xbf16, #tpu.memory_space<vmem>>) offsets(%get3A_421 : vector<16xi32>) semaphore(%arg15 : memref<!tpu.dma_semaphore, #tpu.memory_space<semaphore_mem>>)
    %scan3A = arith.constant 0 : i32
    %scan3A_428 = arith.constant 5.000000e-03 : f32
    %scan3A_429 = arith.constant 0 : i32
    %scan3A_430 = arith.constant 32 : i32
    %scan3A_431 = arith.addi %scan3A_429, %scan3A_430 : i32
    %scan3A_432 = arith.constant 1 : i32
    scf.for %scan3A_436 = %scan3A_429 to %scan3A_431 step %scan3A_432  : i32 {
      %mul3A_437 = arith.constant 4 : i32
      %mul3A_438 = arith.muli %mul3A_437, %scan3A_436 : i32
      %add3A_439 = arith.constant 0 : i32
      %add3A_440 = arith.addi %mul3A_438, %add3A_439 : i32
      %broadcast_in_dim3A = arith.constant 0 : i32
      %broadcast_in_dim3A_441 = vector.broadcast %broadcast_in_dim3A : i32 to vector<16xi32>
      %mul3A_442 = arith.constant 208 : i32
      %mul3A_443 = arith.muli %add3A_440, %mul3A_442 : i32
      %add3A_444 = arith.constant 0 : i32
      %add3A_445 = arith.addi %mul3A_443, %add3A_444 : i32
      %get3A_446 = arith.index_cast %add3A_445 : i32 to index
      %get3A_447 = tpu.vector_load %arg5[%get3A_446] {strides = array<i32>} : memref<26624xi32, #tpu.memory_space<vmem>>, vector<16xi32>,
      %eq3A = arith.constant 0 : i32
      %eq3A_448 = vector.broadcast %eq3A : i32 to vector<16xi32>
      %eq3A_449 = arith.cmpi eq, %get3A_447, %eq3A_448 : vector<16xi32>
      %all_reduce_population_count3A = tpu.all_reduce %eq3A_449 {dim = 0 : i64, kind = #tpu.reduction_kind<sum>} : vector<16xi1> -> vector<16xi32>
      %add3A_450 = arith.addi %broadcast_in_dim3A_441, %all_reduce_population_count3A : vector<16xi32>
      %mul3A_451 = arith.constant 208 : i32
      %mul3A_452 = arith.muli %add3A_440, %mul3A_451 : i32
      %add3A_453 = arith.constant 16 : i32
      %add3A_454 = arith.addi %mul3A_452, %add3A_453 : i32
      %get3A_455 = arith.index_cast %add3A_454 : i32 to index
      %get3A_456 = tpu.vector_load %arg5[%get3A_455] {strides = array<i32>} : memref<26624xi32, #tpu.memory_space<vmem>>, vector<16xi32>,
      %eq3A_457 = arith.constant 0 : i32
      %eq3A_458 = vector.broadcast %eq3A_457 : i32 to vector<16xi32>
      %eq3A_459 = arith.cmpi eq, %get3A_456, %eq3A_458 : vector<16xi32>
      %all_reduce_population_count3A_460 = tpu.all_reduce %eq3A_459 {dim = 0 : i64, kind = #tpu.reduction_kind<sum>} : vector<16xi1> -> vector<16xi32>
      %add3A_461 = arith.addi %add3A_450, %all_reduce_population_count3A_460 : vector<16xi32>
      %mul3A_462 = arith.constant 208 : i32
      %mul3A_463 = arith.muli %add3A_440, %mul3A_462 : i32
      %add3A_464 = arith.constant 32 : i32
      %add3A_465 = arith.addi %mul3A_463, %add3A_464 : i32
      %get3A_466 = arith.index_cast %add3A_465 : i32 to index
      %get3A_467 = tpu.vector_load %arg5[%get3A_466] {strides = array<i32>} : memref<26624xi32, #tpu.memory_space<vmem>>, vector<16xi32>,
      %eq3A_468 = arith.constant 0 : i32
      %eq3A_469 = vector.broadcast %eq3A_468 : i32 to vector<16xi32>
      %eq3A_470 = arith.cmpi eq, %get3A_467, %eq3A_469 : vector<16xi32>
      %all_reduce_population_count3A_471 = tpu.all_reduce %eq3A_470 {dim = 0 : i64, kind = #tpu.reduction_kind<sum>} : vector<16xi1> -> vector<16xi32>
      %add3A_472 = arith.addi %add3A_461, %all_reduce_population_count3A_471 : vector<16xi32>
      %mul3A_473 = arith.constant 208 : i32
      %mul3A_474 = arith.muli %add3A_440, %mul3A_473 : i32
      %add3A_475 = arith.constant 48 : i32
      %add3A_476 = arith.addi %mul3A_474, %add3A_475 : i32
      %get3A_477 = arith.index_cast %add3A_476 : i32 to index
      %get3A_478 = tpu.vector_load %arg5[%get3A_477] {strides = array<i32>} : memref<26624xi32, #tpu.memory_space<vmem>>, vector<16xi32>,
      %eq3A_479 = arith.constant 0 : i32
      %eq3A_480 = vector.broadcast %eq3A_479 : i32 to vector<16xi32>
      %eq3A_481 = arith.cmpi eq, %get3A_478, %eq3A_480 : vector<16xi32>
      %all_reduce_population_count3A_482 = tpu.all_reduce %eq3A_481 {dim = 0 : i64, kind = #tpu.reduction_kind<sum>} : vector<16xi1> -> vector<16xi32>
      %add3A_483 = arith.addi %add3A_472, %all_reduce_population_count3A_482 : vector<16xi32>
      %mul3A_484 = arith.constant 208 : i32
      %mul3A_485 = arith.muli %add3A_440, %mul3A_484 : i32
      %add3A_486 = arith.constant 64 : i32
      %add3A_487 = arith.addi %mul3A_485, %add3A_486 : i32
      %get3A_488 = arith.index_cast %add3A_487 : i32 to index
      %get3A_489 = tpu.vector_load %arg5[%get3A_488] {strides = array<i32>} : memref<26624xi32, #tpu.memory_space<vmem>>, vector<16xi32>,
      %eq3A_490 = arith.constant 0 : i32
      %eq3A_491 = vector.broadcast %eq3A_490 : i32 to vector<16xi32>
      %eq3A_492 = arith.cmpi eq, %get3A_489, %eq3A_491 : vector<16xi32>
      %all_reduce_population_count3A_493 = tpu.all_reduce %eq3A_492 {dim = 0 : i64, kind = #tpu.reduction_kind<sum>} : vector<16xi1> -> vector<16xi32>
      %add3A_494 = arith.addi %add3A_483, %all_reduce_population_count3A_493 : vector<16xi32>
      %mul3A_495 = arith.constant 208 : i32
      %mul3A_496 = arith.muli %add3A_440, %mul3A_495 : i32
      %add3A_497 = arith.constant 80 : i32
      %add3A_498 = arith.addi %mul3A_496, %add3A_497 : i32
      %get3A_499 = arith.index_cast %add3A_498 : i32 to index
      %get3A_500 = tpu.vector_load %arg5[%get3A_499] {strides = array<i32>} : memref<26624xi32, #tpu.memory_space<vmem>>, vector<16xi32>,
      %eq3A_501 = arith.constant 0 : i32
      %eq3A_502 = vector.broadcast %eq3A_501 : i32 to vector<16xi32>
      %eq3A_503 = arith.cmpi eq, %get3A_500, %eq3A_502 : vector<16xi32>
      %all_reduce_population_count3A_504 = tpu.all_reduce %eq3A_503 {dim = 0 : i64, kind = #tpu.reduction_kind<sum>} : vector<16xi1> -> vector<16xi32>
      %add3A_505 = arith.addi %add3A_494, %all_reduce_population_count3A_504 : vector<16xi32>
      %mul3A_506 = arith.constant 208 : i32
      %mul3A_507 = arith.muli %add3A_440, %mul3A_506 : i32
      %add3A_508 = arith.constant 96 : i32
      %add3A_509 = arith.addi %mul3A_507, %add3A_508 : i32
      %get3A_510 = arith.index_cast %add3A_509 : i32 to index
      %get3A_511 = tpu.vector_load %arg5[%get3A_510] {strides = array<i32>} : memref<26624xi32, #tpu.memory_space<vmem>>, vector<16xi32>,
      %eq3A_512 = arith.constant 0 : i32
      %eq3A_513 = vector.broadcast %eq3A_512 : i32 to vector<16xi32>
      %eq3A_514 = arith.cmpi eq, %get3A_511, %eq3A_513 : vector<16xi32>
      %all_reduce_population_count3A_515 = tpu.all_reduce %eq3A_514 {dim = 0 : i64, kind = #tpu.reduction_kind<sum>} : vector<16xi1> -> vector<16xi32>
      %add3A_516 = arith.addi %add3A_505, %all_reduce_population_count3A_515 : vector<16xi32>
      %mul3A_517 = arith.constant 208 : i32
      %mul3A_518 = arith.muli %add3A_440, %mul3A_517 : i32
      %add3A_519 = arith.constant 112 : i32
      %add3A_520 = arith.addi %mul3A_518, %add3A_519 : i32
      %get3A_521 = arith.index_cast %add3A_520 : i32 to index
      %get3A_522 = tpu.vector_load %arg5[%get3A_521] {strides = array<i32>} : memref<26624xi32, #tpu.memory_space<vmem>>, vector<16xi32>,
      %eq3A_523 = arith.constant 0 : i32
      %eq3A_524 = vector.broadcast %eq3A_523 : i32 to vector<16xi32>
      %eq3A_525 = arith.cmpi eq, %get3A_522, %eq3A_524 : vector<16xi32>
      %all_reduce_population_count3A_526 = tpu.all_reduce %eq3A_525 {dim = 0 : i64, kind = #tpu.reduction_kind<sum>} : vector<16xi1> -> vector<16xi32>
      %add3A_527 = arith.addi %add3A_516, %all_reduce_population_count3A_526 : vector<16xi32>
      %mul3A_528 = arith.constant 208 : i32
      %mul3A_529 = arith.muli %add3A_440, %mul3A_528 : i32
      %add3A_530 = arith.constant 128 : i32
      %add3A_531 = arith.addi %mul3A_529, %add3A_530 : i32
      %get3A_532 = arith.index_cast %add3A_531 : i32 to index
      %get3A_533 = tpu.vector_load %arg5[%get3A_532] {strides = array<i32>} : memref<26624xi32, #tpu.memory_space<vmem>>, vector<16xi32>,
      %eq3A_534 = arith.constant 0 : i32
      %eq3A_535 = vector.broadcast %eq3A_534 : i32 to vector<16xi32>
      %eq3A_536 = arith.cmpi eq, %get3A_533, %eq3A_535 : vector<16xi32>
      %all_reduce_population_count3A_537 = tpu.all_reduce %eq3A_536 {dim = 0 : i64, kind = #tpu.reduction_kind<sum>} : vector<16xi1> -> vector<16xi32>
      %add3A_538 = arith.addi %add3A_527, %all_reduce_population_count3A_537 : vector<16xi32>
      %mul3A_539 = arith.constant 208 : i32
      %mul3A_540 = arith.muli %add3A_440, %mul3A_539 : i32
      %add3A_541 = arith.constant 144 : i32
      %add3A_542 = arith.addi %mul3A_540, %add3A_541 : i32
      %get3A_543 = arith.index_cast %add3A_542 : i32 to index
      %get3A_544 = tpu.vector_load %arg5[%get3A_543] {strides = array<i32>} : memref<26624xi32, #tpu.memory_space<vmem>>, vector<16xi32>,
      %eq3A_545 = arith.constant 0 : i32
      %eq3A_546 = vector.broadcast %eq3A_545 : i32 to vector<16xi32>
      %eq3A_547 = arith.cmpi eq, %get3A_544, %eq3A_546 : vector<16xi32>
      %all_reduce_population_count3A_548 = tpu.all_reduce %eq3A_547 {dim = 0 : i64, kind = #tpu.reduction_kind<sum>} : vector<16xi1> -> vector<16xi32>
      %add3A_549 = arith.addi %add3A_538, %all_reduce_population_count3A_548 : vector<16xi32>
      %mul3A_550 = arith.constant 208 : i32
      %mul3A_551 = arith.muli %add3A_440, %mul3A_550 : i32
      %add3A_552 = arith.constant 160 : i32
      %add3A_553 = arith.addi %mul3A_551, %add3A_552 : i32
      %get3A_554 = arith.index_cast %add3A_553 : i32 to index
      %get3A_555 = tpu.vector_load %arg5[%get3A_554] {strides = array<i32>} : memref<26624xi32, #tpu.memory_space<vmem>>, vector<16xi32>,
      %eq3A_556 = arith.constant 0 : i32
      %eq3A_557 = vector.broadcast %eq3A_556 : i32 to vector<16xi32>
      %eq3A_558 = arith.cmpi eq, %get3A_555, %eq3A_557 : vector<16xi32>
      %all_reduce_population_count3A_559 = tpu.all_reduce %eq3A_558 {dim = 0 : i64, kind = #tpu.reduction_kind<sum>} : vector<16xi1> -> vector<16xi32>
      %add3A_560 = arith.addi %add3A_549, %all_reduce_population_count3A_559 : vector<16xi32>
      %mul3A_561 = arith.constant 208 : i32
      %mul3A_562 = arith.muli %add3A_440, %mul3A_561 : i32
      %add3A_563 = arith.constant 176 : i32
      %add3A_564 = arith.addi %mul3A_562, %add3A_563 : i32
      %get3A_565 = arith.index_cast %add3A_564 : i32 to index
      %get3A_566 = tpu.vector_load %arg5[%get3A_565] {strides = array<i32>} : memref<26624xi32, #tpu.memory_space<vmem>>, vector<16xi32>,
      %eq3A_567 = arith.constant 0 : i32
      %eq3A_568 = vector.broadcast %eq3A_567 : i32 to vector<16xi32>
      %eq3A_569 = arith.cmpi eq, %get3A_566, %eq3A_568 : vector<16xi32>
      %all_reduce_population_count3A_570 = tpu.all_reduce %eq3A_569 {dim = 0 : i64, kind = #tpu.reduction_kind<sum>} : vector<16xi1> -> vector<16xi32>
      %add3A_571 = arith.addi %add3A_560, %all_reduce_population_count3A_570 : vector<16xi32>
      %mul3A_572 = arith.constant 208 : i32
      %mul3A_573 = arith.muli %add3A_440, %mul3A_572 : i32
      %add3A_574 = arith.constant 192 : i32
      %add3A_575 = arith.addi %mul3A_573, %add3A_574 : i32
      %get3A_576 = arith.index_cast %add3A_575 : i32 to index
      %get3A_577 = tpu.vector_load %arg5[%get3A_576] {strides = array<i32>} : memref<26624xi32, #tpu.memory_space<vmem>>, vector<16xi32>,
      %eq3A_578 = arith.constant 0 : i32
      %eq3A_579 = vector.broadcast %eq3A_578 : i32 to vector<16xi32>
      %eq3A_580 = arith.cmpi eq, %get3A_577, %eq3A_579 : vector<16xi32>
      %all_reduce_population_count3A_581 = tpu.all_reduce %eq3A_580 {dim = 0 : i64, kind = #tpu.reduction_kind<sum>} : vector<16xi1> -> vector<16xi32>
      %add3A_582 = arith.addi %add3A_571, %all_reduce_population_count3A_581 : vector<16xi32>
      %dma_wait3A = arith.constant 0 : i32
      %dma_wait3A_583 = arith.constant 0 : i32
      %dma_wait3A_584 = tpu.memref_slice %arg3[%dma_wait3A, %dma_wait3A_583] : memref<1000000x64xbf16, #tpu.memory_space<hbm>> -> memref<208x64xbf16, #tpu.memory_space<hbm>>
      %dma_wait3A_585 = arith.constant 0 : i32
      %dma_wait3A_586 = arith.constant 0 : i32
      %dma_wait3A_587 = tpu.memref_slice %arg3[%dma_wait3A_585, %dma_wait3A_586] : memref<1000000x64xbf16, #tpu.memory_space<hbm>> -> memref<208x64xbf16, #tpu.memory_space<hbm>>
      tpu.wait_dma2 semaphore(%arg12 : memref<!tpu.dma_semaphore, #tpu.memory_space<semaphore_mem>>) src(%dma_wait3A_587 : memref<208x64xbf16, #tpu.memory_space<hbm>>) dst(%arg6 : memref<208x64xbf16, #tpu.memory_space<vmem>>)
      %broadcast_in_dim3A_588 = arith.constant 0.000000e+00 : f32
      %broadcast_in_dim3A_589 = vector.broadcast %broadcast_in_dim3A_588 : f32 to vector<16xf32>
      %scan3A_590 = arith.constant 0 : i32
      %scan3A_591 = arith.constant 52 : i32
      %scan3A_592 = arith.addi %scan3A_590, %scan3A_591 : i32
      %scan3A_593 = arith.constant 1 : i32
      %scan3A_594:4 = scf.for %scan3A_1272 = %scan3A_590 to %scan3A_592 step %scan3A_593 iter_args(%scan3A_1273 = %broadcast_in_dim3A_589, %scan3A_1274 = %broadcast_in_dim3A_589, %scan3A_1275 = %broadcast_in_dim3A_589, %scan3A_1276 = %broadcast_in_dim3A_589) -> (vector<16xf32>, vector<16xf32>, vector<16xf32>, vector<16xf32>)  : i32 {
        %mul3A_1277 = arith.constant 4 : i32
        %mul3A_1278 = arith.muli %scan3A_1272, %mul3A_1277 : i32
        %add3A_1279 = arith.constant 0 : i32
        %add3A_1280 = arith.addi %mul3A_1278, %add3A_1279 : i32
        %get3A_1281 = arith.index_cast %add3A_1280 : i32 to index
        %get3A_1282 = arith.constant 0 : index
        %get3A_1283 = tpu.vector_load %arg6[%get3A_1281, %get3A_1282] {strides = array<i32>} : memref<208x64xbf16, #tpu.memory_space<vmem>>, vector<32xbf16>,
        %unpack3A_1284 = tpu.unpack_subelements %get3A_1283, 0 {pack_format = #tpu.pack_format<interleaved>} : vector<32xbf16> -> vector<16xf32>
        %unpack3A_1285 = tpu.unpack_subelements %get3A_1283, 1 {pack_format = #tpu.pack_format<interleaved>} : vector<32xbf16> -> vector<16xf32>
        %add3A_1286 = arith.constant 0 : i32
        %add3A_1287 = arith.addi %mul3A_1278, %add3A_1286 : i32
        %get3A_1288 = arith.index_cast %add3A_1287 : i32 to index
        %get3A_1289 = arith.constant 32 : index
        %get3A_1290 = tpu.vector_load %arg6[%get3A_1288, %get3A_1289] {strides = array<i32>} : memref<208x64xbf16, #tpu.memory_space<vmem>>, vector<32xbf16>,
        %unpack3A_1291 = tpu.unpack_subelements %get3A_1290, 0 {pack_format = #tpu.pack_format<interleaved>} : vector<32xbf16> -> vector<16xf32>
        %unpack3A_1292 = tpu.unpack_subelements %get3A_1290, 1 {pack_format = #tpu.pack_format<interleaved>} : vector<32xbf16> -> vector<16xf32>
        %add3A_1293 = arith.addf %scan3A_1273, %unpack3A_1284 : vector<16xf32>
        %add3A_1294 = arith.addf %scan3A_1274, %unpack3A_1285 : vector<16xf32>
        %add3A_1295 = arith.addf %scan3A_1275, %unpack3A_1291 : vector<16xf32>
        %add3A_1296 = arith.addf %scan3A_1276, %unpack3A_1292 : vector<16xf32>
        %add3A_1297 = arith.constant 1 : i32
        %add3A_1298 = arith.addi %mul3A_1278, %add3A_1297 : i32
        %get3A_1299 = arith.index_cast %add3A_1298 : i32 to index
        %get3A_1300 = arith.constant 0 : index
        %get3A_1301 = tpu.vector_load %arg6[%get3A_1299, %get3A_1300] {strides = array<i32>} : memref<208x64xbf16, #tpu.memory_space<vmem>>, vector<32xbf16>,
        %unpack3A_1302 = tpu.unpack_subelements %get3A_1301, 0 {pack_format = #tpu.pack_format<interleaved>} : vector<32xbf16> -> vector<16xf32>
        %unpack3A_1303 = tpu.unpack_subelements %get3A_1301, 1 {pack_format = #tpu.pack_format<interleaved>} : vector<32xbf16> -> vector<16xf32>
        %add3A_1304 = arith.constant 1 : i32
        %add3A_1305 = arith.addi %mul3A_1278, %add3A_1304 : i32
        %get3A_1306 = arith.index_cast %add3A_1305 : i32 to index
        %get3A_1307 = arith.constant 32 : index
        %get3A_1308 = tpu.vector_load %arg6[%get3A_1306, %get3A_1307] {strides = array<i32>} : memref<208x64xbf16, #tpu.memory_space<vmem>>, vector<32xbf16>,
        %unpack3A_1309 = tpu.unpack_subelements %get3A_1308, 0 {pack_format = #tpu.pack_format<interleaved>} : vector<32xbf16> -> vector<16xf32>
        %unpack3A_1310 = tpu.unpack_subelements %get3A_1308, 1 {pack_format = #tpu.pack_format<interleaved>} : vector<32xbf16> -> vector<16xf32>
        %add3A_1311 = arith.addf %add3A_1293, %unpack3A_1302 : vector<16xf32>
        %add3A_1312 = arith.addf %add3A_1294, %unpack3A_1303 : vector<16xf32>
        %add3A_1313 = arith.addf %add3A_1295, %unpack3A_1309 : vector<16xf32>
        %add3A_1314 = arith.addf %add3A_1296, %unpack3A_1310 : vector<16xf32>
        %add3A_1315 = arith.constant 2 : i32
        %add3A_1316 = arith.addi %mul3A_1278, %add3A_1315 : i32
        %get3A_1317 = arith.index_cast %add3A_1316 : i32 to index
        %get3A_1318 = arith.constant 0 : index
        %get3A_1319 = tpu.vector_load %arg6[%get3A_1317, %get3A_1318] {strides = array<i32>} : memref<208x64xbf16, #tpu.memory_space<vmem>>, vector<32xbf16>,
        %unpack3A_1320 = tpu.unpack_subelements %get3A_1319, 0 {pack_format = #tpu.pack_format<interleaved>} : vector<32xbf16> -> vector<16xf32>
        %unpack3A_1321 = tpu.unpack_subelements %get3A_1319, 1 {pack_format = #tpu.pack_format<interleaved>} : vector<32xbf16> -> vector<16xf32>
        %add3A_1322 = arith.constant 2 : i32
        %add3A_1323 = arith.addi %mul3A_1278, %add3A_1322 : i32
        %get3A_1324 = arith.index_cast %add3A_1323 : i32 to index
        %get3A_1325 = arith.constant 32 : index
        %get3A_1326 = tpu.vector_load %arg6[%get3A_1324, %get3A_1325] {strides = array<i32>} : memref<208x64xbf16, #tpu.memory_space<vmem>>, vector<32xbf16>,
        %unpack3A_1327 = tpu.unpack_subelements %get3A_1326, 0 {pack_format = #tpu.pack_format<interleaved>} : vector<32xbf16> -> vector<16xf32>
        %unpack3A_1328 = tpu.unpack_subelements %get3A_1326, 1 {pack_format = #tpu.pack_format<interleaved>} : vector<32xbf16> -> vector<16xf32>
        %add3A_1329 = arith.addf %add3A_1311, %unpack3A_1320 : vector<16xf32>
        %add3A_1330 = arith.addf %add3A_1312, %unpack3A_1321 : vector<16xf32>
        %add3A_1331 = arith.addf %add3A_1313, %unpack3A_1327 : vector<16xf32>
        %add3A_1332 = arith.addf %add3A_1314, %unpack3A_1328 : vector<16xf32>
        %add3A_1333 = arith.constant 3 : i32
        %add3A_1334 = arith.addi %mul3A_1278, %add3A_1333 : i32
        %get3A_1335 = arith.index_cast %add3A_1334 : i32 to index
        %get3A_1336 = arith.constant 0 : index
        %get3A_1337 = tpu.vector_load %arg6[%get3A_1335, %get3A_1336] {strides = array<i32>} : memref<208x64xbf16, #tpu.memory_space<vmem>>, vector<32xbf16>,
        %unpack3A_1338 = tpu.unpack_subelements %get3A_1337, 0 {pack_format = #tpu.pack_format<interleaved>} : vector<32xbf16> -> vector<16xf32>
        %unpack3A_1339 = tpu.unpack_subelements %get3A_1337, 1 {pack_format = #tpu.pack_format<interleaved>} : vector<32xbf16> -> vector<16xf32>
        %add3A_1340 = arith.constant 3 : i32
        %add3A_1341 = arith.addi %mul3A_1278, %add3A_1340 : i32
        %get3A_1342 = arith.index_cast %add3A_1341 : i32 to index
        %get3A_1343 = arith.constant 32 : index
        %get3A_1344 = tpu.vector_load %arg6[%get3A_1342, %get3A_1343] {strides = array<i32>} : memref<208x64xbf16, #tpu.memory_space<vmem>>, vector<32xbf16>,
        %unpack3A_1345 = tpu.unpack_subelements %get3A_1344, 0 {pack_format = #tpu.pack_format<interleaved>} : vector<32xbf16> -> vector<16xf32>
        %unpack3A_1346 = tpu.unpack_subelements %get3A_1344, 1 {pack_format = #tpu.pack_format<interleaved>} : vector<32xbf16> -> vector<16xf32>
        %add3A_1347 = arith.addf %add3A_1329, %unpack3A_1338 : vector<16xf32>
        %add3A_1348 = arith.addf %add3A_1330, %unpack3A_1339 : vector<16xf32>
        %add3A_1349 = arith.addf %add3A_1331, %unpack3A_1345 : vector<16xf32>
        %add3A_1350 = arith.addf %add3A_1332, %unpack3A_1346 : vector<16xf32>
        scf.yield %add3A_1347, %add3A_1348, %add3A_1349, %add3A_1350 : vector<16xf32>, vector<16xf32>, vector<16xf32>, vector<16xf32>
      }
      %scan3A_595 = arith.constant 52 : i32
      %convert_element_type3A = arith.sitofp %add3A_582 : vector<16xi32> to vector<16xf32>
      %mul3A_596 = arith.mulf %convert_element_type3A, %unpack3A : vector<16xf32>
      %sub3A = arith.subf %scan3A_594#0, %mul3A_596 : vector<16xf32>
      %mul3A_597 = vector.broadcast %scan3A_428 : f32 to vector<16xf32>
      %mul3A_598 = arith.mulf %sub3A, %mul3A_597 : vector<16xf32>
      %mul3A_599 = arith.constant 64 : i32
      %mul3A_600 = arith.muli %add3A_440, %mul3A_599 : i32
      %add3A_601 = arith.constant 0 : i32
      %add3A_602 = arith.addi %mul3A_600, %add3A_601 : i32
      %swap3A = arith.index_cast %add3A_602 : i32 to index
      %swap3A_603 = tpu.vector_load %arg11[%swap3A] {strides = array<i32>} : memref<8192xf32, #tpu.memory_space<vmem>>, vector<16xf32>,
      tpu.vector_store %arg11[%swap3A], %mul3A_598 {strides = array<i32>} : memref<8192xf32, #tpu.memory_space<vmem>>, vector<16xf32>,
      %mul3A_604 = arith.mulf %convert_element_type3A, %unpack3A_6 : vector<16xf32>
      %sub3A_605 = arith.subf %scan3A_594#1, %mul3A_604 : vector<16xf32>
      %mul3A_606 = vector.broadcast %scan3A_428 : f32 to vector<16xf32>
      %mul3A_607 = arith.mulf %sub3A_605, %mul3A_606 : vector<16xf32>
      %mul3A_608 = arith.constant 64 : i32
      %mul3A_609 = arith.muli %add3A_440, %mul3A_608 : i32
      %add3A_610 = arith.constant 16 : i32
      %add3A_611 = arith.addi %mul3A_609, %add3A_610 : i32
      %swap3A_612 = arith.index_cast %add3A_611 : i32 to index
      %swap3A_613 = tpu.vector_load %arg11[%swap3A_612] {strides = array<i32>} : memref<8192xf32, #tpu.memory_space<vmem>>, vector<16xf32>,
      tpu.vector_store %arg11[%swap3A_612], %mul3A_607 {strides = array<i32>} : memref<8192xf32, #tpu.memory_space<vmem>>, vector<16xf32>,
      %mul3A_614 = arith.mulf %convert_element_type3A, %unpack3A_11 : vector<16xf32>
      %sub3A_615 = arith.subf %scan3A_594#2, %mul3A_614 : vector<16xf32>
      %mul3A_616 = vector.broadcast %scan3A_428 : f32 to vector<16xf32>
      %mul3A_617 = arith.mulf %sub3A_615, %mul3A_616 : vector<16xf32>
      %mul3A_618 = arith.constant 64 : i32
      %mul3A_619 = arith.muli %add3A_440, %mul3A_618 : i32
      %add3A_620 = arith.constant 32 : i32
      %add3A_621 = arith.addi %mul3A_619, %add3A_620 : i32
      %swap3A_622 = arith.index_cast %add3A_621 : i32 to index
      %swap3A_623 = tpu.vector_load %arg11[%swap3A_622] {strides = array<i32>} : memref<8192xf32, #tpu.memory_space<vmem>>, vector<16xf32>,
      tpu.vector_store %arg11[%swap3A_622], %mul3A_617 {strides = array<i32>} : memref<8192xf32, #tpu.memory_space<vmem>>, vector<16xf32>,
      %mul3A_624 = arith.mulf %convert_element_type3A, %unpack3A_12 : vector<16xf32>
      %sub3A_625 = arith.subf %scan3A_594#3, %mul3A_624 : vector<16xf32>
      %mul3A_626 = vector.broadcast %scan3A_428 : f32 to vector<16xf32>
      %mul3A_627 = arith.mulf %sub3A_625, %mul3A_626 : vector<16xf32>
      %mul3A_628 = arith.constant 64 : i32
      %mul3A_629 = arith.muli %add3A_440, %mul3A_628 : i32
      %add3A_630 = arith.constant 48 : i32
      %add3A_631 = arith.addi %mul3A_629, %add3A_630 : i32
      %swap3A_632 = arith.index_cast %add3A_631 : i32 to index
      %swap3A_633 = tpu.vector_load %arg11[%swap3A_632] {strides = array<i32>} : memref<8192xf32, #tpu.memory_space<vmem>>, vector<16xf32>,
      tpu.vector_store %arg11[%swap3A_632], %mul3A_627 {strides = array<i32>} : memref<8192xf32, #tpu.memory_space<vmem>>, vector<16xf32>,
      %add3A_634 = arith.constant 4 : i32
      %add3A_635 = arith.addi %add3A_440, %add3A_634 : i32
      %lt3A = arith.constant 128 : i32
      %lt3A_636 = arith.cmpi slt, %add3A_635, %lt3A : i32
      %convert_element_type3A_637 = arith.extui %lt3A_636 : i1 to i32
      %cond3A = arith.constant 0 : i32
      %cond3A_638 = arith.cmpi ne, %convert_element_type3A_637, %cond3A : i32
      scf.if %cond3A_638 {
        %add3A_1272 = arith.constant 4 : i32
        %add3A_1273 = arith.addi %add3A_440, %add3A_1272 : i32
        %mul3A_1274 = arith.constant 208 : i32
        %mul3A_1275 = arith.muli %add3A_1273, %mul3A_1274 : i32
        %add3A_1276 = arith.constant 0 : i32
        %add3A_1277 = arith.addi %mul3A_1275, %add3A_1276 : i32
        %get3A_1278 = arith.index_cast %add3A_1277 : i32 to index
        %get3A_1279 = tpu.vector_load %arg5[%get3A_1278] {strides = array<i32>} : memref<26624xi32, #tpu.memory_space<vmem>>, vector<16xi32>,
        %dma_start3A_1280 = arith.constant 0 : i32
        %dma_start3A_1281 = arith.constant 0 : i32
        %dma_start3A_1282 = tpu.memref_slice %arg6[%dma_start3A_1280, %dma_start3A_1281] : memref<208x64xbf16, #tpu.memory_space<vmem>> -> memref<16x64xbf16, #tpu.memory_space<vmem>>
        %dma_start3A_1283 = arith.constant 0 : i32
        %dma_start3A_1284 = arith.constant 0 : i32
        %dma_start3A_1285 = tpu.memref_slice %arg3[%dma_start3A_1283, %dma_start3A_1284] : memref<1000000x64xbf16, #tpu.memory_space<hbm>> -> memref<1000000x64xbf16, #tpu.memory_space<hbm>>
        tpu.enqueue_indirect_dma source(%dma_start3A_1285 : memref<1000000x64xbf16, #tpu.memory_space<hbm>>) target(%dma_start3A_1282 : memref<16x64xbf16, #tpu.memory_space<vmem>>) offsets(%get3A_1279 : vector<16xi32>) semaphore(%arg12 : memref<!tpu.dma_semaphore, #tpu.memory_space<semaphore_mem>>)
        %mul3A_1286 = arith.constant 208 : i32
        %mul3A_1287 = arith.muli %add3A_1273, %mul3A_1286 : i32
        %add3A_1288 = arith.constant 16 : i32
        %add3A_1289 = arith.addi %mul3A_1287, %add3A_1288 : i32
        %get3A_1290 = arith.index_cast %add3A_1289 : i32 to index
        %get3A_1291 = tpu.vector_load %arg5[%get3A_1290] {strides = array<i32>} : memref<26624xi32, #tpu.memory_space<vmem>>, vector<16xi32>,
        %dma_start3A_1292 = arith.constant 16 : i32
        %dma_start3A_1293 = arith.constant 0 : i32
        %dma_start3A_1294 = tpu.memref_slice %arg6[%dma_start3A_1292, %dma_start3A_1293] : memref<208x64xbf16, #tpu.memory_space<vmem>> -> memref<16x64xbf16, #tpu.memory_space<vmem>>
        %dma_start3A_1295 = arith.constant 0 : i32
        %dma_start3A_1296 = arith.constant 0 : i32
        %dma_start3A_1297 = tpu.memref_slice %arg3[%dma_start3A_1295, %dma_start3A_1296] : memref<1000000x64xbf16, #tpu.memory_space<hbm>> -> memref<1000000x64xbf16, #tpu.memory_space<hbm>>
        tpu.enqueue_indirect_dma source(%dma_start3A_1297 : memref<1000000x64xbf16, #tpu.memory_space<hbm>>) target(%dma_start3A_1294 : memref<16x64xbf16, #tpu.memory_space<vmem>>) offsets(%get3A_1291 : vector<16xi32>) semaphore(%arg12 : memref<!tpu.dma_semaphore, #tpu.memory_space<semaphore_mem>>)
        %mul3A_1298 = arith.constant 208 : i32
        %mul3A_1299 = arith.muli %add3A_1273, %mul3A_1298 : i32
        %add3A_1300 = arith.constant 32 : i32
        %add3A_1301 = arith.addi %mul3A_1299, %add3A_1300 : i32
        %get3A_1302 = arith.index_cast %add3A_1301 : i32 to index
        %get3A_1303 = tpu.vector_load %arg5[%get3A_1302] {strides = array<i32>} : memref<26624xi32, #tpu.memory_space<vmem>>, vector<16xi32>,
        %dma_start3A_1304 = arith.constant 32 : i32
        %dma_start3A_1305 = arith.constant 0 : i32
        %dma_start3A_1306 = tpu.memref_slice %arg6[%dma_start3A_1304, %dma_start3A_1305] : memref<208x64xbf16, #tpu.memory_space<vmem>> -> memref<16x64xbf16, #tpu.memory_space<vmem>>
        %dma_start3A_1307 = arith.constant 0 : i32
        %dma_start3A_1308 = arith.constant 0 : i32
        %dma_start3A_1309 = tpu.memref_slice %arg3[%dma_start3A_1307, %dma_start3A_1308] : memref<1000000x64xbf16, #tpu.memory_space<hbm>> -> memref<1000000x64xbf16, #tpu.memory_space<hbm>>
        tpu.enqueue_indirect_dma source(%dma_start3A_1309 : memref<1000000x64xbf16, #tpu.memory_space<hbm>>) target(%dma_start3A_1306 : memref<16x64xbf16, #tpu.memory_space<vmem>>) offsets(%get3A_1303 : vector<16xi32>) semaphore(%arg12 : memref<!tpu.dma_semaphore, #tpu.memory_space<semaphore_mem>>)
        %mul3A_1310 = arith.constant 208 : i32
        %mul3A_1311 = arith.muli %add3A_1273, %mul3A_1310 : i32
        %add3A_1312 = arith.constant 48 : i32
        %add3A_1313 = arith.addi %mul3A_1311, %add3A_1312 : i32
        %get3A_1314 = arith.index_cast %add3A_1313 : i32 to index
        %get3A_1315 = tpu.vector_load %arg5[%get3A_1314] {strides = array<i32>} : memref<26624xi32, #tpu.memory_space<vmem>>, vector<16xi32>,
        %dma_start3A_1316 = arith.constant 48 : i32
        %dma_start3A_1317 = arith.constant 0 : i32
        %dma_start3A_1318 = tpu.memref_slice %arg6[%dma_start3A_1316, %dma_start3A_1317] : memref<208x64xbf16, #tpu.memory_space<vmem>> -> memref<16x64xbf16, #tpu.memory_space<vmem>>
        %dma_start3A_1319 = arith.constant 0 : i32
        %dma_start3A_1320 = arith.constant 0 : i32
        %dma_start3A_1321 = tpu.memref_slice %arg3[%dma_start3A_1319, %dma_start3A_1320] : memref<1000000x64xbf16, #tpu.memory_space<hbm>> -> memref<1000000x64xbf16, #tpu.memory_space<hbm>>
        tpu.enqueue_indirect_dma source(%dma_start3A_1321 : memref<1000000x64xbf16, #tpu.memory_space<hbm>>) target(%dma_start3A_1318 : memref<16x64xbf16, #tpu.memory_space<vmem>>) offsets(%get3A_1315 : vector<16xi32>) semaphore(%arg12 : memref<!tpu.dma_semaphore, #tpu.memory_space<semaphore_mem>>)
        %mul3A_1322 = arith.constant 208 : i32
        %mul3A_1323 = arith.muli %add3A_1273, %mul3A_1322 : i32
        %add3A_1324 = arith.constant 64 : i32
        %add3A_1325 = arith.addi %mul3A_1323, %add3A_1324 : i32
        %get3A_1326 = arith.index_cast %add3A_1325 : i32 to index
        %get3A_1327 = tpu.vector_load %arg5[%get3A_1326] {strides = array<i32>} : memref<26624xi32, #tpu.memory_space<vmem>>, vector<16xi32>,
        %dma_start3A_1328 = arith.constant 64 : i32
        %dma_start3A_1329 = arith.constant 0 : i32
        %dma_start3A_1330 = tpu.memref_slice %arg6[%dma_start3A_1328, %dma_start3A_1329] : memref<208x64xbf16, #tpu.memory_space<vmem>> -> memref<16x64xbf16, #tpu.memory_space<vmem>>
        %dma_start3A_1331 = arith.constant 0 : i32
        %dma_start3A_1332 = arith.constant 0 : i32
        %dma_start3A_1333 = tpu.memref_slice %arg3[%dma_start3A_1331, %dma_start3A_1332] : memref<1000000x64xbf16, #tpu.memory_space<hbm>> -> memref<1000000x64xbf16, #tpu.memory_space<hbm>>
        tpu.enqueue_indirect_dma source(%dma_start3A_1333 : memref<1000000x64xbf16, #tpu.memory_space<hbm>>) target(%dma_start3A_1330 : memref<16x64xbf16, #tpu.memory_space<vmem>>) offsets(%get3A_1327 : vector<16xi32>) semaphore(%arg12 : memref<!tpu.dma_semaphore, #tpu.memory_space<semaphore_mem>>)
        %mul3A_1334 = arith.constant 208 : i32
        %mul3A_1335 = arith.muli %add3A_1273, %mul3A_1334 : i32
        %add3A_1336 = arith.constant 80 : i32
        %add3A_1337 = arith.addi %mul3A_1335, %add3A_1336 : i32
        %get3A_1338 = arith.index_cast %add3A_1337 : i32 to index
        %get3A_1339 = tpu.vector_load %arg5[%get3A_1338] {strides = array<i32>} : memref<26624xi32, #tpu.memory_space<vmem>>, vector<16xi32>,
        %dma_start3A_1340 = arith.constant 80 : i32
        %dma_start3A_1341 = arith.constant 0 : i32
        %dma_start3A_1342 = tpu.memref_slice %arg6[%dma_start3A_1340, %dma_start3A_1341] : memref<208x64xbf16, #tpu.memory_space<vmem>> -> memref<16x64xbf16, #tpu.memory_space<vmem>>
        %dma_start3A_1343 = arith.constant 0 : i32
        %dma_start3A_1344 = arith.constant 0 : i32
        %dma_start3A_1345 = tpu.memref_slice %arg3[%dma_start3A_1343, %dma_start3A_1344] : memref<1000000x64xbf16, #tpu.memory_space<hbm>> -> memref<1000000x64xbf16, #tpu.memory_space<hbm>>
        tpu.enqueue_indirect_dma source(%dma_start3A_1345 : memref<1000000x64xbf16, #tpu.memory_space<hbm>>) target(%dma_start3A_1342 : memref<16x64xbf16, #tpu.memory_space<vmem>>) offsets(%get3A_1339 : vector<16xi32>) semaphore(%arg12 : memref<!tpu.dma_semaphore, #tpu.memory_space<semaphore_mem>>)
        %mul3A_1346 = arith.constant 208 : i32
        %mul3A_1347 = arith.muli %add3A_1273, %mul3A_1346 : i32
        %add3A_1348 = arith.constant 96 : i32
        %add3A_1349 = arith.addi %mul3A_1347, %add3A_1348 : i32
        %get3A_1350 = arith.index_cast %add3A_1349 : i32 to index
        %get3A_1351 = tpu.vector_load %arg5[%get3A_1350] {strides = array<i32>} : memref<26624xi32, #tpu.memory_space<vmem>>, vector<16xi32>,
        %dma_start3A_1352 = arith.constant 96 : i32
        %dma_start3A_1353 = arith.constant 0 : i32
        %dma_start3A_1354 = tpu.memref_slice %arg6[%dma_start3A_1352, %dma_start3A_1353] : memref<208x64xbf16, #tpu.memory_space<vmem>> -> memref<16x64xbf16, #tpu.memory_space<vmem>>
        %dma_start3A_1355 = arith.constant 0 : i32
        %dma_start3A_1356 = arith.constant 0 : i32
        %dma_start3A_1357 = tpu.memref_slice %arg3[%dma_start3A_1355, %dma_start3A_1356] : memref<1000000x64xbf16, #tpu.memory_space<hbm>> -> memref<1000000x64xbf16, #tpu.memory_space<hbm>>
        tpu.enqueue_indirect_dma source(%dma_start3A_1357 : memref<1000000x64xbf16, #tpu.memory_space<hbm>>) target(%dma_start3A_1354 : memref<16x64xbf16, #tpu.memory_space<vmem>>) offsets(%get3A_1351 : vector<16xi32>) semaphore(%arg12 : memref<!tpu.dma_semaphore, #tpu.memory_space<semaphore_mem>>)
        %mul3A_1358 = arith.constant 208 : i32
        %mul3A_1359 = arith.muli %add3A_1273, %mul3A_1358 : i32
        %add3A_1360 = arith.constant 112 : i32
        %add3A_1361 = arith.addi %mul3A_1359, %add3A_1360 : i32
        %get3A_1362 = arith.index_cast %add3A_1361 : i32 to index
        %get3A_1363 = tpu.vector_load %arg5[%get3A_1362] {strides = array<i32>} : memref<26624xi32, #tpu.memory_space<vmem>>, vector<16xi32>,
        %dma_start3A_1364 = arith.constant 112 : i32
        %dma_start3A_1365 = arith.constant 0 : i32
        %dma_start3A_1366 = tpu.memref_slice %arg6[%dma_start3A_1364, %dma_start3A_1365] : memref<208x64xbf16, #tpu.memory_space<vmem>> -> memref<16x64xbf16, #tpu.memory_space<vmem>>
        %dma_start3A_1367 = arith.constant 0 : i32
        %dma_start3A_1368 = arith.constant 0 : i32
        %dma_start3A_1369 = tpu.memref_slice %arg3[%dma_start3A_1367, %dma_start3A_1368] : memref<1000000x64xbf16, #tpu.memory_space<hbm>> -> memref<1000000x64xbf16, #tpu.memory_space<hbm>>
        tpu.enqueue_indirect_dma source(%dma_start3A_1369 : memref<1000000x64xbf16, #tpu.memory_space<hbm>>) target(%dma_start3A_1366 : memref<16x64xbf16, #tpu.memory_space<vmem>>) offsets(%get3A_1363 : vector<16xi32>) semaphore(%arg12 : memref<!tpu.dma_semaphore, #tpu.memory_space<semaphore_mem>>)
        %mul3A_1370 = arith.constant 208 : i32
        %mul3A_1371 = arith.muli %add3A_1273, %mul3A_1370 : i32
        %add3A_1372 = arith.constant 128 : i32
        %add3A_1373 = arith.addi %mul3A_1371, %add3A_1372 : i32
        %get3A_1374 = arith.index_cast %add3A_1373 : i32 to index
        %get3A_1375 = tpu.vector_load %arg5[%get3A_1374] {strides = array<i32>} : memref<26624xi32, #tpu.memory_space<vmem>>, vector<16xi32>,
        %dma_start3A_1376 = arith.constant 128 : i32
        %dma_start3A_1377 = arith.constant 0 : i32
        %dma_start3A_1378 = tpu.memref_slice %arg6[%dma_start3A_1376, %dma_start3A_1377] : memref<208x64xbf16, #tpu.memory_space<vmem>> -> memref<16x64xbf16, #tpu.memory_space<vmem>>
        %dma_start3A_1379 = arith.constant 0 : i32
        %dma_start3A_1380 = arith.constant 0 : i32
        %dma_start3A_1381 = tpu.memref_slice %arg3[%dma_start3A_1379, %dma_start3A_1380] : memref<1000000x64xbf16, #tpu.memory_space<hbm>> -> memref<1000000x64xbf16, #tpu.memory_space<hbm>>
        tpu.enqueue_indirect_dma source(%dma_start3A_1381 : memref<1000000x64xbf16, #tpu.memory_space<hbm>>) target(%dma_start3A_1378 : memref<16x64xbf16, #tpu.memory_space<vmem>>) offsets(%get3A_1375 : vector<16xi32>) semaphore(%arg12 : memref<!tpu.dma_semaphore, #tpu.memory_space<semaphore_mem>>)
        %mul3A_1382 = arith.constant 208 : i32
        %mul3A_1383 = arith.muli %add3A_1273, %mul3A_1382 : i32
        %add3A_1384 = arith.constant 144 : i32
        %add3A_1385 = arith.addi %mul3A_1383, %add3A_1384 : i32
        %get3A_1386 = arith.index_cast %add3A_1385 : i32 to index
        %get3A_1387 = tpu.vector_load %arg5[%get3A_1386] {strides = array<i32>} : memref<26624xi32, #tpu.memory_space<vmem>>, vector<16xi32>,
        %dma_start3A_1388 = arith.constant 144 : i32
        %dma_start3A_1389 = arith.constant 0 : i32
        %dma_start3A_1390 = tpu.memref_slice %arg6[%dma_start3A_1388, %dma_start3A_1389] : memref<208x64xbf16, #tpu.memory_space<vmem>> -> memref<16x64xbf16, #tpu.memory_space<vmem>>
        %dma_start3A_1391 = arith.constant 0 : i32
        %dma_start3A_1392 = arith.constant 0 : i32
        %dma_start3A_1393 = tpu.memref_slice %arg3[%dma_start3A_1391, %dma_start3A_1392] : memref<1000000x64xbf16, #tpu.memory_space<hbm>> -> memref<1000000x64xbf16, #tpu.memory_space<hbm>>
        tpu.enqueue_indirect_dma source(%dma_start3A_1393 : memref<1000000x64xbf16, #tpu.memory_space<hbm>>) target(%dma_start3A_1390 : memref<16x64xbf16, #tpu.memory_space<vmem>>) offsets(%get3A_1387 : vector<16xi32>) semaphore(%arg12 : memref<!tpu.dma_semaphore, #tpu.memory_space<semaphore_mem>>)
        %mul3A_1394 = arith.constant 208 : i32
        %mul3A_1395 = arith.muli %add3A_1273, %mul3A_1394 : i32
        %add3A_1396 = arith.constant 160 : i32
        %add3A_1397 = arith.addi %mul3A_1395, %add3A_1396 : i32
        %get3A_1398 = arith.index_cast %add3A_1397 : i32 to index
        %get3A_1399 = tpu.vector_load %arg5[%get3A_1398] {strides = array<i32>} : memref<26624xi32, #tpu.memory_space<vmem>>, vector<16xi32>,
        %dma_start3A_1400 = arith.constant 160 : i32
        %dma_start3A_1401 = arith.constant 0 : i32
        %dma_start3A_1402 = tpu.memref_slice %arg6[%dma_start3A_1400, %dma_start3A_1401] : memref<208x64xbf16, #tpu.memory_space<vmem>> -> memref<16x64xbf16, #tpu.memory_space<vmem>>
        %dma_start3A_1403 = arith.constant 0 : i32
        %dma_start3A_1404 = arith.constant 0 : i32
        %dma_start3A_1405 = tpu.memref_slice %arg3[%dma_start3A_1403, %dma_start3A_1404] : memref<1000000x64xbf16, #tpu.memory_space<hbm>> -> memref<1000000x64xbf16, #tpu.memory_space<hbm>>
        tpu.enqueue_indirect_dma source(%dma_start3A_1405 : memref<1000000x64xbf16, #tpu.memory_space<hbm>>) target(%dma_start3A_1402 : memref<16x64xbf16, #tpu.memory_space<vmem>>) offsets(%get3A_1399 : vector<16xi32>) semaphore(%arg12 : memref<!tpu.dma_semaphore, #tpu.memory_space<semaphore_mem>>)
        %mul3A_1406 = arith.constant 208 : i32
        %mul3A_1407 = arith.muli %add3A_1273, %mul3A_1406 : i32
        %add3A_1408 = arith.constant 176 : i32
        %add3A_1409 = arith.addi %mul3A_1407, %add3A_1408 : i32
        %get3A_1410 = arith.index_cast %add3A_1409 : i32 to index
        %get3A_1411 = tpu.vector_load %arg5[%get3A_1410] {strides = array<i32>} : memref<26624xi32, #tpu.memory_space<vmem>>, vector<16xi32>,
        %dma_start3A_1412 = arith.constant 176 : i32
        %dma_start3A_1413 = arith.constant 0 : i32
        %dma_start3A_1414 = tpu.memref_slice %arg6[%dma_start3A_1412, %dma_start3A_1413] : memref<208x64xbf16, #tpu.memory_space<vmem>> -> memref<16x64xbf16, #tpu.memory_space<vmem>>
        %dma_start3A_1415 = arith.constant 0 : i32
        %dma_start3A_1416 = arith.constant 0 : i32
        %dma_start3A_1417 = tpu.memref_slice %arg3[%dma_start3A_1415, %dma_start3A_1416] : memref<1000000x64xbf16, #tpu.memory_space<hbm>> -> memref<1000000x64xbf16, #tpu.memory_space<hbm>>
        tpu.enqueue_indirect_dma source(%dma_start3A_1417 : memref<1000000x64xbf16, #tpu.memory_space<hbm>>) target(%dma_start3A_1414 : memref<16x64xbf16, #tpu.memory_space<vmem>>) offsets(%get3A_1411 : vector<16xi32>) semaphore(%arg12 : memref<!tpu.dma_semaphore, #tpu.memory_space<semaphore_mem>>)
        %mul3A_1418 = arith.constant 208 : i32
        %mul3A_1419 = arith.muli %add3A_1273, %mul3A_1418 : i32
        %add3A_1420 = arith.constant 192 : i32
        %add3A_1421 = arith.addi %mul3A_1419, %add3A_1420 : i32
        %get3A_1422 = arith.index_cast %add3A_1421 : i32 to index
        %get3A_1423 = tpu.vector_load %arg5[%get3A_1422] {strides = array<i32>} : memref<26624xi32, #tpu.memory_space<vmem>>, vector<16xi32>,
        %dma_start3A_1424 = arith.constant 192 : i32
        %dma_start3A_1425 = arith.constant 0 : i32
        %dma_start3A_1426 = tpu.memref_slice %arg6[%dma_start3A_1424, %dma_start3A_1425] : memref<208x64xbf16, #tpu.memory_space<vmem>> -> memref<16x64xbf16, #tpu.memory_space<vmem>>
        %dma_start3A_1427 = arith.constant 0 : i32
        %dma_start3A_1428 = arith.constant 0 : i32
        %dma_start3A_1429 = tpu.memref_slice %arg3[%dma_start3A_1427, %dma_start3A_1428] : memref<1000000x64xbf16, #tpu.memory_space<hbm>> -> memref<1000000x64xbf16, #tpu.memory_space<hbm>>
        tpu.enqueue_indirect_dma source(%dma_start3A_1429 : memref<1000000x64xbf16, #tpu.memory_space<hbm>>) target(%dma_start3A_1426 : memref<16x64xbf16, #tpu.memory_space<vmem>>) offsets(%get3A_1423 : vector<16xi32>) semaphore(%arg12 : memref<!tpu.dma_semaphore, #tpu.memory_space<semaphore_mem>>)
      } else {
      }
      %mul3A_639 = arith.constant 4 : i32
      %mul3A_640 = arith.muli %mul3A_639, %scan3A_436 : i32
      %add3A_641 = arith.constant 1 : i32
      %add3A_642 = arith.addi %mul3A_640, %add3A_641 : i32
      %broadcast_in_dim3A_643 = arith.constant 0 : i32
      %broadcast_in_dim3A_644 = vector.broadcast %broadcast_in_dim3A_643 : i32 to vector<16xi32>
      %mul3A_645 = arith.constant 208 : i32
      %mul3A_646 = arith.muli %add3A_642, %mul3A_645 : i32
      %add3A_647 = arith.constant 0 : i32
      %add3A_648 = arith.addi %mul3A_646, %add3A_647 : i32
      %get3A_649 = arith.index_cast %add3A_648 : i32 to index
      %get3A_650 = tpu.vector_load %arg5[%get3A_649] {strides = array<i32>} : memref<26624xi32, #tpu.memory_space<vmem>>, vector<16xi32>,
      %eq3A_651 = arith.constant 0 : i32
      %eq3A_652 = vector.broadcast %eq3A_651 : i32 to vector<16xi32>
      %eq3A_653 = arith.cmpi eq, %get3A_650, %eq3A_652 : vector<16xi32>
      %all_reduce_population_count3A_654 = tpu.all_reduce %eq3A_653 {dim = 0 : i64, kind = #tpu.reduction_kind<sum>} : vector<16xi1> -> vector<16xi32>
      %add3A_655 = arith.addi %broadcast_in_dim3A_644, %all_reduce_population_count3A_654 : vector<16xi32>
      %mul3A_656 = arith.constant 208 : i32
      %mul3A_657 = arith.muli %add3A_642, %mul3A_656 : i32
      %add3A_658 = arith.constant 16 : i32
      %add3A_659 = arith.addi %mul3A_657, %add3A_658 : i32
      %get3A_660 = arith.index_cast %add3A_659 : i32 to index
      %get3A_661 = tpu.vector_load %arg5[%get3A_660] {strides = array<i32>} : memref<26624xi32, #tpu.memory_space<vmem>>, vector<16xi32>,
      %eq3A_662 = arith.constant 0 : i32
      %eq3A_663 = vector.broadcast %eq3A_662 : i32 to vector<16xi32>
      %eq3A_664 = arith.cmpi eq, %get3A_661, %eq3A_663 : vector<16xi32>
      %all_reduce_population_count3A_665 = tpu.all_reduce %eq3A_664 {dim = 0 : i64, kind = #tpu.reduction_kind<sum>} : vector<16xi1> -> vector<16xi32>
      %add3A_666 = arith.addi %add3A_655, %all_reduce_population_count3A_665 : vector<16xi32>
      %mul3A_667 = arith.constant 208 : i32
      %mul3A_668 = arith.muli %add3A_642, %mul3A_667 : i32
      %add3A_669 = arith.constant 32 : i32
      %add3A_670 = arith.addi %mul3A_668, %add3A_669 : i32
      %get3A_671 = arith.index_cast %add3A_670 : i32 to index
      %get3A_672 = tpu.vector_load %arg5[%get3A_671] {strides = array<i32>} : memref<26624xi32, #tpu.memory_space<vmem>>, vector<16xi32>,
      %eq3A_673 = arith.constant 0 : i32
      %eq3A_674 = vector.broadcast %eq3A_673 : i32 to vector<16xi32>
      %eq3A_675 = arith.cmpi eq, %get3A_672, %eq3A_674 : vector<16xi32>
      %all_reduce_population_count3A_676 = tpu.all_reduce %eq3A_675 {dim = 0 : i64, kind = #tpu.reduction_kind<sum>} : vector<16xi1> -> vector<16xi32>
      %add3A_677 = arith.addi %add3A_666, %all_reduce_population_count3A_676 : vector<16xi32>
      %mul3A_678 = arith.constant 208 : i32
      %mul3A_679 = arith.muli %add3A_642, %mul3A_678 : i32
      %add3A_680 = arith.constant 48 : i32
      %add3A_681 = arith.addi %mul3A_679, %add3A_680 : i32
      %get3A_682 = arith.index_cast %add3A_681 : i32 to index
      %get3A_683 = tpu.vector_load %arg5[%get3A_682] {strides = array<i32>} : memref<26624xi32, #tpu.memory_space<vmem>>, vector<16xi32>,
      %eq3A_684 = arith.constant 0 : i32
      %eq3A_685 = vector.broadcast %eq3A_684 : i32 to vector<16xi32>
      %eq3A_686 = arith.cmpi eq, %get3A_683, %eq3A_685 : vector<16xi32>
      %all_reduce_population_count3A_687 = tpu.all_reduce %eq3A_686 {dim = 0 : i64, kind = #tpu.reduction_kind<sum>} : vector<16xi1> -> vector<16xi32>
      %add3A_688 = arith.addi %add3A_677, %all_reduce_population_count3A_687 : vector<16xi32>
      %mul3A_689 = arith.constant 208 : i32
      %mul3A_690 = arith.muli %add3A_642, %mul3A_689 : i32
      %add3A_691 = arith.constant 64 : i32
      %add3A_692 = arith.addi %mul3A_690, %add3A_691 : i32
      %get3A_693 = arith.index_cast %add3A_692 : i32 to index
      %get3A_694 = tpu.vector_load %arg5[%get3A_693] {strides = array<i32>} : memref<26624xi32, #tpu.memory_space<vmem>>, vector<16xi32>,
      %eq3A_695 = arith.constant 0 : i32
      %eq3A_696 = vector.broadcast %eq3A_695 : i32 to vector<16xi32>
      %eq3A_697 = arith.cmpi eq, %get3A_694, %eq3A_696 : vector<16xi32>
      %all_reduce_population_count3A_698 = tpu.all_reduce %eq3A_697 {dim = 0 : i64, kind = #tpu.reduction_kind<sum>} : vector<16xi1> -> vector<16xi32>
      %add3A_699 = arith.addi %add3A_688, %all_reduce_population_count3A_698 : vector<16xi32>
      %mul3A_700 = arith.constant 208 : i32
      %mul3A_701 = arith.muli %add3A_642, %mul3A_700 : i32
      %add3A_702 = arith.constant 80 : i32
      %add3A_703 = arith.addi %mul3A_701, %add3A_702 : i32
      %get3A_704 = arith.index_cast %add3A_703 : i32 to index
      %get3A_705 = tpu.vector_load %arg5[%get3A_704] {strides = array<i32>} : memref<26624xi32, #tpu.memory_space<vmem>>, vector<16xi32>,
      %eq3A_706 = arith.constant 0 : i32
      %eq3A_707 = vector.broadcast %eq3A_706 : i32 to vector<16xi32>
      %eq3A_708 = arith.cmpi eq, %get3A_705, %eq3A_707 : vector<16xi32>
      %all_reduce_population_count3A_709 = tpu.all_reduce %eq3A_708 {dim = 0 : i64, kind = #tpu.reduction_kind<sum>} : vector<16xi1> -> vector<16xi32>
      %add3A_710 = arith.addi %add3A_699, %all_reduce_population_count3A_709 : vector<16xi32>
      %mul3A_711 = arith.constant 208 : i32
      %mul3A_712 = arith.muli %add3A_642, %mul3A_711 : i32
      %add3A_713 = arith.constant 96 : i32
      %add3A_714 = arith.addi %mul3A_712, %add3A_713 : i32
      %get3A_715 = arith.index_cast %add3A_714 : i32 to index
      %get3A_716 = tpu.vector_load %arg5[%get3A_715] {strides = array<i32>} : memref<26624xi32, #tpu.memory_space<vmem>>, vector<16xi32>,
      %eq3A_717 = arith.constant 0 : i32
      %eq3A_718 = vector.broadcast %eq3A_717 : i32 to vector<16xi32>
      %eq3A_719 = arith.cmpi eq, %get3A_716, %eq3A_718 : vector<16xi32>
      %all_reduce_population_count3A_720 = tpu.all_reduce %eq3A_719 {dim = 0 : i64, kind = #tpu.reduction_kind<sum>} : vector<16xi1> -> vector<16xi32>
      %add3A_721 = arith.addi %add3A_710, %all_reduce_population_count3A_720 : vector<16xi32>
      %mul3A_722 = arith.constant 208 : i32
      %mul3A_723 = arith.muli %add3A_642, %mul3A_722 : i32
      %add3A_724 = arith.constant 112 : i32
      %add3A_725 = arith.addi %mul3A_723, %add3A_724 : i32
      %get3A_726 = arith.index_cast %add3A_725 : i32 to index
      %get3A_727 = tpu.vector_load %arg5[%get3A_726] {strides = array<i32>} : memref<26624xi32, #tpu.memory_space<vmem>>, vector<16xi32>,
      %eq3A_728 = arith.constant 0 : i32
      %eq3A_729 = vector.broadcast %eq3A_728 : i32 to vector<16xi32>
      %eq3A_730 = arith.cmpi eq, %get3A_727, %eq3A_729 : vector<16xi32>
      %all_reduce_population_count3A_731 = tpu.all_reduce %eq3A_730 {dim = 0 : i64, kind = #tpu.reduction_kind<sum>} : vector<16xi1> -> vector<16xi32>
      %add3A_732 = arith.addi %add3A_721, %all_reduce_population_count3A_731 : vector<16xi32>
      %mul3A_733 = arith.constant 208 : i32
      %mul3A_734 = arith.muli %add3A_642, %mul3A_733 : i32
      %add3A_735 = arith.constant 128 : i32
      %add3A_736 = arith.addi %mul3A_734, %add3A_735 : i32
      %get3A_737 = arith.index_cast %add3A_736 : i32 to index
      %get3A_738 = tpu.vector_load %arg5[%get3A_737] {strides = array<i32>} : memref<26624xi32, #tpu.memory_space<vmem>>, vector<16xi32>,
      %eq3A_739 = arith.constant 0 : i32
      %eq3A_740 = vector.broadcast %eq3A_739 : i32 to vector<16xi32>
      %eq3A_741 = arith.cmpi eq, %get3A_738, %eq3A_740 : vector<16xi32>
      %all_reduce_population_count3A_742 = tpu.all_reduce %eq3A_741 {dim = 0 : i64, kind = #tpu.reduction_kind<sum>} : vector<16xi1> -> vector<16xi32>
      %add3A_743 = arith.addi %add3A_732, %all_reduce_population_count3A_742 : vector<16xi32>
      %mul3A_744 = arith.constant 208 : i32
      %mul3A_745 = arith.muli %add3A_642, %mul3A_744 : i32
      %add3A_746 = arith.constant 144 : i32
      %add3A_747 = arith.addi %mul3A_745, %add3A_746 : i32
      %get3A_748 = arith.index_cast %add3A_747 : i32 to index
      %get3A_749 = tpu.vector_load %arg5[%get3A_748] {strides = array<i32>} : memref<26624xi32, #tpu.memory_space<vmem>>, vector<16xi32>,
      %eq3A_750 = arith.constant 0 : i32
      %eq3A_751 = vector.broadcast %eq3A_750 : i32 to vector<16xi32>
      %eq3A_752 = arith.cmpi eq, %get3A_749, %eq3A_751 : vector<16xi32>
      %all_reduce_population_count3A_753 = tpu.all_reduce %eq3A_752 {dim = 0 : i64, kind = #tpu.reduction_kind<sum>} : vector<16xi1> -> vector<16xi32>
      %add3A_754 = arith.addi %add3A_743, %all_reduce_population_count3A_753 : vector<16xi32>
      %mul3A_755 = arith.constant 208 : i32
      %mul3A_756 = arith.muli %add3A_642, %mul3A_755 : i32
      %add3A_757 = arith.constant 160 : i32
      %add3A_758 = arith.addi %mul3A_756, %add3A_757 : i32
      %get3A_759 = arith.index_cast %add3A_758 : i32 to index
      %get3A_760 = tpu.vector_load %arg5[%get3A_759] {strides = array<i32>} : memref<26624xi32, #tpu.memory_space<vmem>>, vector<16xi32>,
      %eq3A_761 = arith.constant 0 : i32
      %eq3A_762 = vector.broadcast %eq3A_761 : i32 to vector<16xi32>
      %eq3A_763 = arith.cmpi eq, %get3A_760, %eq3A_762 : vector<16xi32>
      %all_reduce_population_count3A_764 = tpu.all_reduce %eq3A_763 {dim = 0 : i64, kind = #tpu.reduction_kind<sum>} : vector<16xi1> -> vector<16xi32>
      %add3A_765 = arith.addi %add3A_754, %all_reduce_population_count3A_764 : vector<16xi32>
      %mul3A_766 = arith.constant 208 : i32
      %mul3A_767 = arith.muli %add3A_642, %mul3A_766 : i32
      %add3A_768 = arith.constant 176 : i32
      %add3A_769 = arith.addi %mul3A_767, %add3A_768 : i32
      %get3A_770 = arith.index_cast %add3A_769 : i32 to index
      %get3A_771 = tpu.vector_load %arg5[%get3A_770] {strides = array<i32>} : memref<26624xi32, #tpu.memory_space<vmem>>, vector<16xi32>,
      %eq3A_772 = arith.constant 0 : i32
      %eq3A_773 = vector.broadcast %eq3A_772 : i32 to vector<16xi32>
      %eq3A_774 = arith.cmpi eq, %get3A_771, %eq3A_773 : vector<16xi32>
      %all_reduce_population_count3A_775 = tpu.all_reduce %eq3A_774 {dim = 0 : i64, kind = #tpu.reduction_kind<sum>} : vector<16xi1> -> vector<16xi32>
      %add3A_776 = arith.addi %add3A_765, %all_reduce_population_count3A_775 : vector<16xi32>
      %mul3A_777 = arith.constant 208 : i32
      %mul3A_778 = arith.muli %add3A_642, %mul3A_777 : i32
      %add3A_779 = arith.constant 192 : i32
      %add3A_780 = arith.addi %mul3A_778, %add3A_779 : i32
      %get3A_781 = arith.index_cast %add3A_780 : i32 to index
      %get3A_782 = tpu.vector_load %arg5[%get3A_781] {strides = array<i32>} : memref<26624xi32, #tpu.memory_space<vmem>>, vector<16xi32>,
      %eq3A_783 = arith.constant 0 : i32
      %eq3A_784 = vector.broadcast %eq3A_783 : i32 to vector<16xi32>
      %eq3A_785 = arith.cmpi eq, %get3A_782, %eq3A_784 : vector<16xi32>
      %all_reduce_population_count3A_786 = tpu.all_reduce %eq3A_785 {dim = 0 : i64, kind = #tpu.reduction_kind<sum>} : vector<16xi1> -> vector<16xi32>
      %add3A_787 = arith.addi %add3A_776, %all_reduce_population_count3A_786 : vector<16xi32>
      %dma_wait3A_788 = arith.constant 0 : i32
      %dma_wait3A_789 = arith.constant 0 : i32
      %dma_wait3A_790 = tpu.memref_slice %arg3[%dma_wait3A_788, %dma_wait3A_789] : memref<1000000x64xbf16, #tpu.memory_space<hbm>> -> memref<208x64xbf16, #tpu.memory_space<hbm>>
      %dma_wait3A_791 = arith.constant 0 : i32
      %dma_wait3A_792 = arith.constant 0 : i32
      %dma_wait3A_793 = tpu.memref_slice %arg3[%dma_wait3A_791, %dma_wait3A_792] : memref<1000000x64xbf16, #tpu.memory_space<hbm>> -> memref<208x64xbf16, #tpu.memory_space<hbm>>
      tpu.wait_dma2 semaphore(%arg13 : memref<!tpu.dma_semaphore, #tpu.memory_space<semaphore_mem>>) src(%dma_wait3A_793 : memref<208x64xbf16, #tpu.memory_space<hbm>>) dst(%arg7 : memref<208x64xbf16, #tpu.memory_space<vmem>>)
      %broadcast_in_dim3A_794 = arith.constant 0.000000e+00 : f32
      %broadcast_in_dim3A_795 = vector.broadcast %broadcast_in_dim3A_794 : f32 to vector<16xf32>
      %scan3A_796 = arith.constant 0 : i32
      %scan3A_797 = arith.constant 52 : i32
      %scan3A_798 = arith.addi %scan3A_796, %scan3A_797 : i32
      %scan3A_799 = arith.constant 1 : i32
      %scan3A_800:4 = scf.for %scan3A_1272 = %scan3A_796 to %scan3A_798 step %scan3A_799 iter_args(%scan3A_1273 = %broadcast_in_dim3A_795, %scan3A_1274 = %broadcast_in_dim3A_795, %scan3A_1275 = %broadcast_in_dim3A_795, %scan3A_1276 = %broadcast_in_dim3A_795) -> (vector<16xf32>, vector<16xf32>, vector<16xf32>, vector<16xf32>)  : i32 {
        %mul3A_1277 = arith.constant 4 : i32
        %mul3A_1278 = arith.muli %scan3A_1272, %mul3A_1277 : i32
        %add3A_1279 = arith.constant 0 : i32
        %add3A_1280 = arith.addi %mul3A_1278, %add3A_1279 : i32
        %get3A_1281 = arith.index_cast %add3A_1280 : i32 to index
        %get3A_1282 = arith.constant 0 : index
        %get3A_1283 = tpu.vector_load %arg7[%get3A_1281, %get3A_1282] {strides = array<i32>} : memref<208x64xbf16, #tpu.memory_space<vmem>>, vector<32xbf16>,
        %unpack3A_1284 = tpu.unpack_subelements %get3A_1283, 0 {pack_format = #tpu.pack_format<interleaved>} : vector<32xbf16> -> vector<16xf32>
        %unpack3A_1285 = tpu.unpack_subelements %get3A_1283, 1 {pack_format = #tpu.pack_format<interleaved>} : vector<32xbf16> -> vector<16xf32>
        %add3A_1286 = arith.constant 0 : i32
        %add3A_1287 = arith.addi %mul3A_1278, %add3A_1286 : i32
        %get3A_1288 = arith.index_cast %add3A_1287 : i32 to index
        %get3A_1289 = arith.constant 32 : index
        %get3A_1290 = tpu.vector_load %arg7[%get3A_1288, %get3A_1289] {strides = array<i32>} : memref<208x64xbf16, #tpu.memory_space<vmem>>, vector<32xbf16>,
        %unpack3A_1291 = tpu.unpack_subelements %get3A_1290, 0 {pack_format = #tpu.pack_format<interleaved>} : vector<32xbf16> -> vector<16xf32>
        %unpack3A_1292 = tpu.unpack_subelements %get3A_1290, 1 {pack_format = #tpu.pack_format<interleaved>} : vector<32xbf16> -> vector<16xf32>
        %add3A_1293 = arith.addf %scan3A_1273, %unpack3A_1284 : vector<16xf32>
        %add3A_1294 = arith.addf %scan3A_1274, %unpack3A_1285 : vector<16xf32>
        %add3A_1295 = arith.addf %scan3A_1275, %unpack3A_1291 : vector<16xf32>
        %add3A_1296 = arith.addf %scan3A_1276, %unpack3A_1292 : vector<16xf32>
        %add3A_1297 = arith.constant 1 : i32
        %add3A_1298 = arith.addi %mul3A_1278, %add3A_1297 : i32
        %get3A_1299 = arith.index_cast %add3A_1298 : i32 to index
        %get3A_1300 = arith.constant 0 : index
        %get3A_1301 = tpu.vector_load %arg7[%get3A_1299, %get3A_1300] {strides = array<i32>} : memref<208x64xbf16, #tpu.memory_space<vmem>>, vector<32xbf16>,
        %unpack3A_1302 = tpu.unpack_subelements %get3A_1301, 0 {pack_format = #tpu.pack_format<interleaved>} : vector<32xbf16> -> vector<16xf32>
        %unpack3A_1303 = tpu.unpack_subelements %get3A_1301, 1 {pack_format = #tpu.pack_format<interleaved>} : vector<32xbf16> -> vector<16xf32>
        %add3A_1304 = arith.constant 1 : i32
        %add3A_1305 = arith.addi %mul3A_1278, %add3A_1304 : i32
        %get3A_1306 = arith.index_cast %add3A_1305 : i32 to index
        %get3A_1307 = arith.constant 32 : index
        %get3A_1308 = tpu.vector_load %arg7[%get3A_1306, %get3A_1307] {strides = array<i32>} : memref<208x64xbf16, #tpu.memory_space<vmem>>, vector<32xbf16>,
        %unpack3A_1309 = tpu.unpack_subelements %get3A_1308, 0 {pack_format = #tpu.pack_format<interleaved>} : vector<32xbf16> -> vector<16xf32>
        %unpack3A_1310 = tpu.unpack_subelements %get3A_1308, 1 {pack_format = #tpu.pack_format<interleaved>} : vector<32xbf16> -> vector<16xf32>
        %add3A_1311 = arith.addf %add3A_1293, %unpack3A_1302 : vector<16xf32>
        %add3A_1312 = arith.addf %add3A_1294, %unpack3A_1303 : vector<16xf32>
        %add3A_1313 = arith.addf %add3A_1295, %unpack3A_1309 : vector<16xf32>
        %add3A_1314 = arith.addf %add3A_1296, %unpack3A_1310 : vector<16xf32>
        %add3A_1315 = arith.constant 2 : i32
        %add3A_1316 = arith.addi %mul3A_1278, %add3A_1315 : i32
        %get3A_1317 = arith.index_cast %add3A_1316 : i32 to index
        %get3A_1318 = arith.constant 0 : index
        %get3A_1319 = tpu.vector_load %arg7[%get3A_1317, %get3A_1318] {strides = array<i32>} : memref<208x64xbf16, #tpu.memory_space<vmem>>, vector<32xbf16>,
        %unpack3A_1320 = tpu.unpack_subelements %get3A_1319, 0 {pack_format = #tpu.pack_format<interleaved>} : vector<32xbf16> -> vector<16xf32>
        %unpack3A_1321 = tpu.unpack_subelements %get3A_1319, 1 {pack_format = #tpu.pack_format<interleaved>} : vector<32xbf16> -> vector<16xf32>
        %add3A_1322 = arith.constant 2 : i32
        %add3A_1323 = arith.addi %mul3A_1278, %add3A_1322 : i32
        %get3A_1324 = arith.index_cast %add3A_1323 : i32 to index
        %get3A_1325 = arith.constant 32 : index
        %get3A_1326 = tpu.vector_load %arg7[%get3A_1324, %get3A_1325] {strides = array<i32>} : memref<208x64xbf16, #tpu.memory_space<vmem>>, vector<32xbf16>,
        %unpack3A_1327 = tpu.unpack_subelements %get3A_1326, 0 {pack_format = #tpu.pack_format<interleaved>} : vector<32xbf16> -> vector<16xf32>
        %unpack3A_1328 = tpu.unpack_subelements %get3A_1326, 1 {pack_format = #tpu.pack_format<interleaved>} : vector<32xbf16> -> vector<16xf32>
        %add3A_1329 = arith.addf %add3A_1311, %unpack3A_1320 : vector<16xf32>
        %add3A_1330 = arith.addf %add3A_1312, %unpack3A_1321 : vector<16xf32>
        %add3A_1331 = arith.addf %add3A_1313, %unpack3A_1327 : vector<16xf32>
        %add3A_1332 = arith.addf %add3A_1314, %unpack3A_1328 : vector<16xf32>
        %add3A_1333 = arith.constant 3 : i32
        %add3A_1334 = arith.addi %mul3A_1278, %add3A_1333 : i32
        %get3A_1335 = arith.index_cast %add3A_1334 : i32 to index
        %get3A_1336 = arith.constant 0 : index
        %get3A_1337 = tpu.vector_load %arg7[%get3A_1335, %get3A_1336] {strides = array<i32>} : memref<208x64xbf16, #tpu.memory_space<vmem>>, vector<32xbf16>,
        %unpack3A_1338 = tpu.unpack_subelements %get3A_1337, 0 {pack_format = #tpu.pack_format<interleaved>} : vector<32xbf16> -> vector<16xf32>
        %unpack3A_1339 = tpu.unpack_subelements %get3A_1337, 1 {pack_format = #tpu.pack_format<interleaved>} : vector<32xbf16> -> vector<16xf32>
        %add3A_1340 = arith.constant 3 : i32
        %add3A_1341 = arith.addi %mul3A_1278, %add3A_1340 : i32
        %get3A_1342 = arith.index_cast %add3A_1341 : i32 to index
        %get3A_1343 = arith.constant 32 : index
        %get3A_1344 = tpu.vector_load %arg7[%get3A_1342, %get3A_1343] {strides = array<i32>} : memref<208x64xbf16, #tpu.memory_space<vmem>>, vector<32xbf16>,
        %unpack3A_1345 = tpu.unpack_subelements %get3A_1344, 0 {pack_format = #tpu.pack_format<interleaved>} : vector<32xbf16> -> vector<16xf32>
        %unpack3A_1346 = tpu.unpack_subelements %get3A_1344, 1 {pack_format = #tpu.pack_format<interleaved>} : vector<32xbf16> -> vector<16xf32>
        %add3A_1347 = arith.addf %add3A_1329, %unpack3A_1338 : vector<16xf32>
        %add3A_1348 = arith.addf %add3A_1330, %unpack3A_1339 : vector<16xf32>
        %add3A_1349 = arith.addf %add3A_1331, %unpack3A_1345 : vector<16xf32>
        %add3A_1350 = arith.addf %add3A_1332, %unpack3A_1346 : vector<16xf32>
        scf.yield %add3A_1347, %add3A_1348, %add3A_1349, %add3A_1350 : vector<16xf32>, vector<16xf32>, vector<16xf32>, vector<16xf32>
      }
      %scan3A_801 = arith.constant 52 : i32
      %convert_element_type3A_802 = arith.sitofp %add3A_787 : vector<16xi32> to vector<16xf32>
      %mul3A_803 = arith.mulf %convert_element_type3A_802, %unpack3A : vector<16xf32>
      %sub3A_804 = arith.subf %scan3A_800#0, %mul3A_803 : vector<16xf32>
      %mul3A_805 = vector.broadcast %scan3A_428 : f32 to vector<16xf32>
      %mul3A_806 = arith.mulf %sub3A_804, %mul3A_805 : vector<16xf32>
      %mul3A_807 = arith.constant 64 : i32
      %mul3A_808 = arith.muli %add3A_642, %mul3A_807 : i32
      %add3A_809 = arith.constant 0 : i32
      %add3A_810 = arith.addi %mul3A_808, %add3A_809 : i32
      %swap3A_811 = arith.index_cast %add3A_810 : i32 to index
      %swap3A_812 = tpu.vector_load %arg11[%swap3A_811] {strides = array<i32>} : memref<8192xf32, #tpu.memory_space<vmem>>, vector<16xf32>,
      tpu.vector_store %arg11[%swap3A_811], %mul3A_806 {strides = array<i32>} : memref<8192xf32, #tpu.memory_space<vmem>>, vector<16xf32>,
      %mul3A_813 = arith.mulf %convert_element_type3A_802, %unpack3A_6 : vector<16xf32>
      %sub3A_814 = arith.subf %scan3A_800#1, %mul3A_813 : vector<16xf32>
      %mul3A_815 = vector.broadcast %scan3A_428 : f32 to vector<16xf32>
      %mul3A_816 = arith.mulf %sub3A_814, %mul3A_815 : vector<16xf32>
      %mul3A_817 = arith.constant 64 : i32
      %mul3A_818 = arith.muli %add3A_642, %mul3A_817 : i32
      %add3A_819 = arith.constant 16 : i32
      %add3A_820 = arith.addi %mul3A_818, %add3A_819 : i32
      %swap3A_821 = arith.index_cast %add3A_820 : i32 to index
      %swap3A_822 = tpu.vector_load %arg11[%swap3A_821] {strides = array<i32>} : memref<8192xf32, #tpu.memory_space<vmem>>, vector<16xf32>,
      tpu.vector_store %arg11[%swap3A_821], %mul3A_816 {strides = array<i32>} : memref<8192xf32, #tpu.memory_space<vmem>>, vector<16xf32>,
      %mul3A_823 = arith.mulf %convert_element_type3A_802, %unpack3A_11 : vector<16xf32>
      %sub3A_824 = arith.subf %scan3A_800#2, %mul3A_823 : vector<16xf32>
      %mul3A_825 = vector.broadcast %scan3A_428 : f32 to vector<16xf32>
      %mul3A_826 = arith.mulf %sub3A_824, %mul3A_825 : vector<16xf32>
      %mul3A_827 = arith.constant 64 : i32
      %mul3A_828 = arith.muli %add3A_642, %mul3A_827 : i32
      %add3A_829 = arith.constant 32 : i32
      %add3A_830 = arith.addi %mul3A_828, %add3A_829 : i32
      %swap3A_831 = arith.index_cast %add3A_830 : i32 to index
      %swap3A_832 = tpu.vector_load %arg11[%swap3A_831] {strides = array<i32>} : memref<8192xf32, #tpu.memory_space<vmem>>, vector<16xf32>,
      tpu.vector_store %arg11[%swap3A_831], %mul3A_826 {strides = array<i32>} : memref<8192xf32, #tpu.memory_space<vmem>>, vector<16xf32>,
      %mul3A_833 = arith.mulf %convert_element_type3A_802, %unpack3A_12 : vector<16xf32>
      %sub3A_834 = arith.subf %scan3A_800#3, %mul3A_833 : vector<16xf32>
      %mul3A_835 = vector.broadcast %scan3A_428 : f32 to vector<16xf32>
      %mul3A_836 = arith.mulf %sub3A_834, %mul3A_835 : vector<16xf32>
      %mul3A_837 = arith.constant 64 : i32
      %mul3A_838 = arith.muli %add3A_642, %mul3A_837 : i32
      %add3A_839 = arith.constant 48 : i32
      %add3A_840 = arith.addi %mul3A_838, %add3A_839 : i32
      %swap3A_841 = arith.index_cast %add3A_840 : i32 to index
      %swap3A_842 = tpu.vector_load %arg11[%swap3A_841] {strides = array<i32>} : memref<8192xf32, #tpu.memory_space<vmem>>, vector<16xf32>,
      tpu.vector_store %arg11[%swap3A_841], %mul3A_836 {strides = array<i32>} : memref<8192xf32, #tpu.memory_space<vmem>>, vector<16xf32>,
      %add3A_843 = arith.constant 4 : i32
      %add3A_844 = arith.addi %add3A_642, %add3A_843 : i32
      %lt3A_845 = arith.constant 128 : i32
      %lt3A_846 = arith.cmpi slt, %add3A_844, %lt3A_845 : i32
      %convert_element_type3A_847 = arith.extui %lt3A_846 : i1 to i32
      %cond3A_848 = arith.constant 0 : i32
      %cond3A_849 = arith.cmpi ne, %convert_element_type3A_847, %cond3A_848 : i32
      scf.if %cond3A_849 {
        %add3A_1272 = arith.constant 4 : i32
        %add3A_1273 = arith.addi %add3A_642, %add3A_1272 : i32
        %mul3A_1274 = arith.constant 208 : i32
        %mul3A_1275 = arith.muli %add3A_1273, %mul3A_1274 : i32
        %add3A_1276 = arith.constant 0 : i32
        %add3A_1277 = arith.addi %mul3A_1275, %add3A_1276 : i32
        %get3A_1278 = arith.index_cast %add3A_1277 : i32 to index
        %get3A_1279 = tpu.vector_load %arg5[%get3A_1278] {strides = array<i32>} : memref<26624xi32, #tpu.memory_space<vmem>>, vector<16xi32>,
        %dma_start3A_1280 = arith.constant 0 : i32
        %dma_start3A_1281 = arith.constant 0 : i32
        %dma_start3A_1282 = tpu.memref_slice %arg7[%dma_start3A_1280, %dma_start3A_1281] : memref<208x64xbf16, #tpu.memory_space<vmem>> -> memref<16x64xbf16, #tpu.memory_space<vmem>>
        %dma_start3A_1283 = arith.constant 0 : i32
        %dma_start3A_1284 = arith.constant 0 : i32
        %dma_start3A_1285 = tpu.memref_slice %arg3[%dma_start3A_1283, %dma_start3A_1284] : memref<1000000x64xbf16, #tpu.memory_space<hbm>> -> memref<1000000x64xbf16, #tpu.memory_space<hbm>>
        tpu.enqueue_indirect_dma source(%dma_start3A_1285 : memref<1000000x64xbf16, #tpu.memory_space<hbm>>) target(%dma_start3A_1282 : memref<16x64xbf16, #tpu.memory_space<vmem>>) offsets(%get3A_1279 : vector<16xi32>) semaphore(%arg13 : memref<!tpu.dma_semaphore, #tpu.memory_space<semaphore_mem>>)
        %mul3A_1286 = arith.constant 208 : i32
        %mul3A_1287 = arith.muli %add3A_1273, %mul3A_1286 : i32
        %add3A_1288 = arith.constant 16 : i32
        %add3A_1289 = arith.addi %mul3A_1287, %add3A_1288 : i32
        %get3A_1290 = arith.index_cast %add3A_1289 : i32 to index
        %get3A_1291 = tpu.vector_load %arg5[%get3A_1290] {strides = array<i32>} : memref<26624xi32, #tpu.memory_space<vmem>>, vector<16xi32>,
        %dma_start3A_1292 = arith.constant 16 : i32
        %dma_start3A_1293 = arith.constant 0 : i32
        %dma_start3A_1294 = tpu.memref_slice %arg7[%dma_start3A_1292, %dma_start3A_1293] : memref<208x64xbf16, #tpu.memory_space<vmem>> -> memref<16x64xbf16, #tpu.memory_space<vmem>>
        %dma_start3A_1295 = arith.constant 0 : i32
        %dma_start3A_1296 = arith.constant 0 : i32
        %dma_start3A_1297 = tpu.memref_slice %arg3[%dma_start3A_1295, %dma_start3A_1296] : memref<1000000x64xbf16, #tpu.memory_space<hbm>> -> memref<1000000x64xbf16, #tpu.memory_space<hbm>>
        tpu.enqueue_indirect_dma source(%dma_start3A_1297 : memref<1000000x64xbf16, #tpu.memory_space<hbm>>) target(%dma_start3A_1294 : memref<16x64xbf16, #tpu.memory_space<vmem>>) offsets(%get3A_1291 : vector<16xi32>) semaphore(%arg13 : memref<!tpu.dma_semaphore, #tpu.memory_space<semaphore_mem>>)
        %mul3A_1298 = arith.constant 208 : i32
        %mul3A_1299 = arith.muli %add3A_1273, %mul3A_1298 : i32
        %add3A_1300 = arith.constant 32 : i32
        %add3A_1301 = arith.addi %mul3A_1299, %add3A_1300 : i32
        %get3A_1302 = arith.index_cast %add3A_1301 : i32 to index
        %get3A_1303 = tpu.vector_load %arg5[%get3A_1302] {strides = array<i32>} : memref<26624xi32, #tpu.memory_space<vmem>>, vector<16xi32>,
        %dma_start3A_1304 = arith.constant 32 : i32
        %dma_start3A_1305 = arith.constant 0 : i32
        %dma_start3A_1306 = tpu.memref_slice %arg7[%dma_start3A_1304, %dma_start3A_1305] : memref<208x64xbf16, #tpu.memory_space<vmem>> -> memref<16x64xbf16, #tpu.memory_space<vmem>>
        %dma_start3A_1307 = arith.constant 0 : i32
        %dma_start3A_1308 = arith.constant 0 : i32
        %dma_start3A_1309 = tpu.memref_slice %arg3[%dma_start3A_1307, %dma_start3A_1308] : memref<1000000x64xbf16, #tpu.memory_space<hbm>> -> memref<1000000x64xbf16, #tpu.memory_space<hbm>>
        tpu.enqueue_indirect_dma source(%dma_start3A_1309 : memref<1000000x64xbf16, #tpu.memory_space<hbm>>) target(%dma_start3A_1306 : memref<16x64xbf16, #tpu.memory_space<vmem>>) offsets(%get3A_1303 : vector<16xi32>) semaphore(%arg13 : memref<!tpu.dma_semaphore, #tpu.memory_space<semaphore_mem>>)
        %mul3A_1310 = arith.constant 208 : i32
        %mul3A_1311 = arith.muli %add3A_1273, %mul3A_1310 : i32
        %add3A_1312 = arith.constant 48 : i32
        %add3A_1313 = arith.addi %mul3A_1311, %add3A_1312 : i32
        %get3A_1314 = arith.index_cast %add3A_1313 : i32 to index
        %get3A_1315 = tpu.vector_load %arg5[%get3A_1314] {strides = array<i32>} : memref<26624xi32, #tpu.memory_space<vmem>>, vector<16xi32>,
        %dma_start3A_1316 = arith.constant 48 : i32
        %dma_start3A_1317 = arith.constant 0 : i32
        %dma_start3A_1318 = tpu.memref_slice %arg7[%dma_start3A_1316, %dma_start3A_1317] : memref<208x64xbf16, #tpu.memory_space<vmem>> -> memref<16x64xbf16, #tpu.memory_space<vmem>>
        %dma_start3A_1319 = arith.constant 0 : i32
        %dma_start3A_1320 = arith.constant 0 : i32
        %dma_start3A_1321 = tpu.memref_slice %arg3[%dma_start3A_1319, %dma_start3A_1320] : memref<1000000x64xbf16, #tpu.memory_space<hbm>> -> memref<1000000x64xbf16, #tpu.memory_space<hbm>>
        tpu.enqueue_indirect_dma source(%dma_start3A_1321 : memref<1000000x64xbf16, #tpu.memory_space<hbm>>) target(%dma_start3A_1318 : memref<16x64xbf16, #tpu.memory_space<vmem>>) offsets(%get3A_1315 : vector<16xi32>) semaphore(%arg13 : memref<!tpu.dma_semaphore, #tpu.memory_space<semaphore_mem>>)
        %mul3A_1322 = arith.constant 208 : i32
        %mul3A_1323 = arith.muli %add3A_1273, %mul3A_1322 : i32
        %add3A_1324 = arith.constant 64 : i32
        %add3A_1325 = arith.addi %mul3A_1323, %add3A_1324 : i32
        %get3A_1326 = arith.index_cast %add3A_1325 : i32 to index
        %get3A_1327 = tpu.vector_load %arg5[%get3A_1326] {strides = array<i32>} : memref<26624xi32, #tpu.memory_space<vmem>>, vector<16xi32>,
        %dma_start3A_1328 = arith.constant 64 : i32
        %dma_start3A_1329 = arith.constant 0 : i32
        %dma_start3A_1330 = tpu.memref_slice %arg7[%dma_start3A_1328, %dma_start3A_1329] : memref<208x64xbf16, #tpu.memory_space<vmem>> -> memref<16x64xbf16, #tpu.memory_space<vmem>>
        %dma_start3A_1331 = arith.constant 0 : i32
        %dma_start3A_1332 = arith.constant 0 : i32
        %dma_start3A_1333 = tpu.memref_slice %arg3[%dma_start3A_1331, %dma_start3A_1332] : memref<1000000x64xbf16, #tpu.memory_space<hbm>> -> memref<1000000x64xbf16, #tpu.memory_space<hbm>>
        tpu.enqueue_indirect_dma source(%dma_start3A_1333 : memref<1000000x64xbf16, #tpu.memory_space<hbm>>) target(%dma_start3A_1330 : memref<16x64xbf16, #tpu.memory_space<vmem>>) offsets(%get3A_1327 : vector<16xi32>) semaphore(%arg13 : memref<!tpu.dma_semaphore, #tpu.memory_space<semaphore_mem>>)
        %mul3A_1334 = arith.constant 208 : i32
        %mul3A_1335 = arith.muli %add3A_1273, %mul3A_1334 : i32
        %add3A_1336 = arith.constant 80 : i32
        %add3A_1337 = arith.addi %mul3A_1335, %add3A_1336 : i32
        %get3A_1338 = arith.index_cast %add3A_1337 : i32 to index
        %get3A_1339 = tpu.vector_load %arg5[%get3A_1338] {strides = array<i32>} : memref<26624xi32, #tpu.memory_space<vmem>>, vector<16xi32>,
        %dma_start3A_1340 = arith.constant 80 : i32
        %dma_start3A_1341 = arith.constant 0 : i32
        %dma_start3A_1342 = tpu.memref_slice %arg7[%dma_start3A_1340, %dma_start3A_1341] : memref<208x64xbf16, #tpu.memory_space<vmem>> -> memref<16x64xbf16, #tpu.memory_space<vmem>>
        %dma_start3A_1343 = arith.constant 0 : i32
        %dma_start3A_1344 = arith.constant 0 : i32
        %dma_start3A_1345 = tpu.memref_slice %arg3[%dma_start3A_1343, %dma_start3A_1344] : memref<1000000x64xbf16, #tpu.memory_space<hbm>> -> memref<1000000x64xbf16, #tpu.memory_space<hbm>>
        tpu.enqueue_indirect_dma source(%dma_start3A_1345 : memref<1000000x64xbf16, #tpu.memory_space<hbm>>) target(%dma_start3A_1342 : memref<16x64xbf16, #tpu.memory_space<vmem>>) offsets(%get3A_1339 : vector<16xi32>) semaphore(%arg13 : memref<!tpu.dma_semaphore, #tpu.memory_space<semaphore_mem>>)
        %mul3A_1346 = arith.constant 208 : i32
        %mul3A_1347 = arith.muli %add3A_1273, %mul3A_1346 : i32
        %add3A_1348 = arith.constant 96 : i32
        %add3A_1349 = arith.addi %mul3A_1347, %add3A_1348 : i32
        %get3A_1350 = arith.index_cast %add3A_1349 : i32 to index
        %get3A_1351 = tpu.vector_load %arg5[%get3A_1350] {strides = array<i32>} : memref<26624xi32, #tpu.memory_space<vmem>>, vector<16xi32>,
        %dma_start3A_1352 = arith.constant 96 : i32
        %dma_start3A_1353 = arith.constant 0 : i32
        %dma_start3A_1354 = tpu.memref_slice %arg7[%dma_start3A_1352, %dma_start3A_1353] : memref<208x64xbf16, #tpu.memory_space<vmem>> -> memref<16x64xbf16, #tpu.memory_space<vmem>>
        %dma_start3A_1355 = arith.constant 0 : i32
        %dma_start3A_1356 = arith.constant 0 : i32
        %dma_start3A_1357 = tpu.memref_slice %arg3[%dma_start3A_1355, %dma_start3A_1356] : memref<1000000x64xbf16, #tpu.memory_space<hbm>> -> memref<1000000x64xbf16, #tpu.memory_space<hbm>>
        tpu.enqueue_indirect_dma source(%dma_start3A_1357 : memref<1000000x64xbf16, #tpu.memory_space<hbm>>) target(%dma_start3A_1354 : memref<16x64xbf16, #tpu.memory_space<vmem>>) offsets(%get3A_1351 : vector<16xi32>) semaphore(%arg13 : memref<!tpu.dma_semaphore, #tpu.memory_space<semaphore_mem>>)
        %mul3A_1358 = arith.constant 208 : i32
        %mul3A_1359 = arith.muli %add3A_1273, %mul3A_1358 : i32
        %add3A_1360 = arith.constant 112 : i32
        %add3A_1361 = arith.addi %mul3A_1359, %add3A_1360 : i32
        %get3A_1362 = arith.index_cast %add3A_1361 : i32 to index
        %get3A_1363 = tpu.vector_load %arg5[%get3A_1362] {strides = array<i32>} : memref<26624xi32, #tpu.memory_space<vmem>>, vector<16xi32>,
        %dma_start3A_1364 = arith.constant 112 : i32
        %dma_start3A_1365 = arith.constant 0 : i32
        %dma_start3A_1366 = tpu.memref_slice %arg7[%dma_start3A_1364, %dma_start3A_1365] : memref<208x64xbf16, #tpu.memory_space<vmem>> -> memref<16x64xbf16, #tpu.memory_space<vmem>>
        %dma_start3A_1367 = arith.constant 0 : i32
        %dma_start3A_1368 = arith.constant 0 : i32
        %dma_start3A_1369 = tpu.memref_slice %arg3[%dma_start3A_1367, %dma_start3A_1368] : memref<1000000x64xbf16, #tpu.memory_space<hbm>> -> memref<1000000x64xbf16, #tpu.memory_space<hbm>>
        tpu.enqueue_indirect_dma source(%dma_start3A_1369 : memref<1000000x64xbf16, #tpu.memory_space<hbm>>) target(%dma_start3A_1366 : memref<16x64xbf16, #tpu.memory_space<vmem>>) offsets(%get3A_1363 : vector<16xi32>) semaphore(%arg13 : memref<!tpu.dma_semaphore, #tpu.memory_space<semaphore_mem>>)
        %mul3A_1370 = arith.constant 208 : i32
        %mul3A_1371 = arith.muli %add3A_1273, %mul3A_1370 : i32
        %add3A_1372 = arith.constant 128 : i32
        %add3A_1373 = arith.addi %mul3A_1371, %add3A_1372 : i32
        %get3A_1374 = arith.index_cast %add3A_1373 : i32 to index
        %get3A_1375 = tpu.vector_load %arg5[%get3A_1374] {strides = array<i32>} : memref<26624xi32, #tpu.memory_space<vmem>>, vector<16xi32>,
        %dma_start3A_1376 = arith.constant 128 : i32
        %dma_start3A_1377 = arith.constant 0 : i32
        %dma_start3A_1378 = tpu.memref_slice %arg7[%dma_start3A_1376, %dma_start3A_1377] : memref<208x64xbf16, #tpu.memory_space<vmem>> -> memref<16x64xbf16, #tpu.memory_space<vmem>>
        %dma_start3A_1379 = arith.constant 0 : i32
        %dma_start3A_1380 = arith.constant 0 : i32
        %dma_start3A_1381 = tpu.memref_slice %arg3[%dma_start3A_1379, %dma_start3A_1380] : memref<1000000x64xbf16, #tpu.memory_space<hbm>> -> memref<1000000x64xbf16, #tpu.memory_space<hbm>>
        tpu.enqueue_indirect_dma source(%dma_start3A_1381 : memref<1000000x64xbf16, #tpu.memory_space<hbm>>) target(%dma_start3A_1378 : memref<16x64xbf16, #tpu.memory_space<vmem>>) offsets(%get3A_1375 : vector<16xi32>) semaphore(%arg13 : memref<!tpu.dma_semaphore, #tpu.memory_space<semaphore_mem>>)
        %mul3A_1382 = arith.constant 208 : i32
        %mul3A_1383 = arith.muli %add3A_1273, %mul3A_1382 : i32
        %add3A_1384 = arith.constant 144 : i32
        %add3A_1385 = arith.addi %mul3A_1383, %add3A_1384 : i32
        %get3A_1386 = arith.index_cast %add3A_1385 : i32 to index
        %get3A_1387 = tpu.vector_load %arg5[%get3A_1386] {strides = array<i32>} : memref<26624xi32, #tpu.memory_space<vmem>>, vector<16xi32>,
        %dma_start3A_1388 = arith.constant 144 : i32
        %dma_start3A_1389 = arith.constant 0 : i32
        %dma_start3A_1390 = tpu.memref_slice %arg7[%dma_start3A_1388, %dma_start3A_1389] : memref<208x64xbf16, #tpu.memory_space<vmem>> -> memref<16x64xbf16, #tpu.memory_space<vmem>>
        %dma_start3A_1391 = arith.constant 0 : i32
        %dma_start3A_1392 = arith.constant 0 : i32
        %dma_start3A_1393 = tpu.memref_slice %arg3[%dma_start3A_1391, %dma_start3A_1392] : memref<1000000x64xbf16, #tpu.memory_space<hbm>> -> memref<1000000x64xbf16, #tpu.memory_space<hbm>>
        tpu.enqueue_indirect_dma source(%dma_start3A_1393 : memref<1000000x64xbf16, #tpu.memory_space<hbm>>) target(%dma_start3A_1390 : memref<16x64xbf16, #tpu.memory_space<vmem>>) offsets(%get3A_1387 : vector<16xi32>) semaphore(%arg13 : memref<!tpu.dma_semaphore, #tpu.memory_space<semaphore_mem>>)
        %mul3A_1394 = arith.constant 208 : i32
        %mul3A_1395 = arith.muli %add3A_1273, %mul3A_1394 : i32
        %add3A_1396 = arith.constant 160 : i32
        %add3A_1397 = arith.addi %mul3A_1395, %add3A_1396 : i32
        %get3A_1398 = arith.index_cast %add3A_1397 : i32 to index
        %get3A_1399 = tpu.vector_load %arg5[%get3A_1398] {strides = array<i32>} : memref<26624xi32, #tpu.memory_space<vmem>>, vector<16xi32>,
        %dma_start3A_1400 = arith.constant 160 : i32
        %dma_start3A_1401 = arith.constant 0 : i32
        %dma_start3A_1402 = tpu.memref_slice %arg7[%dma_start3A_1400, %dma_start3A_1401] : memref<208x64xbf16, #tpu.memory_space<vmem>> -> memref<16x64xbf16, #tpu.memory_space<vmem>>
        %dma_start3A_1403 = arith.constant 0 : i32
        %dma_start3A_1404 = arith.constant 0 : i32
        %dma_start3A_1405 = tpu.memref_slice %arg3[%dma_start3A_1403, %dma_start3A_1404] : memref<1000000x64xbf16, #tpu.memory_space<hbm>> -> memref<1000000x64xbf16, #tpu.memory_space<hbm>>
        tpu.enqueue_indirect_dma source(%dma_start3A_1405 : memref<1000000x64xbf16, #tpu.memory_space<hbm>>) target(%dma_start3A_1402 : memref<16x64xbf16, #tpu.memory_space<vmem>>) offsets(%get3A_1399 : vector<16xi32>) semaphore(%arg13 : memref<!tpu.dma_semaphore, #tpu.memory_space<semaphore_mem>>)
        %mul3A_1406 = arith.constant 208 : i32
        %mul3A_1407 = arith.muli %add3A_1273, %mul3A_1406 : i32
        %add3A_1408 = arith.constant 176 : i32
        %add3A_1409 = arith.addi %mul3A_1407, %add3A_1408 : i32
        %get3A_1410 = arith.index_cast %add3A_1409 : i32 to index
        %get3A_1411 = tpu.vector_load %arg5[%get3A_1410] {strides = array<i32>} : memref<26624xi32, #tpu.memory_space<vmem>>, vector<16xi32>,
        %dma_start3A_1412 = arith.constant 176 : i32
        %dma_start3A_1413 = arith.constant 0 : i32
        %dma_start3A_1414 = tpu.memref_slice %arg7[%dma_start3A_1412, %dma_start3A_1413] : memref<208x64xbf16, #tpu.memory_space<vmem>> -> memref<16x64xbf16, #tpu.memory_space<vmem>>
        %dma_start3A_1415 = arith.constant 0 : i32
        %dma_start3A_1416 = arith.constant 0 : i32
        %dma_start3A_1417 = tpu.memref_slice %arg3[%dma_start3A_1415, %dma_start3A_1416] : memref<1000000x64xbf16, #tpu.memory_space<hbm>> -> memref<1000000x64xbf16, #tpu.memory_space<hbm>>
        tpu.enqueue_indirect_dma source(%dma_start3A_1417 : memref<1000000x64xbf16, #tpu.memory_space<hbm>>) target(%dma_start3A_1414 : memref<16x64xbf16, #tpu.memory_space<vmem>>) offsets(%get3A_1411 : vector<16xi32>) semaphore(%arg13 : memref<!tpu.dma_semaphore, #tpu.memory_space<semaphore_mem>>)
        %mul3A_1418 = arith.constant 208 : i32
        %mul3A_1419 = arith.muli %add3A_1273, %mul3A_1418 : i32
        %add3A_1420 = arith.constant 192 : i32
        %add3A_1421 = arith.addi %mul3A_1419, %add3A_1420 : i32
        %get3A_1422 = arith.index_cast %add3A_1421 : i32 to index
        %get3A_1423 = tpu.vector_load %arg5[%get3A_1422] {strides = array<i32>} : memref<26624xi32, #tpu.memory_space<vmem>>, vector<16xi32>,
        %dma_start3A_1424 = arith.constant 192 : i32
        %dma_start3A_1425 = arith.constant 0 : i32
        %dma_start3A_1426 = tpu.memref_slice %arg7[%dma_start3A_1424, %dma_start3A_1425] : memref<208x64xbf16, #tpu.memory_space<vmem>> -> memref<16x64xbf16, #tpu.memory_space<vmem>>
        %dma_start3A_1427 = arith.constant 0 : i32
        %dma_start3A_1428 = arith.constant 0 : i32
        %dma_start3A_1429 = tpu.memref_slice %arg3[%dma_start3A_1427, %dma_start3A_1428] : memref<1000000x64xbf16, #tpu.memory_space<hbm>> -> memref<1000000x64xbf16, #tpu.memory_space<hbm>>
        tpu.enqueue_indirect_dma source(%dma_start3A_1429 : memref<1000000x64xbf16, #tpu.memory_space<hbm>>) target(%dma_start3A_1426 : memref<16x64xbf16, #tpu.memory_space<vmem>>) offsets(%get3A_1423 : vector<16xi32>) semaphore(%arg13 : memref<!tpu.dma_semaphore, #tpu.memory_space<semaphore_mem>>)
      } else {
      }
      %mul3A_850 = arith.constant 4 : i32
      %mul3A_851 = arith.muli %mul3A_850, %scan3A_436 : i32
      %add3A_852 = arith.constant 2 : i32
      %add3A_853 = arith.addi %mul3A_851, %add3A_852 : i32
      %broadcast_in_dim3A_854 = arith.constant 0 : i32
      %broadcast_in_dim3A_855 = vector.broadcast %broadcast_in_dim3A_854 : i32 to vector<16xi32>
      %mul3A_856 = arith.constant 208 : i32
      %mul3A_857 = arith.muli %add3A_853, %mul3A_856 : i32
      %add3A_858 = arith.constant 0 : i32
      %add3A_859 = arith.addi %mul3A_857, %add3A_858 : i32
      %get3A_860 = arith.index_cast %add3A_859 : i32 to index
      %get3A_861 = tpu.vector_load %arg5[%get3A_860] {strides = array<i32>} : memref<26624xi32, #tpu.memory_space<vmem>>, vector<16xi32>,
      %eq3A_862 = arith.constant 0 : i32
      %eq3A_863 = vector.broadcast %eq3A_862 : i32 to vector<16xi32>
      %eq3A_864 = arith.cmpi eq, %get3A_861, %eq3A_863 : vector<16xi32>
      %all_reduce_population_count3A_865 = tpu.all_reduce %eq3A_864 {dim = 0 : i64, kind = #tpu.reduction_kind<sum>} : vector<16xi1> -> vector<16xi32>
      %add3A_866 = arith.addi %broadcast_in_dim3A_855, %all_reduce_population_count3A_865 : vector<16xi32>
      %mul3A_867 = arith.constant 208 : i32
      %mul3A_868 = arith.muli %add3A_853, %mul3A_867 : i32
      %add3A_869 = arith.constant 16 : i32
      %add3A_870 = arith.addi %mul3A_868, %add3A_869 : i32
      %get3A_871 = arith.index_cast %add3A_870 : i32 to index
      %get3A_872 = tpu.vector_load %arg5[%get3A_871] {strides = array<i32>} : memref<26624xi32, #tpu.memory_space<vmem>>, vector<16xi32>,
      %eq3A_873 = arith.constant 0 : i32
      %eq3A_874 = vector.broadcast %eq3A_873 : i32 to vector<16xi32>
      %eq3A_875 = arith.cmpi eq, %get3A_872, %eq3A_874 : vector<16xi32>
      %all_reduce_population_count3A_876 = tpu.all_reduce %eq3A_875 {dim = 0 : i64, kind = #tpu.reduction_kind<sum>} : vector<16xi1> -> vector<16xi32>
      %add3A_877 = arith.addi %add3A_866, %all_reduce_population_count3A_876 : vector<16xi32>
      %mul3A_878 = arith.constant 208 : i32
      %mul3A_879 = arith.muli %add3A_853, %mul3A_878 : i32
      %add3A_880 = arith.constant 32 : i32
      %add3A_881 = arith.addi %mul3A_879, %add3A_880 : i32
      %get3A_882 = arith.index_cast %add3A_881 : i32 to index
      %get3A_883 = tpu.vector_load %arg5[%get3A_882] {strides = array<i32>} : memref<26624xi32, #tpu.memory_space<vmem>>, vector<16xi32>,
      %eq3A_884 = arith.constant 0 : i32
      %eq3A_885 = vector.broadcast %eq3A_884 : i32 to vector<16xi32>
      %eq3A_886 = arith.cmpi eq, %get3A_883, %eq3A_885 : vector<16xi32>
      %all_reduce_population_count3A_887 = tpu.all_reduce %eq3A_886 {dim = 0 : i64, kind = #tpu.reduction_kind<sum>} : vector<16xi1> -> vector<16xi32>
      %add3A_888 = arith.addi %add3A_877, %all_reduce_population_count3A_887 : vector<16xi32>
      %mul3A_889 = arith.constant 208 : i32
      %mul3A_890 = arith.muli %add3A_853, %mul3A_889 : i32
      %add3A_891 = arith.constant 48 : i32
      %add3A_892 = arith.addi %mul3A_890, %add3A_891 : i32
      %get3A_893 = arith.index_cast %add3A_892 : i32 to index
      %get3A_894 = tpu.vector_load %arg5[%get3A_893] {strides = array<i32>} : memref<26624xi32, #tpu.memory_space<vmem>>, vector<16xi32>,
      %eq3A_895 = arith.constant 0 : i32
      %eq3A_896 = vector.broadcast %eq3A_895 : i32 to vector<16xi32>
      %eq3A_897 = arith.cmpi eq, %get3A_894, %eq3A_896 : vector<16xi32>
      %all_reduce_population_count3A_898 = tpu.all_reduce %eq3A_897 {dim = 0 : i64, kind = #tpu.reduction_kind<sum>} : vector<16xi1> -> vector<16xi32>
      %add3A_899 = arith.addi %add3A_888, %all_reduce_population_count3A_898 : vector<16xi32>
      %mul3A_900 = arith.constant 208 : i32
      %mul3A_901 = arith.muli %add3A_853, %mul3A_900 : i32
      %add3A_902 = arith.constant 64 : i32
      %add3A_903 = arith.addi %mul3A_901, %add3A_902 : i32
      %get3A_904 = arith.index_cast %add3A_903 : i32 to index
      %get3A_905 = tpu.vector_load %arg5[%get3A_904] {strides = array<i32>} : memref<26624xi32, #tpu.memory_space<vmem>>, vector<16xi32>,
      %eq3A_906 = arith.constant 0 : i32
      %eq3A_907 = vector.broadcast %eq3A_906 : i32 to vector<16xi32>
      %eq3A_908 = arith.cmpi eq, %get3A_905, %eq3A_907 : vector<16xi32>
      %all_reduce_population_count3A_909 = tpu.all_reduce %eq3A_908 {dim = 0 : i64, kind = #tpu.reduction_kind<sum>} : vector<16xi1> -> vector<16xi32>
      %add3A_910 = arith.addi %add3A_899, %all_reduce_population_count3A_909 : vector<16xi32>
      %mul3A_911 = arith.constant 208 : i32
      %mul3A_912 = arith.muli %add3A_853, %mul3A_911 : i32
      %add3A_913 = arith.constant 80 : i32
      %add3A_914 = arith.addi %mul3A_912, %add3A_913 : i32
      %get3A_915 = arith.index_cast %add3A_914 : i32 to index
      %get3A_916 = tpu.vector_load %arg5[%get3A_915] {strides = array<i32>} : memref<26624xi32, #tpu.memory_space<vmem>>, vector<16xi32>,
      %eq3A_917 = arith.constant 0 : i32
      %eq3A_918 = vector.broadcast %eq3A_917 : i32 to vector<16xi32>
      %eq3A_919 = arith.cmpi eq, %get3A_916, %eq3A_918 : vector<16xi32>
      %all_reduce_population_count3A_920 = tpu.all_reduce %eq3A_919 {dim = 0 : i64, kind = #tpu.reduction_kind<sum>} : vector<16xi1> -> vector<16xi32>
      %add3A_921 = arith.addi %add3A_910, %all_reduce_population_count3A_920 : vector<16xi32>
      %mul3A_922 = arith.constant 208 : i32
      %mul3A_923 = arith.muli %add3A_853, %mul3A_922 : i32
      %add3A_924 = arith.constant 96 : i32
      %add3A_925 = arith.addi %mul3A_923, %add3A_924 : i32
      %get3A_926 = arith.index_cast %add3A_925 : i32 to index
      %get3A_927 = tpu.vector_load %arg5[%get3A_926] {strides = array<i32>} : memref<26624xi32, #tpu.memory_space<vmem>>, vector<16xi32>,
      %eq3A_928 = arith.constant 0 : i32
      %eq3A_929 = vector.broadcast %eq3A_928 : i32 to vector<16xi32>
      %eq3A_930 = arith.cmpi eq, %get3A_927, %eq3A_929 : vector<16xi32>
      %all_reduce_population_count3A_931 = tpu.all_reduce %eq3A_930 {dim = 0 : i64, kind = #tpu.reduction_kind<sum>} : vector<16xi1> -> vector<16xi32>
      %add3A_932 = arith.addi %add3A_921, %all_reduce_population_count3A_931 : vector<16xi32>
      %mul3A_933 = arith.constant 208 : i32
      %mul3A_934 = arith.muli %add3A_853, %mul3A_933 : i32
      %add3A_935 = arith.constant 112 : i32
      %add3A_936 = arith.addi %mul3A_934, %add3A_935 : i32
      %get3A_937 = arith.index_cast %add3A_936 : i32 to index
      %get3A_938 = tpu.vector_load %arg5[%get3A_937] {strides = array<i32>} : memref<26624xi32, #tpu.memory_space<vmem>>, vector<16xi32>,
      %eq3A_939 = arith.constant 0 : i32
      %eq3A_940 = vector.broadcast %eq3A_939 : i32 to vector<16xi32>
      %eq3A_941 = arith.cmpi eq, %get3A_938, %eq3A_940 : vector<16xi32>
      %all_reduce_population_count3A_942 = tpu.all_reduce %eq3A_941 {dim = 0 : i64, kind = #tpu.reduction_kind<sum>} : vector<16xi1> -> vector<16xi32>
      %add3A_943 = arith.addi %add3A_932, %all_reduce_population_count3A_942 : vector<16xi32>
      %mul3A_944 = arith.constant 208 : i32
      %mul3A_945 = arith.muli %add3A_853, %mul3A_944 : i32
      %add3A_946 = arith.constant 128 : i32
      %add3A_947 = arith.addi %mul3A_945, %add3A_946 : i32
      %get3A_948 = arith.index_cast %add3A_947 : i32 to index
      %get3A_949 = tpu.vector_load %arg5[%get3A_948] {strides = array<i32>} : memref<26624xi32, #tpu.memory_space<vmem>>, vector<16xi32>,
      %eq3A_950 = arith.constant 0 : i32
      %eq3A_951 = vector.broadcast %eq3A_950 : i32 to vector<16xi32>
      %eq3A_952 = arith.cmpi eq, %get3A_949, %eq3A_951 : vector<16xi32>
      %all_reduce_population_count3A_953 = tpu.all_reduce %eq3A_952 {dim = 0 : i64, kind = #tpu.reduction_kind<sum>} : vector<16xi1> -> vector<16xi32>
      %add3A_954 = arith.addi %add3A_943, %all_reduce_population_count3A_953 : vector<16xi32>
      %mul3A_955 = arith.constant 208 : i32
      %mul3A_956 = arith.muli %add3A_853, %mul3A_955 : i32
      %add3A_957 = arith.constant 144 : i32
      %add3A_958 = arith.addi %mul3A_956, %add3A_957 : i32
      %get3A_959 = arith.index_cast %add3A_958 : i32 to index
      %get3A_960 = tpu.vector_load %arg5[%get3A_959] {strides = array<i32>} : memref<26624xi32, #tpu.memory_space<vmem>>, vector<16xi32>,
      %eq3A_961 = arith.constant 0 : i32
      %eq3A_962 = vector.broadcast %eq3A_961 : i32 to vector<16xi32>
      %eq3A_963 = arith.cmpi eq, %get3A_960, %eq3A_962 : vector<16xi32>
      %all_reduce_population_count3A_964 = tpu.all_reduce %eq3A_963 {dim = 0 : i64, kind = #tpu.reduction_kind<sum>} : vector<16xi1> -> vector<16xi32>
      %add3A_965 = arith.addi %add3A_954, %all_reduce_population_count3A_964 : vector<16xi32>
      %mul3A_966 = arith.constant 208 : i32
      %mul3A_967 = arith.muli %add3A_853, %mul3A_966 : i32
      %add3A_968 = arith.constant 160 : i32
      %add3A_969 = arith.addi %mul3A_967, %add3A_968 : i32
      %get3A_970 = arith.index_cast %add3A_969 : i32 to index
      %get3A_971 = tpu.vector_load %arg5[%get3A_970] {strides = array<i32>} : memref<26624xi32, #tpu.memory_space<vmem>>, vector<16xi32>,
      %eq3A_972 = arith.constant 0 : i32
      %eq3A_973 = vector.broadcast %eq3A_972 : i32 to vector<16xi32>
      %eq3A_974 = arith.cmpi eq, %get3A_971, %eq3A_973 : vector<16xi32>
      %all_reduce_population_count3A_975 = tpu.all_reduce %eq3A_974 {dim = 0 : i64, kind = #tpu.reduction_kind<sum>} : vector<16xi1> -> vector<16xi32>
      %add3A_976 = arith.addi %add3A_965, %all_reduce_population_count3A_975 : vector<16xi32>
      %mul3A_977 = arith.constant 208 : i32
      %mul3A_978 = arith.muli %add3A_853, %mul3A_977 : i32
      %add3A_979 = arith.constant 176 : i32
      %add3A_980 = arith.addi %mul3A_978, %add3A_979 : i32
      %get3A_981 = arith.index_cast %add3A_980 : i32 to index
      %get3A_982 = tpu.vector_load %arg5[%get3A_981] {strides = array<i32>} : memref<26624xi32, #tpu.memory_space<vmem>>, vector<16xi32>,
      %eq3A_983 = arith.constant 0 : i32
      %eq3A_984 = vector.broadcast %eq3A_983 : i32 to vector<16xi32>
      %eq3A_985 = arith.cmpi eq, %get3A_982, %eq3A_984 : vector<16xi32>
      %all_reduce_population_count3A_986 = tpu.all_reduce %eq3A_985 {dim = 0 : i64, kind = #tpu.reduction_kind<sum>} : vector<16xi1> -> vector<16xi32>
      %add3A_987 = arith.addi %add3A_976, %all_reduce_population_count3A_986 : vector<16xi32>
      %mul3A_988 = arith.constant 208 : i32
      %mul3A_989 = arith.muli %add3A_853, %mul3A_988 : i32
      %add3A_990 = arith.constant 192 : i32
      %add3A_991 = arith.addi %mul3A_989, %add3A_990 : i32
      %get3A_992 = arith.index_cast %add3A_991 : i32 to index
      %get3A_993 = tpu.vector_load %arg5[%get3A_992] {strides = array<i32>} : memref<26624xi32, #tpu.memory_space<vmem>>, vector<16xi32>,
      %eq3A_994 = arith.constant 0 : i32
      %eq3A_995 = vector.broadcast %eq3A_994 : i32 to vector<16xi32>
      %eq3A_996 = arith.cmpi eq, %get3A_993, %eq3A_995 : vector<16xi32>
      %all_reduce_population_count3A_997 = tpu.all_reduce %eq3A_996 {dim = 0 : i64, kind = #tpu.reduction_kind<sum>} : vector<16xi1> -> vector<16xi32>
      %add3A_998 = arith.addi %add3A_987, %all_reduce_population_count3A_997 : vector<16xi32>
      %dma_wait3A_999 = arith.constant 0 : i32
      %dma_wait3A_1000 = arith.constant 0 : i32
      %dma_wait3A_1001 = tpu.memref_slice %arg3[%dma_wait3A_999, %dma_wait3A_1000] : memref<1000000x64xbf16, #tpu.memory_space<hbm>> -> memref<208x64xbf16, #tpu.memory_space<hbm>>
      %dma_wait3A_1002 = arith.constant 0 : i32
      %dma_wait3A_1003 = arith.constant 0 : i32
      %dma_wait3A_1004 = tpu.memref_slice %arg3[%dma_wait3A_1002, %dma_wait3A_1003] : memref<1000000x64xbf16, #tpu.memory_space<hbm>> -> memref<208x64xbf16, #tpu.memory_space<hbm>>
      tpu.wait_dma2 semaphore(%arg14 : memref<!tpu.dma_semaphore, #tpu.memory_space<semaphore_mem>>) src(%dma_wait3A_1004 : memref<208x64xbf16, #tpu.memory_space<hbm>>) dst(%arg8 : memref<208x64xbf16, #tpu.memory_space<vmem>>)
      %broadcast_in_dim3A_1005 = arith.constant 0.000000e+00 : f32
      %broadcast_in_dim3A_1006 = vector.broadcast %broadcast_in_dim3A_1005 : f32 to vector<16xf32>
      %scan3A_1007 = arith.constant 0 : i32
      %scan3A_1008 = arith.constant 52 : i32
      %scan3A_1009 = arith.addi %scan3A_1007, %scan3A_1008 : i32
      %scan3A_1010 = arith.constant 1 : i32
      %scan3A_1011:4 = scf.for %scan3A_1272 = %scan3A_1007 to %scan3A_1009 step %scan3A_1010 iter_args(%scan3A_1273 = %broadcast_in_dim3A_1006, %scan3A_1274 = %broadcast_in_dim3A_1006, %scan3A_1275 = %broadcast_in_dim3A_1006, %scan3A_1276 = %broadcast_in_dim3A_1006) -> (vector<16xf32>, vector<16xf32>, vector<16xf32>, vector<16xf32>)  : i32 {
        %mul3A_1277 = arith.constant 4 : i32
        %mul3A_1278 = arith.muli %scan3A_1272, %mul3A_1277 : i32
        %add3A_1279 = arith.constant 0 : i32
        %add3A_1280 = arith.addi %mul3A_1278, %add3A_1279 : i32
        %get3A_1281 = arith.index_cast %add3A_1280 : i32 to index
        %get3A_1282 = arith.constant 0 : index
        %get3A_1283 = tpu.vector_load %arg8[%get3A_1281, %get3A_1282] {strides = array<i32>} : memref<208x64xbf16, #tpu.memory_space<vmem>>, vector<32xbf16>,
        %unpack3A_1284 = tpu.unpack_subelements %get3A_1283, 0 {pack_format = #tpu.pack_format<interleaved>} : vector<32xbf16> -> vector<16xf32>
        %unpack3A_1285 = tpu.unpack_subelements %get3A_1283, 1 {pack_format = #tpu.pack_format<interleaved>} : vector<32xbf16> -> vector<16xf32>
        %add3A_1286 = arith.constant 0 : i32
        %add3A_1287 = arith.addi %mul3A_1278, %add3A_1286 : i32
        %get3A_1288 = arith.index_cast %add3A_1287 : i32 to index
        %get3A_1289 = arith.constant 32 : index
        %get3A_1290 = tpu.vector_load %arg8[%get3A_1288, %get3A_1289] {strides = array<i32>} : memref<208x64xbf16, #tpu.memory_space<vmem>>, vector<32xbf16>,
        %unpack3A_1291 = tpu.unpack_subelements %get3A_1290, 0 {pack_format = #tpu.pack_format<interleaved>} : vector<32xbf16> -> vector<16xf32>
        %unpack3A_1292 = tpu.unpack_subelements %get3A_1290, 1 {pack_format = #tpu.pack_format<interleaved>} : vector<32xbf16> -> vector<16xf32>
        %add3A_1293 = arith.addf %scan3A_1273, %unpack3A_1284 : vector<16xf32>
        %add3A_1294 = arith.addf %scan3A_1274, %unpack3A_1285 : vector<16xf32>
        %add3A_1295 = arith.addf %scan3A_1275, %unpack3A_1291 : vector<16xf32>
        %add3A_1296 = arith.addf %scan3A_1276, %unpack3A_1292 : vector<16xf32>
        %add3A_1297 = arith.constant 1 : i32
        %add3A_1298 = arith.addi %mul3A_1278, %add3A_1297 : i32
        %get3A_1299 = arith.index_cast %add3A_1298 : i32 to index
        %get3A_1300 = arith.constant 0 : index
        %get3A_1301 = tpu.vector_load %arg8[%get3A_1299, %get3A_1300] {strides = array<i32>} : memref<208x64xbf16, #tpu.memory_space<vmem>>, vector<32xbf16>,
        %unpack3A_1302 = tpu.unpack_subelements %get3A_1301, 0 {pack_format = #tpu.pack_format<interleaved>} : vector<32xbf16> -> vector<16xf32>
        %unpack3A_1303 = tpu.unpack_subelements %get3A_1301, 1 {pack_format = #tpu.pack_format<interleaved>} : vector<32xbf16> -> vector<16xf32>
        %add3A_1304 = arith.constant 1 : i32
        %add3A_1305 = arith.addi %mul3A_1278, %add3A_1304 : i32
        %get3A_1306 = arith.index_cast %add3A_1305 : i32 to index
        %get3A_1307 = arith.constant 32 : index
        %get3A_1308 = tpu.vector_load %arg8[%get3A_1306, %get3A_1307] {strides = array<i32>} : memref<208x64xbf16, #tpu.memory_space<vmem>>, vector<32xbf16>,
        %unpack3A_1309 = tpu.unpack_subelements %get3A_1308, 0 {pack_format = #tpu.pack_format<interleaved>} : vector<32xbf16> -> vector<16xf32>
        %unpack3A_1310 = tpu.unpack_subelements %get3A_1308, 1 {pack_format = #tpu.pack_format<interleaved>} : vector<32xbf16> -> vector<16xf32>
        %add3A_1311 = arith.addf %add3A_1293, %unpack3A_1302 : vector<16xf32>
        %add3A_1312 = arith.addf %add3A_1294, %unpack3A_1303 : vector<16xf32>
        %add3A_1313 = arith.addf %add3A_1295, %unpack3A_1309 : vector<16xf32>
        %add3A_1314 = arith.addf %add3A_1296, %unpack3A_1310 : vector<16xf32>
        %add3A_1315 = arith.constant 2 : i32
        %add3A_1316 = arith.addi %mul3A_1278, %add3A_1315 : i32
        %get3A_1317 = arith.index_cast %add3A_1316 : i32 to index
        %get3A_1318 = arith.constant 0 : index
        %get3A_1319 = tpu.vector_load %arg8[%get3A_1317, %get3A_1318] {strides = array<i32>} : memref<208x64xbf16, #tpu.memory_space<vmem>>, vector<32xbf16>,
        %unpack3A_1320 = tpu.unpack_subelements %get3A_1319, 0 {pack_format = #tpu.pack_format<interleaved>} : vector<32xbf16> -> vector<16xf32>
        %unpack3A_1321 = tpu.unpack_subelements %get3A_1319, 1 {pack_format = #tpu.pack_format<interleaved>} : vector<32xbf16> -> vector<16xf32>
        %add3A_1322 = arith.constant 2 : i32
        %add3A_1323 = arith.addi %mul3A_1278, %add3A_1322 : i32
        %get3A_1324 = arith.index_cast %add3A_1323 : i32 to index
        %get3A_1325 = arith.constant 32 : index
        %get3A_1326 = tpu.vector_load %arg8[%get3A_1324, %get3A_1325] {strides = array<i32>} : memref<208x64xbf16, #tpu.memory_space<vmem>>, vector<32xbf16>,
        %unpack3A_1327 = tpu.unpack_subelements %get3A_1326, 0 {pack_format = #tpu.pack_format<interleaved>} : vector<32xbf16> -> vector<16xf32>
        %unpack3A_1328 = tpu.unpack_subelements %get3A_1326, 1 {pack_format = #tpu.pack_format<interleaved>} : vector<32xbf16> -> vector<16xf32>
        %add3A_1329 = arith.addf %add3A_1311, %unpack3A_1320 : vector<16xf32>
        %add3A_1330 = arith.addf %add3A_1312, %unpack3A_1321 : vector<16xf32>
        %add3A_1331 = arith.addf %add3A_1313, %unpack3A_1327 : vector<16xf32>
        %add3A_1332 = arith.addf %add3A_1314, %unpack3A_1328 : vector<16xf32>
        %add3A_1333 = arith.constant 3 : i32
        %add3A_1334 = arith.addi %mul3A_1278, %add3A_1333 : i32
        %get3A_1335 = arith.index_cast %add3A_1334 : i32 to index
        %get3A_1336 = arith.constant 0 : index
        %get3A_1337 = tpu.vector_load %arg8[%get3A_1335, %get3A_1336] {strides = array<i32>} : memref<208x64xbf16, #tpu.memory_space<vmem>>, vector<32xbf16>,
        %unpack3A_1338 = tpu.unpack_subelements %get3A_1337, 0 {pack_format = #tpu.pack_format<interleaved>} : vector<32xbf16> -> vector<16xf32>
        %unpack3A_1339 = tpu.unpack_subelements %get3A_1337, 1 {pack_format = #tpu.pack_format<interleaved>} : vector<32xbf16> -> vector<16xf32>
        %add3A_1340 = arith.constant 3 : i32
        %add3A_1341 = arith.addi %mul3A_1278, %add3A_1340 : i32
        %get3A_1342 = arith.index_cast %add3A_1341 : i32 to index
        %get3A_1343 = arith.constant 32 : index
        %get3A_1344 = tpu.vector_load %arg8[%get3A_1342, %get3A_1343] {strides = array<i32>} : memref<208x64xbf16, #tpu.memory_space<vmem>>, vector<32xbf16>,
        %unpack3A_1345 = tpu.unpack_subelements %get3A_1344, 0 {pack_format = #tpu.pack_format<interleaved>} : vector<32xbf16> -> vector<16xf32>
        %unpack3A_1346 = tpu.unpack_subelements %get3A_1344, 1 {pack_format = #tpu.pack_format<interleaved>} : vector<32xbf16> -> vector<16xf32>
        %add3A_1347 = arith.addf %add3A_1329, %unpack3A_1338 : vector<16xf32>
        %add3A_1348 = arith.addf %add3A_1330, %unpack3A_1339 : vector<16xf32>
        %add3A_1349 = arith.addf %add3A_1331, %unpack3A_1345 : vector<16xf32>
        %add3A_1350 = arith.addf %add3A_1332, %unpack3A_1346 : vector<16xf32>
        scf.yield %add3A_1347, %add3A_1348, %add3A_1349, %add3A_1350 : vector<16xf32>, vector<16xf32>, vector<16xf32>, vector<16xf32>
      }
      %scan3A_1012 = arith.constant 52 : i32
      %convert_element_type3A_1013 = arith.sitofp %add3A_998 : vector<16xi32> to vector<16xf32>
      %mul3A_1014 = arith.mulf %convert_element_type3A_1013, %unpack3A : vector<16xf32>
      %sub3A_1015 = arith.subf %scan3A_1011#0, %mul3A_1014 : vector<16xf32>
      %mul3A_1016 = vector.broadcast %scan3A_428 : f32 to vector<16xf32>
      %mul3A_1017 = arith.mulf %sub3A_1015, %mul3A_1016 : vector<16xf32>
      %mul3A_1018 = arith.constant 64 : i32
      %mul3A_1019 = arith.muli %add3A_853, %mul3A_1018 : i32
      %add3A_1020 = arith.constant 0 : i32
      %add3A_1021 = arith.addi %mul3A_1019, %add3A_1020 : i32
      %swap3A_1022 = arith.index_cast %add3A_1021 : i32 to index
      %swap3A_1023 = tpu.vector_load %arg11[%swap3A_1022] {strides = array<i32>} : memref<8192xf32, #tpu.memory_space<vmem>>, vector<16xf32>,
      tpu.vector_store %arg11[%swap3A_1022], %mul3A_1017 {strides = array<i32>} : memref<8192xf32, #tpu.memory_space<vmem>>, vector<16xf32>,
      %mul3A_1024 = arith.mulf %convert_element_type3A_1013, %unpack3A_6 : vector<16xf32>
      %sub3A_1025 = arith.subf %scan3A_1011#1, %mul3A_1024 : vector<16xf32>
      %mul3A_1026 = vector.broadcast %scan3A_428 : f32 to vector<16xf32>
      %mul3A_1027 = arith.mulf %sub3A_1025, %mul3A_1026 : vector<16xf32>
      %mul3A_1028 = arith.constant 64 : i32
      %mul3A_1029 = arith.muli %add3A_853, %mul3A_1028 : i32
      %add3A_1030 = arith.constant 16 : i32
      %add3A_1031 = arith.addi %mul3A_1029, %add3A_1030 : i32
      %swap3A_1032 = arith.index_cast %add3A_1031 : i32 to index
      %swap3A_1033 = tpu.vector_load %arg11[%swap3A_1032] {strides = array<i32>} : memref<8192xf32, #tpu.memory_space<vmem>>, vector<16xf32>,
      tpu.vector_store %arg11[%swap3A_1032], %mul3A_1027 {strides = array<i32>} : memref<8192xf32, #tpu.memory_space<vmem>>, vector<16xf32>,
      %mul3A_1034 = arith.mulf %convert_element_type3A_1013, %unpack3A_11 : vector<16xf32>
      %sub3A_1035 = arith.subf %scan3A_1011#2, %mul3A_1034 : vector<16xf32>
      %mul3A_1036 = vector.broadcast %scan3A_428 : f32 to vector<16xf32>
      %mul3A_1037 = arith.mulf %sub3A_1035, %mul3A_1036 : vector<16xf32>
      %mul3A_1038 = arith.constant 64 : i32
      %mul3A_1039 = arith.muli %add3A_853, %mul3A_1038 : i32
      %add3A_1040 = arith.constant 32 : i32
      %add3A_1041 = arith.addi %mul3A_1039, %add3A_1040 : i32
      %swap3A_1042 = arith.index_cast %add3A_1041 : i32 to index
      %swap3A_1043 = tpu.vector_load %arg11[%swap3A_1042] {strides = array<i32>} : memref<8192xf32, #tpu.memory_space<vmem>>, vector<16xf32>,
      tpu.vector_store %arg11[%swap3A_1042], %mul3A_1037 {strides = array<i32>} : memref<8192xf32, #tpu.memory_space<vmem>>, vector<16xf32>,
      %mul3A_1044 = arith.mulf %convert_element_type3A_1013, %unpack3A_12 : vector<16xf32>
      %sub3A_1045 = arith.subf %scan3A_1011#3, %mul3A_1044 : vector<16xf32>
      %mul3A_1046 = vector.broadcast %scan3A_428 : f32 to vector<16xf32>
      %mul3A_1047 = arith.mulf %sub3A_1045, %mul3A_1046 : vector<16xf32>
      %mul3A_1048 = arith.constant 64 : i32
      %mul3A_1049 = arith.muli %add3A_853, %mul3A_1048 : i32
      %add3A_1050 = arith.constant 48 : i32
      %add3A_1051 = arith.addi %mul3A_1049, %add3A_1050 : i32
      %swap3A_1052 = arith.index_cast %add3A_1051 : i32 to index
      %swap3A_1053 = tpu.vector_load %arg11[%swap3A_1052] {strides = array<i32>} : memref<8192xf32, #tpu.memory_space<vmem>>, vector<16xf32>,
      tpu.vector_store %arg11[%swap3A_1052], %mul3A_1047 {strides = array<i32>} : memref<8192xf32, #tpu.memory_space<vmem>>, vector<16xf32>,
      %add3A_1054 = arith.constant 4 : i32
      %add3A_1055 = arith.addi %add3A_853, %add3A_1054 : i32
      %lt3A_1056 = arith.constant 128 : i32
      %lt3A_1057 = arith.cmpi slt, %add3A_1055, %lt3A_1056 : i32
      %convert_element_type3A_1058 = arith.extui %lt3A_1057 : i1 to i32
      %cond3A_1059 = arith.constant 0 : i32
      %cond3A_1060 = arith.cmpi ne, %convert_element_type3A_1058, %cond3A_1059 : i32
      scf.if %cond3A_1060 {
        %add3A_1272 = arith.constant 4 : i32
        %add3A_1273 = arith.addi %add3A_853, %add3A_1272 : i32
        %mul3A_1274 = arith.constant 208 : i32
        %mul3A_1275 = arith.muli %add3A_1273, %mul3A_1274 : i32
        %add3A_1276 = arith.constant 0 : i32
        %add3A_1277 = arith.addi %mul3A_1275, %add3A_1276 : i32
        %get3A_1278 = arith.index_cast %add3A_1277 : i32 to index
        %get3A_1279 = tpu.vector_load %arg5[%get3A_1278] {strides = array<i32>} : memref<26624xi32, #tpu.memory_space<vmem>>, vector<16xi32>,
        %dma_start3A_1280 = arith.constant 0 : i32
        %dma_start3A_1281 = arith.constant 0 : i32
        %dma_start3A_1282 = tpu.memref_slice %arg8[%dma_start3A_1280, %dma_start3A_1281] : memref<208x64xbf16, #tpu.memory_space<vmem>> -> memref<16x64xbf16, #tpu.memory_space<vmem>>
        %dma_start3A_1283 = arith.constant 0 : i32
        %dma_start3A_1284 = arith.constant 0 : i32
        %dma_start3A_1285 = tpu.memref_slice %arg3[%dma_start3A_1283, %dma_start3A_1284] : memref<1000000x64xbf16, #tpu.memory_space<hbm>> -> memref<1000000x64xbf16, #tpu.memory_space<hbm>>
        tpu.enqueue_indirect_dma source(%dma_start3A_1285 : memref<1000000x64xbf16, #tpu.memory_space<hbm>>) target(%dma_start3A_1282 : memref<16x64xbf16, #tpu.memory_space<vmem>>) offsets(%get3A_1279 : vector<16xi32>) semaphore(%arg14 : memref<!tpu.dma_semaphore, #tpu.memory_space<semaphore_mem>>)
        %mul3A_1286 = arith.constant 208 : i32
        %mul3A_1287 = arith.muli %add3A_1273, %mul3A_1286 : i32
        %add3A_1288 = arith.constant 16 : i32
        %add3A_1289 = arith.addi %mul3A_1287, %add3A_1288 : i32
        %get3A_1290 = arith.index_cast %add3A_1289 : i32 to index
        %get3A_1291 = tpu.vector_load %arg5[%get3A_1290] {strides = array<i32>} : memref<26624xi32, #tpu.memory_space<vmem>>, vector<16xi32>,
        %dma_start3A_1292 = arith.constant 16 : i32
        %dma_start3A_1293 = arith.constant 0 : i32
        %dma_start3A_1294 = tpu.memref_slice %arg8[%dma_start3A_1292, %dma_start3A_1293] : memref<208x64xbf16, #tpu.memory_space<vmem>> -> memref<16x64xbf16, #tpu.memory_space<vmem>>
        %dma_start3A_1295 = arith.constant 0 : i32
        %dma_start3A_1296 = arith.constant 0 : i32
        %dma_start3A_1297 = tpu.memref_slice %arg3[%dma_start3A_1295, %dma_start3A_1296] : memref<1000000x64xbf16, #tpu.memory_space<hbm>> -> memref<1000000x64xbf16, #tpu.memory_space<hbm>>
        tpu.enqueue_indirect_dma source(%dma_start3A_1297 : memref<1000000x64xbf16, #tpu.memory_space<hbm>>) target(%dma_start3A_1294 : memref<16x64xbf16, #tpu.memory_space<vmem>>) offsets(%get3A_1291 : vector<16xi32>) semaphore(%arg14 : memref<!tpu.dma_semaphore, #tpu.memory_space<semaphore_mem>>)
        %mul3A_1298 = arith.constant 208 : i32
        %mul3A_1299 = arith.muli %add3A_1273, %mul3A_1298 : i32
        %add3A_1300 = arith.constant 32 : i32
        %add3A_1301 = arith.addi %mul3A_1299, %add3A_1300 : i32
        %get3A_1302 = arith.index_cast %add3A_1301 : i32 to index
        %get3A_1303 = tpu.vector_load %arg5[%get3A_1302] {strides = array<i32>} : memref<26624xi32, #tpu.memory_space<vmem>>, vector<16xi32>,
        %dma_start3A_1304 = arith.constant 32 : i32
        %dma_start3A_1305 = arith.constant 0 : i32
        %dma_start3A_1306 = tpu.memref_slice %arg8[%dma_start3A_1304, %dma_start3A_1305] : memref<208x64xbf16, #tpu.memory_space<vmem>> -> memref<16x64xbf16, #tpu.memory_space<vmem>>
        %dma_start3A_1307 = arith.constant 0 : i32
        %dma_start3A_1308 = arith.constant 0 : i32
        %dma_start3A_1309 = tpu.memref_slice %arg3[%dma_start3A_1307, %dma_start3A_1308] : memref<1000000x64xbf16, #tpu.memory_space<hbm>> -> memref<1000000x64xbf16, #tpu.memory_space<hbm>>
        tpu.enqueue_indirect_dma source(%dma_start3A_1309 : memref<1000000x64xbf16, #tpu.memory_space<hbm>>) target(%dma_start3A_1306 : memref<16x64xbf16, #tpu.memory_space<vmem>>) offsets(%get3A_1303 : vector<16xi32>) semaphore(%arg14 : memref<!tpu.dma_semaphore, #tpu.memory_space<semaphore_mem>>)
        %mul3A_1310 = arith.constant 208 : i32
        %mul3A_1311 = arith.muli %add3A_1273, %mul3A_1310 : i32
        %add3A_1312 = arith.constant 48 : i32
        %add3A_1313 = arith.addi %mul3A_1311, %add3A_1312 : i32
        %get3A_1314 = arith.index_cast %add3A_1313 : i32 to index
        %get3A_1315 = tpu.vector_load %arg5[%get3A_1314] {strides = array<i32>} : memref<26624xi32, #tpu.memory_space<vmem>>, vector<16xi32>,
        %dma_start3A_1316 = arith.constant 48 : i32
        %dma_start3A_1317 = arith.constant 0 : i32
        %dma_start3A_1318 = tpu.memref_slice %arg8[%dma_start3A_1316, %dma_start3A_1317] : memref<208x64xbf16, #tpu.memory_space<vmem>> -> memref<16x64xbf16, #tpu.memory_space<vmem>>
        %dma_start3A_1319 = arith.constant 0 : i32
        %dma_start3A_1320 = arith.constant 0 : i32
        %dma_start3A_1321 = tpu.memref_slice %arg3[%dma_start3A_1319, %dma_start3A_1320] : memref<1000000x64xbf16, #tpu.memory_space<hbm>> -> memref<1000000x64xbf16, #tpu.memory_space<hbm>>
        tpu.enqueue_indirect_dma source(%dma_start3A_1321 : memref<1000000x64xbf16, #tpu.memory_space<hbm>>) target(%dma_start3A_1318 : memref<16x64xbf16, #tpu.memory_space<vmem>>) offsets(%get3A_1315 : vector<16xi32>) semaphore(%arg14 : memref<!tpu.dma_semaphore, #tpu.memory_space<semaphore_mem>>)
        %mul3A_1322 = arith.constant 208 : i32
        %mul3A_1323 = arith.muli %add3A_1273, %mul3A_1322 : i32
        %add3A_1324 = arith.constant 64 : i32
        %add3A_1325 = arith.addi %mul3A_1323, %add3A_1324 : i32
        %get3A_1326 = arith.index_cast %add3A_1325 : i32 to index
        %get3A_1327 = tpu.vector_load %arg5[%get3A_1326] {strides = array<i32>} : memref<26624xi32, #tpu.memory_space<vmem>>, vector<16xi32>,
        %dma_start3A_1328 = arith.constant 64 : i32
        %dma_start3A_1329 = arith.constant 0 : i32
        %dma_start3A_1330 = tpu.memref_slice %arg8[%dma_start3A_1328, %dma_start3A_1329] : memref<208x64xbf16, #tpu.memory_space<vmem>> -> memref<16x64xbf16, #tpu.memory_space<vmem>>
        %dma_start3A_1331 = arith.constant 0 : i32
        %dma_start3A_1332 = arith.constant 0 : i32
        %dma_start3A_1333 = tpu.memref_slice %arg3[%dma_start3A_1331, %dma_start3A_1332] : memref<1000000x64xbf16, #tpu.memory_space<hbm>> -> memref<1000000x64xbf16, #tpu.memory_space<hbm>>
        tpu.enqueue_indirect_dma source(%dma_start3A_1333 : memref<1000000x64xbf16, #tpu.memory_space<hbm>>) target(%dma_start3A_1330 : memref<16x64xbf16, #tpu.memory_space<vmem>>) offsets(%get3A_1327 : vector<16xi32>) semaphore(%arg14 : memref<!tpu.dma_semaphore, #tpu.memory_space<semaphore_mem>>)
        %mul3A_1334 = arith.constant 208 : i32
        %mul3A_1335 = arith.muli %add3A_1273, %mul3A_1334 : i32
        %add3A_1336 = arith.constant 80 : i32
        %add3A_1337 = arith.addi %mul3A_1335, %add3A_1336 : i32
        %get3A_1338 = arith.index_cast %add3A_1337 : i32 to index
        %get3A_1339 = tpu.vector_load %arg5[%get3A_1338] {strides = array<i32>} : memref<26624xi32, #tpu.memory_space<vmem>>, vector<16xi32>,
        %dma_start3A_1340 = arith.constant 80 : i32
        %dma_start3A_1341 = arith.constant 0 : i32
        %dma_start3A_1342 = tpu.memref_slice %arg8[%dma_start3A_1340, %dma_start3A_1341] : memref<208x64xbf16, #tpu.memory_space<vmem>> -> memref<16x64xbf16, #tpu.memory_space<vmem>>
        %dma_start3A_1343 = arith.constant 0 : i32
        %dma_start3A_1344 = arith.constant 0 : i32
        %dma_start3A_1345 = tpu.memref_slice %arg3[%dma_start3A_1343, %dma_start3A_1344] : memref<1000000x64xbf16, #tpu.memory_space<hbm>> -> memref<1000000x64xbf16, #tpu.memory_space<hbm>>
        tpu.enqueue_indirect_dma source(%dma_start3A_1345 : memref<1000000x64xbf16, #tpu.memory_space<hbm>>) target(%dma_start3A_1342 : memref<16x64xbf16, #tpu.memory_space<vmem>>) offsets(%get3A_1339 : vector<16xi32>) semaphore(%arg14 : memref<!tpu.dma_semaphore, #tpu.memory_space<semaphore_mem>>)
        %mul3A_1346 = arith.constant 208 : i32
        %mul3A_1347 = arith.muli %add3A_1273, %mul3A_1346 : i32
        %add3A_1348 = arith.constant 96 : i32
        %add3A_1349 = arith.addi %mul3A_1347, %add3A_1348 : i32
        %get3A_1350 = arith.index_cast %add3A_1349 : i32 to index
        %get3A_1351 = tpu.vector_load %arg5[%get3A_1350] {strides = array<i32>} : memref<26624xi32, #tpu.memory_space<vmem>>, vector<16xi32>,
        %dma_start3A_1352 = arith.constant 96 : i32
        %dma_start3A_1353 = arith.constant 0 : i32
        %dma_start3A_1354 = tpu.memref_slice %arg8[%dma_start3A_1352, %dma_start3A_1353] : memref<208x64xbf16, #tpu.memory_space<vmem>> -> memref<16x64xbf16, #tpu.memory_space<vmem>>
        %dma_start3A_1355 = arith.constant 0 : i32
        %dma_start3A_1356 = arith.constant 0 : i32
        %dma_start3A_1357 = tpu.memref_slice %arg3[%dma_start3A_1355, %dma_start3A_1356] : memref<1000000x64xbf16, #tpu.memory_space<hbm>> -> memref<1000000x64xbf16, #tpu.memory_space<hbm>>
        tpu.enqueue_indirect_dma source(%dma_start3A_1357 : memref<1000000x64xbf16, #tpu.memory_space<hbm>>) target(%dma_start3A_1354 : memref<16x64xbf16, #tpu.memory_space<vmem>>) offsets(%get3A_1351 : vector<16xi32>) semaphore(%arg14 : memref<!tpu.dma_semaphore, #tpu.memory_space<semaphore_mem>>)
        %mul3A_1358 = arith.constant 208 : i32
        %mul3A_1359 = arith.muli %add3A_1273, %mul3A_1358 : i32
        %add3A_1360 = arith.constant 112 : i32
        %add3A_1361 = arith.addi %mul3A_1359, %add3A_1360 : i32
        %get3A_1362 = arith.index_cast %add3A_1361 : i32 to index
        %get3A_1363 = tpu.vector_load %arg5[%get3A_1362] {strides = array<i32>} : memref<26624xi32, #tpu.memory_space<vmem>>, vector<16xi32>,
        %dma_start3A_1364 = arith.constant 112 : i32
        %dma_start3A_1365 = arith.constant 0 : i32
        %dma_start3A_1366 = tpu.memref_slice %arg8[%dma_start3A_1364, %dma_start3A_1365] : memref<208x64xbf16, #tpu.memory_space<vmem>> -> memref<16x64xbf16, #tpu.memory_space<vmem>>
        %dma_start3A_1367 = arith.constant 0 : i32
        %dma_start3A_1368 = arith.constant 0 : i32
        %dma_start3A_1369 = tpu.memref_slice %arg3[%dma_start3A_1367, %dma_start3A_1368] : memref<1000000x64xbf16, #tpu.memory_space<hbm>> -> memref<1000000x64xbf16, #tpu.memory_space<hbm>>
        tpu.enqueue_indirect_dma source(%dma_start3A_1369 : memref<1000000x64xbf16, #tpu.memory_space<hbm>>) target(%dma_start3A_1366 : memref<16x64xbf16, #tpu.memory_space<vmem>>) offsets(%get3A_1363 : vector<16xi32>) semaphore(%arg14 : memref<!tpu.dma_semaphore, #tpu.memory_space<semaphore_mem>>)
        %mul3A_1370 = arith.constant 208 : i32
        %mul3A_1371 = arith.muli %add3A_1273, %mul3A_1370 : i32
        %add3A_1372 = arith.constant 128 : i32
        %add3A_1373 = arith.addi %mul3A_1371, %add3A_1372 : i32
        %get3A_1374 = arith.index_cast %add3A_1373 : i32 to index
        %get3A_1375 = tpu.vector_load %arg5[%get3A_1374] {strides = array<i32>} : memref<26624xi32, #tpu.memory_space<vmem>>, vector<16xi32>,
        %dma_start3A_1376 = arith.constant 128 : i32
        %dma_start3A_1377 = arith.constant 0 : i32
        %dma_start3A_1378 = tpu.memref_slice %arg8[%dma_start3A_1376, %dma_start3A_1377] : memref<208x64xbf16, #tpu.memory_space<vmem>> -> memref<16x64xbf16, #tpu.memory_space<vmem>>
        %dma_start3A_1379 = arith.constant 0 : i32
        %dma_start3A_1380 = arith.constant 0 : i32
        %dma_start3A_1381 = tpu.memref_slice %arg3[%dma_start3A_1379, %dma_start3A_1380] : memref<1000000x64xbf16, #tpu.memory_space<hbm>> -> memref<1000000x64xbf16, #tpu.memory_space<hbm>>
        tpu.enqueue_indirect_dma source(%dma_start3A_1381 : memref<1000000x64xbf16, #tpu.memory_space<hbm>>) target(%dma_start3A_1378 : memref<16x64xbf16, #tpu.memory_space<vmem>>) offsets(%get3A_1375 : vector<16xi32>) semaphore(%arg14 : memref<!tpu.dma_semaphore, #tpu.memory_space<semaphore_mem>>)
        %mul3A_1382 = arith.constant 208 : i32
        %mul3A_1383 = arith.muli %add3A_1273, %mul3A_1382 : i32
        %add3A_1384 = arith.constant 144 : i32
        %add3A_1385 = arith.addi %mul3A_1383, %add3A_1384 : i32
        %get3A_1386 = arith.index_cast %add3A_1385 : i32 to index
        %get3A_1387 = tpu.vector_load %arg5[%get3A_1386] {strides = array<i32>} : memref<26624xi32, #tpu.memory_space<vmem>>, vector<16xi32>,
        %dma_start3A_1388 = arith.constant 144 : i32
        %dma_start3A_1389 = arith.constant 0 : i32
        %dma_start3A_1390 = tpu.memref_slice %arg8[%dma_start3A_1388, %dma_start3A_1389] : memref<208x64xbf16, #tpu.memory_space<vmem>> -> memref<16x64xbf16, #tpu.memory_space<vmem>>
        %dma_start3A_1391 = arith.constant 0 : i32
        %dma_start3A_1392 = arith.constant 0 : i32
        %dma_start3A_1393 = tpu.memref_slice %arg3[%dma_start3A_1391, %dma_start3A_1392] : memref<1000000x64xbf16, #tpu.memory_space<hbm>> -> memref<1000000x64xbf16, #tpu.memory_space<hbm>>
        tpu.enqueue_indirect_dma source(%dma_start3A_1393 : memref<1000000x64xbf16, #tpu.memory_space<hbm>>) target(%dma_start3A_1390 : memref<16x64xbf16, #tpu.memory_space<vmem>>) offsets(%get3A_1387 : vector<16xi32>) semaphore(%arg14 : memref<!tpu.dma_semaphore, #tpu.memory_space<semaphore_mem>>)
        %mul3A_1394 = arith.constant 208 : i32
        %mul3A_1395 = arith.muli %add3A_1273, %mul3A_1394 : i32
        %add3A_1396 = arith.constant 160 : i32
        %add3A_1397 = arith.addi %mul3A_1395, %add3A_1396 : i32
        %get3A_1398 = arith.index_cast %add3A_1397 : i32 to index
        %get3A_1399 = tpu.vector_load %arg5[%get3A_1398] {strides = array<i32>} : memref<26624xi32, #tpu.memory_space<vmem>>, vector<16xi32>,
        %dma_start3A_1400 = arith.constant 160 : i32
        %dma_start3A_1401 = arith.constant 0 : i32
        %dma_start3A_1402 = tpu.memref_slice %arg8[%dma_start3A_1400, %dma_start3A_1401] : memref<208x64xbf16, #tpu.memory_space<vmem>> -> memref<16x64xbf16, #tpu.memory_space<vmem>>
        %dma_start3A_1403 = arith.constant 0 : i32
        %dma_start3A_1404 = arith.constant 0 : i32
        %dma_start3A_1405 = tpu.memref_slice %arg3[%dma_start3A_1403, %dma_start3A_1404] : memref<1000000x64xbf16, #tpu.memory_space<hbm>> -> memref<1000000x64xbf16, #tpu.memory_space<hbm>>
        tpu.enqueue_indirect_dma source(%dma_start3A_1405 : memref<1000000x64xbf16, #tpu.memory_space<hbm>>) target(%dma_start3A_1402 : memref<16x64xbf16, #tpu.memory_space<vmem>>) offsets(%get3A_1399 : vector<16xi32>) semaphore(%arg14 : memref<!tpu.dma_semaphore, #tpu.memory_space<semaphore_mem>>)
        %mul3A_1406 = arith.constant 208 : i32
        %mul3A_1407 = arith.muli %add3A_1273, %mul3A_1406 : i32
        %add3A_1408 = arith.constant 176 : i32
        %add3A_1409 = arith.addi %mul3A_1407, %add3A_1408 : i32
        %get3A_1410 = arith.index_cast %add3A_1409 : i32 to index
        %get3A_1411 = tpu.vector_load %arg5[%get3A_1410] {strides = array<i32>} : memref<26624xi32, #tpu.memory_space<vmem>>, vector<16xi32>,
        %dma_start3A_1412 = arith.constant 176 : i32
        %dma_start3A_1413 = arith.constant 0 : i32
        %dma_start3A_1414 = tpu.memref_slice %arg8[%dma_start3A_1412, %dma_start3A_1413] : memref<208x64xbf16, #tpu.memory_space<vmem>> -> memref<16x64xbf16, #tpu.memory_space<vmem>>
        %dma_start3A_1415 = arith.constant 0 : i32
        %dma_start3A_1416 = arith.constant 0 : i32
        %dma_start3A_1417 = tpu.memref_slice %arg3[%dma_start3A_1415, %dma_start3A_1416] : memref<1000000x64xbf16, #tpu.memory_space<hbm>> -> memref<1000000x64xbf16, #tpu.memory_space<hbm>>
        tpu.enqueue_indirect_dma source(%dma_start3A_1417 : memref<1000000x64xbf16, #tpu.memory_space<hbm>>) target(%dma_start3A_1414 : memref<16x64xbf16, #tpu.memory_space<vmem>>) offsets(%get3A_1411 : vector<16xi32>) semaphore(%arg14 : memref<!tpu.dma_semaphore, #tpu.memory_space<semaphore_mem>>)
        %mul3A_1418 = arith.constant 208 : i32
        %mul3A_1419 = arith.muli %add3A_1273, %mul3A_1418 : i32
        %add3A_1420 = arith.constant 192 : i32
        %add3A_1421 = arith.addi %mul3A_1419, %add3A_1420 : i32
        %get3A_1422 = arith.index_cast %add3A_1421 : i32 to index
        %get3A_1423 = tpu.vector_load %arg5[%get3A_1422] {strides = array<i32>} : memref<26624xi32, #tpu.memory_space<vmem>>, vector<16xi32>,
        %dma_start3A_1424 = arith.constant 192 : i32
        %dma_start3A_1425 = arith.constant 0 : i32
        %dma_start3A_1426 = tpu.memref_slice %arg8[%dma_start3A_1424, %dma_start3A_1425] : memref<208x64xbf16, #tpu.memory_space<vmem>> -> memref<16x64xbf16, #tpu.memory_space<vmem>>
        %dma_start3A_1427 = arith.constant 0 : i32
        %dma_start3A_1428 = arith.constant 0 : i32
        %dma_start3A_1429 = tpu.memref_slice %arg3[%dma_start3A_1427, %dma_start3A_1428] : memref<1000000x64xbf16, #tpu.memory_space<hbm>> -> memref<1000000x64xbf16, #tpu.memory_space<hbm>>
        tpu.enqueue_indirect_dma source(%dma_start3A_1429 : memref<1000000x64xbf16, #tpu.memory_space<hbm>>) target(%dma_start3A_1426 : memref<16x64xbf16, #tpu.memory_space<vmem>>) offsets(%get3A_1423 : vector<16xi32>) semaphore(%arg14 : memref<!tpu.dma_semaphore, #tpu.memory_space<semaphore_mem>>)
      } else {
      }
      %mul3A_1061 = arith.constant 4 : i32
      %mul3A_1062 = arith.muli %mul3A_1061, %scan3A_436 : i32
      %add3A_1063 = arith.constant 3 : i32
      %add3A_1064 = arith.addi %mul3A_1062, %add3A_1063 : i32
      %broadcast_in_dim3A_1065 = arith.constant 0 : i32
      %broadcast_in_dim3A_1066 = vector.broadcast %broadcast_in_dim3A_1065 : i32 to vector<16xi32>
      %mul3A_1067 = arith.constant 208 : i32
      %mul3A_1068 = arith.muli %add3A_1064, %mul3A_1067 : i32
      %add3A_1069 = arith.constant 0 : i32
      %add3A_1070 = arith.addi %mul3A_1068, %add3A_1069 : i32
      %get3A_1071 = arith.index_cast %add3A_1070 : i32 to index
      %get3A_1072 = tpu.vector_load %arg5[%get3A_1071] {strides = array<i32>} : memref<26624xi32, #tpu.memory_space<vmem>>, vector<16xi32>,
      %eq3A_1073 = arith.constant 0 : i32
      %eq3A_1074 = vector.broadcast %eq3A_1073 : i32 to vector<16xi32>
      %eq3A_1075 = arith.cmpi eq, %get3A_1072, %eq3A_1074 : vector<16xi32>
      %all_reduce_population_count3A_1076 = tpu.all_reduce %eq3A_1075 {dim = 0 : i64, kind = #tpu.reduction_kind<sum>} : vector<16xi1> -> vector<16xi32>
      %add3A_1077 = arith.addi %broadcast_in_dim3A_1066, %all_reduce_population_count3A_1076 : vector<16xi32>
      %mul3A_1078 = arith.constant 208 : i32
      %mul3A_1079 = arith.muli %add3A_1064, %mul3A_1078 : i32
      %add3A_1080 = arith.constant 16 : i32
      %add3A_1081 = arith.addi %mul3A_1079, %add3A_1080 : i32
      %get3A_1082 = arith.index_cast %add3A_1081 : i32 to index
      %get3A_1083 = tpu.vector_load %arg5[%get3A_1082] {strides = array<i32>} : memref<26624xi32, #tpu.memory_space<vmem>>, vector<16xi32>,
      %eq3A_1084 = arith.constant 0 : i32
      %eq3A_1085 = vector.broadcast %eq3A_1084 : i32 to vector<16xi32>
      %eq3A_1086 = arith.cmpi eq, %get3A_1083, %eq3A_1085 : vector<16xi32>
      %all_reduce_population_count3A_1087 = tpu.all_reduce %eq3A_1086 {dim = 0 : i64, kind = #tpu.reduction_kind<sum>} : vector<16xi1> -> vector<16xi32>
      %add3A_1088 = arith.addi %add3A_1077, %all_reduce_population_count3A_1087 : vector<16xi32>
      %mul3A_1089 = arith.constant 208 : i32
      %mul3A_1090 = arith.muli %add3A_1064, %mul3A_1089 : i32
      %add3A_1091 = arith.constant 32 : i32
      %add3A_1092 = arith.addi %mul3A_1090, %add3A_1091 : i32
      %get3A_1093 = arith.index_cast %add3A_1092 : i32 to index
      %get3A_1094 = tpu.vector_load %arg5[%get3A_1093] {strides = array<i32>} : memref<26624xi32, #tpu.memory_space<vmem>>, vector<16xi32>,
      %eq3A_1095 = arith.constant 0 : i32
      %eq3A_1096 = vector.broadcast %eq3A_1095 : i32 to vector<16xi32>
      %eq3A_1097 = arith.cmpi eq, %get3A_1094, %eq3A_1096 : vector<16xi32>
      %all_reduce_population_count3A_1098 = tpu.all_reduce %eq3A_1097 {dim = 0 : i64, kind = #tpu.reduction_kind<sum>} : vector<16xi1> -> vector<16xi32>
      %add3A_1099 = arith.addi %add3A_1088, %all_reduce_population_count3A_1098 : vector<16xi32>
      %mul3A_1100 = arith.constant 208 : i32
      %mul3A_1101 = arith.muli %add3A_1064, %mul3A_1100 : i32
      %add3A_1102 = arith.constant 48 : i32
      %add3A_1103 = arith.addi %mul3A_1101, %add3A_1102 : i32
      %get3A_1104 = arith.index_cast %add3A_1103 : i32 to index
      %get3A_1105 = tpu.vector_load %arg5[%get3A_1104] {strides = array<i32>} : memref<26624xi32, #tpu.memory_space<vmem>>, vector<16xi32>,
      %eq3A_1106 = arith.constant 0 : i32
      %eq3A_1107 = vector.broadcast %eq3A_1106 : i32 to vector<16xi32>
      %eq3A_1108 = arith.cmpi eq, %get3A_1105, %eq3A_1107 : vector<16xi32>
      %all_reduce_population_count3A_1109 = tpu.all_reduce %eq3A_1108 {dim = 0 : i64, kind = #tpu.reduction_kind<sum>} : vector<16xi1> -> vector<16xi32>
      %add3A_1110 = arith.addi %add3A_1099, %all_reduce_population_count3A_1109 : vector<16xi32>
      %mul3A_1111 = arith.constant 208 : i32
      %mul3A_1112 = arith.muli %add3A_1064, %mul3A_1111 : i32
      %add3A_1113 = arith.constant 64 : i32
      %add3A_1114 = arith.addi %mul3A_1112, %add3A_1113 : i32
      %get3A_1115 = arith.index_cast %add3A_1114 : i32 to index
      %get3A_1116 = tpu.vector_load %arg5[%get3A_1115] {strides = array<i32>} : memref<26624xi32, #tpu.memory_space<vmem>>, vector<16xi32>,
      %eq3A_1117 = arith.constant 0 : i32
      %eq3A_1118 = vector.broadcast %eq3A_1117 : i32 to vector<16xi32>
      %eq3A_1119 = arith.cmpi eq, %get3A_1116, %eq3A_1118 : vector<16xi32>
      %all_reduce_population_count3A_1120 = tpu.all_reduce %eq3A_1119 {dim = 0 : i64, kind = #tpu.reduction_kind<sum>} : vector<16xi1> -> vector<16xi32>
      %add3A_1121 = arith.addi %add3A_1110, %all_reduce_population_count3A_1120 : vector<16xi32>
      %mul3A_1122 = arith.constant 208 : i32
      %mul3A_1123 = arith.muli %add3A_1064, %mul3A_1122 : i32
      %add3A_1124 = arith.constant 80 : i32
      %add3A_1125 = arith.addi %mul3A_1123, %add3A_1124 : i32
      %get3A_1126 = arith.index_cast %add3A_1125 : i32 to index
      %get3A_1127 = tpu.vector_load %arg5[%get3A_1126] {strides = array<i32>} : memref<26624xi32, #tpu.memory_space<vmem>>, vector<16xi32>,
      %eq3A_1128 = arith.constant 0 : i32
      %eq3A_1129 = vector.broadcast %eq3A_1128 : i32 to vector<16xi32>
      %eq3A_1130 = arith.cmpi eq, %get3A_1127, %eq3A_1129 : vector<16xi32>
      %all_reduce_population_count3A_1131 = tpu.all_reduce %eq3A_1130 {dim = 0 : i64, kind = #tpu.reduction_kind<sum>} : vector<16xi1> -> vector<16xi32>
      %add3A_1132 = arith.addi %add3A_1121, %all_reduce_population_count3A_1131 : vector<16xi32>
      %mul3A_1133 = arith.constant 208 : i32
      %mul3A_1134 = arith.muli %add3A_1064, %mul3A_1133 : i32
      %add3A_1135 = arith.constant 96 : i32
      %add3A_1136 = arith.addi %mul3A_1134, %add3A_1135 : i32
      %get3A_1137 = arith.index_cast %add3A_1136 : i32 to index
      %get3A_1138 = tpu.vector_load %arg5[%get3A_1137] {strides = array<i32>} : memref<26624xi32, #tpu.memory_space<vmem>>, vector<16xi32>,
      %eq3A_1139 = arith.constant 0 : i32
      %eq3A_1140 = vector.broadcast %eq3A_1139 : i32 to vector<16xi32>
      %eq3A_1141 = arith.cmpi eq, %get3A_1138, %eq3A_1140 : vector<16xi32>
      %all_reduce_population_count3A_1142 = tpu.all_reduce %eq3A_1141 {dim = 0 : i64, kind = #tpu.reduction_kind<sum>} : vector<16xi1> -> vector<16xi32>
      %add3A_1143 = arith.addi %add3A_1132, %all_reduce_population_count3A_1142 : vector<16xi32>
      %mul3A_1144 = arith.constant 208 : i32
      %mul3A_1145 = arith.muli %add3A_1064, %mul3A_1144 : i32
      %add3A_1146 = arith.constant 112 : i32
      %add3A_1147 = arith.addi %mul3A_1145, %add3A_1146 : i32
      %get3A_1148 = arith.index_cast %add3A_1147 : i32 to index
      %get3A_1149 = tpu.vector_load %arg5[%get3A_1148] {strides = array<i32>} : memref<26624xi32, #tpu.memory_space<vmem>>, vector<16xi32>,
      %eq3A_1150 = arith.constant 0 : i32
      %eq3A_1151 = vector.broadcast %eq3A_1150 : i32 to vector<16xi32>
      %eq3A_1152 = arith.cmpi eq, %get3A_1149, %eq3A_1151 : vector<16xi32>
      %all_reduce_population_count3A_1153 = tpu.all_reduce %eq3A_1152 {dim = 0 : i64, kind = #tpu.reduction_kind<sum>} : vector<16xi1> -> vector<16xi32>
      %add3A_1154 = arith.addi %add3A_1143, %all_reduce_population_count3A_1153 : vector<16xi32>
      %mul3A_1155 = arith.constant 208 : i32
      %mul3A_1156 = arith.muli %add3A_1064, %mul3A_1155 : i32
      %add3A_1157 = arith.constant 128 : i32
      %add3A_1158 = arith.addi %mul3A_1156, %add3A_1157 : i32
      %get3A_1159 = arith.index_cast %add3A_1158 : i32 to index
      %get3A_1160 = tpu.vector_load %arg5[%get3A_1159] {strides = array<i32>} : memref<26624xi32, #tpu.memory_space<vmem>>, vector<16xi32>,
      %eq3A_1161 = arith.constant 0 : i32
      %eq3A_1162 = vector.broadcast %eq3A_1161 : i32 to vector<16xi32>
      %eq3A_1163 = arith.cmpi eq, %get3A_1160, %eq3A_1162 : vector<16xi32>
      %all_reduce_population_count3A_1164 = tpu.all_reduce %eq3A_1163 {dim = 0 : i64, kind = #tpu.reduction_kind<sum>} : vector<16xi1> -> vector<16xi32>
      %add3A_1165 = arith.addi %add3A_1154, %all_reduce_population_count3A_1164 : vector<16xi32>
      %mul3A_1166 = arith.constant 208 : i32
      %mul3A_1167 = arith.muli %add3A_1064, %mul3A_1166 : i32
      %add3A_1168 = arith.constant 144 : i32
      %add3A_1169 = arith.addi %mul3A_1167, %add3A_1168 : i32
      %get3A_1170 = arith.index_cast %add3A_1169 : i32 to index
      %get3A_1171 = tpu.vector_load %arg5[%get3A_1170] {strides = array<i32>} : memref<26624xi32, #tpu.memory_space<vmem>>, vector<16xi32>,
      %eq3A_1172 = arith.constant 0 : i32
      %eq3A_1173 = vector.broadcast %eq3A_1172 : i32 to vector<16xi32>
      %eq3A_1174 = arith.cmpi eq, %get3A_1171, %eq3A_1173 : vector<16xi32>
      %all_reduce_population_count3A_1175 = tpu.all_reduce %eq3A_1174 {dim = 0 : i64, kind = #tpu.reduction_kind<sum>} : vector<16xi1> -> vector<16xi32>
      %add3A_1176 = arith.addi %add3A_1165, %all_reduce_population_count3A_1175 : vector<16xi32>
      %mul3A_1177 = arith.constant 208 : i32
      %mul3A_1178 = arith.muli %add3A_1064, %mul3A_1177 : i32
      %add3A_1179 = arith.constant 160 : i32
      %add3A_1180 = arith.addi %mul3A_1178, %add3A_1179 : i32
      %get3A_1181 = arith.index_cast %add3A_1180 : i32 to index
      %get3A_1182 = tpu.vector_load %arg5[%get3A_1181] {strides = array<i32>} : memref<26624xi32, #tpu.memory_space<vmem>>, vector<16xi32>,
      %eq3A_1183 = arith.constant 0 : i32
      %eq3A_1184 = vector.broadcast %eq3A_1183 : i32 to vector<16xi32>
      %eq3A_1185 = arith.cmpi eq, %get3A_1182, %eq3A_1184 : vector<16xi32>
      %all_reduce_population_count3A_1186 = tpu.all_reduce %eq3A_1185 {dim = 0 : i64, kind = #tpu.reduction_kind<sum>} : vector<16xi1> -> vector<16xi32>
      %add3A_1187 = arith.addi %add3A_1176, %all_reduce_population_count3A_1186 : vector<16xi32>
      %mul3A_1188 = arith.constant 208 : i32
      %mul3A_1189 = arith.muli %add3A_1064, %mul3A_1188 : i32
      %add3A_1190 = arith.constant 176 : i32
      %add3A_1191 = arith.addi %mul3A_1189, %add3A_1190 : i32
      %get3A_1192 = arith.index_cast %add3A_1191 : i32 to index
      %get3A_1193 = tpu.vector_load %arg5[%get3A_1192] {strides = array<i32>} : memref<26624xi32, #tpu.memory_space<vmem>>, vector<16xi32>,
      %eq3A_1194 = arith.constant 0 : i32
      %eq3A_1195 = vector.broadcast %eq3A_1194 : i32 to vector<16xi32>
      %eq3A_1196 = arith.cmpi eq, %get3A_1193, %eq3A_1195 : vector<16xi32>
      %all_reduce_population_count3A_1197 = tpu.all_reduce %eq3A_1196 {dim = 0 : i64, kind = #tpu.reduction_kind<sum>} : vector<16xi1> -> vector<16xi32>
      %add3A_1198 = arith.addi %add3A_1187, %all_reduce_population_count3A_1197 : vector<16xi32>
      %mul3A_1199 = arith.constant 208 : i32
      %mul3A_1200 = arith.muli %add3A_1064, %mul3A_1199 : i32
      %add3A_1201 = arith.constant 192 : i32
      %add3A_1202 = arith.addi %mul3A_1200, %add3A_1201 : i32
      %get3A_1203 = arith.index_cast %add3A_1202 : i32 to index
      %get3A_1204 = tpu.vector_load %arg5[%get3A_1203] {strides = array<i32>} : memref<26624xi32, #tpu.memory_space<vmem>>, vector<16xi32>,
      %eq3A_1205 = arith.constant 0 : i32
      %eq3A_1206 = vector.broadcast %eq3A_1205 : i32 to vector<16xi32>
      %eq3A_1207 = arith.cmpi eq, %get3A_1204, %eq3A_1206 : vector<16xi32>
      %all_reduce_population_count3A_1208 = tpu.all_reduce %eq3A_1207 {dim = 0 : i64, kind = #tpu.reduction_kind<sum>} : vector<16xi1> -> vector<16xi32>
      %add3A_1209 = arith.addi %add3A_1198, %all_reduce_population_count3A_1208 : vector<16xi32>
      %dma_wait3A_1210 = arith.constant 0 : i32
      %dma_wait3A_1211 = arith.constant 0 : i32
      %dma_wait3A_1212 = tpu.memref_slice %arg3[%dma_wait3A_1210, %dma_wait3A_1211] : memref<1000000x64xbf16, #tpu.memory_space<hbm>> -> memref<208x64xbf16, #tpu.memory_space<hbm>>
      %dma_wait3A_1213 = arith.constant 0 : i32
      %dma_wait3A_1214 = arith.constant 0 : i32
      %dma_wait3A_1215 = tpu.memref_slice %arg3[%dma_wait3A_1213, %dma_wait3A_1214] : memref<1000000x64xbf16, #tpu.memory_space<hbm>> -> memref<208x64xbf16, #tpu.memory_space<hbm>>
      tpu.wait_dma2 semaphore(%arg15 : memref<!tpu.dma_semaphore, #tpu.memory_space<semaphore_mem>>) src(%dma_wait3A_1215 : memref<208x64xbf16, #tpu.memory_space<hbm>>) dst(%arg9 : memref<208x64xbf16, #tpu.memory_space<vmem>>)
      %broadcast_in_dim3A_1216 = arith.constant 0.000000e+00 : f32
      %broadcast_in_dim3A_1217 = vector.broadcast %broadcast_in_dim3A_1216 : f32 to vector<16xf32>
      %scan3A_1218 = arith.constant 0 : i32
      %scan3A_1219 = arith.constant 52 : i32
      %scan3A_1220 = arith.addi %scan3A_1218, %scan3A_1219 : i32
      %scan3A_1221 = arith.constant 1 : i32
      %scan3A_1222:4 = scf.for %scan3A_1272 = %scan3A_1218 to %scan3A_1220 step %scan3A_1221 iter_args(%scan3A_1273 = %broadcast_in_dim3A_1217, %scan3A_1274 = %broadcast_in_dim3A_1217, %scan3A_1275 = %broadcast_in_dim3A_1217, %scan3A_1276 = %broadcast_in_dim3A_1217) -> (vector<16xf32>, vector<16xf32>, vector<16xf32>, vector<16xf32>)  : i32 {
        %mul3A_1277 = arith.constant 4 : i32
        %mul3A_1278 = arith.muli %scan3A_1272, %mul3A_1277 : i32
        %add3A_1279 = arith.constant 0 : i32
        %add3A_1280 = arith.addi %mul3A_1278, %add3A_1279 : i32
        %get3A_1281 = arith.index_cast %add3A_1280 : i32 to index
        %get3A_1282 = arith.constant 0 : index
        %get3A_1283 = tpu.vector_load %arg9[%get3A_1281, %get3A_1282] {strides = array<i32>} : memref<208x64xbf16, #tpu.memory_space<vmem>>, vector<32xbf16>,
        %unpack3A_1284 = tpu.unpack_subelements %get3A_1283, 0 {pack_format = #tpu.pack_format<interleaved>} : vector<32xbf16> -> vector<16xf32>
        %unpack3A_1285 = tpu.unpack_subelements %get3A_1283, 1 {pack_format = #tpu.pack_format<interleaved>} : vector<32xbf16> -> vector<16xf32>
        %add3A_1286 = arith.constant 0 : i32
        %add3A_1287 = arith.addi %mul3A_1278, %add3A_1286 : i32
        %get3A_1288 = arith.index_cast %add3A_1287 : i32 to index
        %get3A_1289 = arith.constant 32 : index
        %get3A_1290 = tpu.vector_load %arg9[%get3A_1288, %get3A_1289] {strides = array<i32>} : memref<208x64xbf16, #tpu.memory_space<vmem>>, vector<32xbf16>,
        %unpack3A_1291 = tpu.unpack_subelements %get3A_1290, 0 {pack_format = #tpu.pack_format<interleaved>} : vector<32xbf16> -> vector<16xf32>
        %unpack3A_1292 = tpu.unpack_subelements %get3A_1290, 1 {pack_format = #tpu.pack_format<interleaved>} : vector<32xbf16> -> vector<16xf32>
        %add3A_1293 = arith.addf %scan3A_1273, %unpack3A_1284 : vector<16xf32>
        %add3A_1294 = arith.addf %scan3A_1274, %unpack3A_1285 : vector<16xf32>
        %add3A_1295 = arith.addf %scan3A_1275, %unpack3A_1291 : vector<16xf32>
        %add3A_1296 = arith.addf %scan3A_1276, %unpack3A_1292 : vector<16xf32>
        %add3A_1297 = arith.constant 1 : i32
        %add3A_1298 = arith.addi %mul3A_1278, %add3A_1297 : i32
        %get3A_1299 = arith.index_cast %add3A_1298 : i32 to index
        %get3A_1300 = arith.constant 0 : index
        %get3A_1301 = tpu.vector_load %arg9[%get3A_1299, %get3A_1300] {strides = array<i32>} : memref<208x64xbf16, #tpu.memory_space<vmem>>, vector<32xbf16>,
        %unpack3A_1302 = tpu.unpack_subelements %get3A_1301, 0 {pack_format = #tpu.pack_format<interleaved>} : vector<32xbf16> -> vector<16xf32>
        %unpack3A_1303 = tpu.unpack_subelements %get3A_1301, 1 {pack_format = #tpu.pack_format<interleaved>} : vector<32xbf16> -> vector<16xf32>
        %add3A_1304 = arith.constant 1 : i32
        %add3A_1305 = arith.addi %mul3A_1278, %add3A_1304 : i32
        %get3A_1306 = arith.index_cast %add3A_1305 : i32 to index
        %get3A_1307 = arith.constant 32 : index
        %get3A_1308 = tpu.vector_load %arg9[%get3A_1306, %get3A_1307] {strides = array<i32>} : memref<208x64xbf16, #tpu.memory_space<vmem>>, vector<32xbf16>,
        %unpack3A_1309 = tpu.unpack_subelements %get3A_1308, 0 {pack_format = #tpu.pack_format<interleaved>} : vector<32xbf16> -> vector<16xf32>
        %unpack3A_1310 = tpu.unpack_subelements %get3A_1308, 1 {pack_format = #tpu.pack_format<interleaved>} : vector<32xbf16> -> vector<16xf32>
        %add3A_1311 = arith.addf %add3A_1293, %unpack3A_1302 : vector<16xf32>
        %add3A_1312 = arith.addf %add3A_1294, %unpack3A_1303 : vector<16xf32>
        %add3A_1313 = arith.addf %add3A_1295, %unpack3A_1309 : vector<16xf32>
        %add3A_1314 = arith.addf %add3A_1296, %unpack3A_1310 : vector<16xf32>
        %add3A_1315 = arith.constant 2 : i32
        %add3A_1316 = arith.addi %mul3A_1278, %add3A_1315 : i32
        %get3A_1317 = arith.index_cast %add3A_1316 : i32 to index
        %get3A_1318 = arith.constant 0 : index
        %get3A_1319 = tpu.vector_load %arg9[%get3A_1317, %get3A_1318] {strides = array<i32>} : memref<208x64xbf16, #tpu.memory_space<vmem>>, vector<32xbf16>,
        %unpack3A_1320 = tpu.unpack_subelements %get3A_1319, 0 {pack_format = #tpu.pack_format<interleaved>} : vector<32xbf16> -> vector<16xf32>
        %unpack3A_1321 = tpu.unpack_subelements %get3A_1319, 1 {pack_format = #tpu.pack_format<interleaved>} : vector<32xbf16> -> vector<16xf32>
        %add3A_1322 = arith.constant 2 : i32
        %add3A_1323 = arith.addi %mul3A_1278, %add3A_1322 : i32
        %get3A_1324 = arith.index_cast %add3A_1323 : i32 to index
        %get3A_1325 = arith.constant 32 : index
        %get3A_1326 = tpu.vector_load %arg9[%get3A_1324, %get3A_1325] {strides = array<i32>} : memref<208x64xbf16, #tpu.memory_space<vmem>>, vector<32xbf16>,
        %unpack3A_1327 = tpu.unpack_subelements %get3A_1326, 0 {pack_format = #tpu.pack_format<interleaved>} : vector<32xbf16> -> vector<16xf32>
        %unpack3A_1328 = tpu.unpack_subelements %get3A_1326, 1 {pack_format = #tpu.pack_format<interleaved>} : vector<32xbf16> -> vector<16xf32>
        %add3A_1329 = arith.addf %add3A_1311, %unpack3A_1320 : vector<16xf32>
        %add3A_1330 = arith.addf %add3A_1312, %unpack3A_1321 : vector<16xf32>
        %add3A_1331 = arith.addf %add3A_1313, %unpack3A_1327 : vector<16xf32>
        %add3A_1332 = arith.addf %add3A_1314, %unpack3A_1328 : vector<16xf32>
        %add3A_1333 = arith.constant 3 : i32
        %add3A_1334 = arith.addi %mul3A_1278, %add3A_1333 : i32
        %get3A_1335 = arith.index_cast %add3A_1334 : i32 to index
        %get3A_1336 = arith.constant 0 : index
        %get3A_1337 = tpu.vector_load %arg9[%get3A_1335, %get3A_1336] {strides = array<i32>} : memref<208x64xbf16, #tpu.memory_space<vmem>>, vector<32xbf16>,
        %unpack3A_1338 = tpu.unpack_subelements %get3A_1337, 0 {pack_format = #tpu.pack_format<interleaved>} : vector<32xbf16> -> vector<16xf32>
        %unpack3A_1339 = tpu.unpack_subelements %get3A_1337, 1 {pack_format = #tpu.pack_format<interleaved>} : vector<32xbf16> -> vector<16xf32>
        %add3A_1340 = arith.constant 3 : i32
        %add3A_1341 = arith.addi %mul3A_1278, %add3A_1340 : i32
        %get3A_1342 = arith.index_cast %add3A_1341 : i32 to index
        %get3A_1343 = arith.constant 32 : index
        %get3A_1344 = tpu.vector_load %arg9[%get3A_1342, %get3A_1343] {strides = array<i32>} : memref<208x64xbf16, #tpu.memory_space<vmem>>, vector<32xbf16>,
        %unpack3A_1345 = tpu.unpack_subelements %get3A_1344, 0 {pack_format = #tpu.pack_format<interleaved>} : vector<32xbf16> -> vector<16xf32>
        %unpack3A_1346 = tpu.unpack_subelements %get3A_1344, 1 {pack_format = #tpu.pack_format<interleaved>} : vector<32xbf16> -> vector<16xf32>
        %add3A_1347 = arith.addf %add3A_1329, %unpack3A_1338 : vector<16xf32>
        %add3A_1348 = arith.addf %add3A_1330, %unpack3A_1339 : vector<16xf32>
        %add3A_1349 = arith.addf %add3A_1331, %unpack3A_1345 : vector<16xf32>
        %add3A_1350 = arith.addf %add3A_1332, %unpack3A_1346 : vector<16xf32>
        scf.yield %add3A_1347, %add3A_1348, %add3A_1349, %add3A_1350 : vector<16xf32>, vector<16xf32>, vector<16xf32>, vector<16xf32>
      }
      %scan3A_1223 = arith.constant 52 : i32
      %convert_element_type3A_1224 = arith.sitofp %add3A_1209 : vector<16xi32> to vector<16xf32>
      %mul3A_1225 = arith.mulf %convert_element_type3A_1224, %unpack3A : vector<16xf32>
      %sub3A_1226 = arith.subf %scan3A_1222#0, %mul3A_1225 : vector<16xf32>
      %mul3A_1227 = vector.broadcast %scan3A_428 : f32 to vector<16xf32>
      %mul3A_1228 = arith.mulf %sub3A_1226, %mul3A_1227 : vector<16xf32>
      %mul3A_1229 = arith.constant 64 : i32
      %mul3A_1230 = arith.muli %add3A_1064, %mul3A_1229 : i32
      %add3A_1231 = arith.constant 0 : i32
      %add3A_1232 = arith.addi %mul3A_1230, %add3A_1231 : i32
      %swap3A_1233 = arith.index_cast %add3A_1232 : i32 to index
      %swap3A_1234 = tpu.vector_load %arg11[%swap3A_1233] {strides = array<i32>} : memref<8192xf32, #tpu.memory_space<vmem>>, vector<16xf32>,
      tpu.vector_store %arg11[%swap3A_1233], %mul3A_1228 {strides = array<i32>} : memref<8192xf32, #tpu.memory_space<vmem>>, vector<16xf32>,
      %mul3A_1235 = arith.mulf %convert_element_type3A_1224, %unpack3A_6 : vector<16xf32>
      %sub3A_1236 = arith.subf %scan3A_1222#1, %mul3A_1235 : vector<16xf32>
      %mul3A_1237 = vector.broadcast %scan3A_428 : f32 to vector<16xf32>
      %mul3A_1238 = arith.mulf %sub3A_1236, %mul3A_1237 : vector<16xf32>
      %mul3A_1239 = arith.constant 64 : i32
      %mul3A_1240 = arith.muli %add3A_1064, %mul3A_1239 : i32
      %add3A_1241 = arith.constant 16 : i32
      %add3A_1242 = arith.addi %mul3A_1240, %add3A_1241 : i32
      %swap3A_1243 = arith.index_cast %add3A_1242 : i32 to index
      %swap3A_1244 = tpu.vector_load %arg11[%swap3A_1243] {strides = array<i32>} : memref<8192xf32, #tpu.memory_space<vmem>>, vector<16xf32>,
      tpu.vector_store %arg11[%swap3A_1243], %mul3A_1238 {strides = array<i32>} : memref<8192xf32, #tpu.memory_space<vmem>>, vector<16xf32>,
      %mul3A_1245 = arith.mulf %convert_element_type3A_1224, %unpack3A_11 : vector<16xf32>
      %sub3A_1246 = arith.subf %scan3A_1222#2, %mul3A_1245 : vector<16xf32>
      %mul3A_1247 = vector.broadcast %scan3A_428 : f32 to vector<16xf32>
      %mul3A_1248 = arith.mulf %sub3A_1246, %mul3A_1247 : vector<16xf32>
      %mul3A_1249 = arith.constant 64 : i32
      %mul3A_1250 = arith.muli %add3A_1064, %mul3A_1249 : i32
      %add3A_1251 = arith.constant 32 : i32
      %add3A_1252 = arith.addi %mul3A_1250, %add3A_1251 : i32
      %swap3A_1253 = arith.index_cast %add3A_1252 : i32 to index
      %swap3A_1254 = tpu.vector_load %arg11[%swap3A_1253] {strides = array<i32>} : memref<8192xf32, #tpu.memory_space<vmem>>, vector<16xf32>,
      tpu.vector_store %arg11[%swap3A_1253], %mul3A_1248 {strides = array<i32>} : memref<8192xf32, #tpu.memory_space<vmem>>, vector<16xf32>,
      %mul3A_1255 = arith.mulf %convert_element_type3A_1224, %unpack3A_12 : vector<16xf32>
      %sub3A_1256 = arith.subf %scan3A_1222#3, %mul3A_1255 : vector<16xf32>
      %mul3A_1257 = vector.broadcast %scan3A_428 : f32 to vector<16xf32>
      %mul3A_1258 = arith.mulf %sub3A_1256, %mul3A_1257 : vector<16xf32>
      %mul3A_1259 = arith.constant 64 : i32
      %mul3A_1260 = arith.muli %add3A_1064, %mul3A_1259 : i32
      %add3A_1261 = arith.constant 48 : i32
      %add3A_1262 = arith.addi %mul3A_1260, %add3A_1261 : i32
      %swap3A_1263 = arith.index_cast %add3A_1262 : i32 to index
      %swap3A_1264 = tpu.vector_load %arg11[%swap3A_1263] {strides = array<i32>} : memref<8192xf32, #tpu.memory_space<vmem>>, vector<16xf32>,
      tpu.vector_store %arg11[%swap3A_1263], %mul3A_1258 {strides = array<i32>} : memref<8192xf32, #tpu.memory_space<vmem>>, vector<16xf32>,
      %add3A_1265 = arith.constant 4 : i32
      %add3A_1266 = arith.addi %add3A_1064, %add3A_1265 : i32
      %lt3A_1267 = arith.constant 128 : i32
      %lt3A_1268 = arith.cmpi slt, %add3A_1266, %lt3A_1267 : i32
      %convert_element_type3A_1269 = arith.extui %lt3A_1268 : i1 to i32
      %cond3A_1270 = arith.constant 0 : i32
      %cond3A_1271 = arith.cmpi ne, %convert_element_type3A_1269, %cond3A_1270 : i32
      scf.if %cond3A_1271 {
        %add3A_1272 = arith.constant 4 : i32
        %add3A_1273 = arith.addi %add3A_1064, %add3A_1272 : i32
        %mul3A_1274 = arith.constant 208 : i32
        %mul3A_1275 = arith.muli %add3A_1273, %mul3A_1274 : i32
        %add3A_1276 = arith.constant 0 : i32
        %add3A_1277 = arith.addi %mul3A_1275, %add3A_1276 : i32
        %get3A_1278 = arith.index_cast %add3A_1277 : i32 to index
        %get3A_1279 = tpu.vector_load %arg5[%get3A_1278] {strides = array<i32>} : memref<26624xi32, #tpu.memory_space<vmem>>, vector<16xi32>,
        %dma_start3A_1280 = arith.constant 0 : i32
        %dma_start3A_1281 = arith.constant 0 : i32
        %dma_start3A_1282 = tpu.memref_slice %arg9[%dma_start3A_1280, %dma_start3A_1281] : memref<208x64xbf16, #tpu.memory_space<vmem>> -> memref<16x64xbf16, #tpu.memory_space<vmem>>
        %dma_start3A_1283 = arith.constant 0 : i32
        %dma_start3A_1284 = arith.constant 0 : i32
        %dma_start3A_1285 = tpu.memref_slice %arg3[%dma_start3A_1283, %dma_start3A_1284] : memref<1000000x64xbf16, #tpu.memory_space<hbm>> -> memref<1000000x64xbf16, #tpu.memory_space<hbm>>
        tpu.enqueue_indirect_dma source(%dma_start3A_1285 : memref<1000000x64xbf16, #tpu.memory_space<hbm>>) target(%dma_start3A_1282 : memref<16x64xbf16, #tpu.memory_space<vmem>>) offsets(%get3A_1279 : vector<16xi32>) semaphore(%arg15 : memref<!tpu.dma_semaphore, #tpu.memory_space<semaphore_mem>>)
        %mul3A_1286 = arith.constant 208 : i32
        %mul3A_1287 = arith.muli %add3A_1273, %mul3A_1286 : i32
        %add3A_1288 = arith.constant 16 : i32
        %add3A_1289 = arith.addi %mul3A_1287, %add3A_1288 : i32
        %get3A_1290 = arith.index_cast %add3A_1289 : i32 to index
        %get3A_1291 = tpu.vector_load %arg5[%get3A_1290] {strides = array<i32>} : memref<26624xi32, #tpu.memory_space<vmem>>, vector<16xi32>,
        %dma_start3A_1292 = arith.constant 16 : i32
        %dma_start3A_1293 = arith.constant 0 : i32
        %dma_start3A_1294 = tpu.memref_slice %arg9[%dma_start3A_1292, %dma_start3A_1293] : memref<208x64xbf16, #tpu.memory_space<vmem>> -> memref<16x64xbf16, #tpu.memory_space<vmem>>
        %dma_start3A_1295 = arith.constant 0 : i32
        %dma_start3A_1296 = arith.constant 0 : i32
        %dma_start3A_1297 = tpu.memref_slice %arg3[%dma_start3A_1295, %dma_start3A_1296] : memref<1000000x64xbf16, #tpu.memory_space<hbm>> -> memref<1000000x64xbf16, #tpu.memory_space<hbm>>
        tpu.enqueue_indirect_dma source(%dma_start3A_1297 : memref<1000000x64xbf16, #tpu.memory_space<hbm>>) target(%dma_start3A_1294 : memref<16x64xbf16, #tpu.memory_space<vmem>>) offsets(%get3A_1291 : vector<16xi32>) semaphore(%arg15 : memref<!tpu.dma_semaphore, #tpu.memory_space<semaphore_mem>>)
        %mul3A_1298 = arith.constant 208 : i32
        %mul3A_1299 = arith.muli %add3A_1273, %mul3A_1298 : i32
        %add3A_1300 = arith.constant 32 : i32
        %add3A_1301 = arith.addi %mul3A_1299, %add3A_1300 : i32
        %get3A_1302 = arith.index_cast %add3A_1301 : i32 to index
        %get3A_1303 = tpu.vector_load %arg5[%get3A_1302] {strides = array<i32>} : memref<26624xi32, #tpu.memory_space<vmem>>, vector<16xi32>,
        %dma_start3A_1304 = arith.constant 32 : i32
        %dma_start3A_1305 = arith.constant 0 : i32
        %dma_start3A_1306 = tpu.memref_slice %arg9[%dma_start3A_1304, %dma_start3A_1305] : memref<208x64xbf16, #tpu.memory_space<vmem>> -> memref<16x64xbf16, #tpu.memory_space<vmem>>
        %dma_start3A_1307 = arith.constant 0 : i32
        %dma_start3A_1308 = arith.constant 0 : i32
        %dma_start3A_1309 = tpu.memref_slice %arg3[%dma_start3A_1307, %dma_start3A_1308] : memref<1000000x64xbf16, #tpu.memory_space<hbm>> -> memref<1000000x64xbf16, #tpu.memory_space<hbm>>
        tpu.enqueue_indirect_dma source(%dma_start3A_1309 : memref<1000000x64xbf16, #tpu.memory_space<hbm>>) target(%dma_start3A_1306 : memref<16x64xbf16, #tpu.memory_space<vmem>>) offsets(%get3A_1303 : vector<16xi32>) semaphore(%arg15 : memref<!tpu.dma_semaphore, #tpu.memory_space<semaphore_mem>>)
        %mul3A_1310 = arith.constant 208 : i32
        %mul3A_1311 = arith.muli %add3A_1273, %mul3A_1310 : i32
        %add3A_1312 = arith.constant 48 : i32
        %add3A_1313 = arith.addi %mul3A_1311, %add3A_1312 : i32
        %get3A_1314 = arith.index_cast %add3A_1313 : i32 to index
        %get3A_1315 = tpu.vector_load %arg5[%get3A_1314] {strides = array<i32>} : memref<26624xi32, #tpu.memory_space<vmem>>, vector<16xi32>,
        %dma_start3A_1316 = arith.constant 48 : i32
        %dma_start3A_1317 = arith.constant 0 : i32
        %dma_start3A_1318 = tpu.memref_slice %arg9[%dma_start3A_1316, %dma_start3A_1317] : memref<208x64xbf16, #tpu.memory_space<vmem>> -> memref<16x64xbf16, #tpu.memory_space<vmem>>
        %dma_start3A_1319 = arith.constant 0 : i32
        %dma_start3A_1320 = arith.constant 0 : i32
        %dma_start3A_1321 = tpu.memref_slice %arg3[%dma_start3A_1319, %dma_start3A_1320] : memref<1000000x64xbf16, #tpu.memory_space<hbm>> -> memref<1000000x64xbf16, #tpu.memory_space<hbm>>
        tpu.enqueue_indirect_dma source(%dma_start3A_1321 : memref<1000000x64xbf16, #tpu.memory_space<hbm>>) target(%dma_start3A_1318 : memref<16x64xbf16, #tpu.memory_space<vmem>>) offsets(%get3A_1315 : vector<16xi32>) semaphore(%arg15 : memref<!tpu.dma_semaphore, #tpu.memory_space<semaphore_mem>>)
        %mul3A_1322 = arith.constant 208 : i32
        %mul3A_1323 = arith.muli %add3A_1273, %mul3A_1322 : i32
        %add3A_1324 = arith.constant 64 : i32
        %add3A_1325 = arith.addi %mul3A_1323, %add3A_1324 : i32
        %get3A_1326 = arith.index_cast %add3A_1325 : i32 to index
        %get3A_1327 = tpu.vector_load %arg5[%get3A_1326] {strides = array<i32>} : memref<26624xi32, #tpu.memory_space<vmem>>, vector<16xi32>,
        %dma_start3A_1328 = arith.constant 64 : i32
        %dma_start3A_1329 = arith.constant 0 : i32
        %dma_start3A_1330 = tpu.memref_slice %arg9[%dma_start3A_1328, %dma_start3A_1329] : memref<208x64xbf16, #tpu.memory_space<vmem>> -> memref<16x64xbf16, #tpu.memory_space<vmem>>
        %dma_start3A_1331 = arith.constant 0 : i32
        %dma_start3A_1332 = arith.constant 0 : i32
        %dma_start3A_1333 = tpu.memref_slice %arg3[%dma_start3A_1331, %dma_start3A_1332] : memref<1000000x64xbf16, #tpu.memory_space<hbm>> -> memref<1000000x64xbf16, #tpu.memory_space<hbm>>
        tpu.enqueue_indirect_dma source(%dma_start3A_1333 : memref<1000000x64xbf16, #tpu.memory_space<hbm>>) target(%dma_start3A_1330 : memref<16x64xbf16, #tpu.memory_space<vmem>>) offsets(%get3A_1327 : vector<16xi32>) semaphore(%arg15 : memref<!tpu.dma_semaphore, #tpu.memory_space<semaphore_mem>>)
        %mul3A_1334 = arith.constant 208 : i32
        %mul3A_1335 = arith.muli %add3A_1273, %mul3A_1334 : i32
        %add3A_1336 = arith.constant 80 : i32
        %add3A_1337 = arith.addi %mul3A_1335, %add3A_1336 : i32
        %get3A_1338 = arith.index_cast %add3A_1337 : i32 to index
        %get3A_1339 = tpu.vector_load %arg5[%get3A_1338] {strides = array<i32>} : memref<26624xi32, #tpu.memory_space<vmem>>, vector<16xi32>,
        %dma_start3A_1340 = arith.constant 80 : i32
        %dma_start3A_1341 = arith.constant 0 : i32
        %dma_start3A_1342 = tpu.memref_slice %arg9[%dma_start3A_1340, %dma_start3A_1341] : memref<208x64xbf16, #tpu.memory_space<vmem>> -> memref<16x64xbf16, #tpu.memory_space<vmem>>
        %dma_start3A_1343 = arith.constant 0 : i32
        %dma_start3A_1344 = arith.constant 0 : i32
        %dma_start3A_1345 = tpu.memref_slice %arg3[%dma_start3A_1343, %dma_start3A_1344] : memref<1000000x64xbf16, #tpu.memory_space<hbm>> -> memref<1000000x64xbf16, #tpu.memory_space<hbm>>
        tpu.enqueue_indirect_dma source(%dma_start3A_1345 : memref<1000000x64xbf16, #tpu.memory_space<hbm>>) target(%dma_start3A_1342 : memref<16x64xbf16, #tpu.memory_space<vmem>>) offsets(%get3A_1339 : vector<16xi32>) semaphore(%arg15 : memref<!tpu.dma_semaphore, #tpu.memory_space<semaphore_mem>>)
        %mul3A_1346 = arith.constant 208 : i32
        %mul3A_1347 = arith.muli %add3A_1273, %mul3A_1346 : i32
        %add3A_1348 = arith.constant 96 : i32
        %add3A_1349 = arith.addi %mul3A_1347, %add3A_1348 : i32
        %get3A_1350 = arith.index_cast %add3A_1349 : i32 to index
        %get3A_1351 = tpu.vector_load %arg5[%get3A_1350] {strides = array<i32>} : memref<26624xi32, #tpu.memory_space<vmem>>, vector<16xi32>,
        %dma_start3A_1352 = arith.constant 96 : i32
        %dma_start3A_1353 = arith.constant 0 : i32
        %dma_start3A_1354 = tpu.memref_slice %arg9[%dma_start3A_1352, %dma_start3A_1353] : memref<208x64xbf16, #tpu.memory_space<vmem>> -> memref<16x64xbf16, #tpu.memory_space<vmem>>
        %dma_start3A_1355 = arith.constant 0 : i32
        %dma_start3A_1356 = arith.constant 0 : i32
        %dma_start3A_1357 = tpu.memref_slice %arg3[%dma_start3A_1355, %dma_start3A_1356] : memref<1000000x64xbf16, #tpu.memory_space<hbm>> -> memref<1000000x64xbf16, #tpu.memory_space<hbm>>
        tpu.enqueue_indirect_dma source(%dma_start3A_1357 : memref<1000000x64xbf16, #tpu.memory_space<hbm>>) target(%dma_start3A_1354 : memref<16x64xbf16, #tpu.memory_space<vmem>>) offsets(%get3A_1351 : vector<16xi32>) semaphore(%arg15 : memref<!tpu.dma_semaphore, #tpu.memory_space<semaphore_mem>>)
        %mul3A_1358 = arith.constant 208 : i32
        %mul3A_1359 = arith.muli %add3A_1273, %mul3A_1358 : i32
        %add3A_1360 = arith.constant 112 : i32
        %add3A_1361 = arith.addi %mul3A_1359, %add3A_1360 : i32
        %get3A_1362 = arith.index_cast %add3A_1361 : i32 to index
        %get3A_1363 = tpu.vector_load %arg5[%get3A_1362] {strides = array<i32>} : memref<26624xi32, #tpu.memory_space<vmem>>, vector<16xi32>,
        %dma_start3A_1364 = arith.constant 112 : i32
        %dma_start3A_1365 = arith.constant 0 : i32
        %dma_start3A_1366 = tpu.memref_slice %arg9[%dma_start3A_1364, %dma_start3A_1365] : memref<208x64xbf16, #tpu.memory_space<vmem>> -> memref<16x64xbf16, #tpu.memory_space<vmem>>
        %dma_start3A_1367 = arith.constant 0 : i32
        %dma_start3A_1368 = arith.constant 0 : i32
        %dma_start3A_1369 = tpu.memref_slice %arg3[%dma_start3A_1367, %dma_start3A_1368] : memref<1000000x64xbf16, #tpu.memory_space<hbm>> -> memref<1000000x64xbf16, #tpu.memory_space<hbm>>
        tpu.enqueue_indirect_dma source(%dma_start3A_1369 : memref<1000000x64xbf16, #tpu.memory_space<hbm>>) target(%dma_start3A_1366 : memref<16x64xbf16, #tpu.memory_space<vmem>>) offsets(%get3A_1363 : vector<16xi32>) semaphore(%arg15 : memref<!tpu.dma_semaphore, #tpu.memory_space<semaphore_mem>>)
        %mul3A_1370 = arith.constant 208 : i32
        %mul3A_1371 = arith.muli %add3A_1273, %mul3A_1370 : i32
        %add3A_1372 = arith.constant 128 : i32
        %add3A_1373 = arith.addi %mul3A_1371, %add3A_1372 : i32
        %get3A_1374 = arith.index_cast %add3A_1373 : i32 to index
        %get3A_1375 = tpu.vector_load %arg5[%get3A_1374] {strides = array<i32>} : memref<26624xi32, #tpu.memory_space<vmem>>, vector<16xi32>,
        %dma_start3A_1376 = arith.constant 128 : i32
        %dma_start3A_1377 = arith.constant 0 : i32
        %dma_start3A_1378 = tpu.memref_slice %arg9[%dma_start3A_1376, %dma_start3A_1377] : memref<208x64xbf16, #tpu.memory_space<vmem>> -> memref<16x64xbf16, #tpu.memory_space<vmem>>
        %dma_start3A_1379 = arith.constant 0 : i32
        %dma_start3A_1380 = arith.constant 0 : i32
        %dma_start3A_1381 = tpu.memref_slice %arg3[%dma_start3A_1379, %dma_start3A_1380] : memref<1000000x64xbf16, #tpu.memory_space<hbm>> -> memref<1000000x64xbf16, #tpu.memory_space<hbm>>
        tpu.enqueue_indirect_dma source(%dma_start3A_1381 : memref<1000000x64xbf16, #tpu.memory_space<hbm>>) target(%dma_start3A_1378 : memref<16x64xbf16, #tpu.memory_space<vmem>>) offsets(%get3A_1375 : vector<16xi32>) semaphore(%arg15 : memref<!tpu.dma_semaphore, #tpu.memory_space<semaphore_mem>>)
        %mul3A_1382 = arith.constant 208 : i32
        %mul3A_1383 = arith.muli %add3A_1273, %mul3A_1382 : i32
        %add3A_1384 = arith.constant 144 : i32
        %add3A_1385 = arith.addi %mul3A_1383, %add3A_1384 : i32
        %get3A_1386 = arith.index_cast %add3A_1385 : i32 to index
        %get3A_1387 = tpu.vector_load %arg5[%get3A_1386] {strides = array<i32>} : memref<26624xi32, #tpu.memory_space<vmem>>, vector<16xi32>,
        %dma_start3A_1388 = arith.constant 144 : i32
        %dma_start3A_1389 = arith.constant 0 : i32
        %dma_start3A_1390 = tpu.memref_slice %arg9[%dma_start3A_1388, %dma_start3A_1389] : memref<208x64xbf16, #tpu.memory_space<vmem>> -> memref<16x64xbf16, #tpu.memory_space<vmem>>
        %dma_start3A_1391 = arith.constant 0 : i32
        %dma_start3A_1392 = arith.constant 0 : i32
        %dma_start3A_1393 = tpu.memref_slice %arg3[%dma_start3A_1391, %dma_start3A_1392] : memref<1000000x64xbf16, #tpu.memory_space<hbm>> -> memref<1000000x64xbf16, #tpu.memory_space<hbm>>
        tpu.enqueue_indirect_dma source(%dma_start3A_1393 : memref<1000000x64xbf16, #tpu.memory_space<hbm>>) target(%dma_start3A_1390 : memref<16x64xbf16, #tpu.memory_space<vmem>>) offsets(%get3A_1387 : vector<16xi32>) semaphore(%arg15 : memref<!tpu.dma_semaphore, #tpu.memory_space<semaphore_mem>>)
        %mul3A_1394 = arith.constant 208 : i32
        %mul3A_1395 = arith.muli %add3A_1273, %mul3A_1394 : i32
        %add3A_1396 = arith.constant 160 : i32
        %add3A_1397 = arith.addi %mul3A_1395, %add3A_1396 : i32
        %get3A_1398 = arith.index_cast %add3A_1397 : i32 to index
        %get3A_1399 = tpu.vector_load %arg5[%get3A_1398] {strides = array<i32>} : memref<26624xi32, #tpu.memory_space<vmem>>, vector<16xi32>,
        %dma_start3A_1400 = arith.constant 160 : i32
        %dma_start3A_1401 = arith.constant 0 : i32
        %dma_start3A_1402 = tpu.memref_slice %arg9[%dma_start3A_1400, %dma_start3A_1401] : memref<208x64xbf16, #tpu.memory_space<vmem>> -> memref<16x64xbf16, #tpu.memory_space<vmem>>
        %dma_start3A_1403 = arith.constant 0 : i32
        %dma_start3A_1404 = arith.constant 0 : i32
        %dma_start3A_1405 = tpu.memref_slice %arg3[%dma_start3A_1403, %dma_start3A_1404] : memref<1000000x64xbf16, #tpu.memory_space<hbm>> -> memref<1000000x64xbf16, #tpu.memory_space<hbm>>
        tpu.enqueue_indirect_dma source(%dma_start3A_1405 : memref<1000000x64xbf16, #tpu.memory_space<hbm>>) target(%dma_start3A_1402 : memref<16x64xbf16, #tpu.memory_space<vmem>>) offsets(%get3A_1399 : vector<16xi32>) semaphore(%arg15 : memref<!tpu.dma_semaphore, #tpu.memory_space<semaphore_mem>>)
        %mul3A_1406 = arith.constant 208 : i32
        %mul3A_1407 = arith.muli %add3A_1273, %mul3A_1406 : i32
        %add3A_1408 = arith.constant 176 : i32
        %add3A_1409 = arith.addi %mul3A_1407, %add3A_1408 : i32
        %get3A_1410 = arith.index_cast %add3A_1409 : i32 to index
        %get3A_1411 = tpu.vector_load %arg5[%get3A_1410] {strides = array<i32>} : memref<26624xi32, #tpu.memory_space<vmem>>, vector<16xi32>,
        %dma_start3A_1412 = arith.constant 176 : i32
        %dma_start3A_1413 = arith.constant 0 : i32
        %dma_start3A_1414 = tpu.memref_slice %arg9[%dma_start3A_1412, %dma_start3A_1413] : memref<208x64xbf16, #tpu.memory_space<vmem>> -> memref<16x64xbf16, #tpu.memory_space<vmem>>
        %dma_start3A_1415 = arith.constant 0 : i32
        %dma_start3A_1416 = arith.constant 0 : i32
        %dma_start3A_1417 = tpu.memref_slice %arg3[%dma_start3A_1415, %dma_start3A_1416] : memref<1000000x64xbf16, #tpu.memory_space<hbm>> -> memref<1000000x64xbf16, #tpu.memory_space<hbm>>
        tpu.enqueue_indirect_dma source(%dma_start3A_1417 : memref<1000000x64xbf16, #tpu.memory_space<hbm>>) target(%dma_start3A_1414 : memref<16x64xbf16, #tpu.memory_space<vmem>>) offsets(%get3A_1411 : vector<16xi32>) semaphore(%arg15 : memref<!tpu.dma_semaphore, #tpu.memory_space<semaphore_mem>>)
        %mul3A_1418 = arith.constant 208 : i32
        %mul3A_1419 = arith.muli %add3A_1273, %mul3A_1418 : i32
        %add3A_1420 = arith.constant 192 : i32
        %add3A_1421 = arith.addi %mul3A_1419, %add3A_1420 : i32
        %get3A_1422 = arith.index_cast %add3A_1421 : i32 to index
        %get3A_1423 = tpu.vector_load %arg5[%get3A_1422] {strides = array<i32>} : memref<26624xi32, #tpu.memory_space<vmem>>, vector<16xi32>,
        %dma_start3A_1424 = arith.constant 192 : i32
        %dma_start3A_1425 = arith.constant 0 : i32
        %dma_start3A_1426 = tpu.memref_slice %arg9[%dma_start3A_1424, %dma_start3A_1425] : memref<208x64xbf16, #tpu.memory_space<vmem>> -> memref<16x64xbf16, #tpu.memory_space<vmem>>
        %dma_start3A_1427 = arith.constant 0 : i32
        %dma_start3A_1428 = arith.constant 0 : i32
        %dma_start3A_1429 = tpu.memref_slice %arg3[%dma_start3A_1427, %dma_start3A_1428] : memref<1000000x64xbf16, #tpu.memory_space<hbm>> -> memref<1000000x64xbf16, #tpu.memory_space<hbm>>
        tpu.enqueue_indirect_dma source(%dma_start3A_1429 : memref<1000000x64xbf16, #tpu.memory_space<hbm>>) target(%dma_start3A_1426 : memref<16x64xbf16, #tpu.memory_space<vmem>>) offsets(%get3A_1423 : vector<16xi32>) semaphore(%arg15 : memref<!tpu.dma_semaphore, #tpu.memory_space<semaphore_mem>>)
      } else {
      }
    }
    %scan3A_433 = arith.constant 32 : i32
    %mul3A_434 = arith.constant 8192 : i32
    %mul3A_435 = arith.muli %add3A, %mul3A_434 : i32
    "tpu.region"() ({
      %run_scoped3A = tpu.sem_alloc : memref<!tpu.dma_semaphore, #tpu.memory_space<semaphore_mem>>
      %dma_start3A_436 = tpu.memref_slice %arg4[%mul3A_435] : memref<262144xf32, #tpu.memory_space<hbm>> -> memref<8192xf32, #tpu.memory_space<hbm>>
      %dma_start3A_437 = tpu.memref_slice %arg4[%mul3A_435] : memref<262144xf32, #tpu.memory_space<hbm>> -> memref<8192xf32, #tpu.memory_space<hbm>>
      tpu.enqueue_dma source(%arg11 : memref<8192xf32, #tpu.memory_space<vmem>>) target(%dma_start3A_437 : memref<8192xf32, #tpu.memory_space<hbm>>) target_semaphore(%run_scoped3A : memref<!tpu.dma_semaphore, #tpu.memory_space<semaphore_mem>>)
      %dma_wait3A = tpu.memref_slice %arg4[%mul3A_435] : memref<262144xf32, #tpu.memory_space<hbm>> -> memref<8192xf32, #tpu.memory_space<hbm>>
      %dma_wait3A_438 = tpu.memref_slice %arg4[%mul3A_435] : memref<262144xf32, #tpu.memory_space<hbm>> -> memref<8192xf32, #tpu.memory_space<hbm>>
      tpu.wait_dma2 semaphore(%run_scoped3A : memref<!tpu.dma_semaphore, #tpu.memory_space<semaphore_mem>>) src(%arg11 : memref<8192xf32, #tpu.memory_space<vmem>>) dst(%dma_wait3A_438 : memref<8192xf32, #tpu.memory_space<hbm>>)
      tpu.yield
    }) : () -> ()
    return
  }
}

module attributes {stable_mosaic.version = 14 : i64} {
  func.func @_mlp_body(%arg0: memref<4096x64xf32, #tpu.memory_space<vmem>>, %arg1: memref<64x128xf32, #tpu.memory_space<vmem>>, %arg2: memref<1x128xf32, #tpu.memory_space<vmem>>, %arg3: memref<128x64xf32, #tpu.memory_space<vmem>>, %arg4: memref<1x64xf32, #tpu.memory_space<vmem>>, %arg5: memref<4096x64xf32, #tpu.memory_space<vmem>>) attributes {dimension_semantics = [], scalar_prefetch = 0 : i64, scratch_operands = 0 : i64, tpu.core_type = #tpu.core_type<tc>} {
    %get3A = arith.constant 0 : index
    %get3A_0 = arith.constant 0 : index
    %get3A_1 = vector.load %arg0[%get3A, %get3A_0] : memref<4096x64xf32, #tpu.memory_space<vmem>>, vector<4096x64xf32>
    %get3A_2 = arith.constant 0 : index
    %get3A_3 = arith.constant 0 : index
    %get3A_4 = vector.load %arg1[%get3A_2, %get3A_3] : memref<64x128xf32, #tpu.memory_space<vmem>>, vector<64x128xf32>
    %dot_general3A = arith.constant dense<0.000000e+00> : vector<4096x128xf32>
    %dot_general3A_5 = tpu.matmul %get3A_1, %get3A_4, %dot_general3A {dimension_numbers = #tpu.dot_dimension_numbers<[1], [0], [0], [1], [0, 0, 1, 1], [], []>, transpose_lhs_hint = false} : vector<4096x64xf32>, vector<64x128xf32>, vector<4096x128xf32> -> vector<4096x128xf32>
    %get3A_6 = arith.constant 0 : index
    %get3A_7 = arith.constant 0 : index
    %get3A_8 = vector.load %arg2[%get3A_6, %get3A_7] : memref<1x128xf32, #tpu.memory_space<vmem>>, vector<1x128xf32>
    %add3A = vector.broadcast %get3A_8 : vector<1x128xf32> to vector<4096x128xf32>
    %add3A_9 = arith.addf %dot_general3A_5, %add3A : vector<4096x128xf32>
    %max3A = arith.constant 0.000000e+00 : f32
    %max3A_10 = vector.broadcast %max3A : f32 to vector<4096x128xf32>
    %max3A_11 = arith.maximumf %add3A_9, %max3A_10 : vector<4096x128xf32>
    %get3A_12 = arith.constant 0 : index
    %get3A_13 = arith.constant 0 : index
    %get3A_14 = vector.load %arg3[%get3A_12, %get3A_13] : memref<128x64xf32, #tpu.memory_space<vmem>>, vector<128x64xf32>
    %dot_general3A_15 = arith.constant dense<0.000000e+00> : vector<4096x64xf32>
    %dot_general3A_16 = tpu.matmul %max3A_11, %get3A_14, %dot_general3A_15 {dimension_numbers = #tpu.dot_dimension_numbers<[1], [0], [0], [1], [0, 0, 1, 1], [], []>, transpose_lhs_hint = false} : vector<4096x128xf32>, vector<128x64xf32>, vector<4096x64xf32> -> vector<4096x64xf32>
    %get3A_17 = arith.constant 0 : index
    %get3A_18 = arith.constant 0 : index
    %get3A_19 = vector.load %arg4[%get3A_17, %get3A_18] : memref<1x64xf32, #tpu.memory_space<vmem>>, vector<1x64xf32>
    %add3A_20 = vector.broadcast %get3A_19 : vector<1x64xf32> to vector<4096x64xf32>
    %add3A_21 = arith.addf %dot_general3A_16, %add3A_20 : vector<4096x64xf32>
    %swap3A = arith.constant 0 : index
    %swap3A_22 = arith.constant 0 : index
    %swap3A_23 = vector.load %arg5[%swap3A, %swap3A_22] : memref<4096x64xf32, #tpu.memory_space<vmem>>, vector<4096x64xf32>
    tpu.vector_store %arg5[%swap3A, %swap3A_22], %add3A_21 {strides = array<i32>} : memref<4096x64xf32, #tpu.memory_space<vmem>>, vector<4096x64xf32>,
    return
  }
}

</mosaic_0001>

<sc_bundles>
// kernel: kernel.5.cloned.1.call-start
scs
__scs_entry_jumppad:
0x0: {  	(pc) =	sbr.rel $0x88, $3  }
0x1: {  	(tag) =	ssettag $0x0;
	lr =	simm.s32 $0x1  }
0x2: {  	[smem:$0x3F9B] =	sst lr;
	_ =	strace $0xD0000000  }
0x3: {  	_ = 	snop  }
0x4: {  	_ = 	snop  }
0x5: {  	_ = 	snop  }
0x6: {  	_ = 	snop  }
0x7: {  	_ = 	snop  }
__scs_overlays_trampoline_lowered:
0x8: {  	[smem:$0x3FAA] =	sst s0  }
0x9: {  	[smem:$0x3FAB] =	sst s1  }
0xa: {  	[smem:$0x3FAC] =	sst s2  }
0xb: {  	[smem:$0x3FAD] =	sst s3  }
0xc: {  	[smem:$0x3FAE] =	sst s4  }
0xd: {  	[smem:$0x3FAF] =	sst s5  }
0xe: {  	[smem:$0x3FB0] =	sst s6  }
0xf: {  	[smem:$0x3FB1] =	sst s7  }
0x10: {  	[smem:$0x3FB2] =	sst s8  }
0x11: {  	[smem:$0x3FB3] =	sst s9;
	s0 =	simm.s32 @!p0 $0x0  }
0x12: {  	s1 =	sld [smem:$0x3F99];
	s0 =	simm.s32 @p0 $0x1  }
0x13: {  	[smem:$0x3FB4] =	sst s0;
	s0 =	simm.s32 @!p1 $0x0  }
0x14: {  	s2 =	sld [smem:$0x3F98];
	s0 =	simm.s32 @p1 $0x1  }
0x15: {  	[smem:$0x3FB5] =	sst s0;
	s0 =	simm.s32 @!p2 $0x0  }
0x16: {  	s3 =	sld [smem:$0x3FDB];
	s0 =	simm.s32 @p2 $0x1  }
0x17: {  	s4 =	simm.s32 $0x1BF5;
	[smem:$0x3FB7] =	sst s0  }
0x18: {  	s0 =	sld [smem:$0x3F9A];
	_ =	swait.ge [sflag:s4], $0x0  }
0x19: {  	s7 =	sld [smem:$0x3F9B]  }
0x1a: {  	s8 =	sadd.s32 $0xFFFFE003, lr  }
0x1b: {  	s9 =	sadd.s32 $0xFFFFFEF7, lr;
	s5 =	simm.s32 $0xFFFFFFFF;
	p2 =	slt.u32 s8, $0xFFFFF086  }
0x1c: {  	p1 =	slt.u32 s9, $0xF7A;
	s5 =	simm.s32 @!p2 $0x0  }
0x1d: {  	s5 =	simm.s32 @p1 $0x1;
	p0 =	seq.s32 s7, s2  }
0x1e: {  	s7 =	smul.u32 @!p0 $0xF7A, s2;
	p2 =	seq.s32 @!p0 s5, $0x0  }
0x1f: {  	s9 =	smul.u32 $0xF7A, s1;
	s8 =	simm.s32 @!p0 $0x1BF5;
	p2 =	por !p2, p0  }
0x20: {  	[sflag:s8] =	ssyncset.s32 @!p0 $0xFFFFF086;
	s6 =	sadd.s32 @!p0 s3, s7;
	s7 =	simm.s32 @!p0 $0x108  }
0x21: {  	s3 =	sadd.s32 s3, s9;
	s6 =	sadd.s32 @!p0 $0x88, s6;
	s7 =	simm.s32 @p2 $0x1082  }
0x22: {  	[simem:s7], [sflag:s8] =	dma.local @!p0 [hbm:s6], $0xF7A  }
0x23: {  	s9 =	sor.u32 $0xD0000000, s2;
	s6 =	simm.s32 $0x108;
	_ =	swait.ge @!p0 [sflag:s8], $0x0  }
0x24: {  	s3 =	sadd.s32 $0x88, s3;
	s6 =	simm.s32 @!p1 $0x1082;
	[sflag:s4] =	ssyncset.s32 $0xFFFFF086  }
0x25: {  	[simem:s6], [sflag:s4] =	dma.local [hbm:s3], $0xF7A  }
0x26: {  	[smem:$0x3F9B] =	sst s1;
	(tag) =	ssettag s2;
	_ =	strace s9  }
0x27: {  	s1 =	sld [smem:$0x3FAB]  }
0x28: {  	s2 =	sld [smem:$0x3FAC]  }
0x29: {  	s4 =	sld [smem:$0x3FAE]  }
0x2a: {  	p0 =	seq.s32 s5, $0x0;
	s5 =	sld [smem:$0x3FAF]  }
0x2b: {  	s6 =	sld [smem:$0x3FB0]  }
0x2c: {  	s7 =	sld [smem:$0x3FB1]  }
0x2d: {  	s3 =	simm.s32 $0x108;
	s8 =	sld [smem:$0x3FB2]  }
0x2e: {  	s3 =	simm.s32 @!p0 $0x1082;
	s9 =	sld [smem:$0x3FB3]  }
0x2f: {  	lr =	sadd.s32 s0, s3;
	s0 =	sld [smem:$0x3FAA]  }
0x30: {  	s3 =	sld [smem:$0x3FAD]  }
0x31: {  	[smem:$0x3FB6] =	sst s10  }
0x32: {  	s10 =	sld [smem:$0x3FB4];
	_ =	sdelay $0x3  }
0x33: {  	p0 =	seq.s32 s10, $0x1;
	s10 =	sld [smem:$0x3FB6];
	_ =	sdelay $0x3  }
0x34: {  	[smem:$0x3FB6] =	sst s10  }
0x35: {  	s10 =	sld [smem:$0x3FB5];
	_ =	sdelay $0x3  }
0x36: {  	p1 =	seq.s32 s10, $0x1;
	s10 =	sld [smem:$0x3FB6];
	_ =	sdelay $0x3  }
0x37: {  	[smem:$0x3FB6] =	sst s10  }
0x38: {  	s10 =	sld [smem:$0x3FB7]  }
0x39: {  	_ = 	snop;
	(pc) =	sbr.ind lr, $3  }
0x3a: {  	_ = 	snop  }
0x3b: {  	_ = 	snop  }
0x3c: {  	p2 =	seq.s32 s10, $0x1;
	s10 =	sld [smem:$0x3FB6]  }
0x3d: {  	_ =	shalt  }
0x3e: {  	_ =	shalt  }
0x3f: {  	_ =	shalt  }
0x40: {  	_ =	shalt  }
0x41: {  	_ =	shalt  }
0x42: {  	_ =	shalt  }
0x43: {  	_ =	shalt  }
0x44: {  	_ =	shalt  }
0x45: {  	_ =	shalt  }
0x46: {  	_ =	shalt  }
0x47: {  	_ =	shalt  }
0x48: {  	_ =	shalt  }
0x49: {  	_ =	shalt  }
0x4a: {  	_ =	shalt  }
0x4b: {  	_ =	shalt  }
0x4c: {  	_ =	shalt  }
0x4d: {  	_ =	shalt  }
0x4e: {  	_ =	shalt  }
0x4f: {  	_ =	shalt  }
0x50: {  	_ =	shalt  }
0x51: {  	_ =	shalt  }
0x52: {  	_ =	shalt  }
0x53: {  	_ =	shalt  }
0x54: {  	_ =	shalt  }
0x55: {  	_ =	shalt  }
0x56: {  	_ =	shalt  }
0x57: {  	_ =	shalt  }
0x58: {  	_ =	shalt  }
0x59: {  	_ =	shalt  }
0x5a: {  	_ =	shalt  }
0x5b: {  	_ =	shalt  }
0x5c: {  	_ =	shalt  }
0x5d: {  	_ =	shalt  }
0x5e: {  	_ =	shalt  }
0x5f: {  	_ =	shalt  }
0x60: {  	_ =	shalt  }
0x61: {  	_ =	shalt  }
0x62: {  	_ =	shalt  }
0x63: {  	_ =	shalt  }
0x64: {  	_ =	shalt  }
0x65: {  	_ =	shalt  }
0x66: {  	_ =	shalt  }
0x67: {  	_ =	shalt  }
0x68: {  	_ =	shalt  }
0x69: {  	_ =	shalt  }
0x6a: {  	_ =	shalt  }
0x6b: {  	_ =	shalt  }
0x6c: {  	_ =	shalt  }
0x6d: {  	_ =	shalt  }
0x6e: {  	_ =	shalt  }
0x6f: {  	_ =	shalt  }
0x70: {  	_ =	shalt  }
0x71: {  	_ =	shalt  }
0x72: {  	_ =	shalt  }
0x73: {  	_ =	shalt  }
0x74: {  	_ =	shalt  }
0x75: {  	_ =	shalt  }
0x76: {  	_ =	shalt  }
0x77: {  	_ =	shalt  }
0x78: {  	_ =	shalt  }
0x79: {  	_ =	shalt  }
0x7a: {  	_ =	shalt  }
0x7b: {  	_ =	shalt  }
0x7c: {  	_ =	shalt  }
0x7d: {  	_ =	shalt  }
0x7e: {  	_ =	shalt  }
0x7f: {  	_ =	shalt  }
0x80: {  	_ =	shalt  }
0x81: {  	_ =	shalt  }
0x82: {  	_ =	shalt  }
0x83: {  	_ =	shalt  }
0x84: {  	_ =	shalt  }
0x85: {  	_ =	shalt  }
0x86: {  	_ =	shalt  }
0x87: {  	_ =	shalt  }
.Lfunc_end0:
.L_simem_size_0:
called_computation_lowered:
.L_overlay_start_0:
0x88: {  	s2 =	sld [smem:$0x3FD9]  }
0x89: {  	s3 =	sld [smem:$0x3FFE];
	_ =	sdelay $0x1  }
0x8a: {  	s1 =	srdreg.scid  }
0x8b: {  	s0 =	sand.u32 $0x1, s1  }
0x8c: {  	s16 =	sshll.u32 s0, $0xA;
	s2 =	sadd.s32 s3, s2  }
0x8d: {  	s2 =	sadd.s32 s2, s16  }
0x8e: {  	[smem:$0x3FC2] =	sst s2  }
0x8f: {  	_ = 	snop  }
0x90: {  	(tm) =	ssettm $0x1  }
0x91: {  	s17 =	sld [smem:$0x3FFB];
	_ =	sdelay $0x3  }
0x92: {  	_ =	strace s17  }
0x93: {  	s2 =	sld [smem:$0x3FFC];
	_ =	sdelay $0x3  }
0x94: {  	_ =	strace s2  }
0x95: {  	s2 =	sld [smem:$0x3FFD];
	_ =	sdelay $0x3  }
0x96: {  	_ =	strace s2  }
0x97: {  	_ =	strace $0x8FFFFFFF  }
0x98: {  	s18 =	sld [smem:$0x3FDB];
	_ =	sdelay $0x1  }
0x99: {  	s19 =	simm.s32 $_scs_section_size  }
0x9a: {  	s4 =	simm.s32 $_size__tile_overlayer_lowered;
	s5 =	simm.s32 $_tile_overlayer_lowered  }
0x9b: {  	s22 =	simm.s32 $0x1BFF;
	s21 =	sshll.u32 s5, $0x1;
	s2 =	sadd.s32 s19, s18  }
0x9c: {  	s6 =	simm.s32 $0x0;
	s20 =	sshll.u32 s4, $0x1;
	s4 =	sadd.s32 s21, s2  }
0x9d: {  	[timem:s6], [sflag:s22] =	dma.local [hbm:s4], s20  }
0x9e: {  	_ =	swait.ge [sflag:s22], s20  }
0x9f: {  	s3 =	ssub.s32 $0x0, s20;
	[sflag:s22] =	ssyncset.done $0x0  }
0xa0: {  	[sflag:s22] =	ssyncadd.s32 s3;
	_ =	sdelay $0x1  }
0xa1: {  	s23 =	simm.s32 $0x1B8B  }
0xa2: {  	_ =	swait.ge [sflag:s23], $0x1  }
0xa3: {  	[sflag:s23] =	ssyncset.done $0x0  }
0xa4: {  	s25 =	simm.s32 $0x1B8E;
	s24 =	sld [smem:$0x3FFE];
	[sflag:s23] =	ssyncadd.s32 $0xFFFFFFFF  }
0xa5: {  	s26 =	simm.s32 $execute0_lowered;
	[smem:$0x3FD2] =	sst s25  }
0xa6: {  	s4 =	sshll.u32 s26, $0x1;
	_ =	strace $0x80000046;
	[dreg:$0x1] =	wrdreg $0xFFFFFFFF  }
0xa7: {  	s28 =	simm.s32 $_size_execute0_lowered;
	s2 =	sadd.s32 s2, s4;
	[dreg:$0x0] =	wrdreg $0x0  }
0xa8: {  	s4 =	sshll.u32 s28, $0x1;
	[dreg:$0x2] =	wrdreg s2  }
0xa9: {  	[dreg:$0x3] =	wrdreg s4  }
0xaa: {  	[dreg:$0x4] =	wrdreg $0xC0  }
0xab: {  	_ =	task [dreg:s6], $0x5FFFF  }
0xac: {  	[dreg:$0x1] =	wrdreg $0xFFFFFFFF  }
0xad: {  	[dreg:$0x0] =	wrdreg $0x60  }
0xae: {  	[dreg:$0x2] =	wrdreg s24  }
0xaf: {  	[dreg:$0x3] =	wrdreg $0x9  }
0xb0: {  	_ =	task.clear_ibuf [dreg:s6], $0x4FFFF;
	_ =	strace $0x90000046  }
0xb1: {  	s29 =	simm.s32 $0x9;
	_ =	strace $0x80000048  }
0xb2: {  	_ =	swait.ge [sflag:s29], $0x1  }
0xb3: {  	[sflag:s29] =	ssyncadd.s32 $0xFFFFFFFF  }
0xb4: {  	_ =	strace $0x90000048  }
0xb5: {  	_ =	sfence  }
0xb6: {  	s30 =	sld [smem:$0x0];
	_ =	sdelay $0x2  }
0xb7: {  	s31 =	sshll.u32 s1, $0xD;
	s1 =	sshrl.u32 s1, $0x2  }
0xb8: {  	s3 =	sand.u32 $0x4000, s31;
	s1 =	sadd.s32 s1, s30  }
0xb9: {  	s0 =	sor.u32 s3, s0;
	s1 =	sshll.u32 s1, $0x11  }
0xba: {  	s0 =	sor.u32 s1, s0  }
0xbb: {  	s0 =	sadd.s32 $0x8F2B, s0  }
0xbc: {  	[sflag:s0] =	ssyncadd.remote.s32 $0x1  }
0xbd: {  	_ =	sfence.sel $0xFFFF  }
0xbe: {  	[dreg:$0x0] =	wrdreg $0xFFFFFFFF;
	(pc) =	sbr.abs _section_cstart, $3  }
0xbf: {  	[dreg:$0x1] =	wrdreg $0xFFFFFFFF  }
0xc0: {  	_ =	task.clear_ibuf [dreg:s6], $0x2FFFF;
	_ =	strace $0x9FFFFFFF  }
0xc1: {  	(tm) =	ssettm $0x7FFFFFFF  }
tec
execute0_lowered:
.L_overlay_start_1:
0x0: {  	(tag) =	ssettag $0x1  }
0x1: {  	s12 =	rddreg [dreg:$0x0]  }
0x2: {  	s0 =	rddreg [dreg:$0x1];
	s3 =	srdreg.scid  }
0x3: {  	s1 =	stileid.u32;
	s2 =	simm.s32 $0x0;
	s14 =	simm.s32 $0x7E00  }
0x4: {  	s15 =	simm.s32 $0x1;
	s16 =	simm.s32 $0xFC00;
	s17 =	simm.s32 $0x2  }
0x5: {  	s18 =	simm.s32 $0x4;
	s4 =	sand.u32 $0x1, s3;
	s30 =	sshll.u32 s1, $0x1  }
0x6: {  	s19 =	simm.s32 $0x13B00;
	[smem:$0x7FF] =	sst s2;
	s20 =	sor.u32 s4, s30  }
0x7: {  	s21 =	simm.s32 $0x5;
	s3 =	sadd.s32 $0xF43600, s12;
	s5 =	smul.u32 $0x1E8400, s20  }
0x8: {  	s11 =	sadd.s32 $0x16E4600, s12;
	s6 =	ssub.s32 $0x2, s4;
	s4 =	smul.u32 $0x7A10, s20  }
0x9: {  	s22 =	simm.s32 $0x0;
	_ =	strace $0x80000047;
	s8 =	smul.u32 $0x3D080, s20  }
.Ltmp0:
0xa: {  	s7 =	sshrl.u32 s6, $0x1;
	p0 =	sne.s32 s20, $0x0;
	(pc) =	sbr.rel .LBB2_1-.Ltmp0, $4  }
0xb: {  	s20 =	simm.s32 $0x3;
	s13 =	ssub.s32 s6, s7;
	s9 =	sshrl.u32 s5, $0x3  }
0xc: {  	s5 =	sadd.s32 $0x1200, s12;
	s6 =	sadd.s32 s3, s8;
	s8 =	sadd.s32 $0x3F0, s4  }
0xd: {  	s10 =	sadd.s32 $0x5E8, s4;
	s12 =	sadd.s32 $0x3D1A00, s12;
	s31 =	sadd.s32 s3, s9  }
0xe: {  	s13 =	smax.u32 s13, $0x1;
	s9 =	sadd.s32 $0x1F8, s4;
	s7 =	sadd.s32 $0xFC0, s31  }
.LBB2_12:
0xf: {  	_ =	swait.ge [sflag:s20], $0x3F00  }
.Ltmp1:
0x10: {  	[sflag:s20] =	ssyncset.done $0x0;
	(pc) =	sbr.rel @!p0 .LBB2_13-.Ltmp1, $4  }
0x11: {  	[sflag:s20] =	ssyncadd.s32 $0xFFFFC100  }
0x12: {  	_ =	swait.ge [sflag:s18], $0x3F00  }
0x13: {  	[sflag:s18] =	ssyncset.done $0x0  }
0x14: {  	[sflag:s18] =	ssyncadd.s32 $0xFFFFC100  }
.LBB2_16:
0x15: {  	s22 =	sadd.s32 $0x1, s22  }
0x16: {  	p1 =	sne.s32 s22, s13  }
.Ltmp2:
0x17: {  	_ = 	snop;
	(pc) =	sbr.rel @!p1 .LBB2_17-.Ltmp2, $1  }
0x18: {  	_ =	sdelay $0x3  }
.LBB2_1:
0x19: {  	[tilespmem:s2], [sflag:$0x1] =	stream.linear.gather [hbm4b:s6+s2], $0x7E00, $0x38;
	[tilespmem:$0x17A00] =	vst v63  }
0x1a: {  	s23 =	simm.s32 $0x0  }
0x1b: {  	[tilespmem:s14], [sflag:$0x2] =	stream.linear.gather [hbm4b:s7+s2], $0x7E00, $0x38;
	[tilespmem:$0x17A00] =	vst v63  }
.LBB2_2:
0x1c: {  	_ =	swait.ge [sflag:s15], $0x7E00  }
0x1d: {  	p1 =	seq.s32 s23, $0x0;
	[sflag:s15] =	ssyncset.done $0x0  }
0x1e: {  	s24 =	simm.s32 @!p1 $0x3;
	[sflag:s15] =	ssyncadd.s32 $0xFFFF8200  }
0x1f: {  	_ =	swait.ge @!p1 [sflag:s24], $0x3F00  }
0x20: {  	[sflag:s24] =	ssyncset.done @!p1 $0x0  }
0x21: {  	[sflag:s24] =	ssyncadd.s32 @!p1 $0xFFFFC100;
	s24 =	simm.s32 $0x20  }
0x22: {  	v0 =	vld [tilespmem:s24+$0x0]  }
0x23: {  	v1 =	vld [tilespmem:s24+$0xFFFFFFE0]  }
0x24: {  	v2 =	vld [tilespmem:s24+$0x10]  }
0x25: {  	v3 =	vld [tilespmem:s24+$0xFFFFFFF0];
	_ =	sdelay $0x3  }
0x26: {  	s26 =	simm.s32 $0x10;
	v2 =	vpack.i.f32.bf16 v2, v0  }
0x27: {  	s25 =	simm.s32 $0xC0;
	v0 =	vpack.i.f32.bf16 v3, v1;
	[tilespmem:s26+$0xFC00] =	vst v2  }
.LBB2_3:
0x28: {  	p2 =	sne.s32 s25, $0xFBC0  }
0x29: {  	[tilespmem:s26+$0xFBF0] =	vst v0;
	s24 =	sadd.s32 $0x40, s24;
	s26 =	smov.u32 s25;
	s25 =	sadd.s32 $0x80, s25  }
0x2a: {  	v0 =	vld [tilespmem:s24+$0x0]  }
0x2b: {  	v1 =	vld [tilespmem:s24+$0xFFFFFFE0]  }
0x2c: {  	v2 =	vld [tilespmem:s24+$0x10]  }
0x2d: {  	v3 =	vld [tilespmem:s24+$0xFFFFFFF0]  }
.Ltmp3:
0x2e: {  	(pc) =	sbr.rel @p2 .LBB2_3-.Ltmp3, $3  }
0x2f: {  	_ =	sdelay $0x1  }
0x30: {  	s26 =	sshra.s32 s26, $0x2;
	v2 =	vpack.i.f32.bf16 v2, v0  }
0x31: {  	v0 =	vpack.i.f32.bf16 v3, v1;
	[tilespmem:s26+$0xFC00] =	vst v2  }
0x32: {  	s24 =	smul.u32 $0x3F0, s23;
	p2 =	sne.s32 s23, $0x1E  }
.Ltmp4:
0x33: {  	_ = 	snop;
	(pc) =	sbr.rel @p2 .LBB2_6-.Ltmp4, $4  }
0x34: {  	s25 =	sadd.s32 s4, s24  }
0x35: {  	s25 =	sshll.u32 s25, $0x2  }
0x36: {  	[tilespmem:s26+$0xFBF0] =	vst v0;
	s25 =	sadd.s32 s5, s25  }
0x37: {  	[hbm4b:s25+s2] =	stream.linear.scatter [tilespmem:s16], [sflag:$0x3], $0x3F00, $0x38;
	[tilespmem:$0x17A00] =	vst v63  }
.Ltmp5:
0x38: {  	(pc) =	sbr.rel .LBB2_7-.Ltmp5, $4  }
0x39: {  	_ = 	snop  }
0x3a: {  	_ =	swait.ge [sflag:s17], $0x7E00  }
0x3b: {  	[sflag:s17] =	ssyncset.done $0x0  }
0x3c: {  	[sflag:s17] =	ssyncadd.s32 $0xFFFF8200  }
.LBB2_6:
0x3d: {  	s25 =	sadd.s32 s24, s8  }
0x3e: {  	s25 =	sshll.u32 s25, $0x3  }
0x3f: {  	s25 =	sand.u32 $0x1FFFFF80, s25  }
.Ltmp6:
0x40: {  	s25 =	sadd.s32 s3, s25;
	(pc) =	sbr.rel @p1 .LBB2_8-.Ltmp6, $4  }
0x41: {  	[tilespmem:s2], [sflag:$0x1] =	stream.linear.gather [hbm4b:s25+s2], $0x7E00, $0x38;
	[tilespmem:$0x17A00] =	vst v63  }
0x42: {  	_ =	swait.ge [sflag:s17], $0x7E00  }
0x43: {  	[sflag:s17] =	ssyncset.done $0x0  }
0x44: {  	[sflag:s17] =	ssyncadd.s32 $0xFFFF8200  }
.LBB2_7:
0x45: {  	_ =	swait.ge [sflag:s18], $0x3F00  }
0x46: {  	[sflag:s18] =	ssyncset.done $0x0  }
0x47: {  	[sflag:s18] =	ssyncadd.s32 $0xFFFFC100  }
.LBB2_8:
0x48: {  	s25 =	simm.s32 $0x7E20  }
0x49: {  	v0 =	vld [tilespmem:s25+$0x0]  }
0x4a: {  	v1 =	vld [tilespmem:s25+$0xFFFFFFE0]  }
0x4b: {  	v2 =	vld [tilespmem:s25+$0x10]  }
0x4c: {  	v3 =	vld [tilespmem:s25+$0xFFFFFFF0];
	_ =	sdelay $0x3  }
0x4d: {  	s28 =	simm.s32 $0x10;
	v2 =	vpack.i.f32.bf16 v2, v0  }
0x4e: {  	s26 =	simm.s32 $0xC0;
	v0 =	vpack.i.f32.bf16 v3, v1;
	[tilespmem:s28+$0x13B00] =	vst v2  }
.LBB2_9:
0x4f: {  	p1 =	sne.s32 s26, $0xFBC0  }
0x50: {  	[tilespmem:s28+$0x13AF0] =	vst v0;
	s25 =	sadd.s32 $0x40, s25;
	s28 =	smov.u32 s26;
	s26 =	sadd.s32 $0x80, s26  }
0x51: {  	v0 =	vld [tilespmem:s25+$0x0]  }
0x52: {  	v1 =	vld [tilespmem:s25+$0xFFFFFFE0]  }
0x53: {  	v2 =	vld [tilespmem:s25+$0x10]  }
0x54: {  	v3 =	vld [tilespmem:s25+$0xFFFFFFF0]  }
.Ltmp7:
0x55: {  	(pc) =	sbr.rel @p1 .LBB2_9-.Ltmp7, $3  }
0x56: {  	_ =	sdelay $0x1  }
0x57: {  	s28 =	sshra.s32 s28, $0x2;
	v2 =	vpack.i.f32.bf16 v2, v0  }
0x58: {  	v0 =	vpack.i.f32.bf16 v3, v1;
	[tilespmem:s28+$0x13B00] =	vst v2  }
0x59: {  	p1 =	seq.s32 s23, $0x1E  }
.Ltmp8:
0x5a: {  	s25 =	sadd.s32 s24, s9;
	(pc) =	sbr.rel @p1 .LBB2_12-.Ltmp8, $4  }
0x5b: {  	s25 =	sshll.u32 s25, $0x2  }
0x5c: {  	s25 =	sand.u32 $0xFFFFFE0, s25  }
0x5d: {  	[tilespmem:s28+$0x13AF0] =	vst v0;
	s25 =	sadd.s32 s5, s25  }
0x5e: {  	[hbm4b:s25+s2] =	stream.linear.scatter [tilespmem:s19], [sflag:$0x4], $0x3F00, $0x38;
	[tilespmem:$0x17A00] =	vst v63  }
.Ltmp9:
0x5f: {  	s24 =	sadd.s32 s24, s10;
	(pc) =	sbr.rel .LBB2_2-.Ltmp9, $4  }
0x60: {  	s24 =	sshll.u32 s24, $0x3  }
0x61: {  	s24 =	sand.u32 $0x1FFFFFC0, s24  }
0x62: {  	s23 =	sadd.s32 $0x1, s23;
	s24 =	sadd.s32 s3, s24  }
0x63: {  	[tilespmem:s14], [sflag:$0x2] =	stream.linear.gather [hbm4b:s24+s2], $0x7E00, $0x38;
	[tilespmem:$0x17A00] =	vst v63  }
.LBB2_13:
0x64: {  	s23 =	simm.s32 $0x0  }
0x65: {  	[tilespmem:s23], [sflag:$0x5] =	stream.linear.gather [hbm4b:s11+s23], $0x1000, $0x38;
	[tilespmem:$0x17A00] =	vst v63  }
0x66: {  	_ =	swait.ge [sflag:s21], $0x1000  }
0x67: {  	[sflag:s21] =	ssyncset.done $0x0  }
0x68: {  	s23 =	simm.s32 $0x20;
	[sflag:s21] =	ssyncadd.s32 $0xFFFFF000  }
0x69: {  	v0 =	vld [tilespmem:s23+$0x0]  }
0x6a: {  	v1 =	vld [tilespmem:s23+$0xFFFFFFE0]  }
0x6b: {  	v2 =	vld [tilespmem:s23+$0x10]  }
0x6c: {  	v3 =	vld [tilespmem:s23+$0xFFFFFFF0];
	_ =	sdelay $0x3  }
0x6d: {  	s25 =	simm.s32 $0x0;
	v2 =	vpack.i.f32.bf16 v2, v0  }
0x6e: {  	s24 =	simm.s32 $0x80;
	v0 =	vpack.i.f32.bf16 v3, v1;
	[tilespmem:s25+$0xFC10] =	vst v2  }
.LBB2_14:
0x6f: {  	p1 =	sne.s32 s24, $0x1F80  }
0x70: {  	[tilespmem:s25+$0xFC00] =	vst v0;
	s23 =	sadd.s32 $0x40, s23;
	s25 =	smov.u32 s24;
	s24 =	sadd.s32 $0x80, s24  }
0x71: {  	v0 =	vld [tilespmem:s23+$0x0]  }
0x72: {  	v1 =	vld [tilespmem:s23+$0xFFFFFFE0]  }
0x73: {  	v2 =	vld [tilespmem:s23+$0x10]  }
0x74: {  	v3 =	vld [tilespmem:s23+$0xFFFFFFF0]  }
.Ltmp10:
0x75: {  	(pc) =	sbr.rel @p1 .LBB2_14-.Ltmp10, $3  }
0x76: {  	_ =	sdelay $0x1  }
0x77: {  	s25 =	sshra.s32 s25, $0x2;
	v2 =	vpack.i.f32.bf16 v2, v0  }
0x78: {  	v0 =	vpack.i.f32.bf16 v3, v1;
	[tilespmem:s25+$0xFC10] =	vst v2  }
.Ltmp11:
0x79: {  	[tilespmem:s25+$0xFC00] =	vst v0;
	(pc) =	sbr.rel .LBB2_16-.Ltmp11, $4  }
0x7a: {  	[hbm4b:s12+s2] =	stream.linear.scatter [tilespmem:s16], [sflag:$0x5], $0x800, $0x38;
	[tilespmem:$0x17A00] =	vst v63  }
0x7b: {  	_ =	swait.ge [sflag:s21], $0x800  }
0x7c: {  	[sflag:s21] =	ssyncset.done $0x0  }
0x7d: {  	[sflag:s21] =	ssyncadd.s32 $0xFFFFF800  }
.LBB2_17:
0x7e: {  	_ =	sfence.sel $0x180000  }
0x7f: {  	[bflag:$0x0] =	sbarrier.arrive $0xFFFF  }
0x80: {  	p0 =	sne.s32 s1, $0x0;
	_ =	strace $0x90000047  }
0x81: {  	s0 =	sadd.s32 @!p0 $0x100000, s0;
	[bflag:$0x2] =	sbarrier.arrive $0xFFFF  }
0x82: {  	[sflag:s0] =	ssyncadd.tile.s32 @!p0 $0x1;
	_ =	shalt  }
.Lfunc_end2:
_tile_overlayer_lowered:
.L_overlay_start_2:
0x83: {  	(tag) =	ssettag $0x2  }
0x84: {  	s0 =	rddreg [dreg:$0x0];
	s2 =	stileid.u32  }
0x85: {  	s1 =	rddreg [dreg:$0x1];
	p0 =	sne.s32 s2, $0x0  }
0x86: {  	s3 =	rddreg [dreg:$0x2];
	[bflag:$0x3] =	sbarrier.arrive $0xFFFF;
	s2 =	simm.s32 @!p0 $0x1C05  }
0x87: {  	[timem:s3], [sflag:s2] =	dma.local @!p0 [hbm:s0], s1  }
0x88: {  	s0 =	simm.s32 @!p0 $0x5  }
0x89: {  	_ =	swait.ge @!p0 [sflag:s0], s1  }
0x8a: {  	s1 =	ssub.s32 @!p0 $0x0, s1;
	[sflag:s0] =	ssyncset.done @!p0 $0x0  }
0x8b: {  	[sflag:s0] =	ssyncadd.s32 @!p0 s1  }
0x8c: {  	[bflag:$0x3] =	sbarrier.arrive $0xFFFF  }
0x8d: {  	_ =	shalt  }

// kernel: kernel.8.cloned.1.call-start
scs
__scs_entry_jumppad:
0x0: {  	(pc) =	sbr.rel $0x88, $3  }
0x1: {  	(tag) =	ssettag $0x0;
	lr =	simm.s32 $0x1  }
0x2: {  	[smem:$0x3F9B] =	sst lr;
	_ =	strace $0xD0000000  }
0x3: {  	_ = 	snop  }
0x4: {  	_ = 	snop  }
0x5: {  	_ = 	snop  }
0x6: {  	_ = 	snop  }
0x7: {  	_ = 	snop  }
__scs_overlays_trampoline_lowered:
0x8: {  	[smem:$0x3FAA] =	sst s0  }
0x9: {  	[smem:$0x3FAB] =	sst s1  }
0xa: {  	[smem:$0x3FAC] =	sst s2  }
0xb: {  	[smem:$0x3FAD] =	sst s3  }
0xc: {  	[smem:$0x3FAE] =	sst s4  }
0xd: {  	[smem:$0x3FAF] =	sst s5  }
0xe: {  	[smem:$0x3FB0] =	sst s6  }
0xf: {  	[smem:$0x3FB1] =	sst s7  }
0x10: {  	[smem:$0x3FB2] =	sst s8  }
0x11: {  	[smem:$0x3FB3] =	sst s9;
	s0 =	simm.s32 @!p0 $0x0  }
0x12: {  	s1 =	sld [smem:$0x3F99];
	s0 =	simm.s32 @p0 $0x1  }
0x13: {  	[smem:$0x3FB4] =	sst s0;
	s0 =	simm.s32 @!p1 $0x0  }
0x14: {  	s2 =	sld [smem:$0x3F98];
	s0 =	simm.s32 @p1 $0x1  }
0x15: {  	[smem:$0x3FB5] =	sst s0;
	s0 =	simm.s32 @!p2 $0x0  }
0x16: {  	s3 =	sld [smem:$0x3FDB];
	s0 =	simm.s32 @p2 $0x1  }
0x17: {  	s4 =	simm.s32 $0x1BF5;
	[smem:$0x3FB7] =	sst s0  }
0x18: {  	s0 =	sld [smem:$0x3F9A];
	_ =	swait.ge [sflag:s4], $0x0  }
0x19: {  	s7 =	sld [smem:$0x3F9B]  }
0x1a: {  	s8 =	sadd.s32 $0xFFFFE003, lr  }
0x1b: {  	s9 =	sadd.s32 $0xFFFFFEF7, lr;
	s5 =	simm.s32 $0xFFFFFFFF;
	p2 =	slt.u32 s8, $0xFFFFF086  }
0x1c: {  	p1 =	slt.u32 s9, $0xF7A;
	s5 =	simm.s32 @!p2 $0x0  }
0x1d: {  	s5 =	simm.s32 @p1 $0x1;
	p0 =	seq.s32 s7, s2  }
0x1e: {  	s7 =	smul.u32 @!p0 $0xF7A, s2;
	p2 =	seq.s32 @!p0 s5, $0x0  }
0x1f: {  	s9 =	smul.u32 $0xF7A, s1;
	s8 =	simm.s32 @!p0 $0x1BF5;
	p2 =	por !p2, p0  }
0x20: {  	[sflag:s8] =	ssyncset.s32 @!p0 $0xFFFFF086;
	s6 =	sadd.s32 @!p0 s3, s7;
	s7 =	simm.s32 @!p0 $0x108  }
0x21: {  	s3 =	sadd.s32 s3, s9;
	s6 =	sadd.s32 @!p0 $0x88, s6;
	s7 =	simm.s32 @p2 $0x1082  }
0x22: {  	[simem:s7], [sflag:s8] =	dma.local @!p0 [hbm:s6], $0xF7A  }
0x23: {  	s9 =	sor.u32 $0xD0000000, s2;
	s6 =	simm.s32 $0x108;
	_ =	swait.ge @!p0 [sflag:s8], $0x0  }
0x24: {  	s3 =	sadd.s32 $0x88, s3;
	s6 =	simm.s32 @!p1 $0x1082;
	[sflag:s4] =	ssyncset.s32 $0xFFFFF086  }
0x25: {  	[simem:s6], [sflag:s4] =	dma.local [hbm:s3], $0xF7A  }
0x26: {  	[smem:$0x3F9B] =	sst s1;
	(tag) =	ssettag s2;
	_ =	strace s9  }
0x27: {  	s1 =	sld [smem:$0x3FAB]  }
0x28: {  	s2 =	sld [smem:$0x3FAC]  }
0x29: {  	s4 =	sld [smem:$0x3FAE]  }
0x2a: {  	p0 =	seq.s32 s5, $0x0;
	s5 =	sld [smem:$0x3FAF]  }
0x2b: {  	s6 =	sld [smem:$0x3FB0]  }
0x2c: {  	s7 =	sld [smem:$0x3FB1]  }
0x2d: {  	s3 =	simm.s32 $0x108;
	s8 =	sld [smem:$0x3FB2]  }
0x2e: {  	s3 =	simm.s32 @!p0 $0x1082;
	s9 =	sld [smem:$0x3FB3]  }
0x2f: {  	lr =	sadd.s32 s0, s3;
	s0 =	sld [smem:$0x3FAA]  }
0x30: {  	s3 =	sld [smem:$0x3FAD]  }
0x31: {  	[smem:$0x3FB6] =	sst s10  }
0x32: {  	s10 =	sld [smem:$0x3FB4];
	_ =	sdelay $0x3  }
0x33: {  	p0 =	seq.s32 s10, $0x1;
	s10 =	sld [smem:$0x3FB6];
	_ =	sdelay $0x3  }
0x34: {  	[smem:$0x3FB6] =	sst s10  }
0x35: {  	s10 =	sld [smem:$0x3FB5];
	_ =	sdelay $0x3  }
0x36: {  	p1 =	seq.s32 s10, $0x1;
	s10 =	sld [smem:$0x3FB6];
	_ =	sdelay $0x3  }
0x37: {  	[smem:$0x3FB6] =	sst s10  }
0x38: {  	s10 =	sld [smem:$0x3FB7]  }
0x39: {  	_ = 	snop;
	(pc) =	sbr.ind lr, $3  }
0x3a: {  	_ = 	snop  }
0x3b: {  	_ = 	snop  }
0x3c: {  	p2 =	seq.s32 s10, $0x1;
	s10 =	sld [smem:$0x3FB6]  }
0x3d: {  	_ =	shalt  }
0x3e: {  	_ =	shalt  }
0x3f: {  	_ =	shalt  }
0x40: {  	_ =	shalt  }
0x41: {  	_ =	shalt  }
0x42: {  	_ =	shalt  }
0x43: {  	_ =	shalt  }
0x44: {  	_ =	shalt  }
0x45: {  	_ =	shalt  }
0x46: {  	_ =	shalt  }
0x47: {  	_ =	shalt  }
0x48: {  	_ =	shalt  }
0x49: {  	_ =	shalt  }
0x4a: {  	_ =	shalt  }
0x4b: {  	_ =	shalt  }
0x4c: {  	_ =	shalt  }
0x4d: {  	_ =	shalt  }
0x4e: {  	_ =	shalt  }
0x4f: {  	_ =	shalt  }
0x50: {  	_ =	shalt  }
0x51: {  	_ =	shalt  }
0x52: {  	_ =	shalt  }
0x53: {  	_ =	shalt  }
0x54: {  	_ =	shalt  }
0x55: {  	_ =	shalt  }
0x56: {  	_ =	shalt  }
0x57: {  	_ =	shalt  }
0x58: {  	_ =	shalt  }
0x59: {  	_ =	shalt  }
0x5a: {  	_ =	shalt  }
0x5b: {  	_ =	shalt  }
0x5c: {  	_ =	shalt  }
0x5d: {  	_ =	shalt  }
0x5e: {  	_ =	shalt  }
0x5f: {  	_ =	shalt  }
0x60: {  	_ =	shalt  }
0x61: {  	_ =	shalt  }
0x62: {  	_ =	shalt  }
0x63: {  	_ =	shalt  }
0x64: {  	_ =	shalt  }
0x65: {  	_ =	shalt  }
0x66: {  	_ =	shalt  }
0x67: {  	_ =	shalt  }
0x68: {  	_ =	shalt  }
0x69: {  	_ =	shalt  }
0x6a: {  	_ =	shalt  }
0x6b: {  	_ =	shalt  }
0x6c: {  	_ =	shalt  }
0x6d: {  	_ =	shalt  }
0x6e: {  	_ =	shalt  }
0x6f: {  	_ =	shalt  }
0x70: {  	_ =	shalt  }
0x71: {  	_ =	shalt  }
0x72: {  	_ =	shalt  }
0x73: {  	_ =	shalt  }
0x74: {  	_ =	shalt  }
0x75: {  	_ =	shalt  }
0x76: {  	_ =	shalt  }
0x77: {  	_ =	shalt  }
0x78: {  	_ =	shalt  }
0x79: {  	_ =	shalt  }
0x7a: {  	_ =	shalt  }
0x7b: {  	_ =	shalt  }
0x7c: {  	_ =	shalt  }
0x7d: {  	_ =	shalt  }
0x7e: {  	_ =	shalt  }
0x7f: {  	_ =	shalt  }
0x80: {  	_ =	shalt  }
0x81: {  	_ =	shalt  }
0x82: {  	_ =	shalt  }
0x83: {  	_ =	shalt  }
0x84: {  	_ =	shalt  }
0x85: {  	_ =	shalt  }
0x86: {  	_ =	shalt  }
0x87: {  	_ =	shalt  }
.Lfunc_end0:
.L_simem_size_0:
called_computation.1_lowered:
.L_overlay_start_0:
0x88: {  	s2 =	sld [smem:$0x3FD9]  }
0x89: {  	s3 =	sld [smem:$0x3FFE];
	_ =	sdelay $0x1  }
0x8a: {  	s1 =	srdreg.scid  }
0x8b: {  	s0 =	sand.u32 $0x1, s1  }
0x8c: {  	s16 =	sshll.u32 s0, $0xA;
	s2 =	sadd.s32 s3, s2  }
0x8d: {  	s2 =	sadd.s32 s2, s16  }
0x8e: {  	[smem:$0x3FC2] =	sst s2  }
0x8f: {  	_ = 	snop  }
0x90: {  	(tm) =	ssettm $0x1  }
0x91: {  	s17 =	sld [smem:$0x3FFB];
	_ =	sdelay $0x3  }
0x92: {  	_ =	strace s17  }
0x93: {  	s2 =	sld [smem:$0x3FFC];
	_ =	sdelay $0x3  }
0x94: {  	_ =	strace s2  }
0x95: {  	s2 =	sld [smem:$0x3FFD];
	_ =	sdelay $0x3  }
0x96: {  	_ =	strace s2  }
0x97: {  	_ =	strace $0x8FFFFFFF  }
0x98: {  	s18 =	sld [smem:$0x3FDB];
	_ =	sdelay $0x1  }
0x99: {  	s19 =	simm.s32 $_scs_section_size  }
0x9a: {  	s4 =	simm.s32 $_size__tile_overlayer_lowered;
	s5 =	simm.s32 $_tile_overlayer_lowered  }
0x9b: {  	s22 =	simm.s32 $0x1BFF;
	s21 =	sshll.u32 s5, $0x1;
	s2 =	sadd.s32 s19, s18  }
0x9c: {  	s6 =	simm.s32 $0x0;
	s20 =	sshll.u32 s4, $0x1;
	s4 =	sadd.s32 s21, s2  }
0x9d: {  	[timem:s6], [sflag:s22] =	dma.local [hbm:s4], s20  }
0x9e: {  	_ =	swait.ge [sflag:s22], s20  }
0x9f: {  	s3 =	ssub.s32 $0x0, s20;
	[sflag:s22] =	ssyncset.done $0x0  }
0xa0: {  	[sflag:s22] =	ssyncadd.s32 s3;
	_ =	sdelay $0x1  }
0xa1: {  	s23 =	simm.s32 $0x1B8B  }
0xa2: {  	_ =	swait.ge [sflag:s23], $0x1  }
0xa3: {  	[sflag:s23] =	ssyncset.done $0x0  }
0xa4: {  	s25 =	simm.s32 $0x1B8E;
	s24 =	sld [smem:$0x3FFE];
	[sflag:s23] =	ssyncadd.s32 $0xFFFFFFFF  }
0xa5: {  	s26 =	simm.s32 $execute0_lowered;
	[smem:$0x3FD2] =	sst s25  }
0xa6: {  	s4 =	sshll.u32 s26, $0x1;
	_ =	strace $0x80000049;
	[dreg:$0x1] =	wrdreg $0xFFFFFFFF  }
0xa7: {  	s28 =	simm.s32 $_size_execute0_lowered;
	s2 =	sadd.s32 s2, s4;
	[dreg:$0x0] =	wrdreg $0x0  }
0xa8: {  	s4 =	sshll.u32 s28, $0x1;
	[dreg:$0x2] =	wrdreg s2  }
0xa9: {  	[dreg:$0x3] =	wrdreg s4  }
0xaa: {  	[dreg:$0x4] =	wrdreg $0xC0  }
0xab: {  	_ =	task [dreg:s6], $0x5FFFF  }
0xac: {  	[dreg:$0x1] =	wrdreg $0xFFFFFFFF  }
0xad: {  	[dreg:$0x0] =	wrdreg $0x60  }
0xae: {  	[dreg:$0x2] =	wrdreg s24  }
0xaf: {  	[dreg:$0x3] =	wrdreg $0x9  }
0xb0: {  	_ =	task.clear_ibuf [dreg:s6], $0x4FFFF;
	_ =	strace $0x90000049  }
0xb1: {  	s29 =	simm.s32 $0x9;
	_ =	strace $0x8000004B  }
0xb2: {  	_ =	swait.ge [sflag:s29], $0x1  }
0xb3: {  	[sflag:s29] =	ssyncadd.s32 $0xFFFFFFFF  }
0xb4: {  	_ =	strace $0x9000004B  }
0xb5: {  	_ =	sfence  }
0xb6: {  	s30 =	sld [smem:$0x0];
	_ =	sdelay $0x2  }
0xb7: {  	s31 =	sshll.u32 s1, $0xD;
	s1 =	sshrl.u32 s1, $0x2  }
0xb8: {  	s3 =	sand.u32 $0x4000, s31;
	s1 =	sadd.s32 s1, s30  }
0xb9: {  	s0 =	sor.u32 s3, s0;
	s1 =	sshll.u32 s1, $0x11  }
0xba: {  	s0 =	sor.u32 s1, s0  }
0xbb: {  	s0 =	sadd.s32 $0x8F2B, s0  }
0xbc: {  	[sflag:s0] =	ssyncadd.remote.s32 $0x1  }
0xbd: {  	_ =	sfence.sel $0xFFFF  }
0xbe: {  	[dreg:$0x0] =	wrdreg $0xFFFFFFFF;
	(pc) =	sbr.abs _section_cstart, $3  }
0xbf: {  	[dreg:$0x1] =	wrdreg $0xFFFFFFFF  }
0xc0: {  	_ =	task.clear_ibuf [dreg:s6], $0x2FFFF;
	_ =	strace $0x9FFFFFFF  }
0xc1: {  	(tm) =	ssettm $0x7FFFFFFF  }
tec
execute0_lowered:
.L_overlay_start_1:
0x0: {  	(tag) =	ssettag $0x1  }
0x1: {  	s0 =	srdreg.scid  }
0x2: {  	s2 =	stileid.u32;
	s1 =	rddreg [dreg:$0x0];
	s7 =	simm.s32 $0x5  }
0x3: {  	s23 =	simm.s32 $0xB600;
	s24 =	simm.s32 $0xB800;
	s25 =	simm.s32 $0xBA00  }
0x4: {  	s26 =	simm.s32 $0xBC00;
	s28 =	simm.s32 $0xBE00;
	s29 =	simm.s32 $0xC000  }
0x5: {  	s30 =	simm.s32 $0xC200;
	s31 =	simm.s32 $0xC400;
	s8 =	simm.s32 $0xCA00  }
0x6: {  	s9 =	simm.s32 $0xCC00;
	s10 =	simm.s32 $0xCE00;
	s11 =	simm.s32 $0x1  }
0x7: {  	s12 =	simm.s32 $0x2;
	s0 =	sand.u32 $0x1, s0;
	s3 =	sshll.u32 s2, $0x1  }
0x8: {  	s13 =	simm.s32 $0x3;
	s14 =	simm.s32 $0x4;
	s3 =	sor.u32 s0, s3  }
0x9: {  	s16 =	simm.s32 $0x0;
	s2 =	simm.s32 $0x0;
	s4 =	smul.u32 $0xD00, s3  }
.Ltmp0:
0xa: {  	[smem:$0x7FF] =	sst s2;
	s0 =	ssub.s32 $0x2, s0;
	(pc) =	sbr.rel .LBB2_1-.Ltmp0, $4  }
0xb: {  	_ =	strace $0x8000004A;
	s5 =	sshll.u32 s3, $0xA;
	s6 =	sshrl.u32 s0, $0x1  }
0xc: {  	s3 =	sadd.s32 $0x1200, s1;
	s0 =	ssub.s32 s0, s6;
	s4 =	sadd.s32 s4, s1  }
0xd: {  	s1 =	sadd.s32 s5, s1;
	s6 =	smax.u32 s0, $0x1;
	s4 =	sadd.s32 $0x3D1C00, s4  }
0xe: {  	vm0 =	vmmov $0xffff;
	s0 =	simm.s32 $0xC800;
	s5 =	sadd.s32 $0x3EBC00, s1;
	s1 =	simm.s32 $0xC600  }
.LBB2_12:
0xf: {  	s16 =	sadd.s32 $0x1, s16  }
0x10: {  	p0 =	sne.s32 s16, s6  }
.Ltmp1:
0x11: {  	s15 =	simm.s32 $0xD100;
	(pc) =	sbr.rel @!p0 .LBB2_13-.Ltmp1, $4  }
0x12: {  	[hbm4b:s5+s2] =	stream.linear.scatter [tilespmem:s15], [sflag:$0x5], $0x2000, $0x38;
	[tilespmem:$0xF100] =	vst v63  }
0x13: {  	_ =	swait.ge [sflag:s7], $0x2000  }
0x14: {  	[sflag:s7] =	ssyncset.done $0x0  }
0x15: {  	[sflag:s7] =	ssyncadd.s32 $0xFFFFE000  }
.LBB2_1:
0x16: {  	[tilespmem:s2], [sflag:$0x5] =	stream.linear.gather [hbm4b:s4+s2], $0x6800, $0x38;
	[tilespmem:$0xF100] =	vst v63  }
0x17: {  	_ =	swait.ge [sflag:s7], $0x6800  }
0x18: {  	[sflag:s7] =	ssyncset.done $0x0  }
0x19: {  	s15 =	simm.s32 $0xD000;
	[sflag:s7] =	ssyncadd.s32 $0xFFFF9800  }
0x1a: {  	[tilespmem:s15], [sflag:$0x5] =	stream.linear.gather [hbm4b:s3+s2], $0x100, $0x38;
	[tilespmem:$0xF100] =	vst v63  }
0x1b: {  	_ =	swait.ge [sflag:s7], $0x100  }
0x1c: {  	[sflag:s7] =	ssyncset.done $0x0  }
0x1d: {  	[sflag:s7] =	ssyncadd.s32 $0xFFFFFF00  }
0x1e: {  	v0 =	vld [tilespmem:$0x0];
	_ =	sdelay $0x6  }
0x1f: {  	s20 =	simm.s32 $0x6800;
	v1 =	vld [tilespmem:$0xD000]  }
0x20: {  	v3 =	vld [tilespmem:$0xD010];
	[tilespmem:s20], [sflag:$0x1] =	stream.indirect_vreg.gather [hbm4b:s3+s2], $0x20, v0, vm0, $0xb8  }
0x21: {  	v0 =	vld [tilespmem:$0x10];
	_ =	sdelay $0x6  }
0x22: {  	s21 =	simm.s32 $0x6A00  }
0x23: {  	[tilespmem:s21], [sflag:$0x1] =	stream.indirect_vreg.gather [hbm4b:s3+s2], $0x20, v0, vm0, $0xb8;
	[tilespmem:$0xF100] =	vst v63  }
0x24: {  	v0 =	vld [tilespmem:$0x20];
	_ =	sdelay $0x6  }
0x25: {  	s22 =	simm.s32 $0x6C00  }
0x26: {  	[tilespmem:s22], [sflag:$0x1] =	stream.indirect_vreg.gather [hbm4b:s3+s2], $0x20, v0, vm0, $0xb8;
	[tilespmem:$0xF100] =	vst v63  }
0x27: {  	v0 =	vld [tilespmem:$0x30];
	_ =	sdelay $0x6  }
0x28: {  	s17 =	simm.s32 $0x6E00  }
0x29: {  	[tilespmem:s17], [sflag:$0x1] =	stream.indirect_vreg.gather [hbm4b:s3+s2], $0x20, v0, vm0, $0xb8;
	[tilespmem:$0xF100] =	vst v63  }
0x2a: {  	v0 =	vld [tilespmem:$0x40];
	_ =	sdelay $0x6  }
0x2b: {  	s18 =	simm.s32 $0x7000  }
0x2c: {  	[tilespmem:s18], [sflag:$0x1] =	stream.indirect_vreg.gather [hbm4b:s3+s2], $0x20, v0, vm0, $0xb8;
	[tilespmem:$0xF100] =	vst v63  }
0x2d: {  	v0 =	vld [tilespmem:$0x50];
	_ =	sdelay $0x6  }
0x2e: {  	s19 =	simm.s32 $0x7200  }
0x2f: {  	[tilespmem:s19], [sflag:$0x1] =	stream.indirect_vreg.gather [hbm4b:s3+s2], $0x20, v0, vm0, $0xb8;
	[tilespmem:$0xF100] =	vst v63  }
0x30: {  	v0 =	vld [tilespmem:$0x60];
	_ =	sdelay $0x6  }
0x31: {  	s20 =	simm.s32 $0x7400  }
0x32: {  	[tilespmem:s20], [sflag:$0x1] =	stream.indirect_vreg.gather [hbm4b:s3+s2], $0x20, v0, vm0, $0xb8;
	[tilespmem:$0xF100] =	vst v63  }
0x33: {  	v0 =	vld [tilespmem:$0x70];
	_ =	sdelay $0x6  }
0x34: {  	s21 =	simm.s32 $0x7600  }
0x35: {  	[tilespmem:s21], [sflag:$0x1] =	stream.indirect_vreg.gather [hbm4b:s3+s2], $0x20, v0, vm0, $0xb8;
	[tilespmem:$0xF100] =	vst v63  }
0x36: {  	v0 =	vld [tilespmem:$0x80];
	_ =	sdelay $0x6  }
0x37: {  	s22 =	simm.s32 $0x7800  }
0x38: {  	[tilespmem:s22], [sflag:$0x1] =	stream.indirect_vreg.gather [hbm4b:s3+s2], $0x20, v0, vm0, $0xb8;
	[tilespmem:$0xF100] =	vst v63  }
0x39: {  	v0 =	vld [tilespmem:$0x90];
	_ =	sdelay $0x6  }
0x3a: {  	s17 =	simm.s32 $0x7A00  }
0x3b: {  	[tilespmem:s17], [sflag:$0x1] =	stream.indirect_vreg.gather [hbm4b:s3+s2], $0x20, v0, vm0, $0xb8;
	[tilespmem:$0xF100] =	vst v63  }
0x3c: {  	v0 =	vld [tilespmem:$0xA0];
	_ =	sdelay $0x6  }
0x3d: {  	s18 =	simm.s32 $0x7C00  }
0x3e: {  	[tilespmem:s18], [sflag:$0x1] =	stream.indirect_vreg.gather [hbm4b:s3+s2], $0x20, v0, vm0, $0xb8;
	[tilespmem:$0xF100] =	vst v63  }
0x3f: {  	v0 =	vld [tilespmem:$0xB0];
	_ =	sdelay $0x6  }
0x40: {  	s19 =	simm.s32 $0x7E00  }
0x41: {  	[tilespmem:s19], [sflag:$0x1] =	stream.indirect_vreg.gather [hbm4b:s3+s2], $0x20, v0, vm0, $0xb8;
	[tilespmem:$0xF100] =	vst v63  }
0x42: {  	v0 =	vld [tilespmem:$0xC0];
	_ =	sdelay $0x6  }
0x43: {  	s20 =	simm.s32 $0x8000  }
0x44: {  	[tilespmem:s20], [sflag:$0x1] =	stream.indirect_vreg.gather [hbm4b:s3+s2], $0x20, v0, vm0, $0xb8;
	[tilespmem:$0xF100] =	vst v63  }
0x45: {  	v0 =	vld [tilespmem:$0xD0];
	_ =	sdelay $0x6  }
0x46: {  	s21 =	simm.s32 $0x8200  }
0x47: {  	[tilespmem:s21], [sflag:$0x2] =	stream.indirect_vreg.gather [hbm4b:s3+s2], $0x20, v0, vm0, $0xb8;
	[tilespmem:$0xF100] =	vst v63  }
0x48: {  	v0 =	vld [tilespmem:$0xE0];
	_ =	sdelay $0x6  }
0x49: {  	s22 =	simm.s32 $0x8400  }
0x4a: {  	[tilespmem:s22], [sflag:$0x2] =	stream.indirect_vreg.gather [hbm4b:s3+s2], $0x20, v0, vm0, $0xb8;
	[tilespmem:$0xF100] =	vst v63  }
0x4b: {  	v0 =	vld [tilespmem:$0xF0];
	_ =	sdelay $0x6  }
0x4c: {  	s17 =	simm.s32 $0x8600  }
0x4d: {  	[tilespmem:s17], [sflag:$0x2] =	stream.indirect_vreg.gather [hbm4b:s3+s2], $0x20, v0, vm0, $0xb8;
	[tilespmem:$0xF100] =	vst v63  }
0x4e: {  	v0 =	vld [tilespmem:$0x100];
	_ =	sdelay $0x6  }
0x4f: {  	s18 =	simm.s32 $0x8800  }
0x50: {  	[tilespmem:s18], [sflag:$0x2] =	stream.indirect_vreg.gather [hbm4b:s3+s2], $0x20, v0, vm0, $0xb8;
	[tilespmem:$0xF100] =	vst v63  }
0x51: {  	v0 =	vld [tilespmem:$0x110];
	_ =	sdelay $0x6  }
0x52: {  	s19 =	simm.s32 $0x8A00  }
0x53: {  	[tilespmem:s19], [sflag:$0x2] =	stream.indirect_vreg.gather [hbm4b:s3+s2], $0x20, v0, vm0, $0xb8;
	[tilespmem:$0xF100] =	vst v63  }
0x54: {  	v0 =	vld [tilespmem:$0x120];
	_ =	sdelay $0x6  }
0x55: {  	s20 =	simm.s32 $0x8C00  }
0x56: {  	[tilespmem:s20], [sflag:$0x2] =	stream.indirect_vreg.gather [hbm4b:s3+s2], $0x20, v0, vm0, $0xb8;
	[tilespmem:$0xF100] =	vst v63  }
0x57: {  	v0 =	vld [tilespmem:$0x130];
	_ =	sdelay $0x6  }
0x58: {  	s21 =	simm.s32 $0x8E00  }
0x59: {  	[tilespmem:s21], [sflag:$0x2] =	stream.indirect_vreg.gather [hbm4b:s3+s2], $0x20, v0, vm0, $0xb8;
	[tilespmem:$0xF100] =	vst v63  }
0x5a: {  	v0 =	vld [tilespmem:$0x140];
	_ =	sdelay $0x6  }
0x5b: {  	s22 =	simm.s32 $0x9000  }
0x5c: {  	[tilespmem:s22], [sflag:$0x2] =	stream.indirect_vreg.gather [hbm4b:s3+s2], $0x20, v0, vm0, $0xb8;
	[tilespmem:$0xF100] =	vst v63  }
0x5d: {  	v0 =	vld [tilespmem:$0x150];
	_ =	sdelay $0x6  }
0x5e: {  	s17 =	simm.s32 $0x9200  }
0x5f: {  	[tilespmem:s17], [sflag:$0x2] =	stream.indirect_vreg.gather [hbm4b:s3+s2], $0x20, v0, vm0, $0xb8;
	[tilespmem:$0xF100] =	vst v63  }
0x60: {  	v0 =	vld [tilespmem:$0x160];
	_ =	sdelay $0x6  }
0x61: {  	s18 =	simm.s32 $0x9400  }
0x62: {  	[tilespmem:s18], [sflag:$0x2] =	stream.indirect_vreg.gather [hbm4b:s3+s2], $0x20, v0, vm0, $0xb8;
	[tilespmem:$0xF100] =	vst v63  }
0x63: {  	v0 =	vld [tilespmem:$0x170];
	_ =	sdelay $0x6  }
0x64: {  	s19 =	simm.s32 $0x9600  }
0x65: {  	[tilespmem:s19], [sflag:$0x2] =	stream.indirect_vreg.gather [hbm4b:s3+s2], $0x20, v0, vm0, $0xb8;
	[tilespmem:$0xF100] =	vst v63  }
0x66: {  	v0 =	vld [tilespmem:$0x180];
	_ =	sdelay $0x6  }
0x67: {  	s20 =	simm.s32 $0x9800  }
0x68: {  	[tilespmem:s20], [sflag:$0x2] =	stream.indirect_vreg.gather [hbm4b:s3+s2], $0x20, v0, vm0, $0xb8;
	[tilespmem:$0xF100] =	vst v63  }
0x69: {  	v0 =	vld [tilespmem:$0x190];
	_ =	sdelay $0x6  }
0x6a: {  	s21 =	simm.s32 $0x9A00  }
0x6b: {  	[tilespmem:s21], [sflag:$0x2] =	stream.indirect_vreg.gather [hbm4b:s3+s2], $0x20, v0, vm0, $0xb8;
	[tilespmem:$0xF100] =	vst v63  }
0x6c: {  	v0 =	vld [tilespmem:$0x1A0];
	_ =	sdelay $0x6  }
0x6d: {  	s22 =	simm.s32 $0x9C00  }
0x6e: {  	[tilespmem:s22], [sflag:$0x3] =	stream.indirect_vreg.gather [hbm4b:s3+s2], $0x20, v0, vm0, $0xb8;
	[tilespmem:$0xF100] =	vst v63  }
0x6f: {  	v0 =	vld [tilespmem:$0x1B0];
	_ =	sdelay $0x6  }
0x70: {  	s17 =	simm.s32 $0x9E00  }
0x71: {  	[tilespmem:s17], [sflag:$0x3] =	stream.indirect_vreg.gather [hbm4b:s3+s2], $0x20, v0, vm0, $0xb8;
	[tilespmem:$0xF100] =	vst v63  }
0x72: {  	v0 =	vld [tilespmem:$0x1C0];
	_ =	sdelay $0x6  }
0x73: {  	s18 =	simm.s32 $0xA000  }
0x74: {  	[tilespmem:s18], [sflag:$0x3] =	stream.indirect_vreg.gather [hbm4b:s3+s2], $0x20, v0, vm0, $0xb8;
	[tilespmem:$0xF100] =	vst v63  }
0x75: {  	v0 =	vld [tilespmem:$0x1D0];
	_ =	sdelay $0x6  }
0x76: {  	s19 =	simm.s32 $0xA200  }
0x77: {  	[tilespmem:s19], [sflag:$0x3] =	stream.indirect_vreg.gather [hbm4b:s3+s2], $0x20, v0, vm0, $0xb8;
	[tilespmem:$0xF100] =	vst v63  }
0x78: {  	v0 =	vld [tilespmem:$0x1E0];
	_ =	sdelay $0x6  }
0x79: {  	s20 =	simm.s32 $0xA400  }
0x7a: {  	[tilespmem:s20], [sflag:$0x3] =	stream.indirect_vreg.gather [hbm4b:s3+s2], $0x20, v0, vm0, $0xb8;
	[tilespmem:$0xF100] =	vst v63  }
0x7b: {  	v0 =	vld [tilespmem:$0x1F0];
	_ =	sdelay $0x6  }
0x7c: {  	s21 =	simm.s32 $0xA600  }
0x7d: {  	[tilespmem:s21], [sflag:$0x3] =	stream.indirect_vreg.gather [hbm4b:s3+s2], $0x20, v0, vm0, $0xb8;
	[tilespmem:$0xF100] =	vst v63  }
0x7e: {  	v0 =	vld [tilespmem:$0x200];
	_ =	sdelay $0x6  }
0x7f: {  	s22 =	simm.s32 $0xA800  }
0x80: {  	[tilespmem:s22], [sflag:$0x3] =	stream.indirect_vreg.gather [hbm4b:s3+s2], $0x20, v0, vm0, $0xb8;
	[tilespmem:$0xF100] =	vst v63  }
0x81: {  	v0 =	vld [tilespmem:$0x210];
	_ =	sdelay $0x6  }
0x82: {  	s17 =	simm.s32 $0xAA00  }
0x83: {  	[tilespmem:s17], [sflag:$0x3] =	stream.indirect_vreg.gather [hbm4b:s3+s2], $0x20, v0, vm0, $0xb8;
	[tilespmem:$0xF100] =	vst v63  }
0x84: {  	v0 =	vld [tilespmem:$0x220];
	_ =	sdelay $0x6  }
0x85: {  	s18 =	simm.s32 $0xAC00  }
0x86: {  	[tilespmem:s18], [sflag:$0x3] =	stream.indirect_vreg.gather [hbm4b:s3+s2], $0x20, v0, vm0, $0xb8;
	[tilespmem:$0xF100] =	vst v63  }
0x87: {  	v0 =	vld [tilespmem:$0x230];
	_ =	sdelay $0x6  }
0x88: {  	s19 =	simm.s32 $0xAE00  }
0x89: {  	[tilespmem:s19], [sflag:$0x3] =	stream.indirect_vreg.gather [hbm4b:s3+s2], $0x20, v0, vm0, $0xb8;
	[tilespmem:$0xF100] =	vst v63  }
0x8a: {  	v0 =	vld [tilespmem:$0x240];
	_ =	sdelay $0x6  }
0x8b: {  	s20 =	simm.s32 $0xB000  }
0x8c: {  	[tilespmem:s20], [sflag:$0x3] =	stream.indirect_vreg.gather [hbm4b:s3+s2], $0x20, v0, vm0, $0xb8;
	[tilespmem:$0xF100] =	vst v63  }
0x8d: {  	v0 =	vld [tilespmem:$0x250];
	_ =	sdelay $0x6  }
0x8e: {  	s21 =	simm.s32 $0xB200  }
0x8f: {  	[tilespmem:s21], [sflag:$0x3] =	stream.indirect_vreg.gather [hbm4b:s3+s2], $0x20, v0, vm0, $0xb8;
	[tilespmem:$0xF100] =	vst v63  }
0x90: {  	v0 =	vld [tilespmem:$0x260];
	_ =	sdelay $0x6  }
0x91: {  	s22 =	simm.s32 $0xB400  }
0x92: {  	[tilespmem:s22], [sflag:$0x3] =	stream.indirect_vreg.gather [hbm4b:s3+s2], $0x20, v0, vm0, $0xb8;
	[tilespmem:$0xF100] =	vst v63  }
0x93: {  	v0 =	vld [tilespmem:$0x270];
	_ =	sdelay $0x7  }
0x94: {  	[tilespmem:s23], [sflag:$0x4] =	stream.indirect_vreg.gather [hbm4b:s3+s2], $0x20, v0, vm0, $0xb8;
	[tilespmem:$0xF100] =	vst v63  }
0x95: {  	v0 =	vld [tilespmem:$0x280];
	_ =	sdelay $0x7  }
0x96: {  	[tilespmem:s24], [sflag:$0x4] =	stream.indirect_vreg.gather [hbm4b:s3+s2], $0x20, v0, vm0, $0xb8;
	[tilespmem:$0xF100] =	vst v63  }
0x97: {  	v0 =	vld [tilespmem:$0x290];
	_ =	sdelay $0x7  }
0x98: {  	[tilespmem:s25], [sflag:$0x4] =	stream.indirect_vreg.gather [hbm4b:s3+s2], $0x20, v0, vm0, $0xb8;
	[tilespmem:$0xF100] =	vst v63  }
0x99: {  	v0 =	vld [tilespmem:$0x2A0];
	_ =	sdelay $0x7  }
0x9a: {  	[tilespmem:s26], [sflag:$0x4] =	stream.indirect_vreg.gather [hbm4b:s3+s2], $0x20, v0, vm0, $0xb8;
	[tilespmem:$0xF100] =	vst v63  }
0x9b: {  	v0 =	vld [tilespmem:$0x2B0];
	_ =	sdelay $0x7  }
0x9c: {  	[tilespmem:s28], [sflag:$0x4] =	stream.indirect_vreg.gather [hbm4b:s3+s2], $0x20, v0, vm0, $0xb8;
	[tilespmem:$0xF100] =	vst v63  }
0x9d: {  	v0 =	vld [tilespmem:$0x2C0];
	_ =	sdelay $0x7  }
0x9e: {  	[tilespmem:s29], [sflag:$0x4] =	stream.indirect_vreg.gather [hbm4b:s3+s2], $0x20, v0, vm0, $0xb8;
	[tilespmem:$0xF100] =	vst v63  }
0x9f: {  	v0 =	vld [tilespmem:$0x2D0];
	_ =	sdelay $0x7  }
0xa0: {  	[tilespmem:s30], [sflag:$0x4] =	stream.indirect_vreg.gather [hbm4b:s3+s2], $0x20, v0, vm0, $0xb8;
	[tilespmem:$0xF100] =	vst v63  }
0xa1: {  	v0 =	vld [tilespmem:$0x2E0];
	_ =	sdelay $0x7  }
0xa2: {  	[tilespmem:s31], [sflag:$0x4] =	stream.indirect_vreg.gather [hbm4b:s3+s2], $0x20, v0, vm0, $0xb8;
	[tilespmem:$0xF100] =	vst v63  }
0xa3: {  	v0 =	vld [tilespmem:$0x2F0];
	_ =	sdelay $0x7  }
0xa4: {  	[tilespmem:s1], [sflag:$0x4] =	stream.indirect_vreg.gather [hbm4b:s3+s2], $0x20, v0, vm0, $0xb8;
	[tilespmem:$0xF100] =	vst v63  }
0xa5: {  	v0 =	vld [tilespmem:$0x300];
	_ =	sdelay $0x7  }
0xa6: {  	[tilespmem:s0], [sflag:$0x4] =	stream.indirect_vreg.gather [hbm4b:s3+s2], $0x20, v0, vm0, $0xb8;
	[tilespmem:$0xF100] =	vst v63  }
0xa7: {  	v0 =	vld [tilespmem:$0x310];
	_ =	sdelay $0x7  }
0xa8: {  	[tilespmem:s8], [sflag:$0x4] =	stream.indirect_vreg.gather [hbm4b:s3+s2], $0x20, v0, vm0, $0xb8;
	[tilespmem:$0xF100] =	vst v63  }
0xa9: {  	v0 =	vld [tilespmem:$0x320];
	_ =	sdelay $0x7  }
0xaa: {  	[tilespmem:s9], [sflag:$0x4] =	stream.indirect_vreg.gather [hbm4b:s3+s2], $0x20, v0, vm0, $0xb8;
	[tilespmem:$0xF100] =	vst v63  }
0xab: {  	v0 =	vld [tilespmem:$0x330];
	_ =	sdelay $0x6  }
0xac: {  	v2 =	vunpack.i.u.bf16.f32 v3;
	s17 =	simm.s32 $0x0  }
0xad: {  	v3 =	vunpack.i.l.bf16.f32 v3;
	[tilespmem:s10], [sflag:$0x4] =	stream.indirect_vreg.gather [hbm4b:s3+s2], $0x20, v0, vm0, $0xb8;
	v0 =	vunpack.i.u.bf16.f32 v1;
	v1 =	vunpack.i.l.bf16.f32 v1;
	[tilespmem:$0xF100] =	vst v63  }
.LBB2_2:
0xae: {  	s18 =	smul.u32 $0xD00, s17;
	_ =	sdelay $0x1  }
0xaf: {  	s18 =	sshra.s32 s18, $0x2  }
0xb0: {  	v4 =	vld [tilespmem:s18+$0x0]  }
0xb1: {  	v5 =	vld [tilespmem:s18+$0x10]  }
0xb2: {  	v6 =	vld [tilespmem:s18+$0x20]  }
0xb3: {  	v7 =	vld [tilespmem:s18+$0x30]  }
0xb4: {  	v9 =	vld [tilespmem:s18+$0x40]  }
0xb5: {  	v10 =	vld [tilespmem:s18+$0x50]  }
0xb6: {  	v11 =	vld [tilespmem:s18+$0x60]  }
0xb7: {  	v17 =	vld [tilespmem:s18+$0x70]  }
0xb8: {  	v18 =	vld [tilespmem:s18+$0x80]  }
0xb9: {  	v19 =	vld [tilespmem:s18+$0x90]  }
0xba: {  	v20 =	vld [tilespmem:s18+$0xA0]  }
0xbb: {  	v21 =	vld [tilespmem:s18+$0xB0]  }
0xbc: {  	v22 =	vld [tilespmem:s18+$0xC0];
	_ =	swait.ge [sflag:s11], $0x1A00  }
0xbd: {  	[sflag:s11] =	ssyncset.done $0x0  }
0xbe: {  	s20 =	simm.s32 $0x0;
	[sflag:s11] =	ssyncadd.s32 $0xFFFFE600  }
0xbf: {  	v24 =	vld [tilespmem:s20+$0x6840]  }
0xc0: {  	vm1 =	veq.s32 v4, $0x0  }
0xc1: {  	v8 =	vmpcnt.ones.xlane vm1;
	vm1 =	veq.s32 v5, $0x0  }
0xc2: {  	v23 =	vld [tilespmem:s20+$0x6860];
	vm2 =	veq.s32 v7, $0x0;
	v13 =	vmpcnt.ones.xlane vm1;
	vm1 =	veq.s32 v6, $0x0  }
0xc3: {  	v14 =	vmpcnt.ones.xlane vm2;
	vm2 =	veq.s32 v11, $0x0;
	v16 =	vmpcnt.ones.xlane vm1  }
0xc4: {  	v25 =	vld [tilespmem:s20+$0x6800];
	vm1 =	veq.s32 v9, $0x0;
	v26 =	vunpack.i.u.bf16.f32 v24;
	v24 =	vunpack.i.l.bf16.f32 v24  }
0xc5: {  	v12 =	vmpcnt.ones.xlane vm1;
	vm1 =	veq.s32 v10, $0x0;
	v10 =	vmpcnt.ones.xlane vm2  }
0xc6: {  	v29 =	vld [tilespmem:s20+$0x6850];
	vm2 =	veq.s32 v19, $0x0;
	v15 =	vmpcnt.ones.xlane vm1;
	vm1 =	veq.s32 v17, $0x0  }
0xc7: {  	v19 =	vunpack.i.l.bf16.f32 v23;
	v17 =	vld [tilespmem:s20+$0x6820];
	v9 =	vmpcnt.ones.xlane vm1;
	vm1 =	veq.s32 v18, $0x0  }
0xc8: {  	v7 =	vmpcnt.ones.xlane vm2;
	v11 =	vmpcnt.ones.xlane vm1;
	vm1 =	veq.s32 v20, $0x0;
	v20 =	vld [tilespmem:s20+$0x6810]  }
0xc9: {  	vm2 =	veq.s32 v22, $0x0;
	v22 =	vld [tilespmem:s20+$0x6830];
	v18 =	vunpack.i.u.bf16.f32 v23;
	v23 =	vunpack.i.l.bf16.f32 v25  }
0xca: {  	v5 =	vmpcnt.ones.xlane vm1;
	vm1 =	veq.s32 v21, $0x0;
	v21 =	vimm.f32 $0.0e+00  }
0xcb: {  	v63 =	vunpack.i.u.bf16.f32 v29;
	v29 =	vunpack.i.l.bf16.f32 v29;
	v30 =	vadd.f32 v23, v21  }
0xcc: {  	v27 =	vunpack.i.u.bf16.f32 v17;
	v28 =	vunpack.i.l.bf16.f32 v17;
	v17 =	vunpack.i.u.bf16.f32 v25  }
0xcd: {  	s19 =	simm.s32 $0x80;
	v23 =	vld [tilespmem:s20+$0x6870];
	v31 =	vadd.f32 v17, v21;
	v25 =	vunpack.i.u.bf16.f32 v20;
	v20 =	vunpack.i.l.bf16.f32 v20  }
0xce: {  	v33 =	vunpack.i.u.bf16.f32 v22;
	v17 =	vld [tilespmem:s19+$0x6860];
	v32 =	vadd.f32 v20, v21;
	v25 =	vadd.f32 v25, v21  }
0xcf: {  	v22 =	vunpack.i.l.bf16.f32 v22;
	v28 =	vadd.f32 v28, v30;
	v20 =	vld [tilespmem:s19+$0x6840];
	v27 =	vadd.f32 v27, v31  }
0xd0: {  	v4 =	vmpcnt.ones.xlane vm2;
	v21 =	vld [tilespmem:s19+$0x6820];
	v30 =	vadd.f32 v22, v32;
	v31 =	vadd.f32 v33, v25  }
0xd1: {  	v6 =	vmpcnt.ones.xlane vm1;
	v22 =	vld [tilespmem:s19+$0x6800];
	v25 =	vadd.f32 v24, v28;
	v26 =	vadd.f32 v26, v27  }
0xd2: {  	s20 =	simm.s32 $0x400;
	v24 =	vld [tilespmem:s19+$0x6810];
	v28 =	vadd.f32 v29, v30;
	v27 =	vadd.f32 v63, v31;
	v29 =	vunpack.i.u.bf16.f32 v23  }
.LBB2_3:
0xd3: {  	p0 =	sne.s32 s20, $0x6600;
	v23 =	vunpack.i.l.bf16.f32 v23;
	v25 =	vadd.f32 v19, v25;
	v26 =	vadd.f32 v18, v26  }
0xd4: {  	v30 =	vld [tilespmem:s19+$0x6830];
	v28 =	vadd.f32 v23, v28;
	v27 =	vadd.f32 v29, v27  }
0xd5: {  	v18 =	vunpack.i.u.bf16.f32 v17;
	v19 =	vunpack.i.l.bf16.f32 v17;
	v29 =	vunpack.i.u.bf16.f32 v20  }
0xd6: {  	v32 =	vunpack.i.l.bf16.f32 v20;
	v31 =	vunpack.i.u.bf16.f32 v21;
	v21 =	vunpack.i.l.bf16.f32 v21;
	v33 =	vld [tilespmem:s19+$0x6850]  }
0xd7: {  	v17 =	vunpack.i.u.bf16.f32 v22;
	v20 =	vunpack.i.l.bf16.f32 v22;
	v22 =	vunpack.i.u.bf16.f32 v24  }
0xd8: {  	v24 =	vunpack.i.l.bf16.f32 v24;
	v25 =	vadd.f32 v20, v25;
	v26 =	vadd.f32 v17, v26;
	v23 =	vld [tilespmem:s19+$0x6870];
	s19 =	sshra.s32 s20, $0x2  }
.Ltmp2:
0xd9: {  	v24 =	vadd.f32 v24, v28;
	v22 =	vadd.f32 v22, v27;
	v17 =	vld [tilespmem:s19+$0x6860];
	v27 =	vunpack.i.u.bf16.f32 v30;
	(pc) =	sbr.rel @p0 .LBB2_3-.Ltmp2, $4  }
0xda: {  	v28 =	vunpack.i.l.bf16.f32 v30;
	v25 =	vadd.f32 v21, v25;
	v26 =	vadd.f32 v31, v26;
	v20 =	vld [tilespmem:s19+$0x6840]  }
0xdb: {  	v28 =	vadd.f32 v28, v24;
	v27 =	vadd.f32 v27, v22;
	v21 =	vld [tilespmem:s19+$0x6820];
	v30 =	vunpack.i.u.bf16.f32 v33  }
0xdc: {  	v31 =	vunpack.i.l.bf16.f32 v33;
	v25 =	vadd.f32 v32, v25;
	v26 =	vadd.f32 v29, v26;
	v22 =	vld [tilespmem:s19+$0x6800]  }
0xdd: {  	s20 =	sadd.s32 $0x200, s20;
	v28 =	vadd.f32 v31, v28;
	v27 =	vadd.f32 v30, v27;
	v24 =	vld [tilespmem:s19+$0x6810];
	v29 =	vunpack.i.u.bf16.f32 v23  }
0xde: {  	v23 =	vunpack.i.l.bf16.f32 v23  }
0xdf: {  	v19 =	vadd.f32 v19, v25;
	v18 =	vadd.f32 v18, v26;
	v8 =	vadd.s32 v8, v13  }
0xe0: {  	v23 =	vadd.f32 v23, v28;
	v13 =	vadd.f32 v29, v27;
	v25 =	vunpack.i.u.bf16.f32 v20  }
0xe1: {  	v8 =	vadd.s32 v16, v8;
	v16 =	vunpack.i.u.bf16.f32 v17;
	v20 =	vunpack.i.l.bf16.f32 v20  }
0xe2: {  	v26 =	vunpack.i.u.bf16.f32 v21;
	v8 =	vadd.s32 v14, v8;
	v21 =	vunpack.i.l.bf16.f32 v21  }
0xe3: {  	v14 =	vld [tilespmem:s19+$0x6830];
	v8 =	vadd.s32 v12, v8;
	v12 =	vunpack.i.u.bf16.f32 v22;
	v22 =	vunpack.i.l.bf16.f32 v22  }
0xe4: {  	v8 =	vadd.s32 v15, v8;
	v15 =	vunpack.i.u.bf16.f32 v24;
	v24 =	vunpack.i.l.bf16.f32 v24  }
0xe5: {  	v19 =	vadd.f32 v22, v19;
	v12 =	vadd.f32 v12, v18;
	v8 =	vadd.s32 v10, v8  }
0xe6: {  	v10 =	vld [tilespmem:s19+$0x6850];
	v13 =	vadd.f32 v15, v13;
	v8 =	vadd.s32 v9, v8;
	v9 =	vadd.f32 v24, v23  }
0xe7: {  	v15 =	vadd.f32 v21, v19;
	v12 =	vadd.f32 v26, v12;
	v8 =	vadd.s32 v11, v8  }
0xe8: {  	v11 =	vunpack.i.u.bf16.f32 v14;
	v14 =	vunpack.i.l.bf16.f32 v14;
	v7 =	vadd.s32 v7, v8;
	v8 =	vld [tilespmem:s19+$0x6870]  }
0xe9: {  	v5 =	vadd.s32 v5, v7;
	v7 =	vadd.f32 v14, v9;
	v9 =	vadd.f32 v11, v13  }
0xea: {  	v11 =	vadd.f32 v25, v12;
	v12 =	vunpack.i.l.bf16.f32 v17;
	v5 =	vadd.s32 v6, v5  }
0xeb: {  	v6 =	vunpack.i.u.bf16.f32 v10;
	v10 =	vunpack.i.l.bf16.f32 v10;
	v4 =	vadd.s32 v4, v5  }
0xec: {  	v5 =	vadd.f32 v20, v15;
	v7 =	vadd.f32 v10, v7;
	v4 =	vcvt.s32.f32 v4  }
0xed: {  	v6 =	vadd.f32 v6, v9;
	v11 =	vadd.f32 v16, v11;
	v9 =	vunpack.i.u.bf16.f32 v8  }
0xee: {  	v5 =	vadd.f32 v12, v5;
	v8 =	vunpack.i.l.bf16.f32 v8;
	v10 =	vmul.f32 v4, v1  }
0xef: {  	v12 =	vmul.f32 v4, v0;
	v7 =	vadd.f32 v8, v7;
	v8 =	vmul.f32 v4, v3  }
0xf0: {  	v6 =	vadd.f32 v9, v6;
	v4 =	vmul.f32 v4, v2;
	v5 =	vsub.f32 v5, v10  }
0xf1: {  	v9 =	vsub.f32 v11, v12  }
0xf2: {  	s21 =	sshll.u32 s17, $0x8;
	v4 =	vsub.f32 v6, v4;
	v5 =	vmul.f32 $4.999999890e-03, v5  }
0xf3: {  	s19 =	sand.u32 $0x3FFFFF00, s21;
	v7 =	vsub.f32 v7, v8;
	v8 =	vmul.f32 $4.999999890e-03, v9  }
0xf4: {  	v4 =	vmul.f32 $4.999999890e-03, v4;
	[tilespmem:s19+$0xD100] =	vst v5  }
0xf5: {  	v5 =	vmul.f32 $4.999999890e-03, v7;
	[tilespmem:s19+$0xD110] =	vst v8  }
0xf6: {  	[tilespmem:s19+$0xD130] =	vst v4  }
0xf7: {  	p0 =	seq.s32 s17, $0x1F;
	[tilespmem:s19+$0xD120] =	vst v5  }
0xf8: {  	v4 =	vld @!p0 [tilespmem:s18+$0x340];
	_ =	sdelay $0x6  }
0xf9: {  	vm1 =	vmmov @!p0 $0xffff;
	s21 =	simm.s32 @!p0 $0x0;
	s19 =	simm.s32 @!p0 $0x6800  }
0xfa: {  	[tilespmem:s19], [sflag:$0x1] =	stream.indirect_vreg.gather @!p0 [hbm4b:s3+s21], $0x20, v4, vm1, $0xb8;
	[tilespmem:$0xF100] =	vst v63  }
0xfb: {  	v4 =	vld @!p0 [tilespmem:s18+$0x350];
	_ =	sdelay $0x6  }
0xfc: {  	s19 =	simm.s32 @!p0 $0x6A00  }
0xfd: {  	[tilespmem:s19], [sflag:$0x1] =	stream.indirect_vreg.gather @!p0 [hbm4b:s3+s21], $0x20, v4, vm1, $0xb8;
	[tilespmem:$0xF100] =	vst v63  }
0xfe: {  	v4 =	vld @!p0 [tilespmem:s18+$0x360];
	_ =	sdelay $0x6  }
0xff: {  	s19 =	simm.s32 @!p0 $0x6C00  }
0x100: {  	[tilespmem:s19], [sflag:$0x1] =	stream.indirect_vreg.gather @!p0 [hbm4b:s3+s21], $0x20, v4, vm1, $0xb8;
	[tilespmem:$0xF100] =	vst v63  }
0x101: {  	v4 =	vld @!p0 [tilespmem:s18+$0x370];
	_ =	sdelay $0x6  }
0x102: {  	s19 =	simm.s32 @!p0 $0x6E00  }
0x103: {  	[tilespmem:s19], [sflag:$0x1] =	stream.indirect_vreg.gather @!p0 [hbm4b:s3+s21], $0x20, v4, vm1, $0xb8;
	[tilespmem:$0xF100] =	vst v63  }
0x104: {  	v4 =	vld @!p0 [tilespmem:s18+$0x380];
	_ =	sdelay $0x6  }
0x105: {  	s19 =	simm.s32 @!p0 $0x7000  }
0x106: {  	[tilespmem:s19], [sflag:$0x1] =	stream.indirect_vreg.gather @!p0 [hbm4b:s3+s21], $0x20, v4, vm1, $0xb8;
	[tilespmem:$0xF100] =	vst v63  }
0x107: {  	v4 =	vld @!p0 [tilespmem:s18+$0x390];
	_ =	sdelay $0x6  }
0x108: {  	s19 =	simm.s32 @!p0 $0x7200  }
0x109: {  	[tilespmem:s19], [sflag:$0x1] =	stream.indirect_vreg.gather @!p0 [hbm4b:s3+s21], $0x20, v4, vm1, $0xb8;
	[tilespmem:$0xF100] =	vst v63  }
0x10a: {  	v4 =	vld @!p0 [tilespmem:s18+$0x3A0];
	_ =	sdelay $0x6  }
0x10b: {  	s19 =	simm.s32 @!p0 $0x7400  }
0x10c: {  	[tilespmem:s19], [sflag:$0x1] =	stream.indirect_vreg.gather @!p0 [hbm4b:s3+s21], $0x20, v4, vm1, $0xb8;
	[tilespmem:$0xF100] =	vst v63  }
0x10d: {  	v4 =	vld @!p0 [tilespmem:s18+$0x3B0];
	_ =	sdelay $0x6  }
0x10e: {  	s19 =	simm.s32 @!p0 $0x7600  }
0x10f: {  	[tilespmem:s19], [sflag:$0x1] =	stream.indirect_vreg.gather @!p0 [hbm4b:s3+s21], $0x20, v4, vm1, $0xb8;
	[tilespmem:$0xF100] =	vst v63  }
0x110: {  	v4 =	vld @!p0 [tilespmem:s18+$0x3C0];
	_ =	sdelay $0x6  }
0x111: {  	s19 =	simm.s32 @!p0 $0x7800  }
0x112: {  	[tilespmem:s19], [sflag:$0x1] =	stream.indirect_vreg.gather @!p0 [hbm4b:s3+s21], $0x20, v4, vm1, $0xb8;
	[tilespmem:$0xF100] =	vst v63  }
0x113: {  	v4 =	vld @!p0 [tilespmem:s18+$0x3D0];
	_ =	sdelay $0x6  }
0x114: {  	s19 =	simm.s32 @!p0 $0x7A00  }
0x115: {  	[tilespmem:s19], [sflag:$0x1] =	stream.indirect_vreg.gather @!p0 [hbm4b:s3+s21], $0x20, v4, vm1, $0xb8;
	[tilespmem:$0xF100] =	vst v63  }
0x116: {  	v4 =	vld @!p0 [tilespmem:s18+$0x3E0];
	_ =	sdelay $0x6  }
0x117: {  	s19 =	simm.s32 @!p0 $0x7C00  }
0x118: {  	[tilespmem:s19], [sflag:$0x1] =	stream.indirect_vreg.gather @!p0 [hbm4b:s3+s21], $0x20, v4, vm1, $0xb8;
	[tilespmem:$0xF100] =	vst v63  }
0x119: {  	v4 =	vld @!p0 [tilespmem:s18+$0x3F0];
	_ =	sdelay $0x6  }
0x11a: {  	s19 =	simm.s32 @!p0 $0x7E00  }
0x11b: {  	[tilespmem:s19], [sflag:$0x1] =	stream.indirect_vreg.gather @!p0 [hbm4b:s3+s21], $0x20, v4, vm1, $0xb8;
	[tilespmem:$0xF100] =	vst v63  }
0x11c: {  	v4 =	vld @!p0 [tilespmem:s18+$0x400];
	_ =	sdelay $0x2  }
0x11d: {  	s19 =	sshll.u32 s17, $0x2  }
0x11e: {  	s20 =	sor.u32 $0x1, s19  }
0x11f: {  	s15 =	smul.u32 $0x340, s20;
	_ =	sdelay $0x1  }
0x120: {  	s22 =	simm.s32 @!p0 $0x8000;
	s15 =	sshra.s32 s15, $0x2  }
0x121: {  	[tilespmem:s22], [sflag:$0x1] =	stream.indirect_vreg.gather @!p0 [hbm4b:s3+s21], $0x20, v4, vm1, $0xb8;
	[tilespmem:$0xF100] =	vst v63  }
0x122: {  	v4 =	vld [tilespmem:s15+$0x0]  }
0x123: {  	v5 =	vld [tilespmem:s15+$0x10]  }
0x124: {  	v6 =	vld [tilespmem:s15+$0x20]  }
0x125: {  	v7 =	vld [tilespmem:s15+$0x30]  }
0x126: {  	v9 =	vld [tilespmem:s15+$0x40]  }
0x127: {  	v10 =	vld [tilespmem:s15+$0x50]  }
0x128: {  	v11 =	vld [tilespmem:s15+$0x60]  }
0x129: {  	v17 =	vld [tilespmem:s15+$0x70]  }
0x12a: {  	v18 =	vld [tilespmem:s15+$0x80]  }
0x12b: {  	v19 =	vld [tilespmem:s15+$0x90]  }
0x12c: {  	v20 =	vld [tilespmem:s15+$0xA0]  }
0x12d: {  	v21 =	vld [tilespmem:s15+$0xB0]  }
0x12e: {  	v22 =	vld [tilespmem:s15+$0xC0];
	_ =	swait.ge [sflag:s12], $0x1A00  }
0x12f: {  	[sflag:s12] =	ssyncset.done $0x0  }
0x130: {  	s22 =	simm.s32 $0x0;
	[sflag:s12] =	ssyncadd.s32 $0xFFFFE600  }
0x131: {  	v24 =	vld [tilespmem:s22+$0x8240]  }
0x132: {  	vm2 =	veq.s32 v4, $0x0  }
0x133: {  	v8 =	vmpcnt.ones.xlane vm2;
	vm2 =	veq.s32 v5, $0x0  }
0x134: {  	v23 =	vld [tilespmem:s22+$0x8260];
	vm3 =	veq.s32 v7, $0x0;
	v13 =	vmpcnt.ones.xlane vm2;
	vm2 =	veq.s32 v6, $0x0  }
0x135: {  	v14 =	vmpcnt.ones.xlane vm3;
	vm3 =	veq.s32 v11, $0x0;
	v16 =	vmpcnt.ones.xlane vm2  }
0x136: {  	v25 =	vld [tilespmem:s22+$0x8200];
	vm2 =	veq.s32 v9, $0x0;
	v26 =	vunpack.i.u.bf16.f32 v24;
	v24 =	vunpack.i.l.bf16.f32 v24  }
0x137: {  	v12 =	vmpcnt.ones.xlane vm2;
	vm2 =	veq.s32 v10, $0x0;
	v10 =	vmpcnt.ones.xlane vm3  }
0x138: {  	v29 =	vld [tilespmem:s22+$0x8250];
	vm3 =	veq.s32 v19, $0x0;
	v15 =	vmpcnt.ones.xlane vm2;
	vm2 =	veq.s32 v17, $0x0  }
0x139: {  	v19 =	vunpack.i.l.bf16.f32 v23;
	v17 =	vld [tilespmem:s22+$0x8220];
	v9 =	vmpcnt.ones.xlane vm2;
	vm2 =	veq.s32 v18, $0x0  }
0x13a: {  	v7 =	vmpcnt.ones.xlane vm3;
	v11 =	vmpcnt.ones.xlane vm2;
	vm2 =	veq.s32 v20, $0x0;
	v20 =	vld [tilespmem:s22+$0x8210]  }
0x13b: {  	vm3 =	veq.s32 v22, $0x0;
	v22 =	vld [tilespmem:s22+$0x8230];
	v18 =	vunpack.i.u.bf16.f32 v23;
	v23 =	vunpack.i.l.bf16.f32 v25  }
0x13c: {  	v5 =	vmpcnt.ones.xlane vm2;
	vm2 =	veq.s32 v21, $0x0;
	v21 =	vimm.f32 $0.0e+00  }
0x13d: {  	v63 =	vunpack.i.u.bf16.f32 v29;
	v29 =	vunpack.i.l.bf16.f32 v29;
	v30 =	vadd.f32 v23, v21  }
0x13e: {  	v27 =	vunpack.i.u.bf16.f32 v17;
	v28 =	vunpack.i.l.bf16.f32 v17;
	v17 =	vunpack.i.u.bf16.f32 v25  }
0x13f: {  	s21 =	simm.s32 $0x80;
	v23 =	vld [tilespmem:s22+$0x8270];
	v31 =	vadd.f32 v17, v21;
	v25 =	vunpack.i.u.bf16.f32 v20;
	v20 =	vunpack.i.l.bf16.f32 v20  }
0x140: {  	v33 =	vunpack.i.u.bf16.f32 v22;
	v17 =	vld [tilespmem:s21+$0x8260];
	v32 =	vadd.f32 v20, v21;
	v25 =	vadd.f32 v25, v21  }
0x141: {  	v22 =	vunpack.i.l.bf16.f32 v22;
	v28 =	vadd.f32 v28, v30;
	v20 =	vld [tilespmem:s21+$0x8240];
	v27 =	vadd.f32 v27, v31  }
0x142: {  	v4 =	vmpcnt.ones.xlane vm3;
	v21 =	vld [tilespmem:s21+$0x8220];
	v30 =	vadd.f32 v22, v32;
	v31 =	vadd.f32 v33, v25  }
0x143: {  	v6 =	vmpcnt.ones.xlane vm2;
	v22 =	vld [tilespmem:s21+$0x8200];
	v25 =	vadd.f32 v24, v28;
	v26 =	vadd.f32 v26, v27  }
0x144: {  	s22 =	simm.s32 $0x400;
	v24 =	vld [tilespmem:s21+$0x8210];
	v28 =	vadd.f32 v29, v30;
	v27 =	vadd.f32 v63, v31;
	v29 =	vunpack.i.u.bf16.f32 v23  }
.LBB2_5:
0x145: {  	p1 =	sne.s32 s22, $0x6600;
	v23 =	vunpack.i.l.bf16.f32 v23;
	v25 =	vadd.f32 v19, v25;
	v26 =	vadd.f32 v18, v26  }
0x146: {  	v30 =	vld [tilespmem:s21+$0x8230];
	v28 =	vadd.f32 v23, v28;
	v27 =	vadd.f32 v29, v27  }
0x147: {  	v18 =	vunpack.i.u.bf16.f32 v17;
	v19 =	vunpack.i.l.bf16.f32 v17;
	v29 =	vunpack.i.u.bf16.f32 v20  }
0x148: {  	v32 =	vunpack.i.l.bf16.f32 v20;
	v31 =	vunpack.i.u.bf16.f32 v21;
	v21 =	vunpack.i.l.bf16.f32 v21;
	v33 =	vld [tilespmem:s21+$0x8250]  }
0x149: {  	v17 =	vunpack.i.u.bf16.f32 v22;
	v20 =	vunpack.i.l.bf16.f32 v22;
	v22 =	vunpack.i.u.bf16.f32 v24  }
0x14a: {  	v24 =	vunpack.i.l.bf16.f32 v24;
	v25 =	vadd.f32 v20, v25;
	v26 =	vadd.f32 v17, v26;
	v23 =	vld [tilespmem:s21+$0x8270];
	s21 =	sshra.s32 s22, $0x2  }
.Ltmp3:
0x14b: {  	v24 =	vadd.f32 v24, v28;
	v22 =	vadd.f32 v22, v27;
	v17 =	vld [tilespmem:s21+$0x8260];
	v27 =	vunpack.i.u.bf16.f32 v30;
	(pc) =	sbr.rel @p1 .LBB2_5-.Ltmp3, $4  }
0x14c: {  	v28 =	vunpack.i.l.bf16.f32 v30;
	v25 =	vadd.f32 v21, v25;
	v26 =	vadd.f32 v31, v26;
	v20 =	vld [tilespmem:s21+$0x8240]  }
0x14d: {  	v28 =	vadd.f32 v28, v24;
	v27 =	vadd.f32 v27, v22;
	v21 =	vld [tilespmem:s21+$0x8220];
	v30 =	vunpack.i.u.bf16.f32 v33  }
0x14e: {  	v31 =	vunpack.i.l.bf16.f32 v33;
	v25 =	vadd.f32 v32, v25;
	v26 =	vadd.f32 v29, v26;
	v22 =	vld [tilespmem:s21+$0x8200]  }
0x14f: {  	s22 =	sadd.s32 $0x200, s22;
	v28 =	vadd.f32 v31, v28;
	v27 =	vadd.f32 v30, v27;
	v24 =	vld [tilespmem:s21+$0x8210];
	v29 =	vunpack.i.u.bf16.f32 v23  }
0x150: {  	v23 =	vunpack.i.l.bf16.f32 v23  }
0x151: {  	v19 =	vadd.f32 v19, v25;
	v18 =	vadd.f32 v18, v26;
	v8 =	vadd.s32 v8, v13  }
0x152: {  	v23 =	vadd.f32 v23, v28;
	v13 =	vadd.f32 v29, v27;
	v25 =	vunpack.i.u.bf16.f32 v20  }
0x153: {  	v8 =	vadd.s32 v16, v8;
	v16 =	vunpack.i.u.bf16.f32 v17;
	v20 =	vunpack.i.l.bf16.f32 v20  }
0x154: {  	v26 =	vunpack.i.u.bf16.f32 v21;
	v8 =	vadd.s32 v14, v8;
	v21 =	vunpack.i.l.bf16.f32 v21  }
0x155: {  	v14 =	vld [tilespmem:s21+$0x8230];
	v8 =	vadd.s32 v12, v8;
	v12 =	vunpack.i.u.bf16.f32 v22;
	v22 =	vunpack.i.l.bf16.f32 v22  }
0x156: {  	v8 =	vadd.s32 v15, v8;
	v15 =	vunpack.i.u.bf16.f32 v24;
	v24 =	vunpack.i.l.bf16.f32 v24  }
0x157: {  	v19 =	vadd.f32 v22, v19;
	v12 =	vadd.f32 v12, v18;
	v8 =	vadd.s32 v10, v8  }
0x158: {  	v10 =	vld [tilespmem:s21+$0x8250];
	v13 =	vadd.f32 v15, v13;
	v8 =	vadd.s32 v9, v8;
	v9 =	vadd.f32 v24, v23  }
0x159: {  	v15 =	vadd.f32 v21, v19;
	v12 =	vadd.f32 v26, v12;
	v8 =	vadd.s32 v11, v8  }
0x15a: {  	v11 =	vunpack.i.u.bf16.f32 v14;
	v14 =	vunpack.i.l.bf16.f32 v14;
	v7 =	vadd.s32 v7, v8;
	v8 =	vld [tilespmem:s21+$0x8270]  }
0x15b: {  	v5 =	vadd.s32 v5, v7;
	v7 =	vadd.f32 v14, v9;
	v9 =	vadd.f32 v11, v13  }
0x15c: {  	v11 =	vadd.f32 v25, v12;
	v12 =	vunpack.i.l.bf16.f32 v17;
	v5 =	vadd.s32 v6, v5  }
0x15d: {  	v6 =	vunpack.i.u.bf16.f32 v10;
	v10 =	vunpack.i.l.bf16.f32 v10;
	v4 =	vadd.s32 v4, v5  }
0x15e: {  	v5 =	vadd.f32 v20, v15;
	v7 =	vadd.f32 v10, v7;
	v4 =	vcvt.s32.f32 v4  }
0x15f: {  	v6 =	vadd.f32 v6, v9;
	v11 =	vadd.f32 v16, v11;
	v9 =	vunpack.i.u.bf16.f32 v8  }
0x160: {  	v5 =	vadd.f32 v12, v5;
	v8 =	vunpack.i.l.bf16.f32 v8;
	v10 =	vmul.f32 v4, v1  }
0x161: {  	v12 =	vmul.f32 v4, v0;
	v7 =	vadd.f32 v8, v7;
	v8 =	vmul.f32 v4, v3  }
0x162: {  	v6 =	vadd.f32 v9, v6;
	v4 =	vmul.f32 v4, v2;
	v5 =	vsub.f32 v5, v10  }
0x163: {  	v9 =	vsub.f32 v11, v12  }
0x164: {  	s15 =	sshll.u32 s20, $0x6;
	v4 =	vsub.f32 v6, v4;
	v5 =	vmul.f32 $4.999999890e-03, v5  }
0x165: {  	s15 =	sand.u32 $0x3FFFFFC0, s15;
	v7 =	vsub.f32 v7, v8;
	v8 =	vmul.f32 $4.999999890e-03, v9  }
0x166: {  	v4 =	vmul.f32 $4.999999890e-03, v4;
	[tilespmem:s15+$0xD100] =	vst v5  }
0x167: {  	v5 =	vmul.f32 $4.999999890e-03, v7;
	[tilespmem:s15+$0xD110] =	vst v8  }
0x168: {  	[tilespmem:s15+$0xD130] =	vst v4  }
0x169: {  	[tilespmem:s15+$0xD120] =	vst v5  }
0x16a: {  	v4 =	vld @!p0 [tilespmem:s18+$0x410];
	_ =	sdelay $0x6  }
0x16b: {  	s20 =	simm.s32 @!p0 $0x8200;
	s15 =	simm.s32 @!p0 $0x0  }
0x16c: {  	[tilespmem:s20], [sflag:$0x2] =	stream.indirect_vreg.gather @!p0 [hbm4b:s3+s15], $0x20, v4, vm1, $0xb8;
	[tilespmem:$0xF100] =	vst v63  }
0x16d: {  	v4 =	vld @!p0 [tilespmem:s18+$0x420];
	_ =	sdelay $0x6  }
0x16e: {  	s20 =	simm.s32 @!p0 $0x8400  }
0x16f: {  	[tilespmem:s20], [sflag:$0x2] =	stream.indirect_vreg.gather @!p0 [hbm4b:s3+s15], $0x20, v4, vm1, $0xb8;
	[tilespmem:$0xF100] =	vst v63  }
0x170: {  	v4 =	vld @!p0 [tilespmem:s18+$0x430];
	_ =	sdelay $0x6  }
0x171: {  	s20 =	simm.s32 @!p0 $0x8600  }
0x172: {  	[tilespmem:s20], [sflag:$0x2] =	stream.indirect_vreg.gather @!p0 [hbm4b:s3+s15], $0x20, v4, vm1, $0xb8;
	[tilespmem:$0xF100] =	vst v63  }
0x173: {  	v4 =	vld @!p0 [tilespmem:s18+$0x440];
	_ =	sdelay $0x6  }
0x174: {  	s20 =	simm.s32 @!p0 $0x8800  }
0x175: {  	[tilespmem:s20], [sflag:$0x2] =	stream.indirect_vreg.gather @!p0 [hbm4b:s3+s15], $0x20, v4, vm1, $0xb8;
	[tilespmem:$0xF100] =	vst v63  }
0x176: {  	v4 =	vld @!p0 [tilespmem:s18+$0x450];
	_ =	sdelay $0x6  }
0x177: {  	s20 =	simm.s32 @!p0 $0x8A00  }
0x178: {  	[tilespmem:s20], [sflag:$0x2] =	stream.indirect_vreg.gather @!p0 [hbm4b:s3+s15], $0x20, v4, vm1, $0xb8;
	[tilespmem:$0xF100] =	vst v63  }
0x179: {  	v4 =	vld @!p0 [tilespmem:s18+$0x460];
	_ =	sdelay $0x6  }
0x17a: {  	s20 =	simm.s32 @!p0 $0x8C00  }
0x17b: {  	[tilespmem:s20], [sflag:$0x2] =	stream.indirect_vreg.gather @!p0 [hbm4b:s3+s15], $0x20, v4, vm1, $0xb8;
	[tilespmem:$0xF100] =	vst v63  }
0x17c: {  	v4 =	vld @!p0 [tilespmem:s18+$0x470];
	_ =	sdelay $0x6  }
0x17d: {  	s20 =	simm.s32 @!p0 $0x8E00  }
0x17e: {  	[tilespmem:s20], [sflag:$0x2] =	stream.indirect_vreg.gather @!p0 [hbm4b:s3+s15], $0x20, v4, vm1, $0xb8;
	[tilespmem:$0xF100] =	vst v63  }
0x17f: {  	v4 =	vld @!p0 [tilespmem:s18+$0x480];
	_ =	sdelay $0x6  }
0x180: {  	s20 =	simm.s32 @!p0 $0x9000  }
0x181: {  	[tilespmem:s20], [sflag:$0x2] =	stream.indirect_vreg.gather @!p0 [hbm4b:s3+s15], $0x20, v4, vm1, $0xb8;
	[tilespmem:$0xF100] =	vst v63  }
0x182: {  	v4 =	vld @!p0 [tilespmem:s18+$0x490];
	_ =	sdelay $0x6  }
0x183: {  	s20 =	simm.s32 @!p0 $0x9200  }
0x184: {  	[tilespmem:s20], [sflag:$0x2] =	stream.indirect_vreg.gather @!p0 [hbm4b:s3+s15], $0x20, v4, vm1, $0xb8;
	[tilespmem:$0xF100] =	vst v63  }
0x185: {  	v4 =	vld @!p0 [tilespmem:s18+$0x4A0];
	_ =	sdelay $0x6  }
0x186: {  	s20 =	simm.s32 @!p0 $0x9400  }
0x187: {  	[tilespmem:s20], [sflag:$0x2] =	stream.indirect_vreg.gather @!p0 [hbm4b:s3+s15], $0x20, v4, vm1, $0xb8;
	[tilespmem:$0xF100] =	vst v63  }
0x188: {  	v4 =	vld @!p0 [tilespmem:s18+$0x4B0];
	_ =	sdelay $0x6  }
0x189: {  	s20 =	simm.s32 @!p0 $0x9600  }
0x18a: {  	[tilespmem:s20], [sflag:$0x2] =	stream.indirect_vreg.gather @!p0 [hbm4b:s3+s15], $0x20, v4, vm1, $0xb8;
	[tilespmem:$0xF100] =	vst v63  }
0x18b: {  	v4 =	vld @!p0 [tilespmem:s18+$0x4C0];
	_ =	sdelay $0x6  }
0x18c: {  	s20 =	simm.s32 @!p0 $0x9800  }
0x18d: {  	[tilespmem:s20], [sflag:$0x2] =	stream.indirect_vreg.gather @!p0 [hbm4b:s3+s15], $0x20, v4, vm1, $0xb8;
	[tilespmem:$0xF100] =	vst v63  }
0x18e: {  	v4 =	vld @!p0 [tilespmem:s18+$0x4D0];
	_ =	sdelay $0x5  }
0x18f: {  	s20 =	sor.u32 $0x2, s19  }
0x190: {  	s21 =	simm.s32 @!p0 $0x9A00;
	s22 =	smul.u32 $0x340, s20  }
0x191: {  	[tilespmem:s21], [sflag:$0x2] =	stream.indirect_vreg.gather @!p0 [hbm4b:s3+s15], $0x20, v4, vm1, $0xb8;
	[tilespmem:$0xF100] =	vst v63  }
0x192: {  	s21 =	sshra.s32 s22, $0x2  }
0x193: {  	v4 =	vld [tilespmem:s21+$0x0]  }
0x194: {  	v5 =	vld [tilespmem:s21+$0x10]  }
0x195: {  	v6 =	vld [tilespmem:s21+$0x20]  }
0x196: {  	v7 =	vld [tilespmem:s21+$0x30]  }
0x197: {  	v9 =	vld [tilespmem:s21+$0x40]  }
0x198: {  	v10 =	vld [tilespmem:s21+$0x50]  }
0x199: {  	v11 =	vld [tilespmem:s21+$0x60]  }
0x19a: {  	v17 =	vld [tilespmem:s21+$0x70]  }
0x19b: {  	v18 =	vld [tilespmem:s21+$0x80]  }
0x19c: {  	v19 =	vld [tilespmem:s21+$0x90]  }
0x19d: {  	v20 =	vld [tilespmem:s21+$0xA0]  }
0x19e: {  	v21 =	vld [tilespmem:s21+$0xB0]  }
0x19f: {  	v22 =	vld [tilespmem:s21+$0xC0];
	_ =	swait.ge [sflag:s13], $0x1A00  }
0x1a0: {  	[sflag:s13] =	ssyncset.done $0x0  }
0x1a1: {  	s22 =	simm.s32 $0x0;
	[sflag:s13] =	ssyncadd.s32 $0xFFFFE600  }
0x1a2: {  	v24 =	vld [tilespmem:s22+$0x9C40]  }
0x1a3: {  	vm2 =	veq.s32 v4, $0x0  }
0x1a4: {  	v8 =	vmpcnt.ones.xlane vm2;
	vm2 =	veq.s32 v5, $0x0  }
0x1a5: {  	v23 =	vld [tilespmem:s22+$0x9C60];
	vm3 =	veq.s32 v7, $0x0;
	v13 =	vmpcnt.ones.xlane vm2;
	vm2 =	veq.s32 v6, $0x0  }
0x1a6: {  	v14 =	vmpcnt.ones.xlane vm3;
	vm3 =	veq.s32 v11, $0x0;
	v16 =	vmpcnt.ones.xlane vm2  }
0x1a7: {  	v25 =	vld [tilespmem:s22+$0x9C00];
	vm2 =	veq.s32 v9, $0x0;
	v26 =	vunpack.i.u.bf16.f32 v24;
	v24 =	vunpack.i.l.bf16.f32 v24  }
0x1a8: {  	v12 =	vmpcnt.ones.xlane vm2;
	vm2 =	veq.s32 v10, $0x0;
	v10 =	vmpcnt.ones.xlane vm3  }
0x1a9: {  	v29 =	vld [tilespmem:s22+$0x9C50];
	vm3 =	veq.s32 v19, $0x0;
	v15 =	vmpcnt.ones.xlane vm2;
	vm2 =	veq.s32 v17, $0x0  }
0x1aa: {  	v19 =	vunpack.i.l.bf16.f32 v23;
	v17 =	vld [tilespmem:s22+$0x9C20];
	v9 =	vmpcnt.ones.xlane vm2;
	vm2 =	veq.s32 v18, $0x0  }
0x1ab: {  	v7 =	vmpcnt.ones.xlane vm3;
	v11 =	vmpcnt.ones.xlane vm2;
	vm2 =	veq.s32 v20, $0x0;
	v20 =	vld [tilespmem:s22+$0x9C10]  }
0x1ac: {  	vm3 =	veq.s32 v22, $0x0;
	v22 =	vld [tilespmem:s22+$0x9C30];
	v18 =	vunpack.i.u.bf16.f32 v23;
	v23 =	vunpack.i.l.bf16.f32 v25  }
0x1ad: {  	v5 =	vmpcnt.ones.xlane vm2;
	vm2 =	veq.s32 v21, $0x0;
	v21 =	vimm.f32 $0.0e+00  }
0x1ae: {  	v63 =	vunpack.i.u.bf16.f32 v29;
	v29 =	vunpack.i.l.bf16.f32 v29;
	v30 =	vadd.f32 v23, v21  }
0x1af: {  	v27 =	vunpack.i.u.bf16.f32 v17;
	v28 =	vunpack.i.l.bf16.f32 v17;
	v17 =	vunpack.i.u.bf16.f32 v25  }
0x1b0: {  	s21 =	simm.s32 $0x80;
	v23 =	vld [tilespmem:s22+$0x9C70];
	v31 =	vadd.f32 v17, v21;
	v25 =	vunpack.i.u.bf16.f32 v20;
	v20 =	vunpack.i.l.bf16.f32 v20  }
0x1b1: {  	v33 =	vunpack.i.u.bf16.f32 v22;
	v17 =	vld [tilespmem:s21+$0x9C60];
	v32 =	vadd.f32 v20, v21;
	v25 =	vadd.f32 v25, v21  }
0x1b2: {  	v22 =	vunpack.i.l.bf16.f32 v22;
	v28 =	vadd.f32 v28, v30;
	v20 =	vld [tilespmem:s21+$0x9C40];
	v27 =	vadd.f32 v27, v31  }
0x1b3: {  	v4 =	vmpcnt.ones.xlane vm3;
	v21 =	vld [tilespmem:s21+$0x9C20];
	v30 =	vadd.f32 v22, v32;
	v31 =	vadd.f32 v33, v25  }
0x1b4: {  	v6 =	vmpcnt.ones.xlane vm2;
	v22 =	vld [tilespmem:s21+$0x9C00];
	v25 =	vadd.f32 v24, v28;
	v26 =	vadd.f32 v26, v27  }
0x1b5: {  	s22 =	simm.s32 $0x400;
	v24 =	vld [tilespmem:s21+$0x9C10];
	v28 =	vadd.f32 v29, v30;
	v27 =	vadd.f32 v63, v31;
	v29 =	vunpack.i.u.bf16.f32 v23  }
.LBB2_7:
0x1b6: {  	p1 =	sne.s32 s22, $0x6600;
	v23 =	vunpack.i.l.bf16.f32 v23;
	v25 =	vadd.f32 v19, v25;
	v26 =	vadd.f32 v18, v26  }
0x1b7: {  	v30 =	vld [tilespmem:s21+$0x9C30];
	v28 =	vadd.f32 v23, v28;
	v27 =	vadd.f32 v29, v27  }
0x1b8: {  	v18 =	vunpack.i.u.bf16.f32 v17;
	v19 =	vunpack.i.l.bf16.f32 v17;
	v29 =	vunpack.i.u.bf16.f32 v20  }
0x1b9: {  	v32 =	vunpack.i.l.bf16.f32 v20;
	v31 =	vunpack.i.u.bf16.f32 v21;
	v21 =	vunpack.i.l.bf16.f32 v21;
	v33 =	vld [tilespmem:s21+$0x9C50]  }
0x1ba: {  	v17 =	vunpack.i.u.bf16.f32 v22;
	v20 =	vunpack.i.l.bf16.f32 v22;
	v22 =	vunpack.i.u.bf16.f32 v24  }
0x1bb: {  	v24 =	vunpack.i.l.bf16.f32 v24;
	v25 =	vadd.f32 v20, v25;
	v26 =	vadd.f32 v17, v26;
	v23 =	vld [tilespmem:s21+$0x9C70];
	s21 =	sshra.s32 s22, $0x2  }
.Ltmp4:
0x1bc: {  	v24 =	vadd.f32 v24, v28;
	v22 =	vadd.f32 v22, v27;
	v17 =	vld [tilespmem:s21+$0x9C60];
	v27 =	vunpack.i.u.bf16.f32 v30;
	(pc) =	sbr.rel @p1 .LBB2_7-.Ltmp4, $4  }
0x1bd: {  	v28 =	vunpack.i.l.bf16.f32 v30;
	v25 =	vadd.f32 v21, v25;
	v26 =	vadd.f32 v31, v26;
	v20 =	vld [tilespmem:s21+$0x9C40]  }
0x1be: {  	v28 =	vadd.f32 v28, v24;
	v27 =	vadd.f32 v27, v22;
	v21 =	vld [tilespmem:s21+$0x9C20];
	v30 =	vunpack.i.u.bf16.f32 v33  }
0x1bf: {  	v31 =	vunpack.i.l.bf16.f32 v33;
	v25 =	vadd.f32 v32, v25;
	v26 =	vadd.f32 v29, v26;
	v22 =	vld [tilespmem:s21+$0x9C00]  }
0x1c0: {  	s22 =	sadd.s32 $0x200, s22;
	v28 =	vadd.f32 v31, v28;
	v27 =	vadd.f32 v30, v27;
	v24 =	vld [tilespmem:s21+$0x9C10];
	v29 =	vunpack.i.u.bf16.f32 v23  }
0x1c1: {  	v23 =	vunpack.i.l.bf16.f32 v23  }
0x1c2: {  	v19 =	vadd.f32 v19, v25;
	v18 =	vadd.f32 v18, v26;
	v8 =	vadd.s32 v8, v13  }
0x1c3: {  	v23 =	vadd.f32 v23, v28;
	v13 =	vadd.f32 v29, v27;
	v25 =	vunpack.i.u.bf16.f32 v20  }
0x1c4: {  	v8 =	vadd.s32 v16, v8;
	v16 =	vunpack.i.u.bf16.f32 v17;
	v20 =	vunpack.i.l.bf16.f32 v20  }
0x1c5: {  	v26 =	vunpack.i.u.bf16.f32 v21;
	v8 =	vadd.s32 v14, v8;
	v21 =	vunpack.i.l.bf16.f32 v21  }
0x1c6: {  	v14 =	vld [tilespmem:s21+$0x9C30];
	v8 =	vadd.s32 v12, v8;
	v12 =	vunpack.i.u.bf16.f32 v22;
	v22 =	vunpack.i.l.bf16.f32 v22  }
0x1c7: {  	v8 =	vadd.s32 v15, v8;
	v15 =	vunpack.i.u.bf16.f32 v24;
	v24 =	vunpack.i.l.bf16.f32 v24  }
0x1c8: {  	v19 =	vadd.f32 v22, v19;
	v12 =	vadd.f32 v12, v18;
	v8 =	vadd.s32 v10, v8  }
0x1c9: {  	v10 =	vld [tilespmem:s21+$0x9C50];
	v13 =	vadd.f32 v15, v13;
	v8 =	vadd.s32 v9, v8;
	v9 =	vadd.f32 v24, v23  }
0x1ca: {  	v15 =	vadd.f32 v21, v19;
	v12 =	vadd.f32 v26, v12;
	v8 =	vadd.s32 v11, v8  }
0x1cb: {  	v11 =	vunpack.i.u.bf16.f32 v14;
	v14 =	vunpack.i.l.bf16.f32 v14;
	v7 =	vadd.s32 v7, v8;
	v8 =	vld [tilespmem:s21+$0x9C70]  }
0x1cc: {  	v5 =	vadd.s32 v5, v7;
	v7 =	vadd.f32 v14, v9;
	v9 =	vadd.f32 v11, v13  }
0x1cd: {  	v11 =	vadd.f32 v25, v12;
	v12 =	vunpack.i.l.bf16.f32 v17;
	v5 =	vadd.s32 v6, v5  }
0x1ce: {  	v6 =	vunpack.i.u.bf16.f32 v10;
	v10 =	vunpack.i.l.bf16.f32 v10;
	v4 =	vadd.s32 v4, v5  }
0x1cf: {  	v5 =	vadd.f32 v20, v15;
	v7 =	vadd.f32 v10, v7;
	v4 =	vcvt.s32.f32 v4  }
0x1d0: {  	v6 =	vadd.f32 v6, v9;
	v11 =	vadd.f32 v16, v11;
	v9 =	vunpack.i.u.bf16.f32 v8  }
0x1d1: {  	v5 =	vadd.f32 v12, v5;
	v8 =	vunpack.i.l.bf16.f32 v8;
	v10 =	vmul.f32 v4, v1  }
0x1d2: {  	v12 =	vmul.f32 v4, v0;
	v7 =	vadd.f32 v8, v7;
	v8 =	vmul.f32 v4, v3  }
0x1d3: {  	v6 =	vadd.f32 v9, v6;
	v4 =	vmul.f32 v4, v2;
	v5 =	vsub.f32 v5, v10  }
0x1d4: {  	v9 =	vsub.f32 v11, v12  }
0x1d5: {  	s15 =	sshll.u32 s20, $0x6;
	v4 =	vsub.f32 v6, v4;
	v5 =	vmul.f32 $4.999999890e-03, v5  }
0x1d6: {  	s15 =	sand.u32 $0x3FFFFFC0, s15;
	v7 =	vsub.f32 v7, v8;
	v8 =	vmul.f32 $4.999999890e-03, v9  }
0x1d7: {  	v4 =	vmul.f32 $4.999999890e-03, v4;
	[tilespmem:s15+$0xD100] =	vst v5  }
0x1d8: {  	v5 =	vmul.f32 $4.999999890e-03, v7;
	[tilespmem:s15+$0xD110] =	vst v8  }
0x1d9: {  	[tilespmem:s15+$0xD130] =	vst v4  }
0x1da: {  	[tilespmem:s15+$0xD120] =	vst v5  }
0x1db: {  	v4 =	vld @!p0 [tilespmem:s18+$0x4E0];
	_ =	sdelay $0x6  }
0x1dc: {  	s20 =	simm.s32 @!p0 $0x9C00;
	s15 =	simm.s32 @!p0 $0x0  }
0x1dd: {  	[tilespmem:s20], [sflag:$0x3] =	stream.indirect_vreg.gather @!p0 [hbm4b:s3+s15], $0x20, v4, vm1, $0xb8;
	[tilespmem:$0xF100] =	vst v63  }
0x1de: {  	v4 =	vld @!p0 [tilespmem:s18+$0x4F0];
	_ =	sdelay $0x6  }
0x1df: {  	s20 =	simm.s32 @!p0 $0x9E00  }
0x1e0: {  	[tilespmem:s20], [sflag:$0x3] =	stream.indirect_vreg.gather @!p0 [hbm4b:s3+s15], $0x20, v4, vm1, $0xb8;
	[tilespmem:$0xF100] =	vst v63  }
0x1e1: {  	v4 =	vld @!p0 [tilespmem:s18+$0x500];
	_ =	sdelay $0x6  }
0x1e2: {  	s20 =	simm.s32 @!p0 $0xA000  }
0x1e3: {  	[tilespmem:s20], [sflag:$0x3] =	stream.indirect_vreg.gather @!p0 [hbm4b:s3+s15], $0x20, v4, vm1, $0xb8;
	[tilespmem:$0xF100] =	vst v63  }
0x1e4: {  	v4 =	vld @!p0 [tilespmem:s18+$0x510];
	_ =	sdelay $0x6  }
0x1e5: {  	s20 =	simm.s32 @!p0 $0xA200  }
0x1e6: {  	[tilespmem:s20], [sflag:$0x3] =	stream.indirect_vreg.gather @!p0 [hbm4b:s3+s15], $0x20, v4, vm1, $0xb8;
	[tilespmem:$0xF100] =	vst v63  }
0x1e7: {  	v4 =	vld @!p0 [tilespmem:s18+$0x520];
	_ =	sdelay $0x6  }
0x1e8: {  	s20 =	simm.s32 @!p0 $0xA400  }
0x1e9: {  	[tilespmem:s20], [sflag:$0x3] =	stream.indirect_vreg.gather @!p0 [hbm4b:s3+s15], $0x20, v4, vm1, $0xb8;
	[tilespmem:$0xF100] =	vst v63  }
0x1ea: {  	v4 =	vld @!p0 [tilespmem:s18+$0x530];
	_ =	sdelay $0x6  }
0x1eb: {  	s20 =	simm.s32 @!p0 $0xA600  }
0x1ec: {  	[tilespmem:s20], [sflag:$0x3] =	stream.indirect_vreg.gather @!p0 [hbm4b:s3+s15], $0x20, v4, vm1, $0xb8;
	[tilespmem:$0xF100] =	vst v63  }
0x1ed: {  	v4 =	vld @!p0 [tilespmem:s18+$0x540];
	_ =	sdelay $0x6  }
0x1ee: {  	s20 =	simm.s32 @!p0 $0xA800  }
0x1ef: {  	[tilespmem:s20], [sflag:$0x3] =	stream.indirect_vreg.gather @!p0 [hbm4b:s3+s15], $0x20, v4, vm1, $0xb8;
	[tilespmem:$0xF100] =	vst v63  }
0x1f0: {  	v4 =	vld @!p0 [tilespmem:s18+$0x550];
	_ =	sdelay $0x6  }
0x1f1: {  	s20 =	simm.s32 @!p0 $0xAA00  }
0x1f2: {  	[tilespmem:s20], [sflag:$0x3] =	stream.indirect_vreg.gather @!p0 [hbm4b:s3+s15], $0x20, v4, vm1, $0xb8;
	[tilespmem:$0xF100] =	vst v63  }
0x1f3: {  	v4 =	vld @!p0 [tilespmem:s18+$0x560];
	_ =	sdelay $0x6  }
0x1f4: {  	s20 =	simm.s32 @!p0 $0xAC00  }
0x1f5: {  	[tilespmem:s20], [sflag:$0x3] =	stream.indirect_vreg.gather @!p0 [hbm4b:s3+s15], $0x20, v4, vm1, $0xb8;
	[tilespmem:$0xF100] =	vst v63  }
0x1f6: {  	v4 =	vld @!p0 [tilespmem:s18+$0x570];
	_ =	sdelay $0x6  }
0x1f7: {  	s20 =	simm.s32 @!p0 $0xAE00  }
0x1f8: {  	[tilespmem:s20], [sflag:$0x3] =	stream.indirect_vreg.gather @!p0 [hbm4b:s3+s15], $0x20, v4, vm1, $0xb8;
	[tilespmem:$0xF100] =	vst v63  }
0x1f9: {  	v4 =	vld @!p0 [tilespmem:s18+$0x580];
	_ =	sdelay $0x6  }
0x1fa: {  	s20 =	simm.s32 @!p0 $0xB000  }
0x1fb: {  	[tilespmem:s20], [sflag:$0x3] =	stream.indirect_vreg.gather @!p0 [hbm4b:s3+s15], $0x20, v4, vm1, $0xb8;
	[tilespmem:$0xF100] =	vst v63  }
0x1fc: {  	v4 =	vld @!p0 [tilespmem:s18+$0x590];
	_ =	sdelay $0x6  }
0x1fd: {  	s20 =	simm.s32 @!p0 $0xB200  }
0x1fe: {  	[tilespmem:s20], [sflag:$0x3] =	stream.indirect_vreg.gather @!p0 [hbm4b:s3+s15], $0x20, v4, vm1, $0xb8;
	[tilespmem:$0xF100] =	vst v63  }
0x1ff: {  	v4 =	vld @!p0 [tilespmem:s18+$0x5A0];
	_ =	sdelay $0x3  }
0x200: {  	s19 =	sor.u32 $0x3, s19  }
0x201: {  	s22 =	smul.u32 $0x340, s19;
	_ =	sdelay $0x1  }
0x202: {  	s21 =	sshra.s32 s22, $0x2;
	s20 =	simm.s32 @!p0 $0xB400  }
0x203: {  	[tilespmem:s20], [sflag:$0x3] =	stream.indirect_vreg.gather @!p0 [hbm4b:s3+s15], $0x20, v4, vm1, $0xb8;
	[tilespmem:$0xF100] =	vst v63  }
0x204: {  	v4 =	vld [tilespmem:s21+$0x0]  }
0x205: {  	v5 =	vld [tilespmem:s21+$0x10]  }
0x206: {  	v6 =	vld [tilespmem:s21+$0x20]  }
0x207: {  	v7 =	vld [tilespmem:s21+$0x30]  }
0x208: {  	v9 =	vld [tilespmem:s21+$0x40]  }
0x209: {  	v10 =	vld [tilespmem:s21+$0x50]  }
0x20a: {  	v11 =	vld [tilespmem:s21+$0x60]  }
0x20b: {  	v17 =	vld [tilespmem:s21+$0x70]  }
0x20c: {  	v18 =	vld [tilespmem:s21+$0x80]  }
0x20d: {  	v19 =	vld [tilespmem:s21+$0x90]  }
0x20e: {  	v20 =	vld [tilespmem:s21+$0xA0]  }
0x20f: {  	v21 =	vld [tilespmem:s21+$0xB0]  }
0x210: {  	v22 =	vld [tilespmem:s21+$0xC0];
	_ =	swait.ge [sflag:s14], $0x1A00  }
0x211: {  	[sflag:s14] =	ssyncset.done $0x0  }
0x212: {  	s22 =	simm.s32 $0x0;
	[sflag:s14] =	ssyncadd.s32 $0xFFFFE600  }
0x213: {  	v24 =	vld [tilespmem:s22+$0xB640]  }
0x214: {  	vm1 =	veq.s32 v4, $0x0  }
0x215: {  	v8 =	vmpcnt.ones.xlane vm1;
	vm1 =	veq.s32 v5, $0x0  }
0x216: {  	v23 =	vld [tilespmem:s22+$0xB660];
	vm2 =	veq.s32 v7, $0x0;
	v13 =	vmpcnt.ones.xlane vm1;
	vm1 =	veq.s32 v6, $0x0  }
0x217: {  	v14 =	vmpcnt.ones.xlane vm2;
	vm2 =	veq.s32 v11, $0x0;
	v16 =	vmpcnt.ones.xlane vm1  }
0x218: {  	v25 =	vld [tilespmem:s22+$0xB600];
	vm1 =	veq.s32 v9, $0x0;
	v26 =	vunpack.i.u.bf16.f32 v24;
	v24 =	vunpack.i.l.bf16.f32 v24  }
0x219: {  	v12 =	vmpcnt.ones.xlane vm1;
	vm1 =	veq.s32 v10, $0x0;
	v10 =	vmpcnt.ones.xlane vm2  }
0x21a: {  	v29 =	vld [tilespmem:s22+$0xB650];
	vm2 =	veq.s32 v19, $0x0;
	v15 =	vmpcnt.ones.xlane vm1;
	vm1 =	veq.s32 v17, $0x0  }
0x21b: {  	v19 =	vunpack.i.l.bf16.f32 v23;
	v17 =	vld [tilespmem:s22+$0xB620];
	v9 =	vmpcnt.ones.xlane vm1;
	vm1 =	veq.s32 v18, $0x0  }
0x21c: {  	v7 =	vmpcnt.ones.xlane vm2;
	v11 =	vmpcnt.ones.xlane vm1;
	vm1 =	veq.s32 v20, $0x0;
	v20 =	vld [tilespmem:s22+$0xB610]  }
0x21d: {  	vm2 =	veq.s32 v22, $0x0;
	v22 =	vld [tilespmem:s22+$0xB630];
	v18 =	vunpack.i.u.bf16.f32 v23;
	v23 =	vunpack.i.l.bf16.f32 v25  }
0x21e: {  	v5 =	vmpcnt.ones.xlane vm1;
	vm1 =	veq.s32 v21, $0x0;
	v21 =	vimm.f32 $0.0e+00  }
0x21f: {  	v63 =	vunpack.i.u.bf16.f32 v29;
	v29 =	vunpack.i.l.bf16.f32 v29;
	v30 =	vadd.f32 v23, v21  }
0x220: {  	v27 =	vunpack.i.u.bf16.f32 v17;
	v28 =	vunpack.i.l.bf16.f32 v17;
	v17 =	vunpack.i.u.bf16.f32 v25  }
0x221: {  	s20 =	simm.s32 $0x80;
	v23 =	vld [tilespmem:s22+$0xB670];
	v31 =	vadd.f32 v17, v21;
	v25 =	vunpack.i.u.bf16.f32 v20;
	v20 =	vunpack.i.l.bf16.f32 v20  }
0x222: {  	v33 =	vunpack.i.u.bf16.f32 v22;
	v17 =	vld [tilespmem:s20+$0xB660];
	v32 =	vadd.f32 v20, v21;
	v25 =	vadd.f32 v25, v21  }
0x223: {  	v22 =	vunpack.i.l.bf16.f32 v22;
	v28 =	vadd.f32 v28, v30;
	v20 =	vld [tilespmem:s20+$0xB640];
	v27 =	vadd.f32 v27, v31  }
0x224: {  	v4 =	vmpcnt.ones.xlane vm2;
	v21 =	vld [tilespmem:s20+$0xB620];
	v30 =	vadd.f32 v22, v32;
	v31 =	vadd.f32 v33, v25  }
0x225: {  	v6 =	vmpcnt.ones.xlane vm1;
	v22 =	vld [tilespmem:s20+$0xB600];
	v25 =	vadd.f32 v24, v28;
	v26 =	vadd.f32 v26, v27  }
0x226: {  	s21 =	simm.s32 $0x400;
	v24 =	vld [tilespmem:s20+$0xB610];
	v28 =	vadd.f32 v29, v30;
	v27 =	vadd.f32 v63, v31;
	v29 =	vunpack.i.u.bf16.f32 v23  }
.LBB2_9:
0x227: {  	p1 =	sne.s32 s21, $0x6600;
	v23 =	vunpack.i.l.bf16.f32 v23;
	v25 =	vadd.f32 v19, v25;
	v26 =	vadd.f32 v18, v26  }
0x228: {  	v30 =	vld [tilespmem:s20+$0xB630];
	v28 =	vadd.f32 v23, v28;
	v27 =	vadd.f32 v29, v27  }
0x229: {  	v18 =	vunpack.i.u.bf16.f32 v17;
	v19 =	vunpack.i.l.bf16.f32 v17;
	v29 =	vunpack.i.u.bf16.f32 v20  }
0x22a: {  	v32 =	vunpack.i.l.bf16.f32 v20;
	v31 =	vunpack.i.u.bf16.f32 v21;
	v21 =	vunpack.i.l.bf16.f32 v21;
	v33 =	vld [tilespmem:s20+$0xB650]  }
0x22b: {  	v17 =	vunpack.i.u.bf16.f32 v22;
	v20 =	vunpack.i.l.bf16.f32 v22;
	v22 =	vunpack.i.u.bf16.f32 v24  }
0x22c: {  	v24 =	vunpack.i.l.bf16.f32 v24;
	v25 =	vadd.f32 v20, v25;
	v26 =	vadd.f32 v17, v26;
	v23 =	vld [tilespmem:s20+$0xB670];
	s20 =	sshra.s32 s21, $0x2  }
.Ltmp5:
0x22d: {  	v24 =	vadd.f32 v24, v28;
	v22 =	vadd.f32 v22, v27;
	v17 =	vld [tilespmem:s20+$0xB660];
	v27 =	vunpack.i.u.bf16.f32 v30;
	(pc) =	sbr.rel @p1 .LBB2_9-.Ltmp5, $4  }
0x22e: {  	v28 =	vunpack.i.l.bf16.f32 v30;
	v25 =	vadd.f32 v21, v25;
	v26 =	vadd.f32 v31, v26;
	v20 =	vld [tilespmem:s20+$0xB640]  }
0x22f: {  	v28 =	vadd.f32 v28, v24;
	v27 =	vadd.f32 v27, v22;
	v21 =	vld [tilespmem:s20+$0xB620];
	v30 =	vunpack.i.u.bf16.f32 v33  }
0x230: {  	v31 =	vunpack.i.l.bf16.f32 v33;
	v25 =	vadd.f32 v32, v25;
	v26 =	vadd.f32 v29, v26;
	v22 =	vld [tilespmem:s20+$0xB600]  }
0x231: {  	s21 =	sadd.s32 $0x200, s21;
	v28 =	vadd.f32 v31, v28;
	v27 =	vadd.f32 v30, v27;
	v24 =	vld [tilespmem:s20+$0xB610];
	v29 =	vunpack.i.u.bf16.f32 v23  }
0x232: {  	v23 =	vunpack.i.l.bf16.f32 v23;
	v19 =	vadd.f32 v19, v25;
	v18 =	vadd.f32 v18, v26  }
0x233: {  	v8 =	vadd.s32 v8, v13;
	v39 =	vunpack.i.u.bf16.f32 v17;
	v57 =	vunpack.i.l.bf16.f32 v17  }
0x234: {  	v23 =	vadd.f32 v23, v28;
	v37 =	vadd.f32 v29, v27;
	v8 =	vadd.s32 v16, v8  }
0x235: {  	v38 =	vunpack.i.u.bf16.f32 v20;
	v43 =	vunpack.i.l.bf16.f32 v20;
	v8 =	vadd.s32 v14, v8  }
0x236: {  	v41 =	vld [tilespmem:s20+$0xB630];
	v40 =	vunpack.i.u.bf16.f32 v21;
	v42 =	vunpack.i.l.bf16.f32 v21;
	v8 =	vadd.s32 v12, v8  }
0x237: {  	v48 =	vld [tilespmem:s20+$0xB650];
	v44 =	vunpack.i.u.bf16.f32 v22;
	v45 =	vunpack.i.l.bf16.f32 v22;
	v8 =	vadd.s32 v15, v8  }
0x238: {  	v51 =	vld [tilespmem:s20+$0xB670];
	v46 =	vunpack.i.u.bf16.f32 v24;
	v47 =	vunpack.i.l.bf16.f32 v24;
	v8 =	vadd.s32 v10, v8  }
0x239: {  	v19 =	vadd.f32 v45, v19;
	v12 =	vadd.f32 v44, v18;
	v8 =	vadd.s32 v9, v8  }
0x23a: {  	v49 =	vadd.f32 v47, v23;
	v13 =	vadd.f32 v46, v37;
	v8 =	vadd.s32 v11, v8  }
0x23b: {  	v50 =	vunpack.i.u.bf16.f32 v41;
	v14 =	vunpack.i.l.bf16.f32 v41;
	v7 =	vadd.s32 v7, v8  }
0x23c: {  	v55 =	vunpack.i.u.bf16.f32 v48;
	v10 =	vunpack.i.l.bf16.f32 v48;
	v5 =	vadd.s32 v5, v7  }
0x23d: {  	v58 =	vunpack.i.u.bf16.f32 v51;
	v52 =	vadd.f32 v42, v19;
	v5 =	vadd.s32 v6, v5  }
0x23e: {  	v12 =	vadd.f32 v40, v12;
	v54 =	vadd.f32 v50, v13;
	v4 =	vadd.s32 v4, v5  }
0x23f: {  	v53 =	vadd.f32 v14, v49;
	v5 =	vadd.f32 v43, v52;
	v4 =	vcvt.s32.f32 v4  }
0x240: {  	v56 =	vadd.f32 v38, v12;
	v8 =	vunpack.i.l.bf16.f32 v51;
	v6 =	vadd.f32 v55, v54  }
0x241: {  	v7 =	vadd.f32 v10, v53;
	v5 =	vadd.f32 v57, v5;
	v59 =	vmul.f32 v4, v1  }
0x242: {  	v11 =	vadd.f32 v39, v56;
	v6 =	vadd.f32 v58, v6;
	v60 =	vmul.f32 v4, v0  }
0x243: {  	v61 =	vmul.f32 v4, v3;
	v4 =	vmul.f32 v4, v2;
	v5 =	vsub.f32 v5, v59  }
0x244: {  	v7 =	vadd.f32 v8, v7;
	v62 =	vsub.f32 v11, v60  }
0x245: {  	s15 =	sshll.u32 s19, $0x6;
	v4 =	vsub.f32 v6, v4;
	v5 =	vmul.f32 $4.999999890e-03, v5  }
.Ltmp6:
0x246: {  	s15 =	sand.u32 $0x3FFFFFC0, s15;
	v7 =	vsub.f32 v7, v61;
	v63 =	vmul.f32 $4.999999890e-03, v62;
	(pc) =	sbr.rel @p0 .LBB2_12-.Ltmp6, $4  }
0x247: {  	v4 =	vmul.f32 $4.999999890e-03, v4;
	[tilespmem:s15+$0xD100] =	vst v5  }
0x248: {  	v5 =	vmul.f32 $4.999999890e-03, v7;
	[tilespmem:s15+$0xD110] =	vst v63  }
0x249: {  	[tilespmem:s15+$0xD130] =	vst v4  }
0x24a: {  	[tilespmem:s15+$0xD120] =	vst v5  }
0x24b: {  	v4 =	vld [tilespmem:s18+$0x5B0];
	_ =	sdelay $0x7  }
0x24c: {  	[tilespmem:s23], [sflag:$0x4] =	stream.indirect_vreg.gather [hbm4b:s3+s2], $0x20, v4, vm0, $0xb8;
	[tilespmem:$0xF100] =	vst v63  }
0x24d: {  	v4 =	vld [tilespmem:s18+$0x5C0];
	_ =	sdelay $0x7  }
0x24e: {  	[tilespmem:s24], [sflag:$0x4] =	stream.indirect_vreg.gather [hbm4b:s3+s2], $0x20, v4, vm0, $0xb8;
	[tilespmem:$0xF100] =	vst v63  }
0x24f: {  	v4 =	vld [tilespmem:s18+$0x5D0];
	_ =	sdelay $0x7  }
0x250: {  	[tilespmem:s25], [sflag:$0x4] =	stream.indirect_vreg.gather [hbm4b:s3+s2], $0x20, v4, vm0, $0xb8;
	[tilespmem:$0xF100] =	vst v63  }
0x251: {  	v4 =	vld [tilespmem:s18+$0x5E0];
	_ =	sdelay $0x7  }
0x252: {  	[tilespmem:s26], [sflag:$0x4] =	stream.indirect_vreg.gather [hbm4b:s3+s2], $0x20, v4, vm0, $0xb8;
	[tilespmem:$0xF100] =	vst v63  }
0x253: {  	v4 =	vld [tilespmem:s18+$0x5F0];
	_ =	sdelay $0x7  }
0x254: {  	[tilespmem:s28], [sflag:$0x4] =	stream.indirect_vreg.gather [hbm4b:s3+s2], $0x20, v4, vm0, $0xb8;
	[tilespmem:$0xF100] =	vst v63  }
0x255: {  	v4 =	vld [tilespmem:s18+$0x600];
	_ =	sdelay $0x7  }
0x256: {  	[tilespmem:s29], [sflag:$0x4] =	stream.indirect_vreg.gather [hbm4b:s3+s2], $0x20, v4, vm0, $0xb8;
	[tilespmem:$0xF100] =	vst v63  }
0x257: {  	v4 =	vld [tilespmem:s18+$0x610];
	_ =	sdelay $0x7  }
0x258: {  	[tilespmem:s30], [sflag:$0x4] =	stream.indirect_vreg.gather [hbm4b:s3+s2], $0x20, v4, vm0, $0xb8;
	[tilespmem:$0xF100] =	vst v63  }
0x259: {  	v4 =	vld [tilespmem:s18+$0x620];
	_ =	sdelay $0x7  }
0x25a: {  	[tilespmem:s31], [sflag:$0x4] =	stream.indirect_vreg.gather [hbm4b:s3+s2], $0x20, v4, vm0, $0xb8;
	[tilespmem:$0xF100] =	vst v63  }
0x25b: {  	v4 =	vld [tilespmem:s18+$0x630];
	_ =	sdelay $0x7  }
0x25c: {  	[tilespmem:s1], [sflag:$0x4] =	stream.indirect_vreg.gather [hbm4b:s3+s2], $0x20, v4, vm0, $0xb8;
	[tilespmem:$0xF100] =	vst v63  }
0x25d: {  	v4 =	vld [tilespmem:s18+$0x640];
	_ =	sdelay $0x7  }
0x25e: {  	[tilespmem:s0], [sflag:$0x4] =	stream.indirect_vreg.gather [hbm4b:s3+s2], $0x20, v4, vm0, $0xb8;
	[tilespmem:$0xF100] =	vst v63  }
0x25f: {  	v4 =	vld [tilespmem:s18+$0x650];
	_ =	sdelay $0x7  }
0x260: {  	[tilespmem:s8], [sflag:$0x4] =	stream.indirect_vreg.gather [hbm4b:s3+s2], $0x20, v4, vm0, $0xb8;
	[tilespmem:$0xF100] =	vst v63  }
0x261: {  	v4 =	vld [tilespmem:s18+$0x660];
	_ =	sdelay $0x7  }
0x262: {  	[tilespmem:s9], [sflag:$0x4] =	stream.indirect_vreg.gather [hbm4b:s3+s2], $0x20, v4, vm0, $0xb8;
	[tilespmem:$0xF100] =	vst v63  }
0x263: {  	v4 =	vld [tilespmem:s18+$0x670];
	_ =	sdelay $0x3  }
.Ltmp7:
0x264: {  	_ = 	snop;
	(pc) =	sbr.rel .LBB2_2-.Ltmp7, $3  }
0x265: {  	_ =	sdelay $0x1  }
0x266: {  	s17 =	sadd.s32 $0x1, s17  }
0x267: {  	[tilespmem:s10], [sflag:$0x4] =	stream.indirect_vreg.gather [hbm4b:s3+s2], $0x20, v4, vm0, $0xb8;
	[tilespmem:$0xF100] =	vst v63  }
.LBB2_13:
0x268: {  	_ =	sfence.sel $0x180000  }
0x269: {  	[bflag:$0x0] =	sbarrier.arrive $0xFFFF  }
0x26a: {  	_ =	strace $0x9000004A  }
0x26b: {  	s0 =	stileid.u32;
	[bflag:$0x2] =	sbarrier.arrive $0xFFFF  }
0x26c: {  	p0 =	sne.s32 s0, $0x0;
	s0 =	rddreg [dreg:$0x1]  }
0x26d: {  	s0 =	sadd.s32 @!p0 $0x100000, s0  }
0x26e: {  	[sflag:s0] =	ssyncadd.tile.s32 @!p0 $0x1;
	_ =	shalt  }
.Lfunc_end2:
_tile_overlayer_lowered:
.L_overlay_start_2:
0x26f: {  	(tag) =	ssettag $0x2  }
0x270: {  	s0 =	rddreg [dreg:$0x0];
	s2 =	stileid.u32  }
0x271: {  	s1 =	rddreg [dreg:$0x1];
	p0 =	sne.s32 s2, $0x0  }
0x272: {  	s3 =	rddreg [dreg:$0x2];
	[bflag:$0x3] =	sbarrier.arrive $0xFFFF;
	s2 =	simm.s32 @!p0 $0x1C05  }
0x273: {  	[timem:s3], [sflag:s2] =	dma.local @!p0 [hbm:s0], s1  }
0x274: {  	s0 =	simm.s32 @!p0 $0x5  }
0x275: {  	_ =	swait.ge @!p0 [sflag:s0], s1  }
0x276: {  	s1 =	ssub.s32 @!p0 $0x0, s1;
	[sflag:s0] =	ssyncset.done @!p0 $0x0  }
0x277: {  	[sflag:s0] =	ssyncadd.s32 @!p0 s1  }
0x278: {  	[bflag:$0x3] =	sbarrier.arrive $0xFFFF  }
0x279: {  	_ =	shalt  }

</sc_bundles>
